<compile_context>
chip_gen: v7x
topology: tpu7x:2x2x1
jax: 0.10.2.dev20260603
libtpu: 0.0.44.dev20260713+nightly
codegen_flags: <defaults>
</compile_context>

<pallas_src>
import functools

import jax
import jax.numpy as jnp
from jax import lax
from jax.experimental import pallas as pl
from jax.experimental.pallas import tpu as pltpu
from jax.experimental.pallas import tpu_sc as plsc

N = 10000
E = 320000
EL = 20000
H = 128

NC = 2
NS = 16
NW = NC * NS
EPW = E // NW
ECH = 128
NFULL = EPW // ECH
ETAIL = EPW - NFULL * ECH
RPS = N // NS
NP = 10240

_mesh = plsc.VectorSubcoreMesh(core_axis_name="c", subcore_axis_name="s")


@functools.partial(
    pl.kernel,
    mesh=_mesh,
    out_type=jax.ShapeDtypeStruct((NC, NP), jnp.float32),
    scratch_types=[
        pltpu.VMEM_SHARED((NP,), jnp.float32),
        pltpu.VMEM((3, ECH), jnp.int32),
        pltpu.VMEM((ETAIL,), jnp.int32),
        pltpu.VMEM((ECH,), jnp.float32),
        pltpu.VMEM((640,), jnp.float32),
        pltpu.SemaphoreType.DMA,
        pltpu.SemaphoreType.DMA,
        pltpu.SemaphoreType.DMA,
        pltpu.SemaphoreType.DMA,
        pltpu.SemaphoreType.DMA,
        pltpu.SemaphoreType.DMA,
    ],
)
def _deg_kernel(dst_hbm, cnt_hbm, acc, didx3, didx_t, ones_v, zbuf,
                ss0, ss1, ss2, sid0, sid1, sid2):
    c = lax.axis_index("c")
    s = lax.axis_index("s")
    wid = c * NS + s
    ss = (ss0, ss1, ss2)
    sid = (sid0, sid1, sid2)

    def zfill(i, carry):
        zbuf[pl.ds(i * 16, 16)] = jnp.zeros((16,), jnp.float32)
        return carry

    lax.fori_loop(0, 640 // 16, zfill, None)

    pltpu.sync_copy(zbuf, acc.at[pl.ds(s * 640, 640)])

    def fill(i, carry):
        ones_v[pl.ds(i * 16, 16)] = jnp.ones((16,), jnp.float32)
        return carry

    lax.fori_loop(0, ECH // 16, fill, None)
    plsc.subcore_barrier()

    base = wid * EPW

    def issue_idx(j, a):
        pltpu.async_copy(dst_hbm.at[pl.ds(base + j * ECH, ECH)],
                         didx3.at[a], sid[a])

    def wait_idx(sem):
        pltpu.make_async_copy(dst_hbm.at[pl.ds(base, ECH)],
                              didx3.at[0], sem).wait()

    def issue_scat(a):
        pltpu.async_copy(ones_v, acc.at[didx3.at[a]], ss[a], add=True)

    def wait_scat(sem):
        pltpu.make_async_copy(ones_v, acc.at[didx3.at[0]], sem).wait()

    issue_idx(0, 0)
    issue_idx(1, 1)

    def position(j, a, first):
        cslot = (a + 2) % 3
        wait_idx(sid[a])
        issue_scat(a)
        if not first:
            wait_scat(ss[cslot])
        issue_idx(j + 2, cslot)

    def body(jj, carry):
        j0 = 3 * jj

        @pl.when(jj == 0)
        def _():
            position(j0, 0, True)

        @pl.when(jj > 0)
        def _():
            position(j0, 0, False)

        position(j0 + 1, 1, False)
        position(j0 + 2, 2, False)
        return carry

    lax.fori_loop(0, NFULL // 3, body, None)

    wait_scat(ss[2])
    wait_idx(sid[0])
    wait_idx(sid[1])

    pltpu.sync_copy(dst_hbm.at[pl.ds(base + NFULL * ECH, ETAIL)], didx_t)
    pltpu.sync_copy(ones_v.at[pl.ds(0, ETAIL)], acc.at[didx_t], add=True)
    plsc.subcore_barrier()

    pltpu.sync_copy(acc.at[pl.ds(s * 640, 640)], zbuf)
    pltpu.sync_copy(zbuf, cnt_hbm.at[c, pl.ds(s * 640, 640)])


ECB = 2500 // NW
EPW2 = ECB * ECH
XCH = 2500 - ECB * NW


@functools.partial(
    pl.kernel,
    mesh=_mesh,
    out_type=jax.ShapeDtypeStruct((NC, N, H), jnp.float32),
    scratch_types=[
        pltpu.VMEM_SHARED((N, H), jnp.float32),
        pltpu.VMEM((3, ECH), jnp.int32),
        pltpu.VMEM((3, ECH), jnp.int32),
        pltpu.VMEM((ECH, H), jnp.float32),
        pltpu.VMEM((ECH, H), jnp.float32),
        pltpu.VMEM((ECH, H), jnp.float32),
        pltpu.VMEM((ECH,), jnp.int32),
        pltpu.SemaphoreType.DMA,
        pltpu.SemaphoreType.DMA,
        pltpu.SemaphoreType.DMA,
        pltpu.SemaphoreType.DMA,
        pltpu.SemaphoreType.DMA,
        pltpu.SemaphoreType.DMA,
        pltpu.SemaphoreType.DMA,
        pltpu.SemaphoreType.DMA,
        pltpu.SemaphoreType.DMA,
        pltpu.SemaphoreType.DMA,
        pltpu.SemaphoreType.DMA,
        pltpu.SemaphoreType.DMA,
    ],
)
def _agg_kernel(t_hbm, src_hbm, dst_hbm, zrows_hbm, p_hbm,
                acc, sidx3, didx3, rows0, rows1, rows2, sidx_t,
                sg0, sg1, sg2, ss0, ss1, ss2,
                sis0, sis1, sis2, sid0, sid1, sid2):
    c = lax.axis_index("c")
    s = lax.axis_index("s")
    wid = c * NS + s
    rows = (rows0, rows1, rows2)
    sg = (sg0, sg1, sg2)
    ss = (ss0, ss1, ss2)
    sis = (sis0, sis1, sis2)
    sid = (sid0, sid1, sid2)

    @pl.when(s < NS - 1)
    def _():
        pltpu.sync_copy(zrows_hbm.at[pl.ds(s * 624, 624)],
                        acc.at[pl.ds(s * 624, 624)])

    @pl.when(s == NS - 1)
    def _():
        pltpu.sync_copy(zrows_hbm.at[pl.ds(9360, 640)],
                        acc.at[pl.ds(9360, 640)])

    plsc.subcore_barrier()

    base = wid * EPW2

    def issue_idx_src(j, a):
        pltpu.async_copy(src_hbm.at[pl.ds(base + j * ECH, ECH)],
                         sidx3.at[a], sis[a])

    def issue_idx_dst(j, a):
        pltpu.async_copy(dst_hbm.at[pl.ds(base + j * ECH, ECH)],
                         didx3.at[a], sid[a])

    def wait_idx(sem):
        pltpu.make_async_copy(src_hbm.at[pl.ds(base, ECH)],
                              sidx3.at[0], sem).wait()

    def issue_gather(a):
        pltpu.async_copy(t_hbm.at[sidx3.at[a]], rows[a], sg[a])

    def wait_gather(a):
        pltpu.make_async_copy(t_hbm.at[sidx3.at[0]], rows[0], sg[a]).wait()

    def issue_scat(a):
        pltpu.async_copy(rows[a], acc.at[didx3.at[a]], ss[a], add=True)

    def wait_scat(sem):
        pltpu.make_async_copy(rows[0], acc.at[didx3.at[0]], sem).wait()

    for a in range(3):
        issue_idx_src(a, a)
    issue_idx_dst(0, 0)
    issue_idx_dst(1, 1)
    for a in range(2):
        wait_idx(sis[a])
        issue_gather(a)

    def position(j, a, first):
        cslot = (a + 2) % 3
        wait_gather(a)
        issue_idx_src(j + 3, a)
        wait_idx(sid[a])
        issue_scat(a)
        if not first:
            wait_scat(ss[cslot])
        issue_idx_dst(j + 2, cslot)
        wait_idx(sis[cslot])
        issue_gather(cslot)

    def body(jj, carry):
        j0 = 3 * jj

        @pl.when(jj == 0)
        def _():
            position(j0, 0, True)

        @pl.when(jj > 0)
        def _():
            position(j0, 0, False)

        position(j0 + 1, 1, False)
        position(j0 + 2, 2, False)
        return carry

    lax.fori_loop(0, ECB // 3, body, None)

    wait_scat(ss[2])
    wait_gather(0)
    wait_gather(1)
    wait_idx(sis[2])
    wait_idx(sid[0])
    wait_idx(sid[1])

    @pl.when(wid < XCH)
    def _():
        xbase = (NW * ECB + wid) * ECH
        pltpu.sync_copy(src_hbm.at[pl.ds(xbase, ECH)], sidx_t)
        pltpu.sync_copy(dst_hbm.at[pl.ds(xbase, ECH)], didx3.at[0])
        pltpu.async_copy(t_hbm.at[sidx_t], rows0, sg0).wait()
        pltpu.sync_copy(rows0, acc.at[didx3.at[0]], add=True)

    plsc.subcore_barrier()

    @pl.when(s < NS - 1)
    def _():
        pltpu.sync_copy(acc.at[pl.ds(s * 624, 624)],
                        p_hbm.at[c, pl.ds(s * 624, 624)])

    @pl.when(s == NS - 1)
    def _():
        pltpu.sync_copy(acc.at[pl.ds(9360, 640)],
                        p_hbm.at[c, pl.ds(9360, 640)])


DCH = 80
KPW = 8
EL_OUT = NW * KPW * DCH
EL_IDX = NW * (KPW + 2) * DCH


@functools.partial(
    pl.kernel,
    mesh=_mesh,
    out_type=jax.ShapeDtypeStruct((EL_OUT, H), jnp.float32),
    scratch_types=[
        pltpu.VMEM((2, DCH), jnp.int32),
        pltpu.VMEM((2, DCH), jnp.int32),
        pltpu.VMEM((DCH, H), jnp.float32),
        pltpu.VMEM((DCH, H), jnp.float32),
        pltpu.VMEM((DCH, H), jnp.float32),
        pltpu.VMEM((DCH, H), jnp.float32),
        pltpu.VMEM((DCH, H), jnp.float32),
        pltpu.VMEM((DCH, H), jnp.float32),
        pltpu.SemaphoreType.DMA,
        pltpu.SemaphoreType.DMA,
        pltpu.SemaphoreType.DMA,
        pltpu.SemaphoreType.DMA,
        pltpu.SemaphoreType.DMA,
        pltpu.SemaphoreType.DMA,
    ],
)
def _dec_kernel(emb_hbm, els_hbm, eld_hbm, out_hbm,
                sidx2, didx2, rs0, rs1, rd0, rd1, ob0, ob1,
                si0, si1, sg0, sg1, sw0, sw1):
    c = lax.axis_index("c")
    s = lax.axis_index("s")
    wid = c * NS + s
    rs = (rs0, rs1)
    rd = (rd0, rd1)
    ob = (ob0, ob1)
    si = (si0, si1)
    sg = (sg0, sg1)
    sw = (sw0, sw1)

    def goff(k):
        return (wid + k * NW) * DCH

    def issue_idx(k, b):
        pltpu.async_copy(els_hbm.at[pl.ds(goff(k), DCH)], sidx2.at[b], si[b])
        pltpu.async_copy(eld_hbm.at[pl.ds(goff(k), DCH)], didx2.at[b], si[b])

    def wait_idx(b):
        for _ in range(2):
            pltpu.make_async_copy(els_hbm.at[pl.ds(goff(0), DCH)],
                                  sidx2.at[0], si[b]).wait()

    def issue_gathers(b):
        pltpu.async_copy(emb_hbm.at[sidx2.at[b]], rs[b], sg[b])
        pltpu.async_copy(emb_hbm.at[didx2.at[b]], rd[b], sg[b])

    def wait_gathers(b):
        for _ in range(2):
            pltpu.make_async_copy(emb_hbm.at[sidx2.at[0]], rs[0],
                                  sg[b]).wait()

    def wait_wb(b):
        pltpu.make_async_copy(ob[0], out_hbm.at[pl.ds(goff(0), DCH)],
                              sw[b]).wait()

    issue_idx(0, 0)
    issue_idx(1, 1)
    wait_idx(0)
    issue_gathers(0)

    def position(k, b, first):
        o = 1 - b
        wait_gathers(b)
        issue_idx(k + 2, b)
        wait_idx(o)
        issue_gathers(o)
        if not first:
            wait_wb(b)

        def pair(p, gcarry):
            for j in range(H // 16):
                a = rs[b][p, pl.ds(j * 16, 16)]
                d = rd[b][p, pl.ds(j * 16, 16)]
                ob[b][p, pl.ds(j * 16, 16)] = a * d
            return gcarry

        lax.fori_loop(0, DCH, pair, None)
        pltpu.async_copy(ob[b], out_hbm.at[pl.ds(goff(k), DCH)], sw[b])

    def body(kk, carry):
        k0 = 2 * kk

        @pl.when(kk == 0)
        def _():
            position(k0, 0, True)
            position(k0 + 1, 1, True)

        @pl.when(kk > 0)
        def _():
            position(k0, 0, False)
            position(k0 + 1, 1, False)

        return carry

    lax.fori_loop(0, KPW // 2, body, None)

    wait_gathers(0)
    wait_idx(1)
    wait_wb(0)
    wait_wb(1)


RB = 1000
GRID = N // RB

_row_spec = pl.BlockSpec((RB, H), lambda i: (i, 0))
_w_spec = pl.BlockSpec((H, H), lambda i: (0, 0))
_b_spec = pl.BlockSpec((1, H), lambda i: (0, 0))
_cnt_spec = pl.BlockSpec((RB, 2), lambda i: (i, 0))
_p_spec = pl.BlockSpec((2, RB, H), lambda i: (0, i, 0))
_wp_spec = pl.BlockSpec((8, H), lambda i: (0, 0))


def _dinv_of(cnt_blk):
    return (1.0 / jnp.sqrt(jnp.sum(cnt_blk, axis=1) + 1.0))[:, None]


def _tc_pre_body(x_ref, wpre_ref, bpre_ref, wg0_ref, hw_ref):
    h = jnp.maximum(
        jnp.dot(x_ref[...], wpre_ref[...], preferred_element_type=jnp.float32)
        + bpre_ref[...], 0.0)
    hw_ref[...] = jnp.dot(h, wg0_ref[...], preferred_element_type=jnp.float32)


def _tc_scale_body(hw_ref, cnt_ref, t0_ref):
    t0_ref[...] = hw_ref[...] * _dinv_of(cnt_ref[...])


def _tc_b_body(p_ref, t0_ref, cnt_ref, bg0_ref, wg1_ref, emb0_ref, t1_ref):
    dinv = _dinv_of(cnt_ref[...])
    emb0 = jnp.maximum(
        (p_ref[0] + p_ref[1] + t0_ref[...]) * dinv + bg0_ref[...], 0.0)
    emb0_ref[...] = emb0
    t1_ref[...] = jnp.dot(
        emb0, wg1_ref[...], preferred_element_type=jnp.float32) * dinv


def _tc_c_body(p_ref, t1_ref, cnt_ref, bg1_ref, emb1_ref):
    dinv = _dinv_of(cnt_ref[...])
    emb1_ref[...] = jnp.maximum(
        (p_ref[0] + p_ref[1] + t1_ref[...]) * dinv + bg1_ref[...], 0.0)


RBD = 2000


def _tc_d_body(hh_ref, wpost_ref, bpost_ref, sc_ref):
    logits = jnp.dot(hh_ref[...], wpost_ref[...]) + bpost_ref[...]
    sc_ref[...] = jnp.sum(logits, axis=-1)


_tc_pre = pl.pallas_call(
    _tc_pre_body,
    grid=(GRID,),
    in_specs=[_row_spec, _w_spec, _b_spec, _w_spec],
    out_specs=_row_spec,
    out_shape=jax.ShapeDtypeStruct((N, H), jnp.float32),
)

_tc_scale = pl.pallas_call(
    _tc_scale_body,
    grid=(GRID,),
    in_specs=[_row_spec, _cnt_spec],
    out_specs=_row_spec,
    out_shape=jax.ShapeDtypeStruct((N, H), jnp.float32),
)

_tc_b = pl.pallas_call(
    _tc_b_body,
    grid=(GRID,),
    in_specs=[_p_spec, _row_spec, _cnt_spec, _b_spec, _w_spec],
    out_specs=[_row_spec, _row_spec],
    out_shape=[jax.ShapeDtypeStruct((N, H), jnp.float32),
               jax.ShapeDtypeStruct((N, H), jnp.float32)],
)

_tc_c = pl.pallas_call(
    _tc_c_body,
    grid=(GRID,),
    in_specs=[_p_spec, _row_spec, _cnt_spec, _b_spec],
    out_specs=_row_spec,
    out_shape=jax.ShapeDtypeStruct((N, H), jnp.float32),
)

_tc_d = pl.pallas_call(
    _tc_d_body,
    out_shape=jax.ShapeDtypeStruct((EL_OUT,), jnp.float32),
)


def kernel(x, edge_index, edge_label_index, W_pre, b_pre, W_g0, b_g0,
           W_g1, b_g1, W_post, b_post):
    f32 = jnp.float32
    src = edge_index[0]
    dst = edge_index[1]
    pad = jnp.arange(EL_IDX - EL, dtype=edge_label_index.dtype) % N
    els = jnp.concatenate([edge_label_index[0], pad])
    eld = jnp.concatenate([edge_label_index[1], pad])
    zeros_nh = jnp.zeros((N, H), f32)
    b_pre2 = b_pre.reshape(1, H)
    bg02 = b_g0.reshape(1, H)
    bg12 = b_g1.reshape(1, H)

    cnt = _deg_kernel(dst)
    cnt_t = cnt[:, :N].T

    hw0 = _tc_pre(x, W_pre, b_pre2, W_g0)
    t0 = _tc_scale(hw0, cnt_t)
    p0 = _agg_kernel(t0, src, dst, zeros_nh)
    emb0, t1 = _tc_b(p0, t0, cnt_t, bg02, W_g1)
    p1 = _agg_kernel(t1, src, dst, zeros_nh)
    emb1 = _tc_c(p1, t1, cnt_t, bg12)
    hh = _dec_kernel(emb1, els, eld)
    scores = _tc_d(hh, W_post, b_post.reshape(1, 2))[:EL]
    return scores, emb0, emb1

# --- scband reference (transcript-rebuilt; emitter-appended) ---
"""Pipeline reference for scband-roland-33285996544265 (READ-ONLY COPY).

The authoritative reference and input builder live on the scoring server;
editing this copy changes nothing except your own understanding.
"""

import jax, jax.numpy as jnp
import numpy as np

N = 10000
E = 320000
EL = 20000
D = 128
H = 128


def setup_inputs(seed: int = 0) -> dict:
    key = jax.random.key(seed)
    ks = jax.random.split(key, 12)
    x = jax.random.normal(ks[0], (N, D), dtype=jnp.float32)
    edge_index = jax.random.randint(ks[1], (2, E), 0, N)
    edge_label_index = jax.random.randint(ks[2], (2, EL), 0, N)
    s_d = 1.0 / np.sqrt(D)
    s_h = 1.0 / np.sqrt(H)
    W_pre = jax.random.normal(ks[3], (D, H), dtype=jnp.float32) * s_d
    b_pre = jnp.zeros((H,), dtype=jnp.float32)
    W_g0 = jax.random.normal(ks[4], (H, H), dtype=jnp.float32) * s_h
    b_g0 = jnp.zeros((H,), dtype=jnp.float32)
    W_g1 = jax.random.normal(ks[5], (H, H), dtype=jnp.float32) * s_h
    b_g1 = jnp.zeros((H,), dtype=jnp.float32)
    W_post = jax.random.normal(ks[6], (H, 2), dtype=jnp.float32) * s_h
    b_post = jnp.zeros((2,), dtype=jnp.float32)
    return {"x": x, "edge_index": edge_index, "edge_label_index": edge_label_index,
            "W_pre": W_pre, "b_pre": b_pre, "W_g0": W_g0, "b_g0": b_g0,
            "W_g1": W_g1, "b_g1": b_g1, "W_post": W_post, "b_post": b_post}


def _gcn_conv(h, src, dst, W, b, n):
    # PyG GCNConv: linear transform, symmetric degree normalization (self-loops
    # already appended to src/dst), scatter-add aggregation, bias.
    hw = h @ W
    deg = jnp.zeros((n,), dtype=hw.dtype).at[dst].add(1.0)
    dinv = jnp.where(deg > 0, 1.0 / jnp.sqrt(deg), 0.0)
    norm = dinv[src] * dinv[dst]
    msg = hw[src] * norm[:, None]
    out = jnp.zeros((n, hw.shape[1]), dtype=hw.dtype).at[dst].add(msg)
    return out + b


def reference(x, edge_index, edge_label_index, W_pre, b_pre, W_g0, b_g0, W_g1, b_g1, W_post, b_post):
    # ROLAND.forward with isnap=0 (first snapshot): preprocess -> GCN stack -> link decoder.
    n = x.shape[0]
    loop = jnp.arange(n, dtype=edge_index.dtype)
    src = jnp.concatenate([edge_index[0], loop])
    dst = jnp.concatenate([edge_index[1], loop])
    h = jax.nn.relu(x @ W_pre + b_pre)
    h = jax.nn.relu(_gcn_conv(h, src, dst, W_g0, b_g0, n))
    emb0 = h
    h = jax.nn.relu(_gcn_conv(h, src, dst, W_g1, b_g1, n))
    emb1 = h
    h_src = h[edge_label_index[0]]
    h_dst = h[edge_label_index[1]]
    h_hadamard = h_src * h_dst
    logits = h_hadamard @ W_post + b_post
    scores = jnp.sum(logits, axis=-1)
    return (scores, emb0, emb1)

if __name__ == "__main__":
    import jax
    _d = setup_inputs()
    print(jax.jit(kernel)(*tuple(_d.values())))

</pallas_src>

<mosaic_0001>
#map = affine_map<(d0, d1) -> (0, 0)>
#map1 = affine_map<(d0, d1) -> (0)>
#map2 = affine_map<(d0, d1) -> (0, 0, 0)>
module attributes {stable_mosaic.version = 14 : i64} {
  func.func @_agg_kernel(%arg0: i32, %arg1: i32, %arg2: memref<10000x128xf32, #tpu.memory_space<hbm>>, %arg3: memref<320000xi32, #tpu.memory_space<hbm>>, %arg4: memref<320000xi32, #tpu.memory_space<hbm>>, %arg5: memref<10000x128xf32, #tpu.memory_space<hbm>>, %arg6: memref<2x10000x128xf32, #tpu.memory_space<hbm>>, %arg7: memref<10000x128xf32, #tpu.memory_space<vmem_shared>>, %arg8: memref<3x128xi32, #tpu.memory_space<vmem>>, %arg9: memref<3x128xi32, #tpu.memory_space<vmem>>, %arg10: memref<128x128xf32, #tpu.memory_space<vmem>>, %arg11: memref<128x128xf32, #tpu.memory_space<vmem>>, %arg12: memref<128x128xf32, #tpu.memory_space<vmem>>, %arg13: memref<128xi32, #tpu.memory_space<vmem>>, %arg14: memref<!tpu.dma_semaphore, #tpu.memory_space<semaphore_mem>>, %arg15: memref<!tpu.dma_semaphore, #tpu.memory_space<semaphore_mem>>, %arg16: memref<!tpu.dma_semaphore, #tpu.memory_space<semaphore_mem>>, %arg17: memref<!tpu.dma_semaphore, #tpu.memory_space<semaphore_mem>>, %arg18: memref<!tpu.dma_semaphore, #tpu.memory_space<semaphore_mem>>, %arg19: memref<!tpu.dma_semaphore, #tpu.memory_space<semaphore_mem>>, %arg20: memref<!tpu.dma_semaphore, #tpu.memory_space<semaphore_mem>>, %arg21: memref<!tpu.dma_semaphore, #tpu.memory_space<semaphore_mem>>, %arg22: memref<!tpu.dma_semaphore, #tpu.memory_space<semaphore_mem>>, %arg23: memref<!tpu.dma_semaphore, #tpu.memory_space<semaphore_mem>>, %arg24: memref<!tpu.dma_semaphore, #tpu.memory_space<semaphore_mem>>, %arg25: memref<!tpu.dma_semaphore, #tpu.memory_space<semaphore_mem>>) attributes {dimension_semantics = [#tpu.dimension_semantics<core_parallel>, #tpu.dimension_semantics<subcore_parallel>], iteration_bounds = array<i64: 2, 16>, scalar_prefetch = 0 : i64, scratch_operands = 19 : i64, tpu.core_type = #tpu.core_type<sc_vector_subcore>, window_params = [{transform_indices = #map}, {transform_indices = #map1}, {transform_indices = #map1}, {transform_indices = #map}, {transform_indices = #map2}]} {
    %mul3A = arith.constant 16 : i32
    %mul3A_0 = arith.muli %arg0, %mul3A : i32
    %add3A = arith.addi %mul3A_0, %arg1 : i32
    %lt3A = arith.constant 15 : i32
    %lt3A_1 = arith.cmpi slt, %arg1, %lt3A : i32
    %convert_element_type3A = arith.extui %lt3A_1 : i1 to i32
    %cond3A = arith.constant 0 : i32
    %cond3A_2 = arith.cmpi ne, %convert_element_type3A, %cond3A : i32
    scf.if %cond3A_2 {
      %mul3A_162 = arith.constant 624 : i32
      %mul3A_163 = arith.muli %arg1, %mul3A_162 : i32
      %mul3A_164 = arith.constant 624 : i32
      %mul3A_165 = arith.muli %arg1, %mul3A_164 : i32
      "tpu.region"() ({
        %run_scoped3A = tpu.sem_alloc : memref<!tpu.dma_semaphore, #tpu.memory_space<semaphore_mem>>
        %dma_start3A_166 = arith.constant 0 : i32
        %dma_start3A_167 = tpu.memref_slice %arg7[%mul3A_165, %dma_start3A_166] : memref<10000x128xf32, #tpu.memory_space<vmem_shared>> -> memref<624x128xf32, #tpu.memory_space<vmem_shared>>
        %dma_start3A_168 = arith.constant 0 : i32
        %dma_start3A_169 = tpu.memref_slice %arg5[%mul3A_163, %dma_start3A_168] : memref<10000x128xf32, #tpu.memory_space<hbm>> -> memref<624x128xf32, #tpu.memory_space<hbm>>
        tpu.enqueue_dma source(%dma_start3A_169 : memref<624x128xf32, #tpu.memory_space<hbm>>) target(%dma_start3A_167 : memref<624x128xf32, #tpu.memory_space<vmem_shared>>) target_semaphore(%run_scoped3A : memref<!tpu.dma_semaphore, #tpu.memory_space<semaphore_mem>>)
        %dma_wait3A_170 = arith.constant 0 : i32
        %dma_wait3A_171 = tpu.memref_slice %arg7[%mul3A_165, %dma_wait3A_170] : memref<10000x128xf32, #tpu.memory_space<vmem_shared>> -> memref<624x128xf32, #tpu.memory_space<vmem_shared>>
        %dma_wait3A_172 = arith.constant 0 : i32
        %dma_wait3A_173 = tpu.memref_slice %arg5[%mul3A_163, %dma_wait3A_172] : memref<10000x128xf32, #tpu.memory_space<hbm>> -> memref<624x128xf32, #tpu.memory_space<hbm>>
        tpu.wait_dma2 semaphore(%run_scoped3A : memref<!tpu.dma_semaphore, #tpu.memory_space<semaphore_mem>>) src(%dma_wait3A_173 : memref<624x128xf32, #tpu.memory_space<hbm>>) dst(%dma_wait3A_171 : memref<624x128xf32, #tpu.memory_space<vmem_shared>>)
        tpu.yield
      }) : () -> ()
    } else {
    }
    %eq3A = arith.constant 15 : i32
    %eq3A_3 = arith.cmpi eq, %arg1, %eq3A : i32
    %convert_element_type3A_4 = arith.extui %eq3A_3 : i1 to i32
    %cond3A_5 = arith.constant 0 : i32
    %cond3A_6 = arith.cmpi ne, %convert_element_type3A_4, %cond3A_5 : i32
    scf.if %cond3A_6 {
      "tpu.region"() ({
        %run_scoped3A = tpu.sem_alloc : memref<!tpu.dma_semaphore, #tpu.memory_space<semaphore_mem>>
        %dma_start3A_162 = arith.constant 9360 : i32
        %dma_start3A_163 = arith.constant 0 : i32
        %dma_start3A_164 = tpu.memref_slice %arg7[%dma_start3A_162, %dma_start3A_163] : memref<10000x128xf32, #tpu.memory_space<vmem_shared>> -> memref<640x128xf32, #tpu.memory_space<vmem_shared>>
        %dma_start3A_165 = arith.constant 9360 : i32
        %dma_start3A_166 = arith.constant 0 : i32
        %dma_start3A_167 = tpu.memref_slice %arg5[%dma_start3A_165, %dma_start3A_166] : memref<10000x128xf32, #tpu.memory_space<hbm>> -> memref<640x128xf32, #tpu.memory_space<hbm>>
        tpu.enqueue_dma source(%dma_start3A_167 : memref<640x128xf32, #tpu.memory_space<hbm>>) target(%dma_start3A_164 : memref<640x128xf32, #tpu.memory_space<vmem_shared>>) target_semaphore(%run_scoped3A : memref<!tpu.dma_semaphore, #tpu.memory_space<semaphore_mem>>)
        %dma_wait3A_168 = arith.constant 9360 : i32
        %dma_wait3A_169 = arith.constant 0 : i32
        %dma_wait3A_170 = tpu.memref_slice %arg7[%dma_wait3A_168, %dma_wait3A_169] : memref<10000x128xf32, #tpu.memory_space<vmem_shared>> -> memref<640x128xf32, #tpu.memory_space<vmem_shared>>
        %dma_wait3A_171 = arith.constant 9360 : i32
        %dma_wait3A_172 = arith.constant 0 : i32
        %dma_wait3A_173 = tpu.memref_slice %arg5[%dma_wait3A_171, %dma_wait3A_172] : memref<10000x128xf32, #tpu.memory_space<hbm>> -> memref<640x128xf32, #tpu.memory_space<hbm>>
        tpu.wait_dma2 semaphore(%run_scoped3A : memref<!tpu.dma_semaphore, #tpu.memory_space<semaphore_mem>>) src(%dma_wait3A_173 : memref<640x128xf32, #tpu.memory_space<hbm>>) dst(%dma_wait3A_170 : memref<640x128xf32, #tpu.memory_space<vmem_shared>>)
        tpu.yield
      }) : () -> ()
    } else {
    }
    %barrier3A = arith.constant 0 : index
    tpu.barrier barrier_id(%barrier3A)
    %mul3A_7 = arith.constant 9984 : i32
    %mul3A_8 = arith.muli %add3A, %mul3A_7 : i32
    %add3A_9 = arith.constant 0 : i32
    %add3A_10 = arith.addi %mul3A_8, %add3A_9 : i32
    %dma_start3A = arith.constant 0 : i32
    %dma_start3A_11 = arith.constant 0 : i32
    %dma_start3A_12 = tpu.memref_slice %arg8[%dma_start3A, %dma_start3A_11] : memref<3x128xi32, #tpu.memory_space<vmem>> -> memref<1x128xi32, #tpu.memory_space<vmem>>
    %dma_start3A_13 = tpu.memref_squeeze %dma_start3A_12 : memref<1x128xi32, #tpu.memory_space<vmem>> -> memref<128xi32, #tpu.memory_space<vmem>>
    %dma_start3A_14 = tpu.memref_slice %arg3[%add3A_10] : memref<320000xi32, #tpu.memory_space<hbm>> -> memref<128xi32, #tpu.memory_space<hbm>>
    %dma_start3A_15 = arith.constant 0 : i32
    %dma_start3A_16 = tpu.memref_slice %arg8[%dma_start3A, %dma_start3A_15] : memref<3x128xi32, #tpu.memory_space<vmem>> -> memref<1x128xi32, #tpu.memory_space<vmem>>
    %dma_start3A_17 = tpu.memref_squeeze %dma_start3A_16 : memref<1x128xi32, #tpu.memory_space<vmem>> -> memref<128xi32, #tpu.memory_space<vmem>>
    %dma_start3A_18 = tpu.memref_slice %arg3[%add3A_10] : memref<320000xi32, #tpu.memory_space<hbm>> -> memref<128xi32, #tpu.memory_space<hbm>>
    tpu.enqueue_dma source(%dma_start3A_18 : memref<128xi32, #tpu.memory_space<hbm>>) target(%dma_start3A_17 : memref<128xi32, #tpu.memory_space<vmem>>) target_semaphore(%arg20 : memref<!tpu.dma_semaphore, #tpu.memory_space<semaphore_mem>>)
    %add3A_19 = arith.constant 128 : i32
    %add3A_20 = arith.addi %mul3A_8, %add3A_19 : i32
    %dma_start3A_21 = arith.constant 1 : i32
    %dma_start3A_22 = arith.constant 0 : i32
    %dma_start3A_23 = tpu.memref_slice %arg8[%dma_start3A_21, %dma_start3A_22] : memref<3x128xi32, #tpu.memory_space<vmem>> -> memref<1x128xi32, #tpu.memory_space<vmem>>
    %dma_start3A_24 = tpu.memref_squeeze %dma_start3A_23 : memref<1x128xi32, #tpu.memory_space<vmem>> -> memref<128xi32, #tpu.memory_space<vmem>>
    %dma_start3A_25 = tpu.memref_slice %arg3[%add3A_20] : memref<320000xi32, #tpu.memory_space<hbm>> -> memref<128xi32, #tpu.memory_space<hbm>>
    %dma_start3A_26 = arith.constant 0 : i32
    %dma_start3A_27 = tpu.memref_slice %arg8[%dma_start3A_21, %dma_start3A_26] : memref<3x128xi32, #tpu.memory_space<vmem>> -> memref<1x128xi32, #tpu.memory_space<vmem>>
    %dma_start3A_28 = tpu.memref_squeeze %dma_start3A_27 : memref<1x128xi32, #tpu.memory_space<vmem>> -> memref<128xi32, #tpu.memory_space<vmem>>
    %dma_start3A_29 = tpu.memref_slice %arg3[%add3A_20] : memref<320000xi32, #tpu.memory_space<hbm>> -> memref<128xi32, #tpu.memory_space<hbm>>
    tpu.enqueue_dma source(%dma_start3A_29 : memref<128xi32, #tpu.memory_space<hbm>>) target(%dma_start3A_28 : memref<128xi32, #tpu.memory_space<vmem>>) target_semaphore(%arg21 : memref<!tpu.dma_semaphore, #tpu.memory_space<semaphore_mem>>)
    %add3A_30 = arith.constant 256 : i32
    %add3A_31 = arith.addi %mul3A_8, %add3A_30 : i32
    %dma_start3A_32 = arith.constant 2 : i32
    %dma_start3A_33 = arith.constant 0 : i32
    %dma_start3A_34 = tpu.memref_slice %arg8[%dma_start3A_32, %dma_start3A_33] : memref<3x128xi32, #tpu.memory_space<vmem>> -> memref<1x128xi32, #tpu.memory_space<vmem>>
    %dma_start3A_35 = tpu.memref_squeeze %dma_start3A_34 : memref<1x128xi32, #tpu.memory_space<vmem>> -> memref<128xi32, #tpu.memory_space<vmem>>
    %dma_start3A_36 = tpu.memref_slice %arg3[%add3A_31] : memref<320000xi32, #tpu.memory_space<hbm>> -> memref<128xi32, #tpu.memory_space<hbm>>
    %dma_start3A_37 = arith.constant 0 : i32
    %dma_start3A_38 = tpu.memref_slice %arg8[%dma_start3A_32, %dma_start3A_37] : memref<3x128xi32, #tpu.memory_space<vmem>> -> memref<1x128xi32, #tpu.memory_space<vmem>>
    %dma_start3A_39 = tpu.memref_squeeze %dma_start3A_38 : memref<1x128xi32, #tpu.memory_space<vmem>> -> memref<128xi32, #tpu.memory_space<vmem>>
    %dma_start3A_40 = tpu.memref_slice %arg3[%add3A_31] : memref<320000xi32, #tpu.memory_space<hbm>> -> memref<128xi32, #tpu.memory_space<hbm>>
    tpu.enqueue_dma source(%dma_start3A_40 : memref<128xi32, #tpu.memory_space<hbm>>) target(%dma_start3A_39 : memref<128xi32, #tpu.memory_space<vmem>>) target_semaphore(%arg22 : memref<!tpu.dma_semaphore, #tpu.memory_space<semaphore_mem>>)
    %add3A_41 = arith.constant 0 : i32
    %add3A_42 = arith.addi %mul3A_8, %add3A_41 : i32
    %dma_start3A_43 = arith.constant 0 : i32
    %dma_start3A_44 = arith.constant 0 : i32
    %dma_start3A_45 = tpu.memref_slice %arg9[%dma_start3A_43, %dma_start3A_44] : memref<3x128xi32, #tpu.memory_space<vmem>> -> memref<1x128xi32, #tpu.memory_space<vmem>>
    %dma_start3A_46 = tpu.memref_squeeze %dma_start3A_45 : memref<1x128xi32, #tpu.memory_space<vmem>> -> memref<128xi32, #tpu.memory_space<vmem>>
    %dma_start3A_47 = tpu.memref_slice %arg4[%add3A_42] : memref<320000xi32, #tpu.memory_space<hbm>> -> memref<128xi32, #tpu.memory_space<hbm>>
    %dma_start3A_48 = arith.constant 0 : i32
    %dma_start3A_49 = tpu.memref_slice %arg9[%dma_start3A_43, %dma_start3A_48] : memref<3x128xi32, #tpu.memory_space<vmem>> -> memref<1x128xi32, #tpu.memory_space<vmem>>
    %dma_start3A_50 = tpu.memref_squeeze %dma_start3A_49 : memref<1x128xi32, #tpu.memory_space<vmem>> -> memref<128xi32, #tpu.memory_space<vmem>>
    %dma_start3A_51 = tpu.memref_slice %arg4[%add3A_42] : memref<320000xi32, #tpu.memory_space<hbm>> -> memref<128xi32, #tpu.memory_space<hbm>>
    tpu.enqueue_dma source(%dma_start3A_51 : memref<128xi32, #tpu.memory_space<hbm>>) target(%dma_start3A_50 : memref<128xi32, #tpu.memory_space<vmem>>) target_semaphore(%arg23 : memref<!tpu.dma_semaphore, #tpu.memory_space<semaphore_mem>>)
    %add3A_52 = arith.constant 128 : i32
    %add3A_53 = arith.addi %mul3A_8, %add3A_52 : i32
    %dma_start3A_54 = arith.constant 1 : i32
    %dma_start3A_55 = arith.constant 0 : i32
    %dma_start3A_56 = tpu.memref_slice %arg9[%dma_start3A_54, %dma_start3A_55] : memref<3x128xi32, #tpu.memory_space<vmem>> -> memref<1x128xi32, #tpu.memory_space<vmem>>
    %dma_start3A_57 = tpu.memref_squeeze %dma_start3A_56 : memref<1x128xi32, #tpu.memory_space<vmem>> -> memref<128xi32, #tpu.memory_space<vmem>>
    %dma_start3A_58 = tpu.memref_slice %arg4[%add3A_53] : memref<320000xi32, #tpu.memory_space<hbm>> -> memref<128xi32, #tpu.memory_space<hbm>>
    %dma_start3A_59 = arith.constant 0 : i32
    %dma_start3A_60 = tpu.memref_slice %arg9[%dma_start3A_54, %dma_start3A_59] : memref<3x128xi32, #tpu.memory_space<vmem>> -> memref<1x128xi32, #tpu.memory_space<vmem>>
    %dma_start3A_61 = tpu.memref_squeeze %dma_start3A_60 : memref<1x128xi32, #tpu.memory_space<vmem>> -> memref<128xi32, #tpu.memory_space<vmem>>
    %dma_start3A_62 = tpu.memref_slice %arg4[%add3A_53] : memref<320000xi32, #tpu.memory_space<hbm>> -> memref<128xi32, #tpu.memory_space<hbm>>
    tpu.enqueue_dma source(%dma_start3A_62 : memref<128xi32, #tpu.memory_space<hbm>>) target(%dma_start3A_61 : memref<128xi32, #tpu.memory_space<vmem>>) target_semaphore(%arg24 : memref<!tpu.dma_semaphore, #tpu.memory_space<semaphore_mem>>)
    %dma_wait3A = arith.constant 0 : i32
    %dma_wait3A_63 = arith.constant 0 : i32
    %dma_wait3A_64 = tpu.memref_slice %arg8[%dma_wait3A, %dma_wait3A_63] : memref<3x128xi32, #tpu.memory_space<vmem>> -> memref<1x128xi32, #tpu.memory_space<vmem>>
    %dma_wait3A_65 = tpu.memref_squeeze %dma_wait3A_64 : memref<1x128xi32, #tpu.memory_space<vmem>> -> memref<128xi32, #tpu.memory_space<vmem>>
    %dma_wait3A_66 = tpu.memref_slice %arg3[%mul3A_8] : memref<320000xi32, #tpu.memory_space<hbm>> -> memref<128xi32, #tpu.memory_space<hbm>>
    %dma_wait3A_67 = arith.constant 0 : i32
    %dma_wait3A_68 = tpu.memref_slice %arg8[%dma_wait3A, %dma_wait3A_67] : memref<3x128xi32, #tpu.memory_space<vmem>> -> memref<1x128xi32, #tpu.memory_space<vmem>>
    %dma_wait3A_69 = tpu.memref_squeeze %dma_wait3A_68 : memref<1x128xi32, #tpu.memory_space<vmem>> -> memref<128xi32, #tpu.memory_space<vmem>>
    %dma_wait3A_70 = tpu.memref_slice %arg3[%mul3A_8] : memref<320000xi32, #tpu.memory_space<hbm>> -> memref<128xi32, #tpu.memory_space<hbm>>
    tpu.wait_dma2 semaphore(%arg20 : memref<!tpu.dma_semaphore, #tpu.memory_space<semaphore_mem>>) src(%dma_wait3A_70 : memref<128xi32, #tpu.memory_space<hbm>>) dst(%dma_wait3A_69 : memref<128xi32, #tpu.memory_space<vmem>>)
    %dma_start3A_71 = arith.constant 0 : i32
    %dma_start3A_72 = arith.constant 0 : i32
    %dma_start3A_73 = tpu.memref_slice %arg8[%dma_start3A_71, %dma_start3A_72] : memref<3x128xi32, #tpu.memory_space<vmem>> -> memref<1x128xi32, #tpu.memory_space<vmem>>
    %dma_start3A_74 = tpu.memref_squeeze %dma_start3A_73 : memref<1x128xi32, #tpu.memory_space<vmem>> -> memref<128xi32, #tpu.memory_space<vmem>>
    %dma_start3A_75 = arith.constant 0 : i32
    %dma_start3A_76 = arith.constant 0 : i32
    %dma_start3A_77 = tpu.memref_slice %arg2[%dma_start3A_75, %dma_start3A_76] : memref<10000x128xf32, #tpu.memory_space<hbm>> -> memref<10000x128xf32, #tpu.memory_space<hbm>>
    tpu.enqueue_indirect_dma source(%dma_start3A_77 : memref<10000x128xf32, #tpu.memory_space<hbm>>) target(%arg10 : memref<128x128xf32, #tpu.memory_space<vmem>>) offsets(%dma_start3A_74 : memref<128xi32, #tpu.memory_space<vmem>>) semaphore(%arg14 : memref<!tpu.dma_semaphore, #tpu.memory_space<semaphore_mem>>)
    %dma_wait3A_78 = arith.constant 0 : i32
    %dma_wait3A_79 = arith.constant 0 : i32
    %dma_wait3A_80 = tpu.memref_slice %arg8[%dma_wait3A_78, %dma_wait3A_79] : memref<3x128xi32, #tpu.memory_space<vmem>> -> memref<1x128xi32, #tpu.memory_space<vmem>>
    %dma_wait3A_81 = tpu.memref_squeeze %dma_wait3A_80 : memref<1x128xi32, #tpu.memory_space<vmem>> -> memref<128xi32, #tpu.memory_space<vmem>>
    %dma_wait3A_82 = tpu.memref_slice %arg3[%mul3A_8] : memref<320000xi32, #tpu.memory_space<hbm>> -> memref<128xi32, #tpu.memory_space<hbm>>
    %dma_wait3A_83 = arith.constant 0 : i32
    %dma_wait3A_84 = tpu.memref_slice %arg8[%dma_wait3A_78, %dma_wait3A_83] : memref<3x128xi32, #tpu.memory_space<vmem>> -> memref<1x128xi32, #tpu.memory_space<vmem>>
    %dma_wait3A_85 = tpu.memref_squeeze %dma_wait3A_84 : memref<1x128xi32, #tpu.memory_space<vmem>> -> memref<128xi32, #tpu.memory_space<vmem>>
    %dma_wait3A_86 = tpu.memref_slice %arg3[%mul3A_8] : memref<320000xi32, #tpu.memory_space<hbm>> -> memref<128xi32, #tpu.memory_space<hbm>>
    tpu.wait_dma2 semaphore(%arg21 : memref<!tpu.dma_semaphore, #tpu.memory_space<semaphore_mem>>) src(%dma_wait3A_86 : memref<128xi32, #tpu.memory_space<hbm>>) dst(%dma_wait3A_85 : memref<128xi32, #tpu.memory_space<vmem>>)
    %dma_start3A_87 = arith.constant 1 : i32
    %dma_start3A_88 = arith.constant 0 : i32
    %dma_start3A_89 = tpu.memref_slice %arg8[%dma_start3A_87, %dma_start3A_88] : memref<3x128xi32, #tpu.memory_space<vmem>> -> memref<1x128xi32, #tpu.memory_space<vmem>>
    %dma_start3A_90 = tpu.memref_squeeze %dma_start3A_89 : memref<1x128xi32, #tpu.memory_space<vmem>> -> memref<128xi32, #tpu.memory_space<vmem>>
    %dma_start3A_91 = arith.constant 0 : i32
    %dma_start3A_92 = arith.constant 0 : i32
    %dma_start3A_93 = tpu.memref_slice %arg2[%dma_start3A_91, %dma_start3A_92] : memref<10000x128xf32, #tpu.memory_space<hbm>> -> memref<10000x128xf32, #tpu.memory_space<hbm>>
    tpu.enqueue_indirect_dma source(%dma_start3A_93 : memref<10000x128xf32, #tpu.memory_space<hbm>>) target(%arg11 : memref<128x128xf32, #tpu.memory_space<vmem>>) offsets(%dma_start3A_90 : memref<128xi32, #tpu.memory_space<vmem>>) semaphore(%arg15 : memref<!tpu.dma_semaphore, #tpu.memory_space<semaphore_mem>>)
    %scan3A = arith.constant 0 : i32
    %scan3A_94 = arith.constant 26 : i32
    %scan3A_95 = arith.addi %scan3A, %scan3A_94 : i32
    %scan3A_96 = arith.constant 1 : i32
    scf.for %scan3A_162 = %scan3A to %scan3A_95 step %scan3A_96  : i32 {
      %mul3A_163 = arith.constant 3 : i32
      %mul3A_164 = arith.muli %mul3A_163, %scan3A_162 : i32
      %eq3A_165 = arith.constant 0 : i32
      %eq3A_166 = arith.cmpi eq, %scan3A_162, %eq3A_165 : i32
      %convert_element_type3A_167 = arith.extui %eq3A_166 : i1 to i32
      %cond3A_168 = arith.constant 0 : i32
      %cond3A_169 = arith.cmpi ne, %convert_element_type3A_167, %cond3A_168 : i32
      scf.if %cond3A_169 {
        %dma_wait3A_326 = arith.constant 0 : i32
        %dma_wait3A_327 = arith.constant 0 : i32
        %dma_wait3A_328 = tpu.memref_slice %arg8[%dma_wait3A_326, %dma_wait3A_327] : memref<3x128xi32, #tpu.memory_space<vmem>> -> memref<1x128xi32, #tpu.memory_space<vmem>>
        %dma_wait3A_329 = tpu.memref_squeeze %dma_wait3A_328 : memref<1x128xi32, #tpu.memory_space<vmem>> -> memref<128xi32, #tpu.memory_space<vmem>>
        %dma_wait3A_330 = arith.constant 0 : i32
        %dma_wait3A_331 = arith.constant 0 : i32
        %dma_wait3A_332 = tpu.memref_slice %arg2[%dma_wait3A_330, %dma_wait3A_331] : memref<10000x128xf32, #tpu.memory_space<hbm>> -> memref<10000x128xf32, #tpu.memory_space<hbm>>
        tpu.wait_indirect_dma semaphore(%arg14 : memref<!tpu.dma_semaphore, #tpu.memory_space<semaphore_mem>>) src(%dma_wait3A_332 : memref<10000x128xf32, #tpu.memory_space<hbm>>) dst(%arg10 : memref<128x128xf32, #tpu.memory_space<vmem>>)
        %add3A_333 = arith.constant 3 : i32
        %add3A_334 = arith.addi %mul3A_164, %add3A_333 : i32
        %mul3A_335 = arith.constant 128 : i32
        %mul3A_336 = arith.muli %add3A_334, %mul3A_335 : i32
        %add3A_337 = arith.addi %mul3A_8, %mul3A_336 : i32
        %dma_start3A_338 = arith.constant 0 : i32
        %dma_start3A_339 = arith.constant 0 : i32
        %dma_start3A_340 = tpu.memref_slice %arg8[%dma_start3A_338, %dma_start3A_339] : memref<3x128xi32, #tpu.memory_space<vmem>> -> memref<1x128xi32, #tpu.memory_space<vmem>>
        %dma_start3A_341 = tpu.memref_squeeze %dma_start3A_340 : memref<1x128xi32, #tpu.memory_space<vmem>> -> memref<128xi32, #tpu.memory_space<vmem>>
        %dma_start3A_342 = tpu.memref_slice %arg3[%add3A_337] : memref<320000xi32, #tpu.memory_space<hbm>> -> memref<128xi32, #tpu.memory_space<hbm>>
        %dma_start3A_343 = arith.constant 0 : i32
        %dma_start3A_344 = tpu.memref_slice %arg8[%dma_start3A_338, %dma_start3A_343] : memref<3x128xi32, #tpu.memory_space<vmem>> -> memref<1x128xi32, #tpu.memory_space<vmem>>
        %dma_start3A_345 = tpu.memref_squeeze %dma_start3A_344 : memref<1x128xi32, #tpu.memory_space<vmem>> -> memref<128xi32, #tpu.memory_space<vmem>>
        %dma_start3A_346 = tpu.memref_slice %arg3[%add3A_337] : memref<320000xi32, #tpu.memory_space<hbm>> -> memref<128xi32, #tpu.memory_space<hbm>>
        tpu.enqueue_dma source(%dma_start3A_346 : memref<128xi32, #tpu.memory_space<hbm>>) target(%dma_start3A_345 : memref<128xi32, #tpu.memory_space<vmem>>) target_semaphore(%arg20 : memref<!tpu.dma_semaphore, #tpu.memory_space<semaphore_mem>>)
        %dma_wait3A_347 = arith.constant 0 : i32
        %dma_wait3A_348 = arith.constant 0 : i32
        %dma_wait3A_349 = tpu.memref_slice %arg8[%dma_wait3A_347, %dma_wait3A_348] : memref<3x128xi32, #tpu.memory_space<vmem>> -> memref<1x128xi32, #tpu.memory_space<vmem>>
        %dma_wait3A_350 = tpu.memref_squeeze %dma_wait3A_349 : memref<1x128xi32, #tpu.memory_space<vmem>> -> memref<128xi32, #tpu.memory_space<vmem>>
        %dma_wait3A_351 = tpu.memref_slice %arg3[%mul3A_8] : memref<320000xi32, #tpu.memory_space<hbm>> -> memref<128xi32, #tpu.memory_space<hbm>>
        %dma_wait3A_352 = arith.constant 0 : i32
        %dma_wait3A_353 = tpu.memref_slice %arg8[%dma_wait3A_347, %dma_wait3A_352] : memref<3x128xi32, #tpu.memory_space<vmem>> -> memref<1x128xi32, #tpu.memory_space<vmem>>
        %dma_wait3A_354 = tpu.memref_squeeze %dma_wait3A_353 : memref<1x128xi32, #tpu.memory_space<vmem>> -> memref<128xi32, #tpu.memory_space<vmem>>
        %dma_wait3A_355 = tpu.memref_slice %arg3[%mul3A_8] : memref<320000xi32, #tpu.memory_space<hbm>> -> memref<128xi32, #tpu.memory_space<hbm>>
        tpu.wait_dma2 semaphore(%arg23 : memref<!tpu.dma_semaphore, #tpu.memory_space<semaphore_mem>>) src(%dma_wait3A_355 : memref<128xi32, #tpu.memory_space<hbm>>) dst(%dma_wait3A_354 : memref<128xi32, #tpu.memory_space<vmem>>)
        %dma_start3A_356 = arith.constant 0 : i32
        %dma_start3A_357 = arith.constant 0 : i32
        %dma_start3A_358 = tpu.memref_slice %arg9[%dma_start3A_356, %dma_start3A_357] : memref<3x128xi32, #tpu.memory_space<vmem>> -> memref<1x128xi32, #tpu.memory_space<vmem>>
        %dma_start3A_359 = tpu.memref_squeeze %dma_start3A_358 : memref<1x128xi32, #tpu.memory_space<vmem>> -> memref<128xi32, #tpu.memory_space<vmem>>
        %dma_start3A_360 = arith.constant 0 : i32
        %dma_start3A_361 = arith.constant 0 : i32
        %dma_start3A_362 = tpu.memref_slice %arg7[%dma_start3A_360, %dma_start3A_361] : memref<10000x128xf32, #tpu.memory_space<vmem_shared>> -> memref<10000x128xf32, #tpu.memory_space<vmem_shared>>
        tpu.enqueue_indirect_dma source(%arg10 : memref<128x128xf32, #tpu.memory_space<vmem>>) target(%dma_start3A_362 : memref<10000x128xf32, #tpu.memory_space<vmem_shared>>) offsets(%dma_start3A_359 : memref<128xi32, #tpu.memory_space<vmem>>) semaphore(%arg17 : memref<!tpu.dma_semaphore, #tpu.memory_space<semaphore_mem>>) {add = true}
        %add3A_363 = arith.constant 2 : i32
        %add3A_364 = arith.addi %mul3A_164, %add3A_363 : i32
        %mul3A_365 = arith.constant 128 : i32
        %mul3A_366 = arith.muli %add3A_364, %mul3A_365 : i32
        %add3A_367 = arith.addi %mul3A_8, %mul3A_366 : i32
        %dma_start3A_368 = arith.constant 2 : i32
        %dma_start3A_369 = arith.constant 0 : i32
        %dma_start3A_370 = tpu.memref_slice %arg9[%dma_start3A_368, %dma_start3A_369] : memref<3x128xi32, #tpu.memory_space<vmem>> -> memref<1x128xi32, #tpu.memory_space<vmem>>
        %dma_start3A_371 = tpu.memref_squeeze %dma_start3A_370 : memref<1x128xi32, #tpu.memory_space<vmem>> -> memref<128xi32, #tpu.memory_space<vmem>>
        %dma_start3A_372 = tpu.memref_slice %arg4[%add3A_367] : memref<320000xi32, #tpu.memory_space<hbm>> -> memref<128xi32, #tpu.memory_space<hbm>>
        %dma_start3A_373 = arith.constant 0 : i32
        %dma_start3A_374 = tpu.memref_slice %arg9[%dma_start3A_368, %dma_start3A_373] : memref<3x128xi32, #tpu.memory_space<vmem>> -> memref<1x128xi32, #tpu.memory_space<vmem>>
        %dma_start3A_375 = tpu.memref_squeeze %dma_start3A_374 : memref<1x128xi32, #tpu.memory_space<vmem>> -> memref<128xi32, #tpu.memory_space<vmem>>
        %dma_start3A_376 = tpu.memref_slice %arg4[%add3A_367] : memref<320000xi32, #tpu.memory_space<hbm>> -> memref<128xi32, #tpu.memory_space<hbm>>
        tpu.enqueue_dma source(%dma_start3A_376 : memref<128xi32, #tpu.memory_space<hbm>>) target(%dma_start3A_375 : memref<128xi32, #tpu.memory_space<vmem>>) target_semaphore(%arg25 : memref<!tpu.dma_semaphore, #tpu.memory_space<semaphore_mem>>)
        %dma_wait3A_377 = arith.constant 0 : i32
        %dma_wait3A_378 = arith.constant 0 : i32
        %dma_wait3A_379 = tpu.memref_slice %arg8[%dma_wait3A_377, %dma_wait3A_378] : memref<3x128xi32, #tpu.memory_space<vmem>> -> memref<1x128xi32, #tpu.memory_space<vmem>>
        %dma_wait3A_380 = tpu.memref_squeeze %dma_wait3A_379 : memref<1x128xi32, #tpu.memory_space<vmem>> -> memref<128xi32, #tpu.memory_space<vmem>>
        %dma_wait3A_381 = tpu.memref_slice %arg3[%mul3A_8] : memref<320000xi32, #tpu.memory_space<hbm>> -> memref<128xi32, #tpu.memory_space<hbm>>
        %dma_wait3A_382 = arith.constant 0 : i32
        %dma_wait3A_383 = tpu.memref_slice %arg8[%dma_wait3A_377, %dma_wait3A_382] : memref<3x128xi32, #tpu.memory_space<vmem>> -> memref<1x128xi32, #tpu.memory_space<vmem>>
        %dma_wait3A_384 = tpu.memref_squeeze %dma_wait3A_383 : memref<1x128xi32, #tpu.memory_space<vmem>> -> memref<128xi32, #tpu.memory_space<vmem>>
        %dma_wait3A_385 = tpu.memref_slice %arg3[%mul3A_8] : memref<320000xi32, #tpu.memory_space<hbm>> -> memref<128xi32, #tpu.memory_space<hbm>>
        tpu.wait_dma2 semaphore(%arg22 : memref<!tpu.dma_semaphore, #tpu.memory_space<semaphore_mem>>) src(%dma_wait3A_385 : memref<128xi32, #tpu.memory_space<hbm>>) dst(%dma_wait3A_384 : memref<128xi32, #tpu.memory_space<vmem>>)
        %dma_start3A_386 = arith.constant 2 : i32
        %dma_start3A_387 = arith.constant 0 : i32
        %dma_start3A_388 = tpu.memref_slice %arg8[%dma_start3A_386, %dma_start3A_387] : memref<3x128xi32, #tpu.memory_space<vmem>> -> memref<1x128xi32, #tpu.memory_space<vmem>>
        %dma_start3A_389 = tpu.memref_squeeze %dma_start3A_388 : memref<1x128xi32, #tpu.memory_space<vmem>> -> memref<128xi32, #tpu.memory_space<vmem>>
        %dma_start3A_390 = arith.constant 0 : i32
        %dma_start3A_391 = arith.constant 0 : i32
        %dma_start3A_392 = tpu.memref_slice %arg2[%dma_start3A_390, %dma_start3A_391] : memref<10000x128xf32, #tpu.memory_space<hbm>> -> memref<10000x128xf32, #tpu.memory_space<hbm>>
        tpu.enqueue_indirect_dma source(%dma_start3A_392 : memref<10000x128xf32, #tpu.memory_space<hbm>>) target(%arg12 : memref<128x128xf32, #tpu.memory_space<vmem>>) offsets(%dma_start3A_389 : memref<128xi32, #tpu.memory_space<vmem>>) semaphore(%arg16 : memref<!tpu.dma_semaphore, #tpu.memory_space<semaphore_mem>>)
      } else {
      }
      %gt3A = arith.constant 0 : i32
      %gt3A_170 = arith.cmpi sgt, %scan3A_162, %gt3A : i32
      %convert_element_type3A_171 = arith.extui %gt3A_170 : i1 to i32
      %cond3A_172 = arith.constant 0 : i32
      %cond3A_173 = arith.cmpi ne, %convert_element_type3A_171, %cond3A_172 : i32
      scf.if %cond3A_173 {
        %dma_wait3A_326 = arith.constant 0 : i32
        %dma_wait3A_327 = arith.constant 0 : i32
        %dma_wait3A_328 = tpu.memref_slice %arg8[%dma_wait3A_326, %dma_wait3A_327] : memref<3x128xi32, #tpu.memory_space<vmem>> -> memref<1x128xi32, #tpu.memory_space<vmem>>
        %dma_wait3A_329 = tpu.memref_squeeze %dma_wait3A_328 : memref<1x128xi32, #tpu.memory_space<vmem>> -> memref<128xi32, #tpu.memory_space<vmem>>
        %dma_wait3A_330 = arith.constant 0 : i32
        %dma_wait3A_331 = arith.constant 0 : i32
        %dma_wait3A_332 = tpu.memref_slice %arg2[%dma_wait3A_330, %dma_wait3A_331] : memref<10000x128xf32, #tpu.memory_space<hbm>> -> memref<10000x128xf32, #tpu.memory_space<hbm>>
        tpu.wait_indirect_dma semaphore(%arg14 : memref<!tpu.dma_semaphore, #tpu.memory_space<semaphore_mem>>) src(%dma_wait3A_332 : memref<10000x128xf32, #tpu.memory_space<hbm>>) dst(%arg10 : memref<128x128xf32, #tpu.memory_space<vmem>>)
        %add3A_333 = arith.constant 3 : i32
        %add3A_334 = arith.addi %mul3A_164, %add3A_333 : i32
        %mul3A_335 = arith.constant 128 : i32
        %mul3A_336 = arith.muli %add3A_334, %mul3A_335 : i32
        %add3A_337 = arith.addi %mul3A_8, %mul3A_336 : i32
        %dma_start3A_338 = arith.constant 0 : i32
        %dma_start3A_339 = arith.constant 0 : i32
        %dma_start3A_340 = tpu.memref_slice %arg8[%dma_start3A_338, %dma_start3A_339] : memref<3x128xi32, #tpu.memory_space<vmem>> -> memref<1x128xi32, #tpu.memory_space<vmem>>
        %dma_start3A_341 = tpu.memref_squeeze %dma_start3A_340 : memref<1x128xi32, #tpu.memory_space<vmem>> -> memref<128xi32, #tpu.memory_space<vmem>>
        %dma_start3A_342 = tpu.memref_slice %arg3[%add3A_337] : memref<320000xi32, #tpu.memory_space<hbm>> -> memref<128xi32, #tpu.memory_space<hbm>>
        %dma_start3A_343 = arith.constant 0 : i32
        %dma_start3A_344 = tpu.memref_slice %arg8[%dma_start3A_338, %dma_start3A_343] : memref<3x128xi32, #tpu.memory_space<vmem>> -> memref<1x128xi32, #tpu.memory_space<vmem>>
        %dma_start3A_345 = tpu.memref_squeeze %dma_start3A_344 : memref<1x128xi32, #tpu.memory_space<vmem>> -> memref<128xi32, #tpu.memory_space<vmem>>
        %dma_start3A_346 = tpu.memref_slice %arg3[%add3A_337] : memref<320000xi32, #tpu.memory_space<hbm>> -> memref<128xi32, #tpu.memory_space<hbm>>
        tpu.enqueue_dma source(%dma_start3A_346 : memref<128xi32, #tpu.memory_space<hbm>>) target(%dma_start3A_345 : memref<128xi32, #tpu.memory_space<vmem>>) target_semaphore(%arg20 : memref<!tpu.dma_semaphore, #tpu.memory_space<semaphore_mem>>)
        %dma_wait3A_347 = arith.constant 0 : i32
        %dma_wait3A_348 = arith.constant 0 : i32
        %dma_wait3A_349 = tpu.memref_slice %arg8[%dma_wait3A_347, %dma_wait3A_348] : memref<3x128xi32, #tpu.memory_space<vmem>> -> memref<1x128xi32, #tpu.memory_space<vmem>>
        %dma_wait3A_350 = tpu.memref_squeeze %dma_wait3A_349 : memref<1x128xi32, #tpu.memory_space<vmem>> -> memref<128xi32, #tpu.memory_space<vmem>>
        %dma_wait3A_351 = tpu.memref_slice %arg3[%mul3A_8] : memref<320000xi32, #tpu.memory_space<hbm>> -> memref<128xi32, #tpu.memory_space<hbm>>
        %dma_wait3A_352 = arith.constant 0 : i32
        %dma_wait3A_353 = tpu.memref_slice %arg8[%dma_wait3A_347, %dma_wait3A_352] : memref<3x128xi32, #tpu.memory_space<vmem>> -> memref<1x128xi32, #tpu.memory_space<vmem>>
        %dma_wait3A_354 = tpu.memref_squeeze %dma_wait3A_353 : memref<1x128xi32, #tpu.memory_space<vmem>> -> memref<128xi32, #tpu.memory_space<vmem>>
        %dma_wait3A_355 = tpu.memref_slice %arg3[%mul3A_8] : memref<320000xi32, #tpu.memory_space<hbm>> -> memref<128xi32, #tpu.memory_space<hbm>>
        tpu.wait_dma2 semaphore(%arg23 : memref<!tpu.dma_semaphore, #tpu.memory_space<semaphore_mem>>) src(%dma_wait3A_355 : memref<128xi32, #tpu.memory_space<hbm>>) dst(%dma_wait3A_354 : memref<128xi32, #tpu.memory_space<vmem>>)
        %dma_start3A_356 = arith.constant 0 : i32
        %dma_start3A_357 = arith.constant 0 : i32
        %dma_start3A_358 = tpu.memref_slice %arg9[%dma_start3A_356, %dma_start3A_357] : memref<3x128xi32, #tpu.memory_space<vmem>> -> memref<1x128xi32, #tpu.memory_space<vmem>>
        %dma_start3A_359 = tpu.memref_squeeze %dma_start3A_358 : memref<1x128xi32, #tpu.memory_space<vmem>> -> memref<128xi32, #tpu.memory_space<vmem>>
        %dma_start3A_360 = arith.constant 0 : i32
        %dma_start3A_361 = arith.constant 0 : i32
        %dma_start3A_362 = tpu.memref_slice %arg7[%dma_start3A_360, %dma_start3A_361] : memref<10000x128xf32, #tpu.memory_space<vmem_shared>> -> memref<10000x128xf32, #tpu.memory_space<vmem_shared>>
        tpu.enqueue_indirect_dma source(%arg10 : memref<128x128xf32, #tpu.memory_space<vmem>>) target(%dma_start3A_362 : memref<10000x128xf32, #tpu.memory_space<vmem_shared>>) offsets(%dma_start3A_359 : memref<128xi32, #tpu.memory_space<vmem>>) semaphore(%arg17 : memref<!tpu.dma_semaphore, #tpu.memory_space<semaphore_mem>>) {add = true}
        %dma_wait3A_363 = arith.constant 0 : i32
        %dma_wait3A_364 = arith.constant 0 : i32
        %dma_wait3A_365 = tpu.memref_slice %arg9[%dma_wait3A_363, %dma_wait3A_364] : memref<3x128xi32, #tpu.memory_space<vmem>> -> memref<1x128xi32, #tpu.memory_space<vmem>>
        %dma_wait3A_366 = tpu.memref_squeeze %dma_wait3A_365 : memref<1x128xi32, #tpu.memory_space<vmem>> -> memref<128xi32, #tpu.memory_space<vmem>>
        %dma_wait3A_367 = arith.constant 0 : i32
        %dma_wait3A_368 = arith.constant 0 : i32
        %dma_wait3A_369 = tpu.memref_slice %arg7[%dma_wait3A_367, %dma_wait3A_368] : memref<10000x128xf32, #tpu.memory_space<vmem_shared>> -> memref<10000x128xf32, #tpu.memory_space<vmem_shared>>
        tpu.wait_indirect_dma semaphore(%arg19 : memref<!tpu.dma_semaphore, #tpu.memory_space<semaphore_mem>>) src(%arg10 : memref<128x128xf32, #tpu.memory_space<vmem>>) dst(%dma_wait3A_369 : memref<10000x128xf32, #tpu.memory_space<vmem_shared>>)
        %add3A_370 = arith.constant 2 : i32
        %add3A_371 = arith.addi %mul3A_164, %add3A_370 : i32
        %mul3A_372 = arith.constant 128 : i32
        %mul3A_373 = arith.muli %add3A_371, %mul3A_372 : i32
        %add3A_374 = arith.addi %mul3A_8, %mul3A_373 : i32
        %dma_start3A_375 = arith.constant 2 : i32
        %dma_start3A_376 = arith.constant 0 : i32
        %dma_start3A_377 = tpu.memref_slice %arg9[%dma_start3A_375, %dma_start3A_376] : memref<3x128xi32, #tpu.memory_space<vmem>> -> memref<1x128xi32, #tpu.memory_space<vmem>>
        %dma_start3A_378 = tpu.memref_squeeze %dma_start3A_377 : memref<1x128xi32, #tpu.memory_space<vmem>> -> memref<128xi32, #tpu.memory_space<vmem>>
        %dma_start3A_379 = tpu.memref_slice %arg4[%add3A_374] : memref<320000xi32, #tpu.memory_space<hbm>> -> memref<128xi32, #tpu.memory_space<hbm>>
        %dma_start3A_380 = arith.constant 0 : i32
        %dma_start3A_381 = tpu.memref_slice %arg9[%dma_start3A_375, %dma_start3A_380] : memref<3x128xi32, #tpu.memory_space<vmem>> -> memref<1x128xi32, #tpu.memory_space<vmem>>
        %dma_start3A_382 = tpu.memref_squeeze %dma_start3A_381 : memref<1x128xi32, #tpu.memory_space<vmem>> -> memref<128xi32, #tpu.memory_space<vmem>>
        %dma_start3A_383 = tpu.memref_slice %arg4[%add3A_374] : memref<320000xi32, #tpu.memory_space<hbm>> -> memref<128xi32, #tpu.memory_space<hbm>>
        tpu.enqueue_dma source(%dma_start3A_383 : memref<128xi32, #tpu.memory_space<hbm>>) target(%dma_start3A_382 : memref<128xi32, #tpu.memory_space<vmem>>) target_semaphore(%arg25 : memref<!tpu.dma_semaphore, #tpu.memory_space<semaphore_mem>>)
        %dma_wait3A_384 = arith.constant 0 : i32
        %dma_wait3A_385 = arith.constant 0 : i32
        %dma_wait3A_386 = tpu.memref_slice %arg8[%dma_wait3A_384, %dma_wait3A_385] : memref<3x128xi32, #tpu.memory_space<vmem>> -> memref<1x128xi32, #tpu.memory_space<vmem>>
        %dma_wait3A_387 = tpu.memref_squeeze %dma_wait3A_386 : memref<1x128xi32, #tpu.memory_space<vmem>> -> memref<128xi32, #tpu.memory_space<vmem>>
        %dma_wait3A_388 = tpu.memref_slice %arg3[%mul3A_8] : memref<320000xi32, #tpu.memory_space<hbm>> -> memref<128xi32, #tpu.memory_space<hbm>>
        %dma_wait3A_389 = arith.constant 0 : i32
        %dma_wait3A_390 = tpu.memref_slice %arg8[%dma_wait3A_384, %dma_wait3A_389] : memref<3x128xi32, #tpu.memory_space<vmem>> -> memref<1x128xi32, #tpu.memory_space<vmem>>
        %dma_wait3A_391 = tpu.memref_squeeze %dma_wait3A_390 : memref<1x128xi32, #tpu.memory_space<vmem>> -> memref<128xi32, #tpu.memory_space<vmem>>
        %dma_wait3A_392 = tpu.memref_slice %arg3[%mul3A_8] : memref<320000xi32, #tpu.memory_space<hbm>> -> memref<128xi32, #tpu.memory_space<hbm>>
        tpu.wait_dma2 semaphore(%arg22 : memref<!tpu.dma_semaphore, #tpu.memory_space<semaphore_mem>>) src(%dma_wait3A_392 : memref<128xi32, #tpu.memory_space<hbm>>) dst(%dma_wait3A_391 : memref<128xi32, #tpu.memory_space<vmem>>)
        %dma_start3A_393 = arith.constant 2 : i32
        %dma_start3A_394 = arith.constant 0 : i32
        %dma_start3A_395 = tpu.memref_slice %arg8[%dma_start3A_393, %dma_start3A_394] : memref<3x128xi32, #tpu.memory_space<vmem>> -> memref<1x128xi32, #tpu.memory_space<vmem>>
        %dma_start3A_396 = tpu.memref_squeeze %dma_start3A_395 : memref<1x128xi32, #tpu.memory_space<vmem>> -> memref<128xi32, #tpu.memory_space<vmem>>
        %dma_start3A_397 = arith.constant 0 : i32
        %dma_start3A_398 = arith.constant 0 : i32
        %dma_start3A_399 = tpu.memref_slice %arg2[%dma_start3A_397, %dma_start3A_398] : memref<10000x128xf32, #tpu.memory_space<hbm>> -> memref<10000x128xf32, #tpu.memory_space<hbm>>
        tpu.enqueue_indirect_dma source(%dma_start3A_399 : memref<10000x128xf32, #tpu.memory_space<hbm>>) target(%arg12 : memref<128x128xf32, #tpu.memory_space<vmem>>) offsets(%dma_start3A_396 : memref<128xi32, #tpu.memory_space<vmem>>) semaphore(%arg16 : memref<!tpu.dma_semaphore, #tpu.memory_space<semaphore_mem>>)
      } else {
      }
      %add3A_174 = arith.constant 1 : i32
      %add3A_175 = arith.addi %mul3A_164, %add3A_174 : i32
      %dma_wait3A_176 = arith.constant 0 : i32
      %dma_wait3A_177 = arith.constant 0 : i32
      %dma_wait3A_178 = tpu.memref_slice %arg8[%dma_wait3A_176, %dma_wait3A_177] : memref<3x128xi32, #tpu.memory_space<vmem>> -> memref<1x128xi32, #tpu.memory_space<vmem>>
      %dma_wait3A_179 = tpu.memref_squeeze %dma_wait3A_178 : memref<1x128xi32, #tpu.memory_space<vmem>> -> memref<128xi32, #tpu.memory_space<vmem>>
      %dma_wait3A_180 = arith.constant 0 : i32
      %dma_wait3A_181 = arith.constant 0 : i32
      %dma_wait3A_182 = tpu.memref_slice %arg2[%dma_wait3A_180, %dma_wait3A_181] : memref<10000x128xf32, #tpu.memory_space<hbm>> -> memref<10000x128xf32, #tpu.memory_space<hbm>>
      tpu.wait_indirect_dma semaphore(%arg15 : memref<!tpu.dma_semaphore, #tpu.memory_space<semaphore_mem>>) src(%dma_wait3A_182 : memref<10000x128xf32, #tpu.memory_space<hbm>>) dst(%arg10 : memref<128x128xf32, #tpu.memory_space<vmem>>)
      %add3A_183 = arith.constant 3 : i32
      %add3A_184 = arith.addi %add3A_175, %add3A_183 : i32
      %mul3A_185 = arith.constant 128 : i32
      %mul3A_186 = arith.muli %add3A_184, %mul3A_185 : i32
      %add3A_187 = arith.addi %mul3A_8, %mul3A_186 : i32
      %dma_start3A_188 = arith.constant 1 : i32
      %dma_start3A_189 = arith.constant 0 : i32
      %dma_start3A_190 = tpu.memref_slice %arg8[%dma_start3A_188, %dma_start3A_189] : memref<3x128xi32, #tpu.memory_space<vmem>> -> memref<1x128xi32, #tpu.memory_space<vmem>>
      %dma_start3A_191 = tpu.memref_squeeze %dma_start3A_190 : memref<1x128xi32, #tpu.memory_space<vmem>> -> memref<128xi32, #tpu.memory_space<vmem>>
      %dma_start3A_192 = tpu.memref_slice %arg3[%add3A_187] : memref<320000xi32, #tpu.memory_space<hbm>> -> memref<128xi32, #tpu.memory_space<hbm>>
      %dma_start3A_193 = arith.constant 0 : i32
      %dma_start3A_194 = tpu.memref_slice %arg8[%dma_start3A_188, %dma_start3A_193] : memref<3x128xi32, #tpu.memory_space<vmem>> -> memref<1x128xi32, #tpu.memory_space<vmem>>
      %dma_start3A_195 = tpu.memref_squeeze %dma_start3A_194 : memref<1x128xi32, #tpu.memory_space<vmem>> -> memref<128xi32, #tpu.memory_space<vmem>>
      %dma_start3A_196 = tpu.memref_slice %arg3[%add3A_187] : memref<320000xi32, #tpu.memory_space<hbm>> -> memref<128xi32, #tpu.memory_space<hbm>>
      tpu.enqueue_dma source(%dma_start3A_196 : memref<128xi32, #tpu.memory_space<hbm>>) target(%dma_start3A_195 : memref<128xi32, #tpu.memory_space<vmem>>) target_semaphore(%arg21 : memref<!tpu.dma_semaphore, #tpu.memory_space<semaphore_mem>>)
      %dma_wait3A_197 = arith.constant 0 : i32
      %dma_wait3A_198 = arith.constant 0 : i32
      %dma_wait3A_199 = tpu.memref_slice %arg8[%dma_wait3A_197, %dma_wait3A_198] : memref<3x128xi32, #tpu.memory_space<vmem>> -> memref<1x128xi32, #tpu.memory_space<vmem>>
      %dma_wait3A_200 = tpu.memref_squeeze %dma_wait3A_199 : memref<1x128xi32, #tpu.memory_space<vmem>> -> memref<128xi32, #tpu.memory_space<vmem>>
      %dma_wait3A_201 = tpu.memref_slice %arg3[%mul3A_8] : memref<320000xi32, #tpu.memory_space<hbm>> -> memref<128xi32, #tpu.memory_space<hbm>>
      %dma_wait3A_202 = arith.constant 0 : i32
      %dma_wait3A_203 = tpu.memref_slice %arg8[%dma_wait3A_197, %dma_wait3A_202] : memref<3x128xi32, #tpu.memory_space<vmem>> -> memref<1x128xi32, #tpu.memory_space<vmem>>
      %dma_wait3A_204 = tpu.memref_squeeze %dma_wait3A_203 : memref<1x128xi32, #tpu.memory_space<vmem>> -> memref<128xi32, #tpu.memory_space<vmem>>
      %dma_wait3A_205 = tpu.memref_slice %arg3[%mul3A_8] : memref<320000xi32, #tpu.memory_space<hbm>> -> memref<128xi32, #tpu.memory_space<hbm>>
      tpu.wait_dma2 semaphore(%arg24 : memref<!tpu.dma_semaphore, #tpu.memory_space<semaphore_mem>>) src(%dma_wait3A_205 : memref<128xi32, #tpu.memory_space<hbm>>) dst(%dma_wait3A_204 : memref<128xi32, #tpu.memory_space<vmem>>)
      %dma_start3A_206 = arith.constant 1 : i32
      %dma_start3A_207 = arith.constant 0 : i32
      %dma_start3A_208 = tpu.memref_slice %arg9[%dma_start3A_206, %dma_start3A_207] : memref<3x128xi32, #tpu.memory_space<vmem>> -> memref<1x128xi32, #tpu.memory_space<vmem>>
      %dma_start3A_209 = tpu.memref_squeeze %dma_start3A_208 : memref<1x128xi32, #tpu.memory_space<vmem>> -> memref<128xi32, #tpu.memory_space<vmem>>
      %dma_start3A_210 = arith.constant 0 : i32
      %dma_start3A_211 = arith.constant 0 : i32
      %dma_start3A_212 = tpu.memref_slice %arg7[%dma_start3A_210, %dma_start3A_211] : memref<10000x128xf32, #tpu.memory_space<vmem_shared>> -> memref<10000x128xf32, #tpu.memory_space<vmem_shared>>
      tpu.enqueue_indirect_dma source(%arg11 : memref<128x128xf32, #tpu.memory_space<vmem>>) target(%dma_start3A_212 : memref<10000x128xf32, #tpu.memory_space<vmem_shared>>) offsets(%dma_start3A_209 : memref<128xi32, #tpu.memory_space<vmem>>) semaphore(%arg18 : memref<!tpu.dma_semaphore, #tpu.memory_space<semaphore_mem>>) {add = true}
      %dma_wait3A_213 = arith.constant 0 : i32
      %dma_wait3A_214 = arith.constant 0 : i32
      %dma_wait3A_215 = tpu.memref_slice %arg9[%dma_wait3A_213, %dma_wait3A_214] : memref<3x128xi32, #tpu.memory_space<vmem>> -> memref<1x128xi32, #tpu.memory_space<vmem>>
      %dma_wait3A_216 = tpu.memref_squeeze %dma_wait3A_215 : memref<1x128xi32, #tpu.memory_space<vmem>> -> memref<128xi32, #tpu.memory_space<vmem>>
      %dma_wait3A_217 = arith.constant 0 : i32
      %dma_wait3A_218 = arith.constant 0 : i32
      %dma_wait3A_219 = tpu.memref_slice %arg7[%dma_wait3A_217, %dma_wait3A_218] : memref<10000x128xf32, #tpu.memory_space<vmem_shared>> -> memref<10000x128xf32, #tpu.memory_space<vmem_shared>>
      tpu.wait_indirect_dma semaphore(%arg17 : memref<!tpu.dma_semaphore, #tpu.memory_space<semaphore_mem>>) src(%arg10 : memref<128x128xf32, #tpu.memory_space<vmem>>) dst(%dma_wait3A_219 : memref<10000x128xf32, #tpu.memory_space<vmem_shared>>)
      %add3A_220 = arith.constant 2 : i32
      %add3A_221 = arith.addi %add3A_175, %add3A_220 : i32
      %mul3A_222 = arith.constant 128 : i32
      %mul3A_223 = arith.muli %add3A_221, %mul3A_222 : i32
      %add3A_224 = arith.addi %mul3A_8, %mul3A_223 : i32
      %dma_start3A_225 = arith.constant 0 : i32
      %dma_start3A_226 = arith.constant 0 : i32
      %dma_start3A_227 = tpu.memref_slice %arg9[%dma_start3A_225, %dma_start3A_226] : memref<3x128xi32, #tpu.memory_space<vmem>> -> memref<1x128xi32, #tpu.memory_space<vmem>>
      %dma_start3A_228 = tpu.memref_squeeze %dma_start3A_227 : memref<1x128xi32, #tpu.memory_space<vmem>> -> memref<128xi32, #tpu.memory_space<vmem>>
      %dma_start3A_229 = tpu.memref_slice %arg4[%add3A_224] : memref<320000xi32, #tpu.memory_space<hbm>> -> memref<128xi32, #tpu.memory_space<hbm>>
      %dma_start3A_230 = arith.constant 0 : i32
      %dma_start3A_231 = tpu.memref_slice %arg9[%dma_start3A_225, %dma_start3A_230] : memref<3x128xi32, #tpu.memory_space<vmem>> -> memref<1x128xi32, #tpu.memory_space<vmem>>
      %dma_start3A_232 = tpu.memref_squeeze %dma_start3A_231 : memref<1x128xi32, #tpu.memory_space<vmem>> -> memref<128xi32, #tpu.memory_space<vmem>>
      %dma_start3A_233 = tpu.memref_slice %arg4[%add3A_224] : memref<320000xi32, #tpu.memory_space<hbm>> -> memref<128xi32, #tpu.memory_space<hbm>>
      tpu.enqueue_dma source(%dma_start3A_233 : memref<128xi32, #tpu.memory_space<hbm>>) target(%dma_start3A_232 : memref<128xi32, #tpu.memory_space<vmem>>) target_semaphore(%arg23 : memref<!tpu.dma_semaphore, #tpu.memory_space<semaphore_mem>>)
      %dma_wait3A_234 = arith.constant 0 : i32
      %dma_wait3A_235 = arith.constant 0 : i32
      %dma_wait3A_236 = tpu.memref_slice %arg8[%dma_wait3A_234, %dma_wait3A_235] : memref<3x128xi32, #tpu.memory_space<vmem>> -> memref<1x128xi32, #tpu.memory_space<vmem>>
      %dma_wait3A_237 = tpu.memref_squeeze %dma_wait3A_236 : memref<1x128xi32, #tpu.memory_space<vmem>> -> memref<128xi32, #tpu.memory_space<vmem>>
      %dma_wait3A_238 = tpu.memref_slice %arg3[%mul3A_8] : memref<320000xi32, #tpu.memory_space<hbm>> -> memref<128xi32, #tpu.memory_space<hbm>>
      %dma_wait3A_239 = arith.constant 0 : i32
      %dma_wait3A_240 = tpu.memref_slice %arg8[%dma_wait3A_234, %dma_wait3A_239] : memref<3x128xi32, #tpu.memory_space<vmem>> -> memref<1x128xi32, #tpu.memory_space<vmem>>
      %dma_wait3A_241 = tpu.memref_squeeze %dma_wait3A_240 : memref<1x128xi32, #tpu.memory_space<vmem>> -> memref<128xi32, #tpu.memory_space<vmem>>
      %dma_wait3A_242 = tpu.memref_slice %arg3[%mul3A_8] : memref<320000xi32, #tpu.memory_space<hbm>> -> memref<128xi32, #tpu.memory_space<hbm>>
      tpu.wait_dma2 semaphore(%arg20 : memref<!tpu.dma_semaphore, #tpu.memory_space<semaphore_mem>>) src(%dma_wait3A_242 : memref<128xi32, #tpu.memory_space<hbm>>) dst(%dma_wait3A_241 : memref<128xi32, #tpu.memory_space<vmem>>)
      %dma_start3A_243 = arith.constant 0 : i32
      %dma_start3A_244 = arith.constant 0 : i32
      %dma_start3A_245 = tpu.memref_slice %arg8[%dma_start3A_243, %dma_start3A_244] : memref<3x128xi32, #tpu.memory_space<vmem>> -> memref<1x128xi32, #tpu.memory_space<vmem>>
      %dma_start3A_246 = tpu.memref_squeeze %dma_start3A_245 : memref<1x128xi32, #tpu.memory_space<vmem>> -> memref<128xi32, #tpu.memory_space<vmem>>
      %dma_start3A_247 = arith.constant 0 : i32
      %dma_start3A_248 = arith.constant 0 : i32
      %dma_start3A_249 = tpu.memref_slice %arg2[%dma_start3A_247, %dma_start3A_248] : memref<10000x128xf32, #tpu.memory_space<hbm>> -> memref<10000x128xf32, #tpu.memory_space<hbm>>
      tpu.enqueue_indirect_dma source(%dma_start3A_249 : memref<10000x128xf32, #tpu.memory_space<hbm>>) target(%arg10 : memref<128x128xf32, #tpu.memory_space<vmem>>) offsets(%dma_start3A_246 : memref<128xi32, #tpu.memory_space<vmem>>) semaphore(%arg14 : memref<!tpu.dma_semaphore, #tpu.memory_space<semaphore_mem>>)
      %add3A_250 = arith.constant 2 : i32
      %add3A_251 = arith.addi %mul3A_164, %add3A_250 : i32
      %dma_wait3A_252 = arith.constant 0 : i32
      %dma_wait3A_253 = arith.constant 0 : i32
      %dma_wait3A_254 = tpu.memref_slice %arg8[%dma_wait3A_252, %dma_wait3A_253] : memref<3x128xi32, #tpu.memory_space<vmem>> -> memref<1x128xi32, #tpu.memory_space<vmem>>
      %dma_wait3A_255 = tpu.memref_squeeze %dma_wait3A_254 : memref<1x128xi32, #tpu.memory_space<vmem>> -> memref<128xi32, #tpu.memory_space<vmem>>
      %dma_wait3A_256 = arith.constant 0 : i32
      %dma_wait3A_257 = arith.constant 0 : i32
      %dma_wait3A_258 = tpu.memref_slice %arg2[%dma_wait3A_256, %dma_wait3A_257] : memref<10000x128xf32, #tpu.memory_space<hbm>> -> memref<10000x128xf32, #tpu.memory_space<hbm>>
      tpu.wait_indirect_dma semaphore(%arg16 : memref<!tpu.dma_semaphore, #tpu.memory_space<semaphore_mem>>) src(%dma_wait3A_258 : memref<10000x128xf32, #tpu.memory_space<hbm>>) dst(%arg10 : memref<128x128xf32, #tpu.memory_space<vmem>>)
      %add3A_259 = arith.constant 3 : i32
      %add3A_260 = arith.addi %add3A_251, %add3A_259 : i32
      %mul3A_261 = arith.constant 128 : i32
      %mul3A_262 = arith.muli %add3A_260, %mul3A_261 : i32
      %add3A_263 = arith.addi %mul3A_8, %mul3A_262 : i32
      %dma_start3A_264 = arith.constant 2 : i32
      %dma_start3A_265 = arith.constant 0 : i32
      %dma_start3A_266 = tpu.memref_slice %arg8[%dma_start3A_264, %dma_start3A_265] : memref<3x128xi32, #tpu.memory_space<vmem>> -> memref<1x128xi32, #tpu.memory_space<vmem>>
      %dma_start3A_267 = tpu.memref_squeeze %dma_start3A_266 : memref<1x128xi32, #tpu.memory_space<vmem>> -> memref<128xi32, #tpu.memory_space<vmem>>
      %dma_start3A_268 = tpu.memref_slice %arg3[%add3A_263] : memref<320000xi32, #tpu.memory_space<hbm>> -> memref<128xi32, #tpu.memory_space<hbm>>
      %dma_start3A_269 = arith.constant 0 : i32
      %dma_start3A_270 = tpu.memref_slice %arg8[%dma_start3A_264, %dma_start3A_269] : memref<3x128xi32, #tpu.memory_space<vmem>> -> memref<1x128xi32, #tpu.memory_space<vmem>>
      %dma_start3A_271 = tpu.memref_squeeze %dma_start3A_270 : memref<1x128xi32, #tpu.memory_space<vmem>> -> memref<128xi32, #tpu.memory_space<vmem>>
      %dma_start3A_272 = tpu.memref_slice %arg3[%add3A_263] : memref<320000xi32, #tpu.memory_space<hbm>> -> memref<128xi32, #tpu.memory_space<hbm>>
      tpu.enqueue_dma source(%dma_start3A_272 : memref<128xi32, #tpu.memory_space<hbm>>) target(%dma_start3A_271 : memref<128xi32, #tpu.memory_space<vmem>>) target_semaphore(%arg22 : memref<!tpu.dma_semaphore, #tpu.memory_space<semaphore_mem>>)
      %dma_wait3A_273 = arith.constant 0 : i32
      %dma_wait3A_274 = arith.constant 0 : i32
      %dma_wait3A_275 = tpu.memref_slice %arg8[%dma_wait3A_273, %dma_wait3A_274] : memref<3x128xi32, #tpu.memory_space<vmem>> -> memref<1x128xi32, #tpu.memory_space<vmem>>
      %dma_wait3A_276 = tpu.memref_squeeze %dma_wait3A_275 : memref<1x128xi32, #tpu.memory_space<vmem>> -> memref<128xi32, #tpu.memory_space<vmem>>
      %dma_wait3A_277 = tpu.memref_slice %arg3[%mul3A_8] : memref<320000xi32, #tpu.memory_space<hbm>> -> memref<128xi32, #tpu.memory_space<hbm>>
      %dma_wait3A_278 = arith.constant 0 : i32
      %dma_wait3A_279 = tpu.memref_slice %arg8[%dma_wait3A_273, %dma_wait3A_278] : memref<3x128xi32, #tpu.memory_space<vmem>> -> memref<1x128xi32, #tpu.memory_space<vmem>>
      %dma_wait3A_280 = tpu.memref_squeeze %dma_wait3A_279 : memref<1x128xi32, #tpu.memory_space<vmem>> -> memref<128xi32, #tpu.memory_space<vmem>>
      %dma_wait3A_281 = tpu.memref_slice %arg3[%mul3A_8] : memref<320000xi32, #tpu.memory_space<hbm>> -> memref<128xi32, #tpu.memory_space<hbm>>
      tpu.wait_dma2 semaphore(%arg25 : memref<!tpu.dma_semaphore, #tpu.memory_space<semaphore_mem>>) src(%dma_wait3A_281 : memref<128xi32, #tpu.memory_space<hbm>>) dst(%dma_wait3A_280 : memref<128xi32, #tpu.memory_space<vmem>>)
      %dma_start3A_282 = arith.constant 2 : i32
      %dma_start3A_283 = arith.constant 0 : i32
      %dma_start3A_284 = tpu.memref_slice %arg9[%dma_start3A_282, %dma_start3A_283] : memref<3x128xi32, #tpu.memory_space<vmem>> -> memref<1x128xi32, #tpu.memory_space<vmem>>
      %dma_start3A_285 = tpu.memref_squeeze %dma_start3A_284 : memref<1x128xi32, #tpu.memory_space<vmem>> -> memref<128xi32, #tpu.memory_space<vmem>>
      %dma_start3A_286 = arith.constant 0 : i32
      %dma_start3A_287 = arith.constant 0 : i32
      %dma_start3A_288 = tpu.memref_slice %arg7[%dma_start3A_286, %dma_start3A_287] : memref<10000x128xf32, #tpu.memory_space<vmem_shared>> -> memref<10000x128xf32, #tpu.memory_space<vmem_shared>>
      tpu.enqueue_indirect_dma source(%arg12 : memref<128x128xf32, #tpu.memory_space<vmem>>) target(%dma_start3A_288 : memref<10000x128xf32, #tpu.memory_space<vmem_shared>>) offsets(%dma_start3A_285 : memref<128xi32, #tpu.memory_space<vmem>>) semaphore(%arg19 : memref<!tpu.dma_semaphore, #tpu.memory_space<semaphore_mem>>) {add = true}
      %dma_wait3A_289 = arith.constant 0 : i32
      %dma_wait3A_290 = arith.constant 0 : i32
      %dma_wait3A_291 = tpu.memref_slice %arg9[%dma_wait3A_289, %dma_wait3A_290] : memref<3x128xi32, #tpu.memory_space<vmem>> -> memref<1x128xi32, #tpu.memory_space<vmem>>
      %dma_wait3A_292 = tpu.memref_squeeze %dma_wait3A_291 : memref<1x128xi32, #tpu.memory_space<vmem>> -> memref<128xi32, #tpu.memory_space<vmem>>
      %dma_wait3A_293 = arith.constant 0 : i32
      %dma_wait3A_294 = arith.constant 0 : i32
      %dma_wait3A_295 = tpu.memref_slice %arg7[%dma_wait3A_293, %dma_wait3A_294] : memref<10000x128xf32, #tpu.memory_space<vmem_shared>> -> memref<10000x128xf32, #tpu.memory_space<vmem_shared>>
      tpu.wait_indirect_dma semaphore(%arg18 : memref<!tpu.dma_semaphore, #tpu.memory_space<semaphore_mem>>) src(%arg10 : memref<128x128xf32, #tpu.memory_space<vmem>>) dst(%dma_wait3A_295 : memref<10000x128xf32, #tpu.memory_space<vmem_shared>>)
      %add3A_296 = arith.constant 2 : i32
      %add3A_297 = arith.addi %add3A_251, %add3A_296 : i32
      %mul3A_298 = arith.constant 128 : i32
      %mul3A_299 = arith.muli %add3A_297, %mul3A_298 : i32
      %add3A_300 = arith.addi %mul3A_8, %mul3A_299 : i32
      %dma_start3A_301 = arith.constant 1 : i32
      %dma_start3A_302 = arith.constant 0 : i32
      %dma_start3A_303 = tpu.memref_slice %arg9[%dma_start3A_301, %dma_start3A_302] : memref<3x128xi32, #tpu.memory_space<vmem>> -> memref<1x128xi32, #tpu.memory_space<vmem>>
      %dma_start3A_304 = tpu.memref_squeeze %dma_start3A_303 : memref<1x128xi32, #tpu.memory_space<vmem>> -> memref<128xi32, #tpu.memory_space<vmem>>
      %dma_start3A_305 = tpu.memref_slice %arg4[%add3A_300] : memref<320000xi32, #tpu.memory_space<hbm>> -> memref<128xi32, #tpu.memory_space<hbm>>
      %dma_start3A_306 = arith.constant 0 : i32
      %dma_start3A_307 = tpu.memref_slice %arg9[%dma_start3A_301, %dma_start3A_306] : memref<3x128xi32, #tpu.memory_space<vmem>> -> memref<1x128xi32, #tpu.memory_space<vmem>>
      %dma_start3A_308 = tpu.memref_squeeze %dma_start3A_307 : memref<1x128xi32, #tpu.memory_space<vmem>> -> memref<128xi32, #tpu.memory_space<vmem>>
      %dma_start3A_309 = tpu.memref_slice %arg4[%add3A_300] : memref<320000xi32, #tpu.memory_space<hbm>> -> memref<128xi32, #tpu.memory_space<hbm>>
      tpu.enqueue_dma source(%dma_start3A_309 : memref<128xi32, #tpu.memory_space<hbm>>) target(%dma_start3A_308 : memref<128xi32, #tpu.memory_space<vmem>>) target_semaphore(%arg24 : memref<!tpu.dma_semaphore, #tpu.memory_space<semaphore_mem>>)
      %dma_wait3A_310 = arith.constant 0 : i32
      %dma_wait3A_311 = arith.constant 0 : i32
      %dma_wait3A_312 = tpu.memref_slice %arg8[%dma_wait3A_310, %dma_wait3A_311] : memref<3x128xi32, #tpu.memory_space<vmem>> -> memref<1x128xi32, #tpu.memory_space<vmem>>
      %dma_wait3A_313 = tpu.memref_squeeze %dma_wait3A_312 : memref<1x128xi32, #tpu.memory_space<vmem>> -> memref<128xi32, #tpu.memory_space<vmem>>
      %dma_wait3A_314 = tpu.memref_slice %arg3[%mul3A_8] : memref<320000xi32, #tpu.memory_space<hbm>> -> memref<128xi32, #tpu.memory_space<hbm>>
      %dma_wait3A_315 = arith.constant 0 : i32
      %dma_wait3A_316 = tpu.memref_slice %arg8[%dma_wait3A_310, %dma_wait3A_315] : memref<3x128xi32, #tpu.memory_space<vmem>> -> memref<1x128xi32, #tpu.memory_space<vmem>>
      %dma_wait3A_317 = tpu.memref_squeeze %dma_wait3A_316 : memref<1x128xi32, #tpu.memory_space<vmem>> -> memref<128xi32, #tpu.memory_space<vmem>>
      %dma_wait3A_318 = tpu.memref_slice %arg3[%mul3A_8] : memref<320000xi32, #tpu.memory_space<hbm>> -> memref<128xi32, #tpu.memory_space<hbm>>
      tpu.wait_dma2 semaphore(%arg21 : memref<!tpu.dma_semaphore, #tpu.memory_space<semaphore_mem>>) src(%dma_wait3A_318 : memref<128xi32, #tpu.memory_space<hbm>>) dst(%dma_wait3A_317 : memref<128xi32, #tpu.memory_space<vmem>>)
      %dma_start3A_319 = arith.constant 1 : i32
      %dma_start3A_320 = arith.constant 0 : i32
      %dma_start3A_321 = tpu.memref_slice %arg8[%dma_start3A_319, %dma_start3A_320] : memref<3x128xi32, #tpu.memory_space<vmem>> -> memref<1x128xi32, #tpu.memory_space<vmem>>
      %dma_start3A_322 = tpu.memref_squeeze %dma_start3A_321 : memref<1x128xi32, #tpu.memory_space<vmem>> -> memref<128xi32, #tpu.memory_space<vmem>>
      %dma_start3A_323 = arith.constant 0 : i32
      %dma_start3A_324 = arith.constant 0 : i32
      %dma_start3A_325 = tpu.memref_slice %arg2[%dma_start3A_323, %dma_start3A_324] : memref<10000x128xf32, #tpu.memory_space<hbm>> -> memref<10000x128xf32, #tpu.memory_space<hbm>>
      tpu.enqueue_indirect_dma source(%dma_start3A_325 : memref<10000x128xf32, #tpu.memory_space<hbm>>) target(%arg11 : memref<128x128xf32, #tpu.memory_space<vmem>>) offsets(%dma_start3A_322 : memref<128xi32, #tpu.memory_space<vmem>>) semaphore(%arg15 : memref<!tpu.dma_semaphore, #tpu.memory_space<semaphore_mem>>)
    }
    %scan3A_97 = arith.constant 26 : i32
    %dma_wait3A_98 = arith.constant 0 : i32
    %dma_wait3A_99 = arith.constant 0 : i32
    %dma_wait3A_100 = tpu.memref_slice %arg9[%dma_wait3A_98, %dma_wait3A_99] : memref<3x128xi32, #tpu.memory_space<vmem>> -> memref<1x128xi32, #tpu.memory_space<vmem>>
    %dma_wait3A_101 = tpu.memref_squeeze %dma_wait3A_100 : memref<1x128xi32, #tpu.memory_space<vmem>> -> memref<128xi32, #tpu.memory_space<vmem>>
    %dma_wait3A_102 = arith.constant 0 : i32
    %dma_wait3A_103 = arith.constant 0 : i32
    %dma_wait3A_104 = tpu.memref_slice %arg7[%dma_wait3A_102, %dma_wait3A_103] : memref<10000x128xf32, #tpu.memory_space<vmem_shared>> -> memref<10000x128xf32, #tpu.memory_space<vmem_shared>>
    tpu.wait_indirect_dma semaphore(%arg19 : memref<!tpu.dma_semaphore, #tpu.memory_space<semaphore_mem>>) src(%arg10 : memref<128x128xf32, #tpu.memory_space<vmem>>) dst(%dma_wait3A_104 : memref<10000x128xf32, #tpu.memory_space<vmem_shared>>)
    %dma_wait3A_105 = arith.constant 0 : i32
    %dma_wait3A_106 = arith.constant 0 : i32
    %dma_wait3A_107 = tpu.memref_slice %arg8[%dma_wait3A_105, %dma_wait3A_106] : memref<3x128xi32, #tpu.memory_space<vmem>> -> memref<1x128xi32, #tpu.memory_space<vmem>>
    %dma_wait3A_108 = tpu.memref_squeeze %dma_wait3A_107 : memref<1x128xi32, #tpu.memory_space<vmem>> -> memref<128xi32, #tpu.memory_space<vmem>>
    %dma_wait3A_109 = arith.constant 0 : i32
    %dma_wait3A_110 = arith.constant 0 : i32
    %dma_wait3A_111 = tpu.memref_slice %arg2[%dma_wait3A_109, %dma_wait3A_110] : memref<10000x128xf32, #tpu.memory_space<hbm>> -> memref<10000x128xf32, #tpu.memory_space<hbm>>
    tpu.wait_indirect_dma semaphore(%arg14 : memref<!tpu.dma_semaphore, #tpu.memory_space<semaphore_mem>>) src(%dma_wait3A_111 : memref<10000x128xf32, #tpu.memory_space<hbm>>) dst(%arg10 : memref<128x128xf32, #tpu.memory_space<vmem>>)
    %dma_wait3A_112 = arith.constant 0 : i32
    %dma_wait3A_113 = arith.constant 0 : i32
    %dma_wait3A_114 = tpu.memref_slice %arg8[%dma_wait3A_112, %dma_wait3A_113] : memref<3x128xi32, #tpu.memory_space<vmem>> -> memref<1x128xi32, #tpu.memory_space<vmem>>
    %dma_wait3A_115 = tpu.memref_squeeze %dma_wait3A_114 : memref<1x128xi32, #tpu.memory_space<vmem>> -> memref<128xi32, #tpu.memory_space<vmem>>
    %dma_wait3A_116 = arith.constant 0 : i32
    %dma_wait3A_117 = arith.constant 0 : i32
    %dma_wait3A_118 = tpu.memref_slice %arg2[%dma_wait3A_116, %dma_wait3A_117] : memref<10000x128xf32, #tpu.memory_space<hbm>> -> memref<10000x128xf32, #tpu.memory_space<hbm>>
    tpu.wait_indirect_dma semaphore(%arg15 : memref<!tpu.dma_semaphore, #tpu.memory_space<semaphore_mem>>) src(%dma_wait3A_118 : memref<10000x128xf32, #tpu.memory_space<hbm>>) dst(%arg10 : memref<128x128xf32, #tpu.memory_space<vmem>>)
    %dma_wait3A_119 = arith.constant 0 : i32
    %dma_wait3A_120 = arith.constant 0 : i32
    %dma_wait3A_121 = tpu.memref_slice %arg8[%dma_wait3A_119, %dma_wait3A_120] : memref<3x128xi32, #tpu.memory_space<vmem>> -> memref<1x128xi32, #tpu.memory_space<vmem>>
    %dma_wait3A_122 = tpu.memref_squeeze %dma_wait3A_121 : memref<1x128xi32, #tpu.memory_space<vmem>> -> memref<128xi32, #tpu.memory_space<vmem>>
    %dma_wait3A_123 = tpu.memref_slice %arg3[%mul3A_8] : memref<320000xi32, #tpu.memory_space<hbm>> -> memref<128xi32, #tpu.memory_space<hbm>>
    %dma_wait3A_124 = arith.constant 0 : i32
    %dma_wait3A_125 = tpu.memref_slice %arg8[%dma_wait3A_119, %dma_wait3A_124] : memref<3x128xi32, #tpu.memory_space<vmem>> -> memref<1x128xi32, #tpu.memory_space<vmem>>
    %dma_wait3A_126 = tpu.memref_squeeze %dma_wait3A_125 : memref<1x128xi32, #tpu.memory_space<vmem>> -> memref<128xi32, #tpu.memory_space<vmem>>
    %dma_wait3A_127 = tpu.memref_slice %arg3[%mul3A_8] : memref<320000xi32, #tpu.memory_space<hbm>> -> memref<128xi32, #tpu.memory_space<hbm>>
    tpu.wait_dma2 semaphore(%arg22 : memref<!tpu.dma_semaphore, #tpu.memory_space<semaphore_mem>>) src(%dma_wait3A_127 : memref<128xi32, #tpu.memory_space<hbm>>) dst(%dma_wait3A_126 : memref<128xi32, #tpu.memory_space<vmem>>)
    %dma_wait3A_128 = arith.constant 0 : i32
    %dma_wait3A_129 = arith.constant 0 : i32
    %dma_wait3A_130 = tpu.memref_slice %arg8[%dma_wait3A_128, %dma_wait3A_129] : memref<3x128xi32, #tpu.memory_space<vmem>> -> memref<1x128xi32, #tpu.memory_space<vmem>>
    %dma_wait3A_131 = tpu.memref_squeeze %dma_wait3A_130 : memref<1x128xi32, #tpu.memory_space<vmem>> -> memref<128xi32, #tpu.memory_space<vmem>>
    %dma_wait3A_132 = tpu.memref_slice %arg3[%mul3A_8] : memref<320000xi32, #tpu.memory_space<hbm>> -> memref<128xi32, #tpu.memory_space<hbm>>
    %dma_wait3A_133 = arith.constant 0 : i32
    %dma_wait3A_134 = tpu.memref_slice %arg8[%dma_wait3A_128, %dma_wait3A_133] : memref<3x128xi32, #tpu.memory_space<vmem>> -> memref<1x128xi32, #tpu.memory_space<vmem>>
    %dma_wait3A_135 = tpu.memref_squeeze %dma_wait3A_134 : memref<1x128xi32, #tpu.memory_space<vmem>> -> memref<128xi32, #tpu.memory_space<vmem>>
    %dma_wait3A_136 = tpu.memref_slice %arg3[%mul3A_8] : memref<320000xi32, #tpu.memory_space<hbm>> -> memref<128xi32, #tpu.memory_space<hbm>>
    tpu.wait_dma2 semaphore(%arg23 : memref<!tpu.dma_semaphore, #tpu.memory_space<semaphore_mem>>) src(%dma_wait3A_136 : memref<128xi32, #tpu.memory_space<hbm>>) dst(%dma_wait3A_135 : memref<128xi32, #tpu.memory_space<vmem>>)
    %dma_wait3A_137 = arith.constant 0 : i32
    %dma_wait3A_138 = arith.constant 0 : i32
    %dma_wait3A_139 = tpu.memref_slice %arg8[%dma_wait3A_137, %dma_wait3A_138] : memref<3x128xi32, #tpu.memory_space<vmem>> -> memref<1x128xi32, #tpu.memory_space<vmem>>
    %dma_wait3A_140 = tpu.memref_squeeze %dma_wait3A_139 : memref<1x128xi32, #tpu.memory_space<vmem>> -> memref<128xi32, #tpu.memory_space<vmem>>
    %dma_wait3A_141 = tpu.memref_slice %arg3[%mul3A_8] : memref<320000xi32, #tpu.memory_space<hbm>> -> memref<128xi32, #tpu.memory_space<hbm>>
    %dma_wait3A_142 = arith.constant 0 : i32
    %dma_wait3A_143 = tpu.memref_slice %arg8[%dma_wait3A_137, %dma_wait3A_142] : memref<3x128xi32, #tpu.memory_space<vmem>> -> memref<1x128xi32, #tpu.memory_space<vmem>>
    %dma_wait3A_144 = tpu.memref_squeeze %dma_wait3A_143 : memref<1x128xi32, #tpu.memory_space<vmem>> -> memref<128xi32, #tpu.memory_space<vmem>>
    %dma_wait3A_145 = tpu.memref_slice %arg3[%mul3A_8] : memref<320000xi32, #tpu.memory_space<hbm>> -> memref<128xi32, #tpu.memory_space<hbm>>
    tpu.wait_dma2 semaphore(%arg24 : memref<!tpu.dma_semaphore, #tpu.memory_space<semaphore_mem>>) src(%dma_wait3A_145 : memref<128xi32, #tpu.memory_space<hbm>>) dst(%dma_wait3A_144 : memref<128xi32, #tpu.memory_space<vmem>>)
    %lt3A_146 = arith.constant 4 : i32
    %lt3A_147 = arith.cmpi slt, %add3A, %lt3A_146 : i32
    %convert_element_type3A_148 = arith.extui %lt3A_147 : i1 to i32
    %cond3A_149 = arith.constant 0 : i32
    %cond3A_150 = arith.cmpi ne, %convert_element_type3A_148, %cond3A_149 : i32
    scf.if %cond3A_150 {
      %add3A_162 = arith.constant 2496 : i32
      %add3A_163 = arith.addi %add3A_162, %add3A : i32
      %mul3A_164 = arith.constant 128 : i32
      %mul3A_165 = arith.muli %add3A_163, %mul3A_164 : i32
      "tpu.region"() ({
        %run_scoped3A_173 = tpu.sem_alloc : memref<!tpu.dma_semaphore, #tpu.memory_space<semaphore_mem>>
        %dma_start3A_174 = tpu.memref_slice %arg3[%mul3A_165] : memref<320000xi32, #tpu.memory_space<hbm>> -> memref<128xi32, #tpu.memory_space<hbm>>
        %dma_start3A_175 = tpu.memref_slice %arg3[%mul3A_165] : memref<320000xi32, #tpu.memory_space<hbm>> -> memref<128xi32, #tpu.memory_space<hbm>>
        tpu.enqueue_dma source(%dma_start3A_175 : memref<128xi32, #tpu.memory_space<hbm>>) target(%arg13 : memref<128xi32, #tpu.memory_space<vmem>>) target_semaphore(%run_scoped3A_173 : memref<!tpu.dma_semaphore, #tpu.memory_space<semaphore_mem>>)
        %dma_wait3A_176 = tpu.memref_slice %arg3[%mul3A_165] : memref<320000xi32, #tpu.memory_space<hbm>> -> memref<128xi32, #tpu.memory_space<hbm>>
        %dma_wait3A_177 = tpu.memref_slice %arg3[%mul3A_165] : memref<320000xi32, #tpu.memory_space<hbm>> -> memref<128xi32, #tpu.memory_space<hbm>>
        tpu.wait_dma2 semaphore(%run_scoped3A_173 : memref<!tpu.dma_semaphore, #tpu.memory_space<semaphore_mem>>) src(%dma_wait3A_177 : memref<128xi32, #tpu.memory_space<hbm>>) dst(%arg13 : memref<128xi32, #tpu.memory_space<vmem>>)
        tpu.yield
      }) : () -> ()
      %run_scoped3A = arith.constant 0 : i32
      "tpu.region"() ({
        %run_scoped3A_173 = tpu.sem_alloc : memref<!tpu.dma_semaphore, #tpu.memory_space<semaphore_mem>>
        %dma_start3A_174 = arith.constant 0 : i32
        %dma_start3A_175 = tpu.memref_slice %arg9[%run_scoped3A, %dma_start3A_174] : memref<3x128xi32, #tpu.memory_space<vmem>> -> memref<1x128xi32, #tpu.memory_space<vmem>>
        %dma_start3A_176 = tpu.memref_squeeze %dma_start3A_175 : memref<1x128xi32, #tpu.memory_space<vmem>> -> memref<128xi32, #tpu.memory_space<vmem>>
        %dma_start3A_177 = tpu.memref_slice %arg4[%mul3A_165] : memref<320000xi32, #tpu.memory_space<hbm>> -> memref<128xi32, #tpu.memory_space<hbm>>
        %dma_start3A_178 = arith.constant 0 : i32
        %dma_start3A_179 = tpu.memref_slice %arg9[%run_scoped3A, %dma_start3A_178] : memref<3x128xi32, #tpu.memory_space<vmem>> -> memref<1x128xi32, #tpu.memory_space<vmem>>
        %dma_start3A_180 = tpu.memref_squeeze %dma_start3A_179 : memref<1x128xi32, #tpu.memory_space<vmem>> -> memref<128xi32, #tpu.memory_space<vmem>>
        %dma_start3A_181 = tpu.memref_slice %arg4[%mul3A_165] : memref<320000xi32, #tpu.memory_space<hbm>> -> memref<128xi32, #tpu.memory_space<hbm>>
        tpu.enqueue_dma source(%dma_start3A_181 : memref<128xi32, #tpu.memory_space<hbm>>) target(%dma_start3A_180 : memref<128xi32, #tpu.memory_space<vmem>>) target_semaphore(%run_scoped3A_173 : memref<!tpu.dma_semaphore, #tpu.memory_space<semaphore_mem>>)
        %dma_wait3A_182 = arith.constant 0 : i32
        %dma_wait3A_183 = tpu.memref_slice %arg9[%run_scoped3A, %dma_wait3A_182] : memref<3x128xi32, #tpu.memory_space<vmem>> -> memref<1x128xi32, #tpu.memory_space<vmem>>
        %dma_wait3A_184 = tpu.memref_squeeze %dma_wait3A_183 : memref<1x128xi32, #tpu.memory_space<vmem>> -> memref<128xi32, #tpu.memory_space<vmem>>
        %dma_wait3A_185 = tpu.memref_slice %arg4[%mul3A_165] : memref<320000xi32, #tpu.memory_space<hbm>> -> memref<128xi32, #tpu.memory_space<hbm>>
        %dma_wait3A_186 = arith.constant 0 : i32
        %dma_wait3A_187 = tpu.memref_slice %arg9[%run_scoped3A, %dma_wait3A_186] : memref<3x128xi32, #tpu.memory_space<vmem>> -> memref<1x128xi32, #tpu.memory_space<vmem>>
        %dma_wait3A_188 = tpu.memref_squeeze %dma_wait3A_187 : memref<1x128xi32, #tpu.memory_space<vmem>> -> memref<128xi32, #tpu.memory_space<vmem>>
        %dma_wait3A_189 = tpu.memref_slice %arg4[%mul3A_165] : memref<320000xi32, #tpu.memory_space<hbm>> -> memref<128xi32, #tpu.memory_space<hbm>>
        tpu.wait_dma2 semaphore(%run_scoped3A_173 : memref<!tpu.dma_semaphore, #tpu.memory_space<semaphore_mem>>) src(%dma_wait3A_189 : memref<128xi32, #tpu.memory_space<hbm>>) dst(%dma_wait3A_188 : memref<128xi32, #tpu.memory_space<vmem>>)
        tpu.yield
      }) : () -> ()
      %dma_start3A_166 = arith.constant 0 : i32
      %dma_start3A_167 = arith.constant 0 : i32
      %dma_start3A_168 = tpu.memref_slice %arg2[%dma_start3A_166, %dma_start3A_167] : memref<10000x128xf32, #tpu.memory_space<hbm>> -> memref<10000x128xf32, #tpu.memory_space<hbm>>
      tpu.enqueue_indirect_dma source(%dma_start3A_168 : memref<10000x128xf32, #tpu.memory_space<hbm>>) target(%arg10 : memref<128x128xf32, #tpu.memory_space<vmem>>) offsets(%arg13 : memref<128xi32, #tpu.memory_space<vmem>>) semaphore(%arg14 : memref<!tpu.dma_semaphore, #tpu.memory_space<semaphore_mem>>)
      %dma_wait3A_169 = arith.constant 0 : i32
      %dma_wait3A_170 = arith.constant 0 : i32
      %dma_wait3A_171 = tpu.memref_slice %arg2[%dma_wait3A_169, %dma_wait3A_170] : memref<10000x128xf32, #tpu.memory_space<hbm>> -> memref<10000x128xf32, #tpu.memory_space<hbm>>
      tpu.wait_indirect_dma semaphore(%arg14 : memref<!tpu.dma_semaphore, #tpu.memory_space<semaphore_mem>>) src(%dma_wait3A_171 : memref<10000x128xf32, #tpu.memory_space<hbm>>) dst(%arg10 : memref<128x128xf32, #tpu.memory_space<vmem>>)
      %run_scoped3A_172 = arith.constant 0 : i32
      "tpu.region"() ({
        %run_scoped3A_173 = tpu.sem_alloc : memref<!tpu.dma_semaphore, #tpu.memory_space<semaphore_mem>>
        %dma_start3A_174 = arith.constant 0 : i32
        %dma_start3A_175 = tpu.memref_slice %arg9[%run_scoped3A_172, %dma_start3A_174] : memref<3x128xi32, #tpu.memory_space<vmem>> -> memref<1x128xi32, #tpu.memory_space<vmem>>
        %dma_start3A_176 = tpu.memref_squeeze %dma_start3A_175 : memref<1x128xi32, #tpu.memory_space<vmem>> -> memref<128xi32, #tpu.memory_space<vmem>>
        %dma_start3A_177 = arith.constant 0 : i32
        %dma_start3A_178 = arith.constant 0 : i32
        %dma_start3A_179 = tpu.memref_slice %arg7[%dma_start3A_177, %dma_start3A_178] : memref<10000x128xf32, #tpu.memory_space<vmem_shared>> -> memref<10000x128xf32, #tpu.memory_space<vmem_shared>>
        tpu.enqueue_indirect_dma source(%arg10 : memref<128x128xf32, #tpu.memory_space<vmem>>) target(%dma_start3A_179 : memref<10000x128xf32, #tpu.memory_space<vmem_shared>>) offsets(%dma_start3A_176 : memref<128xi32, #tpu.memory_space<vmem>>) semaphore(%run_scoped3A_173 : memref<!tpu.dma_semaphore, #tpu.memory_space<semaphore_mem>>) {add = true}
        %dma_wait3A_180 = arith.constant 0 : i32
        %dma_wait3A_181 = tpu.memref_slice %arg9[%run_scoped3A_172, %dma_wait3A_180] : memref<3x128xi32, #tpu.memory_space<vmem>> -> memref<1x128xi32, #tpu.memory_space<vmem>>
        %dma_wait3A_182 = tpu.memref_squeeze %dma_wait3A_181 : memref<1x128xi32, #tpu.memory_space<vmem>> -> memref<128xi32, #tpu.memory_space<vmem>>
        %dma_wait3A_183 = arith.constant 0 : i32
        %dma_wait3A_184 = arith.constant 0 : i32
        %dma_wait3A_185 = tpu.memref_slice %arg7[%dma_wait3A_183, %dma_wait3A_184] : memref<10000x128xf32, #tpu.memory_space<vmem_shared>> -> memref<10000x128xf32, #tpu.memory_space<vmem_shared>>
        tpu.wait_indirect_dma semaphore(%run_scoped3A_173 : memref<!tpu.dma_semaphore, #tpu.memory_space<semaphore_mem>>) src(%arg10 : memref<128x128xf32, #tpu.memory_space<vmem>>) dst(%dma_wait3A_185 : memref<10000x128xf32, #tpu.memory_space<vmem_shared>>)
        tpu.yield
      }) : () -> ()
    } else {
    }
    %barrier3A_151 = arith.constant 0 : index
    tpu.barrier barrier_id(%barrier3A_151)
    %lt3A_152 = arith.constant 15 : i32
    %lt3A_153 = arith.cmpi slt, %arg1, %lt3A_152 : i32
    %convert_element_type3A_154 = arith.extui %lt3A_153 : i1 to i32
    %cond3A_155 = arith.constant 0 : i32
    %cond3A_156 = arith.cmpi ne, %convert_element_type3A_154, %cond3A_155 : i32
    scf.if %cond3A_156 {
      %mul3A_162 = arith.constant 624 : i32
      %mul3A_163 = arith.muli %arg1, %mul3A_162 : i32
      %mul3A_164 = arith.constant 624 : i32
      %mul3A_165 = arith.muli %arg1, %mul3A_164 : i32
      "tpu.region"() ({
        %run_scoped3A = tpu.sem_alloc : memref<!tpu.dma_semaphore, #tpu.memory_space<semaphore_mem>>
        %dma_start3A_166 = arith.constant 0 : i32
        %dma_start3A_167 = tpu.memref_slice %arg6[%arg0, %mul3A_165, %dma_start3A_166] : memref<2x10000x128xf32, #tpu.memory_space<hbm>> -> memref<1x624x128xf32, #tpu.memory_space<hbm>>
        %dma_start3A_168 = tpu.memref_squeeze %dma_start3A_167 : memref<1x624x128xf32, #tpu.memory_space<hbm>> -> memref<624x128xf32, #tpu.memory_space<hbm>>
        %dma_start3A_169 = arith.constant 0 : i32
        %dma_start3A_170 = tpu.memref_slice %arg7[%mul3A_163, %dma_start3A_169] : memref<10000x128xf32, #tpu.memory_space<vmem_shared>> -> memref<624x128xf32, #tpu.memory_space<vmem_shared>>
        tpu.enqueue_dma source(%dma_start3A_170 : memref<624x128xf32, #tpu.memory_space<vmem_shared>>) target(%dma_start3A_168 : memref<624x128xf32, #tpu.memory_space<hbm>>) target_semaphore(%run_scoped3A : memref<!tpu.dma_semaphore, #tpu.memory_space<semaphore_mem>>)
        %dma_wait3A_171 = arith.constant 0 : i32
        %dma_wait3A_172 = tpu.memref_slice %arg6[%arg0, %mul3A_165, %dma_wait3A_171] : memref<2x10000x128xf32, #tpu.memory_space<hbm>> -> memref<1x624x128xf32, #tpu.memory_space<hbm>>
        %dma_wait3A_173 = tpu.memref_squeeze %dma_wait3A_172 : memref<1x624x128xf32, #tpu.memory_space<hbm>> -> memref<624x128xf32, #tpu.memory_space<hbm>>
        %dma_wait3A_174 = arith.constant 0 : i32
        %dma_wait3A_175 = tpu.memref_slice %arg7[%mul3A_163, %dma_wait3A_174] : memref<10000x128xf32, #tpu.memory_space<vmem_shared>> -> memref<624x128xf32, #tpu.memory_space<vmem_shared>>
        tpu.wait_dma2 semaphore(%run_scoped3A : memref<!tpu.dma_semaphore, #tpu.memory_space<semaphore_mem>>) src(%dma_wait3A_175 : memref<624x128xf32, #tpu.memory_space<vmem_shared>>) dst(%dma_wait3A_173 : memref<624x128xf32, #tpu.memory_space<hbm>>)
        tpu.yield
      }) : () -> ()
    } else {
    }
    %eq3A_157 = arith.constant 15 : i32
    %eq3A_158 = arith.cmpi eq, %arg1, %eq3A_157 : i32
    %convert_element_type3A_159 = arith.extui %eq3A_158 : i1 to i32
    %cond3A_160 = arith.constant 0 : i32
    %cond3A_161 = arith.cmpi ne, %convert_element_type3A_159, %cond3A_160 : i32
    scf.if %cond3A_161 {
      "tpu.region"() ({
        %run_scoped3A = tpu.sem_alloc : memref<!tpu.dma_semaphore, #tpu.memory_space<semaphore_mem>>
        %dma_start3A_162 = arith.constant 9360 : i32
        %dma_start3A_163 = arith.constant 0 : i32
        %dma_start3A_164 = tpu.memref_slice %arg6[%arg0, %dma_start3A_162, %dma_start3A_163] : memref<2x10000x128xf32, #tpu.memory_space<hbm>> -> memref<1x640x128xf32, #tpu.memory_space<hbm>>
        %dma_start3A_165 = tpu.memref_squeeze %dma_start3A_164 : memref<1x640x128xf32, #tpu.memory_space<hbm>> -> memref<640x128xf32, #tpu.memory_space<hbm>>
        %dma_start3A_166 = arith.constant 9360 : i32
        %dma_start3A_167 = arith.constant 0 : i32
        %dma_start3A_168 = tpu.memref_slice %arg7[%dma_start3A_166, %dma_start3A_167] : memref<10000x128xf32, #tpu.memory_space<vmem_shared>> -> memref<640x128xf32, #tpu.memory_space<vmem_shared>>
        tpu.enqueue_dma source(%dma_start3A_168 : memref<640x128xf32, #tpu.memory_space<vmem_shared>>) target(%dma_start3A_165 : memref<640x128xf32, #tpu.memory_space<hbm>>) target_semaphore(%run_scoped3A : memref<!tpu.dma_semaphore, #tpu.memory_space<semaphore_mem>>)
        %dma_wait3A_169 = arith.constant 9360 : i32
        %dma_wait3A_170 = arith.constant 0 : i32
        %dma_wait3A_171 = tpu.memref_slice %arg6[%arg0, %dma_wait3A_169, %dma_wait3A_170] : memref<2x10000x128xf32, #tpu.memory_space<hbm>> -> memref<1x640x128xf32, #tpu.memory_space<hbm>>
        %dma_wait3A_172 = tpu.memref_squeeze %dma_wait3A_171 : memref<1x640x128xf32, #tpu.memory_space<hbm>> -> memref<640x128xf32, #tpu.memory_space<hbm>>
        %dma_wait3A_173 = arith.constant 9360 : i32
        %dma_wait3A_174 = arith.constant 0 : i32
        %dma_wait3A_175 = tpu.memref_slice %arg7[%dma_wait3A_173, %dma_wait3A_174] : memref<10000x128xf32, #tpu.memory_space<vmem_shared>> -> memref<640x128xf32, #tpu.memory_space<vmem_shared>>
        tpu.wait_dma2 semaphore(%run_scoped3A : memref<!tpu.dma_semaphore, #tpu.memory_space<semaphore_mem>>) src(%dma_wait3A_175 : memref<640x128xf32, #tpu.memory_space<vmem_shared>>) dst(%dma_wait3A_172 : memref<640x128xf32, #tpu.memory_space<hbm>>)
        tpu.yield
      }) : () -> ()
    } else {
    }
    return
  }
}

#map = affine_map<(d0, d1) -> (0)>
#map1 = affine_map<(d0, d1) -> (0, 0)>
module attributes {stable_mosaic.version = 14 : i64} {
  func.func @_deg_kernel(%arg0: i32, %arg1: i32, %arg2: memref<320000xi32, #tpu.memory_space<hbm>>, %arg3: memref<2x10240xf32, #tpu.memory_space<hbm>>, %arg4: memref<10240xf32, #tpu.memory_space<vmem_shared>>, %arg5: memref<3x128xi32, #tpu.memory_space<vmem>>, %arg6: memref<16xi32, #tpu.memory_space<vmem>>, %arg7: memref<128xf32, #tpu.memory_space<vmem>>, %arg8: memref<640xf32, #tpu.memory_space<vmem>>, %arg9: memref<!tpu.dma_semaphore, #tpu.memory_space<semaphore_mem>>, %arg10: memref<!tpu.dma_semaphore, #tpu.memory_space<semaphore_mem>>, %arg11: memref<!tpu.dma_semaphore, #tpu.memory_space<semaphore_mem>>, %arg12: memref<!tpu.dma_semaphore, #tpu.memory_space<semaphore_mem>>, %arg13: memref<!tpu.dma_semaphore, #tpu.memory_space<semaphore_mem>>, %arg14: memref<!tpu.dma_semaphore, #tpu.memory_space<semaphore_mem>>) attributes {dimension_semantics = [#tpu.dimension_semantics<core_parallel>, #tpu.dimension_semantics<subcore_parallel>], iteration_bounds = array<i64: 2, 16>, scalar_prefetch = 0 : i64, scratch_operands = 11 : i64, tpu.core_type = #tpu.core_type<sc_vector_subcore>, window_params = [{transform_indices = #map}, {transform_indices = #map1}]} {
    %mul3A = arith.constant 16 : i32
    %mul3A_0 = arith.muli %arg0, %mul3A : i32
    %add3A = arith.addi %mul3A_0, %arg1 : i32
    %scan3A = arith.constant 0 : i32
    %scan3A_1 = arith.constant 40 : i32
    %scan3A_2 = arith.addi %scan3A, %scan3A_1 : i32
    %scan3A_3 = arith.constant 1 : i32
    scf.for %scan3A_70 = %scan3A to %scan3A_2 step %scan3A_3  : i32 {
      %broadcast_in_dim3A = arith.constant 0.000000e+00 : f32
      %broadcast_in_dim3A_71 = vector.broadcast %broadcast_in_dim3A : f32 to vector<16xf32>
      %mul3A_72 = arith.constant 16 : i32
      %mul3A_73 = arith.muli %scan3A_70, %mul3A_72 : i32
      %swap3A = arith.index_cast %mul3A_73 : i32 to index
      %swap3A_74 = tpu.vector_load %arg8[%swap3A] {strides = array<i32>} : memref<640xf32, #tpu.memory_space<vmem>>, vector<16xf32>,
      %swap3A_75 = vector.shape_cast %swap3A_74 : vector<16xf32> to vector<16xf32>
      %swap3A_76 = vector.shape_cast %broadcast_in_dim3A_71 : vector<16xf32> to vector<16xf32>
      tpu.vector_store %arg8[%swap3A], %swap3A_76 {strides = array<i32>} : memref<640xf32, #tpu.memory_space<vmem>>, vector<16xf32>,
    }
    %scan3A_4 = arith.constant 40 : i32
    %mul3A_5 = arith.constant 640 : i32
    %mul3A_6 = arith.muli %arg1, %mul3A_5 : i32
    "tpu.region"() ({
      %run_scoped3A = tpu.sem_alloc : memref<!tpu.dma_semaphore, #tpu.memory_space<semaphore_mem>>
      %dma_start3A_70 = tpu.memref_slice %arg4[%mul3A_6] : memref<10240xf32, #tpu.memory_space<vmem_shared>> -> memref<640xf32, #tpu.memory_space<vmem_shared>>
      %dma_start3A_71 = tpu.memref_slice %arg4[%mul3A_6] : memref<10240xf32, #tpu.memory_space<vmem_shared>> -> memref<640xf32, #tpu.memory_space<vmem_shared>>
      tpu.enqueue_dma source(%arg8 : memref<640xf32, #tpu.memory_space<vmem>>) target(%dma_start3A_71 : memref<640xf32, #tpu.memory_space<vmem_shared>>) target_semaphore(%run_scoped3A : memref<!tpu.dma_semaphore, #tpu.memory_space<semaphore_mem>>)
      %dma_wait3A_72 = tpu.memref_slice %arg4[%mul3A_6] : memref<10240xf32, #tpu.memory_space<vmem_shared>> -> memref<640xf32, #tpu.memory_space<vmem_shared>>
      %dma_wait3A_73 = tpu.memref_slice %arg4[%mul3A_6] : memref<10240xf32, #tpu.memory_space<vmem_shared>> -> memref<640xf32, #tpu.memory_space<vmem_shared>>
      tpu.wait_dma2 semaphore(%run_scoped3A : memref<!tpu.dma_semaphore, #tpu.memory_space<semaphore_mem>>) src(%arg8 : memref<640xf32, #tpu.memory_space<vmem>>) dst(%dma_wait3A_73 : memref<640xf32, #tpu.memory_space<vmem_shared>>)
      tpu.yield
    }) : () -> ()
    %scan3A_7 = arith.constant 0 : i32
    %scan3A_8 = arith.constant 8 : i32
    %scan3A_9 = arith.addi %scan3A_7, %scan3A_8 : i32
    %scan3A_10 = arith.constant 1 : i32
    scf.for %scan3A_70 = %scan3A_7 to %scan3A_9 step %scan3A_10  : i32 {
      %broadcast_in_dim3A = arith.constant 1.000000e+00 : f32
      %broadcast_in_dim3A_71 = vector.broadcast %broadcast_in_dim3A : f32 to vector<16xf32>
      %mul3A_72 = arith.constant 16 : i32
      %mul3A_73 = arith.muli %scan3A_70, %mul3A_72 : i32
      %swap3A = arith.index_cast %mul3A_73 : i32 to index
      %swap3A_74 = tpu.vector_load %arg7[%swap3A] {strides = array<i32>} : memref<128xf32, #tpu.memory_space<vmem>>, vector<16xf32>,
      %swap3A_75 = vector.shape_cast %swap3A_74 : vector<16xf32> to vector<16xf32>
      %swap3A_76 = vector.shape_cast %broadcast_in_dim3A_71 : vector<16xf32> to vector<16xf32>
      tpu.vector_store %arg7[%swap3A], %swap3A_76 {strides = array<i32>} : memref<128xf32, #tpu.memory_space<vmem>>, vector<16xf32>,
    }
    %scan3A_11 = arith.constant 8 : i32
    %barrier3A = arith.constant 0 : index
    tpu.barrier barrier_id(%barrier3A)
    %mul3A_12 = arith.constant 10000 : i32
    %mul3A_13 = arith.muli %add3A, %mul3A_12 : i32
    %add3A_14 = arith.constant 0 : i32
    %add3A_15 = arith.addi %mul3A_13, %add3A_14 : i32
    %dma_start3A = arith.constant 0 : i32
    %dma_start3A_16 = arith.constant 0 : i32
    %dma_start3A_17 = tpu.memref_slice %arg5[%dma_start3A, %dma_start3A_16] : memref<3x128xi32, #tpu.memory_space<vmem>> -> memref<1x128xi32, #tpu.memory_space<vmem>>
    %dma_start3A_18 = tpu.memref_squeeze %dma_start3A_17 : memref<1x128xi32, #tpu.memory_space<vmem>> -> memref<128xi32, #tpu.memory_space<vmem>>
    %dma_start3A_19 = tpu.memref_slice %arg2[%add3A_15] : memref<320000xi32, #tpu.memory_space<hbm>> -> memref<128xi32, #tpu.memory_space<hbm>>
    %dma_start3A_20 = arith.constant 0 : i32
    %dma_start3A_21 = tpu.memref_slice %arg5[%dma_start3A, %dma_start3A_20] : memref<3x128xi32, #tpu.memory_space<vmem>> -> memref<1x128xi32, #tpu.memory_space<vmem>>
    %dma_start3A_22 = tpu.memref_squeeze %dma_start3A_21 : memref<1x128xi32, #tpu.memory_space<vmem>> -> memref<128xi32, #tpu.memory_space<vmem>>
    %dma_start3A_23 = tpu.memref_slice %arg2[%add3A_15] : memref<320000xi32, #tpu.memory_space<hbm>> -> memref<128xi32, #tpu.memory_space<hbm>>
    tpu.enqueue_dma source(%dma_start3A_23 : memref<128xi32, #tpu.memory_space<hbm>>) target(%dma_start3A_22 : memref<128xi32, #tpu.memory_space<vmem>>) target_semaphore(%arg12 : memref<!tpu.dma_semaphore, #tpu.memory_space<semaphore_mem>>)
    %add3A_24 = arith.constant 128 : i32
    %add3A_25 = arith.addi %mul3A_13, %add3A_24 : i32
    %dma_start3A_26 = arith.constant 1 : i32
    %dma_start3A_27 = arith.constant 0 : i32
    %dma_start3A_28 = tpu.memref_slice %arg5[%dma_start3A_26, %dma_start3A_27] : memref<3x128xi32, #tpu.memory_space<vmem>> -> memref<1x128xi32, #tpu.memory_space<vmem>>
    %dma_start3A_29 = tpu.memref_squeeze %dma_start3A_28 : memref<1x128xi32, #tpu.memory_space<vmem>> -> memref<128xi32, #tpu.memory_space<vmem>>
    %dma_start3A_30 = tpu.memref_slice %arg2[%add3A_25] : memref<320000xi32, #tpu.memory_space<hbm>> -> memref<128xi32, #tpu.memory_space<hbm>>
    %dma_start3A_31 = arith.constant 0 : i32
    %dma_start3A_32 = tpu.memref_slice %arg5[%dma_start3A_26, %dma_start3A_31] : memref<3x128xi32, #tpu.memory_space<vmem>> -> memref<1x128xi32, #tpu.memory_space<vmem>>
    %dma_start3A_33 = tpu.memref_squeeze %dma_start3A_32 : memref<1x128xi32, #tpu.memory_space<vmem>> -> memref<128xi32, #tpu.memory_space<vmem>>
    %dma_start3A_34 = tpu.memref_slice %arg2[%add3A_25] : memref<320000xi32, #tpu.memory_space<hbm>> -> memref<128xi32, #tpu.memory_space<hbm>>
    tpu.enqueue_dma source(%dma_start3A_34 : memref<128xi32, #tpu.memory_space<hbm>>) target(%dma_start3A_33 : memref<128xi32, #tpu.memory_space<vmem>>) target_semaphore(%arg13 : memref<!tpu.dma_semaphore, #tpu.memory_space<semaphore_mem>>)
    %scan3A_35 = arith.constant 0 : i32
    %scan3A_36 = arith.constant 26 : i32
    %scan3A_37 = arith.addi %scan3A_35, %scan3A_36 : i32
    %scan3A_38 = arith.constant 1 : i32
    scf.for %scan3A_70 = %scan3A_35 to %scan3A_37 step %scan3A_38  : i32 {
      %mul3A_71 = arith.constant 3 : i32
      %mul3A_72 = arith.muli %mul3A_71, %scan3A_70 : i32
      %eq3A = arith.constant 0 : i32
      %eq3A_73 = arith.cmpi eq, %scan3A_70, %eq3A : i32
      %convert_element_type3A = arith.extui %eq3A_73 : i1 to i32
      %cond3A = arith.constant 0 : i32
      %cond3A_74 = arith.cmpi ne, %convert_element_type3A, %cond3A : i32
      scf.if %cond3A_74 {
        %dma_wait3A_153 = arith.constant 0 : i32
        %dma_wait3A_154 = arith.constant 0 : i32
        %dma_wait3A_155 = tpu.memref_slice %arg5[%dma_wait3A_153, %dma_wait3A_154] : memref<3x128xi32, #tpu.memory_space<vmem>> -> memref<1x128xi32, #tpu.memory_space<vmem>>
        %dma_wait3A_156 = tpu.memref_squeeze %dma_wait3A_155 : memref<1x128xi32, #tpu.memory_space<vmem>> -> memref<128xi32, #tpu.memory_space<vmem>>
        %dma_wait3A_157 = tpu.memref_slice %arg2[%mul3A_13] : memref<320000xi32, #tpu.memory_space<hbm>> -> memref<128xi32, #tpu.memory_space<hbm>>
        %dma_wait3A_158 = arith.constant 0 : i32
        %dma_wait3A_159 = tpu.memref_slice %arg5[%dma_wait3A_153, %dma_wait3A_158] : memref<3x128xi32, #tpu.memory_space<vmem>> -> memref<1x128xi32, #tpu.memory_space<vmem>>
        %dma_wait3A_160 = tpu.memref_squeeze %dma_wait3A_159 : memref<1x128xi32, #tpu.memory_space<vmem>> -> memref<128xi32, #tpu.memory_space<vmem>>
        %dma_wait3A_161 = tpu.memref_slice %arg2[%mul3A_13] : memref<320000xi32, #tpu.memory_space<hbm>> -> memref<128xi32, #tpu.memory_space<hbm>>
        tpu.wait_dma2 semaphore(%arg12 : memref<!tpu.dma_semaphore, #tpu.memory_space<semaphore_mem>>) src(%dma_wait3A_161 : memref<128xi32, #tpu.memory_space<hbm>>) dst(%dma_wait3A_160 : memref<128xi32, #tpu.memory_space<vmem>>)
        %dma_start3A_162 = arith.constant 0 : i32
        %dma_start3A_163 = arith.constant 0 : i32
        %dma_start3A_164 = tpu.memref_slice %arg5[%dma_start3A_162, %dma_start3A_163] : memref<3x128xi32, #tpu.memory_space<vmem>> -> memref<1x128xi32, #tpu.memory_space<vmem>>
        %dma_start3A_165 = tpu.memref_squeeze %dma_start3A_164 : memref<1x128xi32, #tpu.memory_space<vmem>> -> memref<128xi32, #tpu.memory_space<vmem>>
        %dma_start3A_166 = arith.constant 0 : i32
        %dma_start3A_167 = tpu.memref_slice %arg4[%dma_start3A_166] : memref<10240xf32, #tpu.memory_space<vmem_shared>> -> memref<10240xf32, #tpu.memory_space<vmem_shared>>
        tpu.enqueue_indirect_dma source(%arg7 : memref<128xf32, #tpu.memory_space<vmem>>) target(%dma_start3A_167 : memref<10240xf32, #tpu.memory_space<vmem_shared>>) offsets(%dma_start3A_165 : memref<128xi32, #tpu.memory_space<vmem>>) semaphore(%arg9 : memref<!tpu.dma_semaphore, #tpu.memory_space<semaphore_mem>>) {add = true}
        %add3A_168 = arith.constant 2 : i32
        %add3A_169 = arith.addi %mul3A_72, %add3A_168 : i32
        %mul3A_170 = arith.constant 128 : i32
        %mul3A_171 = arith.muli %add3A_169, %mul3A_170 : i32
        %add3A_172 = arith.addi %mul3A_13, %mul3A_171 : i32
        %dma_start3A_173 = arith.constant 2 : i32
        %dma_start3A_174 = arith.constant 0 : i32
        %dma_start3A_175 = tpu.memref_slice %arg5[%dma_start3A_173, %dma_start3A_174] : memref<3x128xi32, #tpu.memory_space<vmem>> -> memref<1x128xi32, #tpu.memory_space<vmem>>
        %dma_start3A_176 = tpu.memref_squeeze %dma_start3A_175 : memref<1x128xi32, #tpu.memory_space<vmem>> -> memref<128xi32, #tpu.memory_space<vmem>>
        %dma_start3A_177 = tpu.memref_slice %arg2[%add3A_172] : memref<320000xi32, #tpu.memory_space<hbm>> -> memref<128xi32, #tpu.memory_space<hbm>>
        %dma_start3A_178 = arith.constant 0 : i32
        %dma_start3A_179 = tpu.memref_slice %arg5[%dma_start3A_173, %dma_start3A_178] : memref<3x128xi32, #tpu.memory_space<vmem>> -> memref<1x128xi32, #tpu.memory_space<vmem>>
        %dma_start3A_180 = tpu.memref_squeeze %dma_start3A_179 : memref<1x128xi32, #tpu.memory_space<vmem>> -> memref<128xi32, #tpu.memory_space<vmem>>
        %dma_start3A_181 = tpu.memref_slice %arg2[%add3A_172] : memref<320000xi32, #tpu.memory_space<hbm>> -> memref<128xi32, #tpu.memory_space<hbm>>
        tpu.enqueue_dma source(%dma_start3A_181 : memref<128xi32, #tpu.memory_space<hbm>>) target(%dma_start3A_180 : memref<128xi32, #tpu.memory_space<vmem>>) target_semaphore(%arg14 : memref<!tpu.dma_semaphore, #tpu.memory_space<semaphore_mem>>)
      } else {
      }
      %gt3A = arith.constant 0 : i32
      %gt3A_75 = arith.cmpi sgt, %scan3A_70, %gt3A : i32
      %convert_element_type3A_76 = arith.extui %gt3A_75 : i1 to i32
      %cond3A_77 = arith.constant 0 : i32
      %cond3A_78 = arith.cmpi ne, %convert_element_type3A_76, %cond3A_77 : i32
      scf.if %cond3A_78 {
        %dma_wait3A_153 = arith.constant 0 : i32
        %dma_wait3A_154 = arith.constant 0 : i32
        %dma_wait3A_155 = tpu.memref_slice %arg5[%dma_wait3A_153, %dma_wait3A_154] : memref<3x128xi32, #tpu.memory_space<vmem>> -> memref<1x128xi32, #tpu.memory_space<vmem>>
        %dma_wait3A_156 = tpu.memref_squeeze %dma_wait3A_155 : memref<1x128xi32, #tpu.memory_space<vmem>> -> memref<128xi32, #tpu.memory_space<vmem>>
        %dma_wait3A_157 = tpu.memref_slice %arg2[%mul3A_13] : memref<320000xi32, #tpu.memory_space<hbm>> -> memref<128xi32, #tpu.memory_space<hbm>>
        %dma_wait3A_158 = arith.constant 0 : i32
        %dma_wait3A_159 = tpu.memref_slice %arg5[%dma_wait3A_153, %dma_wait3A_158] : memref<3x128xi32, #tpu.memory_space<vmem>> -> memref<1x128xi32, #tpu.memory_space<vmem>>
        %dma_wait3A_160 = tpu.memref_squeeze %dma_wait3A_159 : memref<1x128xi32, #tpu.memory_space<vmem>> -> memref<128xi32, #tpu.memory_space<vmem>>
        %dma_wait3A_161 = tpu.memref_slice %arg2[%mul3A_13] : memref<320000xi32, #tpu.memory_space<hbm>> -> memref<128xi32, #tpu.memory_space<hbm>>
        tpu.wait_dma2 semaphore(%arg12 : memref<!tpu.dma_semaphore, #tpu.memory_space<semaphore_mem>>) src(%dma_wait3A_161 : memref<128xi32, #tpu.memory_space<hbm>>) dst(%dma_wait3A_160 : memref<128xi32, #tpu.memory_space<vmem>>)
        %dma_start3A_162 = arith.constant 0 : i32
        %dma_start3A_163 = arith.constant 0 : i32
        %dma_start3A_164 = tpu.memref_slice %arg5[%dma_start3A_162, %dma_start3A_163] : memref<3x128xi32, #tpu.memory_space<vmem>> -> memref<1x128xi32, #tpu.memory_space<vmem>>
        %dma_start3A_165 = tpu.memref_squeeze %dma_start3A_164 : memref<1x128xi32, #tpu.memory_space<vmem>> -> memref<128xi32, #tpu.memory_space<vmem>>
        %dma_start3A_166 = arith.constant 0 : i32
        %dma_start3A_167 = tpu.memref_slice %arg4[%dma_start3A_166] : memref<10240xf32, #tpu.memory_space<vmem_shared>> -> memref<10240xf32, #tpu.memory_space<vmem_shared>>
        tpu.enqueue_indirect_dma source(%arg7 : memref<128xf32, #tpu.memory_space<vmem>>) target(%dma_start3A_167 : memref<10240xf32, #tpu.memory_space<vmem_shared>>) offsets(%dma_start3A_165 : memref<128xi32, #tpu.memory_space<vmem>>) semaphore(%arg9 : memref<!tpu.dma_semaphore, #tpu.memory_space<semaphore_mem>>) {add = true}
        %dma_wait3A_168 = arith.constant 0 : i32
        %dma_wait3A_169 = arith.constant 0 : i32
        %dma_wait3A_170 = tpu.memref_slice %arg5[%dma_wait3A_168, %dma_wait3A_169] : memref<3x128xi32, #tpu.memory_space<vmem>> -> memref<1x128xi32, #tpu.memory_space<vmem>>
        %dma_wait3A_171 = tpu.memref_squeeze %dma_wait3A_170 : memref<1x128xi32, #tpu.memory_space<vmem>> -> memref<128xi32, #tpu.memory_space<vmem>>
        %dma_wait3A_172 = arith.constant 0 : i32
        %dma_wait3A_173 = tpu.memref_slice %arg4[%dma_wait3A_172] : memref<10240xf32, #tpu.memory_space<vmem_shared>> -> memref<10240xf32, #tpu.memory_space<vmem_shared>>
        tpu.wait_indirect_dma semaphore(%arg11 : memref<!tpu.dma_semaphore, #tpu.memory_space<semaphore_mem>>) src(%arg7 : memref<128xf32, #tpu.memory_space<vmem>>) dst(%dma_wait3A_173 : memref<10240xf32, #tpu.memory_space<vmem_shared>>)
        %add3A_174 = arith.constant 2 : i32
        %add3A_175 = arith.addi %mul3A_72, %add3A_174 : i32
        %mul3A_176 = arith.constant 128 : i32
        %mul3A_177 = arith.muli %add3A_175, %mul3A_176 : i32
        %add3A_178 = arith.addi %mul3A_13, %mul3A_177 : i32
        %dma_start3A_179 = arith.constant 2 : i32
        %dma_start3A_180 = arith.constant 0 : i32
        %dma_start3A_181 = tpu.memref_slice %arg5[%dma_start3A_179, %dma_start3A_180] : memref<3x128xi32, #tpu.memory_space<vmem>> -> memref<1x128xi32, #tpu.memory_space<vmem>>
        %dma_start3A_182 = tpu.memref_squeeze %dma_start3A_181 : memref<1x128xi32, #tpu.memory_space<vmem>> -> memref<128xi32, #tpu.memory_space<vmem>>
        %dma_start3A_183 = tpu.memref_slice %arg2[%add3A_178] : memref<320000xi32, #tpu.memory_space<hbm>> -> memref<128xi32, #tpu.memory_space<hbm>>
        %dma_start3A_184 = arith.constant 0 : i32
        %dma_start3A_185 = tpu.memref_slice %arg5[%dma_start3A_179, %dma_start3A_184] : memref<3x128xi32, #tpu.memory_space<vmem>> -> memref<1x128xi32, #tpu.memory_space<vmem>>
        %dma_start3A_186 = tpu.memref_squeeze %dma_start3A_185 : memref<1x128xi32, #tpu.memory_space<vmem>> -> memref<128xi32, #tpu.memory_space<vmem>>
        %dma_start3A_187 = tpu.memref_slice %arg2[%add3A_178] : memref<320000xi32, #tpu.memory_space<hbm>> -> memref<128xi32, #tpu.memory_space<hbm>>
        tpu.enqueue_dma source(%dma_start3A_187 : memref<128xi32, #tpu.memory_space<hbm>>) target(%dma_start3A_186 : memref<128xi32, #tpu.memory_space<vmem>>) target_semaphore(%arg14 : memref<!tpu.dma_semaphore, #tpu.memory_space<semaphore_mem>>)
      } else {
      }
      %add3A_79 = arith.constant 1 : i32
      %add3A_80 = arith.addi %mul3A_72, %add3A_79 : i32
      %dma_wait3A_81 = arith.constant 0 : i32
      %dma_wait3A_82 = arith.constant 0 : i32
      %dma_wait3A_83 = tpu.memref_slice %arg5[%dma_wait3A_81, %dma_wait3A_82] : memref<3x128xi32, #tpu.memory_space<vmem>> -> memref<1x128xi32, #tpu.memory_space<vmem>>
      %dma_wait3A_84 = tpu.memref_squeeze %dma_wait3A_83 : memref<1x128xi32, #tpu.memory_space<vmem>> -> memref<128xi32, #tpu.memory_space<vmem>>
      %dma_wait3A_85 = tpu.memref_slice %arg2[%mul3A_13] : memref<320000xi32, #tpu.memory_space<hbm>> -> memref<128xi32, #tpu.memory_space<hbm>>
      %dma_wait3A_86 = arith.constant 0 : i32
      %dma_wait3A_87 = tpu.memref_slice %arg5[%dma_wait3A_81, %dma_wait3A_86] : memref<3x128xi32, #tpu.memory_space<vmem>> -> memref<1x128xi32, #tpu.memory_space<vmem>>
      %dma_wait3A_88 = tpu.memref_squeeze %dma_wait3A_87 : memref<1x128xi32, #tpu.memory_space<vmem>> -> memref<128xi32, #tpu.memory_space<vmem>>
      %dma_wait3A_89 = tpu.memref_slice %arg2[%mul3A_13] : memref<320000xi32, #tpu.memory_space<hbm>> -> memref<128xi32, #tpu.memory_space<hbm>>
      tpu.wait_dma2 semaphore(%arg13 : memref<!tpu.dma_semaphore, #tpu.memory_space<semaphore_mem>>) src(%dma_wait3A_89 : memref<128xi32, #tpu.memory_space<hbm>>) dst(%dma_wait3A_88 : memref<128xi32, #tpu.memory_space<vmem>>)
      %dma_start3A_90 = arith.constant 1 : i32
      %dma_start3A_91 = arith.constant 0 : i32
      %dma_start3A_92 = tpu.memref_slice %arg5[%dma_start3A_90, %dma_start3A_91] : memref<3x128xi32, #tpu.memory_space<vmem>> -> memref<1x128xi32, #tpu.memory_space<vmem>>
      %dma_start3A_93 = tpu.memref_squeeze %dma_start3A_92 : memref<1x128xi32, #tpu.memory_space<vmem>> -> memref<128xi32, #tpu.memory_space<vmem>>
      %dma_start3A_94 = arith.constant 0 : i32
      %dma_start3A_95 = tpu.memref_slice %arg4[%dma_start3A_94] : memref<10240xf32, #tpu.memory_space<vmem_shared>> -> memref<10240xf32, #tpu.memory_space<vmem_shared>>
      tpu.enqueue_indirect_dma source(%arg7 : memref<128xf32, #tpu.memory_space<vmem>>) target(%dma_start3A_95 : memref<10240xf32, #tpu.memory_space<vmem_shared>>) offsets(%dma_start3A_93 : memref<128xi32, #tpu.memory_space<vmem>>) semaphore(%arg10 : memref<!tpu.dma_semaphore, #tpu.memory_space<semaphore_mem>>) {add = true}
      %dma_wait3A_96 = arith.constant 0 : i32
      %dma_wait3A_97 = arith.constant 0 : i32
      %dma_wait3A_98 = tpu.memref_slice %arg5[%dma_wait3A_96, %dma_wait3A_97] : memref<3x128xi32, #tpu.memory_space<vmem>> -> memref<1x128xi32, #tpu.memory_space<vmem>>
      %dma_wait3A_99 = tpu.memref_squeeze %dma_wait3A_98 : memref<1x128xi32, #tpu.memory_space<vmem>> -> memref<128xi32, #tpu.memory_space<vmem>>
      %dma_wait3A_100 = arith.constant 0 : i32
      %dma_wait3A_101 = tpu.memref_slice %arg4[%dma_wait3A_100] : memref<10240xf32, #tpu.memory_space<vmem_shared>> -> memref<10240xf32, #tpu.memory_space<vmem_shared>>
      tpu.wait_indirect_dma semaphore(%arg9 : memref<!tpu.dma_semaphore, #tpu.memory_space<semaphore_mem>>) src(%arg7 : memref<128xf32, #tpu.memory_space<vmem>>) dst(%dma_wait3A_101 : memref<10240xf32, #tpu.memory_space<vmem_shared>>)
      %add3A_102 = arith.constant 2 : i32
      %add3A_103 = arith.addi %add3A_80, %add3A_102 : i32
      %mul3A_104 = arith.constant 128 : i32
      %mul3A_105 = arith.muli %add3A_103, %mul3A_104 : i32
      %add3A_106 = arith.addi %mul3A_13, %mul3A_105 : i32
      %dma_start3A_107 = arith.constant 0 : i32
      %dma_start3A_108 = arith.constant 0 : i32
      %dma_start3A_109 = tpu.memref_slice %arg5[%dma_start3A_107, %dma_start3A_108] : memref<3x128xi32, #tpu.memory_space<vmem>> -> memref<1x128xi32, #tpu.memory_space<vmem>>
      %dma_start3A_110 = tpu.memref_squeeze %dma_start3A_109 : memref<1x128xi32, #tpu.memory_space<vmem>> -> memref<128xi32, #tpu.memory_space<vmem>>
      %dma_start3A_111 = tpu.memref_slice %arg2[%add3A_106] : memref<320000xi32, #tpu.memory_space<hbm>> -> memref<128xi32, #tpu.memory_space<hbm>>
      %dma_start3A_112 = arith.constant 0 : i32
      %dma_start3A_113 = tpu.memref_slice %arg5[%dma_start3A_107, %dma_start3A_112] : memref<3x128xi32, #tpu.memory_space<vmem>> -> memref<1x128xi32, #tpu.memory_space<vmem>>
      %dma_start3A_114 = tpu.memref_squeeze %dma_start3A_113 : memref<1x128xi32, #tpu.memory_space<vmem>> -> memref<128xi32, #tpu.memory_space<vmem>>
      %dma_start3A_115 = tpu.memref_slice %arg2[%add3A_106] : memref<320000xi32, #tpu.memory_space<hbm>> -> memref<128xi32, #tpu.memory_space<hbm>>
      tpu.enqueue_dma source(%dma_start3A_115 : memref<128xi32, #tpu.memory_space<hbm>>) target(%dma_start3A_114 : memref<128xi32, #tpu.memory_space<vmem>>) target_semaphore(%arg12 : memref<!tpu.dma_semaphore, #tpu.memory_space<semaphore_mem>>)
      %add3A_116 = arith.constant 2 : i32
      %add3A_117 = arith.addi %mul3A_72, %add3A_116 : i32
      %dma_wait3A_118 = arith.constant 0 : i32
      %dma_wait3A_119 = arith.constant 0 : i32
      %dma_wait3A_120 = tpu.memref_slice %arg5[%dma_wait3A_118, %dma_wait3A_119] : memref<3x128xi32, #tpu.memory_space<vmem>> -> memref<1x128xi32, #tpu.memory_space<vmem>>
      %dma_wait3A_121 = tpu.memref_squeeze %dma_wait3A_120 : memref<1x128xi32, #tpu.memory_space<vmem>> -> memref<128xi32, #tpu.memory_space<vmem>>
      %dma_wait3A_122 = tpu.memref_slice %arg2[%mul3A_13] : memref<320000xi32, #tpu.memory_space<hbm>> -> memref<128xi32, #tpu.memory_space<hbm>>
      %dma_wait3A_123 = arith.constant 0 : i32
      %dma_wait3A_124 = tpu.memref_slice %arg5[%dma_wait3A_118, %dma_wait3A_123] : memref<3x128xi32, #tpu.memory_space<vmem>> -> memref<1x128xi32, #tpu.memory_space<vmem>>
      %dma_wait3A_125 = tpu.memref_squeeze %dma_wait3A_124 : memref<1x128xi32, #tpu.memory_space<vmem>> -> memref<128xi32, #tpu.memory_space<vmem>>
      %dma_wait3A_126 = tpu.memref_slice %arg2[%mul3A_13] : memref<320000xi32, #tpu.memory_space<hbm>> -> memref<128xi32, #tpu.memory_space<hbm>>
      tpu.wait_dma2 semaphore(%arg14 : memref<!tpu.dma_semaphore, #tpu.memory_space<semaphore_mem>>) src(%dma_wait3A_126 : memref<128xi32, #tpu.memory_space<hbm>>) dst(%dma_wait3A_125 : memref<128xi32, #tpu.memory_space<vmem>>)
      %dma_start3A_127 = arith.constant 2 : i32
      %dma_start3A_128 = arith.constant 0 : i32
      %dma_start3A_129 = tpu.memref_slice %arg5[%dma_start3A_127, %dma_start3A_128] : memref<3x128xi32, #tpu.memory_space<vmem>> -> memref<1x128xi32, #tpu.memory_space<vmem>>
      %dma_start3A_130 = tpu.memref_squeeze %dma_start3A_129 : memref<1x128xi32, #tpu.memory_space<vmem>> -> memref<128xi32, #tpu.memory_space<vmem>>
      %dma_start3A_131 = arith.constant 0 : i32
      %dma_start3A_132 = tpu.memref_slice %arg4[%dma_start3A_131] : memref<10240xf32, #tpu.memory_space<vmem_shared>> -> memref<10240xf32, #tpu.memory_space<vmem_shared>>
      tpu.enqueue_indirect_dma source(%arg7 : memref<128xf32, #tpu.memory_space<vmem>>) target(%dma_start3A_132 : memref<10240xf32, #tpu.memory_space<vmem_shared>>) offsets(%dma_start3A_130 : memref<128xi32, #tpu.memory_space<vmem>>) semaphore(%arg11 : memref<!tpu.dma_semaphore, #tpu.memory_space<semaphore_mem>>) {add = true}
      %dma_wait3A_133 = arith.constant 0 : i32
      %dma_wait3A_134 = arith.constant 0 : i32
      %dma_wait3A_135 = tpu.memref_slice %arg5[%dma_wait3A_133, %dma_wait3A_134] : memref<3x128xi32, #tpu.memory_space<vmem>> -> memref<1x128xi32, #tpu.memory_space<vmem>>
      %dma_wait3A_136 = tpu.memref_squeeze %dma_wait3A_135 : memref<1x128xi32, #tpu.memory_space<vmem>> -> memref<128xi32, #tpu.memory_space<vmem>>
      %dma_wait3A_137 = arith.constant 0 : i32
      %dma_wait3A_138 = tpu.memref_slice %arg4[%dma_wait3A_137] : memref<10240xf32, #tpu.memory_space<vmem_shared>> -> memref<10240xf32, #tpu.memory_space<vmem_shared>>
      tpu.wait_indirect_dma semaphore(%arg10 : memref<!tpu.dma_semaphore, #tpu.memory_space<semaphore_mem>>) src(%arg7 : memref<128xf32, #tpu.memory_space<vmem>>) dst(%dma_wait3A_138 : memref<10240xf32, #tpu.memory_space<vmem_shared>>)
      %add3A_139 = arith.constant 2 : i32
      %add3A_140 = arith.addi %add3A_117, %add3A_139 : i32
      %mul3A_141 = arith.constant 128 : i32
      %mul3A_142 = arith.muli %add3A_140, %mul3A_141 : i32
      %add3A_143 = arith.addi %mul3A_13, %mul3A_142 : i32
      %dma_start3A_144 = arith.constant 1 : i32
      %dma_start3A_145 = arith.constant 0 : i32
      %dma_start3A_146 = tpu.memref_slice %arg5[%dma_start3A_144, %dma_start3A_145] : memref<3x128xi32, #tpu.memory_space<vmem>> -> memref<1x128xi32, #tpu.memory_space<vmem>>
      %dma_start3A_147 = tpu.memref_squeeze %dma_start3A_146 : memref<1x128xi32, #tpu.memory_space<vmem>> -> memref<128xi32, #tpu.memory_space<vmem>>
      %dma_start3A_148 = tpu.memref_slice %arg2[%add3A_143] : memref<320000xi32, #tpu.memory_space<hbm>> -> memref<128xi32, #tpu.memory_space<hbm>>
      %dma_start3A_149 = arith.constant 0 : i32
      %dma_start3A_150 = tpu.memref_slice %arg5[%dma_start3A_144, %dma_start3A_149] : memref<3x128xi32, #tpu.memory_space<vmem>> -> memref<1x128xi32, #tpu.memory_space<vmem>>
      %dma_start3A_151 = tpu.memref_squeeze %dma_start3A_150 : memref<1x128xi32, #tpu.memory_space<vmem>> -> memref<128xi32, #tpu.memory_space<vmem>>
      %dma_start3A_152 = tpu.memref_slice %arg2[%add3A_143] : memref<320000xi32, #tpu.memory_space<hbm>> -> memref<128xi32, #tpu.memory_space<hbm>>
      tpu.enqueue_dma source(%dma_start3A_152 : memref<128xi32, #tpu.memory_space<hbm>>) target(%dma_start3A_151 : memref<128xi32, #tpu.memory_space<vmem>>) target_semaphore(%arg13 : memref<!tpu.dma_semaphore, #tpu.memory_space<semaphore_mem>>)
    }
    %scan3A_39 = arith.constant 26 : i32
    %dma_wait3A = arith.constant 0 : i32
    %dma_wait3A_40 = arith.constant 0 : i32
    %dma_wait3A_41 = tpu.memref_slice %arg5[%dma_wait3A, %dma_wait3A_40] : memref<3x128xi32, #tpu.memory_space<vmem>> -> memref<1x128xi32, #tpu.memory_space<vmem>>
    %dma_wait3A_42 = tpu.memref_squeeze %dma_wait3A_41 : memref<1x128xi32, #tpu.memory_space<vmem>> -> memref<128xi32, #tpu.memory_space<vmem>>
    %dma_wait3A_43 = arith.constant 0 : i32
    %dma_wait3A_44 = tpu.memref_slice %arg4[%dma_wait3A_43] : memref<10240xf32, #tpu.memory_space<vmem_shared>> -> memref<10240xf32, #tpu.memory_space<vmem_shared>>
    tpu.wait_indirect_dma semaphore(%arg11 : memref<!tpu.dma_semaphore, #tpu.memory_space<semaphore_mem>>) src(%arg7 : memref<128xf32, #tpu.memory_space<vmem>>) dst(%dma_wait3A_44 : memref<10240xf32, #tpu.memory_space<vmem_shared>>)
    %dma_wait3A_45 = arith.constant 0 : i32
    %dma_wait3A_46 = arith.constant 0 : i32
    %dma_wait3A_47 = tpu.memref_slice %arg5[%dma_wait3A_45, %dma_wait3A_46] : memref<3x128xi32, #tpu.memory_space<vmem>> -> memref<1x128xi32, #tpu.memory_space<vmem>>
    %dma_wait3A_48 = tpu.memref_squeeze %dma_wait3A_47 : memref<1x128xi32, #tpu.memory_space<vmem>> -> memref<128xi32, #tpu.memory_space<vmem>>
    %dma_wait3A_49 = tpu.memref_slice %arg2[%mul3A_13] : memref<320000xi32, #tpu.memory_space<hbm>> -> memref<128xi32, #tpu.memory_space<hbm>>
    %dma_wait3A_50 = arith.constant 0 : i32
    %dma_wait3A_51 = tpu.memref_slice %arg5[%dma_wait3A_45, %dma_wait3A_50] : memref<3x128xi32, #tpu.memory_space<vmem>> -> memref<1x128xi32, #tpu.memory_space<vmem>>
    %dma_wait3A_52 = tpu.memref_squeeze %dma_wait3A_51 : memref<1x128xi32, #tpu.memory_space<vmem>> -> memref<128xi32, #tpu.memory_space<vmem>>
    %dma_wait3A_53 = tpu.memref_slice %arg2[%mul3A_13] : memref<320000xi32, #tpu.memory_space<hbm>> -> memref<128xi32, #tpu.memory_space<hbm>>
    tpu.wait_dma2 semaphore(%arg12 : memref<!tpu.dma_semaphore, #tpu.memory_space<semaphore_mem>>) src(%dma_wait3A_53 : memref<128xi32, #tpu.memory_space<hbm>>) dst(%dma_wait3A_52 : memref<128xi32, #tpu.memory_space<vmem>>)
    %dma_wait3A_54 = arith.constant 0 : i32
    %dma_wait3A_55 = arith.constant 0 : i32
    %dma_wait3A_56 = tpu.memref_slice %arg5[%dma_wait3A_54, %dma_wait3A_55] : memref<3x128xi32, #tpu.memory_space<vmem>> -> memref<1x128xi32, #tpu.memory_space<vmem>>
    %dma_wait3A_57 = tpu.memref_squeeze %dma_wait3A_56 : memref<1x128xi32, #tpu.memory_space<vmem>> -> memref<128xi32, #tpu.memory_space<vmem>>
    %dma_wait3A_58 = tpu.memref_slice %arg2[%mul3A_13] : memref<320000xi32, #tpu.memory_space<hbm>> -> memref<128xi32, #tpu.memory_space<hbm>>
    %dma_wait3A_59 = arith.constant 0 : i32
    %dma_wait3A_60 = tpu.memref_slice %arg5[%dma_wait3A_54, %dma_wait3A_59] : memref<3x128xi32, #tpu.memory_space<vmem>> -> memref<1x128xi32, #tpu.memory_space<vmem>>
    %dma_wait3A_61 = tpu.memref_squeeze %dma_wait3A_60 : memref<1x128xi32, #tpu.memory_space<vmem>> -> memref<128xi32, #tpu.memory_space<vmem>>
    %dma_wait3A_62 = tpu.memref_slice %arg2[%mul3A_13] : memref<320000xi32, #tpu.memory_space<hbm>> -> memref<128xi32, #tpu.memory_space<hbm>>
    tpu.wait_dma2 semaphore(%arg13 : memref<!tpu.dma_semaphore, #tpu.memory_space<semaphore_mem>>) src(%dma_wait3A_62 : memref<128xi32, #tpu.memory_space<hbm>>) dst(%dma_wait3A_61 : memref<128xi32, #tpu.memory_space<vmem>>)
    %add3A_63 = arith.constant 9984 : i32
    %add3A_64 = arith.addi %mul3A_13, %add3A_63 : i32
    "tpu.region"() ({
      %run_scoped3A = tpu.sem_alloc : memref<!tpu.dma_semaphore, #tpu.memory_space<semaphore_mem>>
      %dma_start3A_70 = tpu.memref_slice %arg2[%add3A_64] : memref<320000xi32, #tpu.memory_space<hbm>> -> memref<16xi32, #tpu.memory_space<hbm>>
      %dma_start3A_71 = tpu.memref_slice %arg2[%add3A_64] : memref<320000xi32, #tpu.memory_space<hbm>> -> memref<16xi32, #tpu.memory_space<hbm>>
      tpu.enqueue_dma source(%dma_start3A_71 : memref<16xi32, #tpu.memory_space<hbm>>) target(%arg6 : memref<16xi32, #tpu.memory_space<vmem>>) target_semaphore(%run_scoped3A : memref<!tpu.dma_semaphore, #tpu.memory_space<semaphore_mem>>)
      %dma_wait3A_72 = tpu.memref_slice %arg2[%add3A_64] : memref<320000xi32, #tpu.memory_space<hbm>> -> memref<16xi32, #tpu.memory_space<hbm>>
      %dma_wait3A_73 = tpu.memref_slice %arg2[%add3A_64] : memref<320000xi32, #tpu.memory_space<hbm>> -> memref<16xi32, #tpu.memory_space<hbm>>
      tpu.wait_dma2 semaphore(%run_scoped3A : memref<!tpu.dma_semaphore, #tpu.memory_space<semaphore_mem>>) src(%dma_wait3A_73 : memref<16xi32, #tpu.memory_space<hbm>>) dst(%arg6 : memref<16xi32, #tpu.memory_space<vmem>>)
      tpu.yield
    }) : () -> ()
    "tpu.region"() ({
      %run_scoped3A = tpu.sem_alloc : memref<!tpu.dma_semaphore, #tpu.memory_space<semaphore_mem>>
      %dma_start3A_70 = arith.constant 0 : i32
      %dma_start3A_71 = tpu.memref_slice %arg7[%dma_start3A_70] : memref<128xf32, #tpu.memory_space<vmem>> -> memref<16xf32, #tpu.memory_space<vmem>>
      %dma_start3A_72 = arith.constant 0 : i32
      %dma_start3A_73 = tpu.memref_slice %arg4[%dma_start3A_72] : memref<10240xf32, #tpu.memory_space<vmem_shared>> -> memref<10240xf32, #tpu.memory_space<vmem_shared>>
      tpu.enqueue_indirect_dma source(%dma_start3A_71 : memref<16xf32, #tpu.memory_space<vmem>>) target(%dma_start3A_73 : memref<10240xf32, #tpu.memory_space<vmem_shared>>) offsets(%arg6 : memref<16xi32, #tpu.memory_space<vmem>>) semaphore(%run_scoped3A : memref<!tpu.dma_semaphore, #tpu.memory_space<semaphore_mem>>) {add = true}
      %dma_wait3A_74 = arith.constant 0 : i32
      %dma_wait3A_75 = tpu.memref_slice %arg7[%dma_wait3A_74] : memref<128xf32, #tpu.memory_space<vmem>> -> memref<16xf32, #tpu.memory_space<vmem>>
      %dma_wait3A_76 = arith.constant 0 : i32
      %dma_wait3A_77 = tpu.memref_slice %arg4[%dma_wait3A_76] : memref<10240xf32, #tpu.memory_space<vmem_shared>> -> memref<10240xf32, #tpu.memory_space<vmem_shared>>
      tpu.wait_indirect_dma semaphore(%run_scoped3A : memref<!tpu.dma_semaphore, #tpu.memory_space<semaphore_mem>>) src(%dma_wait3A_75 : memref<16xf32, #tpu.memory_space<vmem>>) dst(%dma_wait3A_77 : memref<10240xf32, #tpu.memory_space<vmem_shared>>)
      tpu.yield
    }) : () -> ()
    %barrier3A_65 = arith.constant 0 : index
    tpu.barrier barrier_id(%barrier3A_65)
    %mul3A_66 = arith.constant 640 : i32
    %mul3A_67 = arith.muli %arg1, %mul3A_66 : i32
    "tpu.region"() ({
      %run_scoped3A = tpu.sem_alloc : memref<!tpu.dma_semaphore, #tpu.memory_space<semaphore_mem>>
      %dma_start3A_70 = tpu.memref_slice %arg4[%mul3A_67] : memref<10240xf32, #tpu.memory_space<vmem_shared>> -> memref<640xf32, #tpu.memory_space<vmem_shared>>
      %dma_start3A_71 = tpu.memref_slice %arg4[%mul3A_67] : memref<10240xf32, #tpu.memory_space<vmem_shared>> -> memref<640xf32, #tpu.memory_space<vmem_shared>>
      tpu.enqueue_dma source(%dma_start3A_71 : memref<640xf32, #tpu.memory_space<vmem_shared>>) target(%arg8 : memref<640xf32, #tpu.memory_space<vmem>>) target_semaphore(%run_scoped3A : memref<!tpu.dma_semaphore, #tpu.memory_space<semaphore_mem>>)
      %dma_wait3A_72 = tpu.memref_slice %arg4[%mul3A_67] : memref<10240xf32, #tpu.memory_space<vmem_shared>> -> memref<640xf32, #tpu.memory_space<vmem_shared>>
      %dma_wait3A_73 = tpu.memref_slice %arg4[%mul3A_67] : memref<10240xf32, #tpu.memory_space<vmem_shared>> -> memref<640xf32, #tpu.memory_space<vmem_shared>>
      tpu.wait_dma2 semaphore(%run_scoped3A : memref<!tpu.dma_semaphore, #tpu.memory_space<semaphore_mem>>) src(%dma_wait3A_73 : memref<640xf32, #tpu.memory_space<vmem_shared>>) dst(%arg8 : memref<640xf32, #tpu.memory_space<vmem>>)
      tpu.yield
    }) : () -> ()
    %mul3A_68 = arith.constant 640 : i32
    %mul3A_69 = arith.muli %arg1, %mul3A_68 : i32
    "tpu.region"() ({
      %run_scoped3A = tpu.sem_alloc : memref<!tpu.dma_semaphore, #tpu.memory_space<semaphore_mem>>
      %dma_start3A_70 = tpu.memref_slice %arg3[%arg0, %mul3A_69] : memref<2x10240xf32, #tpu.memory_space<hbm>> -> memref<1x640xf32, #tpu.memory_space<hbm>>
      %dma_start3A_71 = tpu.memref_squeeze %dma_start3A_70 : memref<1x640xf32, #tpu.memory_space<hbm>> -> memref<640xf32, #tpu.memory_space<hbm>>
      %dma_start3A_72 = tpu.memref_slice %arg3[%arg0, %mul3A_69] : memref<2x10240xf32, #tpu.memory_space<hbm>> -> memref<1x640xf32, #tpu.memory_space<hbm>>
      %dma_start3A_73 = tpu.memref_squeeze %dma_start3A_72 : memref<1x640xf32, #tpu.memory_space<hbm>> -> memref<640xf32, #tpu.memory_space<hbm>>
      tpu.enqueue_dma source(%arg8 : memref<640xf32, #tpu.memory_space<vmem>>) target(%dma_start3A_73 : memref<640xf32, #tpu.memory_space<hbm>>) target_semaphore(%run_scoped3A : memref<!tpu.dma_semaphore, #tpu.memory_space<semaphore_mem>>)
      %dma_wait3A_74 = tpu.memref_slice %arg3[%arg0, %mul3A_69] : memref<2x10240xf32, #tpu.memory_space<hbm>> -> memref<1x640xf32, #tpu.memory_space<hbm>>
      %dma_wait3A_75 = tpu.memref_squeeze %dma_wait3A_74 : memref<1x640xf32, #tpu.memory_space<hbm>> -> memref<640xf32, #tpu.memory_space<hbm>>
      %dma_wait3A_76 = tpu.memref_slice %arg3[%arg0, %mul3A_69] : memref<2x10240xf32, #tpu.memory_space<hbm>> -> memref<1x640xf32, #tpu.memory_space<hbm>>
      %dma_wait3A_77 = tpu.memref_squeeze %dma_wait3A_76 : memref<1x640xf32, #tpu.memory_space<hbm>> -> memref<640xf32, #tpu.memory_space<hbm>>
      tpu.wait_dma2 semaphore(%run_scoped3A : memref<!tpu.dma_semaphore, #tpu.memory_space<semaphore_mem>>) src(%arg8 : memref<640xf32, #tpu.memory_space<vmem>>) dst(%dma_wait3A_77 : memref<640xf32, #tpu.memory_space<hbm>>)
      tpu.yield
    }) : () -> ()
    return
  }
}

#map = affine_map<(d0, d1) -> (0, 0)>
#map1 = affine_map<(d0, d1) -> (0)>
module attributes {stable_mosaic.version = 14 : i64} {
  func.func @_dec_kernel(%arg0: i32, %arg1: i32, %arg2: memref<10000x128xf32, #tpu.memory_space<hbm>>, %arg3: memref<25600xi32, #tpu.memory_space<hbm>>, %arg4: memref<25600xi32, #tpu.memory_space<hbm>>, %arg5: memref<20480x128xf32, #tpu.memory_space<hbm>>, %arg6: memref<2x80xi32, #tpu.memory_space<vmem>>, %arg7: memref<2x80xi32, #tpu.memory_space<vmem>>, %arg8: memref<80x128xf32, #tpu.memory_space<vmem>>, %arg9: memref<80x128xf32, #tpu.memory_space<vmem>>, %arg10: memref<80x128xf32, #tpu.memory_space<vmem>>, %arg11: memref<80x128xf32, #tpu.memory_space<vmem>>, %arg12: memref<80x128xf32, #tpu.memory_space<vmem>>, %arg13: memref<80x128xf32, #tpu.memory_space<vmem>>, %arg14: memref<!tpu.dma_semaphore, #tpu.memory_space<semaphore_mem>>, %arg15: memref<!tpu.dma_semaphore, #tpu.memory_space<semaphore_mem>>, %arg16: memref<!tpu.dma_semaphore, #tpu.memory_space<semaphore_mem>>, %arg17: memref<!tpu.dma_semaphore, #tpu.memory_space<semaphore_mem>>, %arg18: memref<!tpu.dma_semaphore, #tpu.memory_space<semaphore_mem>>, %arg19: memref<!tpu.dma_semaphore, #tpu.memory_space<semaphore_mem>>) attributes {dimension_semantics = [#tpu.dimension_semantics<core_parallel>, #tpu.dimension_semantics<subcore_parallel>], iteration_bounds = array<i64: 2, 16>, scalar_prefetch = 0 : i64, scratch_operands = 14 : i64, tpu.core_type = #tpu.core_type<sc_vector_subcore>, window_params = [{transform_indices = #map}, {transform_indices = #map1}, {transform_indices = #map1}, {transform_indices = #map}]} {
    %mul3A = arith.constant 16 : i32
    %mul3A_0 = arith.muli %arg0, %mul3A : i32
    %add3A = arith.addi %mul3A_0, %arg1 : i32
    %add3A_1 = arith.constant 0 : i32
    %add3A_2 = arith.addi %add3A, %add3A_1 : i32
    %mul3A_3 = arith.constant 80 : i32
    %mul3A_4 = arith.muli %add3A_2, %mul3A_3 : i32
    %dma_start3A = arith.constant 0 : i32
    %dma_start3A_5 = arith.constant 0 : i32
    %dma_start3A_6 = tpu.memref_slice %arg6[%dma_start3A, %dma_start3A_5] : memref<2x80xi32, #tpu.memory_space<vmem>> -> memref<1x80xi32, #tpu.memory_space<vmem>>
    %dma_start3A_7 = tpu.memref_squeeze %dma_start3A_6 : memref<1x80xi32, #tpu.memory_space<vmem>> -> memref<80xi32, #tpu.memory_space<vmem>>
    %dma_start3A_8 = tpu.memref_slice %arg3[%mul3A_4] : memref<25600xi32, #tpu.memory_space<hbm>> -> memref<80xi32, #tpu.memory_space<hbm>>
    %dma_start3A_9 = arith.constant 0 : i32
    %dma_start3A_10 = tpu.memref_slice %arg6[%dma_start3A, %dma_start3A_9] : memref<2x80xi32, #tpu.memory_space<vmem>> -> memref<1x80xi32, #tpu.memory_space<vmem>>
    %dma_start3A_11 = tpu.memref_squeeze %dma_start3A_10 : memref<1x80xi32, #tpu.memory_space<vmem>> -> memref<80xi32, #tpu.memory_space<vmem>>
    %dma_start3A_12 = tpu.memref_slice %arg3[%mul3A_4] : memref<25600xi32, #tpu.memory_space<hbm>> -> memref<80xi32, #tpu.memory_space<hbm>>
    tpu.enqueue_dma source(%dma_start3A_12 : memref<80xi32, #tpu.memory_space<hbm>>) target(%dma_start3A_11 : memref<80xi32, #tpu.memory_space<vmem>>) target_semaphore(%arg14 : memref<!tpu.dma_semaphore, #tpu.memory_space<semaphore_mem>>)
    %add3A_13 = arith.constant 0 : i32
    %add3A_14 = arith.addi %add3A, %add3A_13 : i32
    %mul3A_15 = arith.constant 80 : i32
    %mul3A_16 = arith.muli %add3A_14, %mul3A_15 : i32
    %dma_start3A_17 = arith.constant 0 : i32
    %dma_start3A_18 = arith.constant 0 : i32
    %dma_start3A_19 = tpu.memref_slice %arg7[%dma_start3A_17, %dma_start3A_18] : memref<2x80xi32, #tpu.memory_space<vmem>> -> memref<1x80xi32, #tpu.memory_space<vmem>>
    %dma_start3A_20 = tpu.memref_squeeze %dma_start3A_19 : memref<1x80xi32, #tpu.memory_space<vmem>> -> memref<80xi32, #tpu.memory_space<vmem>>
    %dma_start3A_21 = tpu.memref_slice %arg4[%mul3A_16] : memref<25600xi32, #tpu.memory_space<hbm>> -> memref<80xi32, #tpu.memory_space<hbm>>
    %dma_start3A_22 = arith.constant 0 : i32
    %dma_start3A_23 = tpu.memref_slice %arg7[%dma_start3A_17, %dma_start3A_22] : memref<2x80xi32, #tpu.memory_space<vmem>> -> memref<1x80xi32, #tpu.memory_space<vmem>>
    %dma_start3A_24 = tpu.memref_squeeze %dma_start3A_23 : memref<1x80xi32, #tpu.memory_space<vmem>> -> memref<80xi32, #tpu.memory_space<vmem>>
    %dma_start3A_25 = tpu.memref_slice %arg4[%mul3A_16] : memref<25600xi32, #tpu.memory_space<hbm>> -> memref<80xi32, #tpu.memory_space<hbm>>
    tpu.enqueue_dma source(%dma_start3A_25 : memref<80xi32, #tpu.memory_space<hbm>>) target(%dma_start3A_24 : memref<80xi32, #tpu.memory_space<vmem>>) target_semaphore(%arg14 : memref<!tpu.dma_semaphore, #tpu.memory_space<semaphore_mem>>)
    %add3A_26 = arith.constant 32 : i32
    %add3A_27 = arith.addi %add3A, %add3A_26 : i32
    %mul3A_28 = arith.constant 80 : i32
    %mul3A_29 = arith.muli %add3A_27, %mul3A_28 : i32
    %dma_start3A_30 = arith.constant 1 : i32
    %dma_start3A_31 = arith.constant 0 : i32
    %dma_start3A_32 = tpu.memref_slice %arg6[%dma_start3A_30, %dma_start3A_31] : memref<2x80xi32, #tpu.memory_space<vmem>> -> memref<1x80xi32, #tpu.memory_space<vmem>>
    %dma_start3A_33 = tpu.memref_squeeze %dma_start3A_32 : memref<1x80xi32, #tpu.memory_space<vmem>> -> memref<80xi32, #tpu.memory_space<vmem>>
    %dma_start3A_34 = tpu.memref_slice %arg3[%mul3A_29] : memref<25600xi32, #tpu.memory_space<hbm>> -> memref<80xi32, #tpu.memory_space<hbm>>
    %dma_start3A_35 = arith.constant 0 : i32
    %dma_start3A_36 = tpu.memref_slice %arg6[%dma_start3A_30, %dma_start3A_35] : memref<2x80xi32, #tpu.memory_space<vmem>> -> memref<1x80xi32, #tpu.memory_space<vmem>>
    %dma_start3A_37 = tpu.memref_squeeze %dma_start3A_36 : memref<1x80xi32, #tpu.memory_space<vmem>> -> memref<80xi32, #tpu.memory_space<vmem>>
    %dma_start3A_38 = tpu.memref_slice %arg3[%mul3A_29] : memref<25600xi32, #tpu.memory_space<hbm>> -> memref<80xi32, #tpu.memory_space<hbm>>
    tpu.enqueue_dma source(%dma_start3A_38 : memref<80xi32, #tpu.memory_space<hbm>>) target(%dma_start3A_37 : memref<80xi32, #tpu.memory_space<vmem>>) target_semaphore(%arg15 : memref<!tpu.dma_semaphore, #tpu.memory_space<semaphore_mem>>)
    %add3A_39 = arith.constant 32 : i32
    %add3A_40 = arith.addi %add3A, %add3A_39 : i32
    %mul3A_41 = arith.constant 80 : i32
    %mul3A_42 = arith.muli %add3A_40, %mul3A_41 : i32
    %dma_start3A_43 = arith.constant 1 : i32
    %dma_start3A_44 = arith.constant 0 : i32
    %dma_start3A_45 = tpu.memref_slice %arg7[%dma_start3A_43, %dma_start3A_44] : memref<2x80xi32, #tpu.memory_space<vmem>> -> memref<1x80xi32, #tpu.memory_space<vmem>>
    %dma_start3A_46 = tpu.memref_squeeze %dma_start3A_45 : memref<1x80xi32, #tpu.memory_space<vmem>> -> memref<80xi32, #tpu.memory_space<vmem>>
    %dma_start3A_47 = tpu.memref_slice %arg4[%mul3A_42] : memref<25600xi32, #tpu.memory_space<hbm>> -> memref<80xi32, #tpu.memory_space<hbm>>
    %dma_start3A_48 = arith.constant 0 : i32
    %dma_start3A_49 = tpu.memref_slice %arg7[%dma_start3A_43, %dma_start3A_48] : memref<2x80xi32, #tpu.memory_space<vmem>> -> memref<1x80xi32, #tpu.memory_space<vmem>>
    %dma_start3A_50 = tpu.memref_squeeze %dma_start3A_49 : memref<1x80xi32, #tpu.memory_space<vmem>> -> memref<80xi32, #tpu.memory_space<vmem>>
    %dma_start3A_51 = tpu.memref_slice %arg4[%mul3A_42] : memref<25600xi32, #tpu.memory_space<hbm>> -> memref<80xi32, #tpu.memory_space<hbm>>
    tpu.enqueue_dma source(%dma_start3A_51 : memref<80xi32, #tpu.memory_space<hbm>>) target(%dma_start3A_50 : memref<80xi32, #tpu.memory_space<vmem>>) target_semaphore(%arg15 : memref<!tpu.dma_semaphore, #tpu.memory_space<semaphore_mem>>)
    %add3A_52 = arith.constant 0 : i32
    %add3A_53 = arith.addi %add3A, %add3A_52 : i32
    %mul3A_54 = arith.constant 80 : i32
    %mul3A_55 = arith.muli %add3A_53, %mul3A_54 : i32
    %dma_wait3A = arith.constant 0 : i32
    %dma_wait3A_56 = arith.constant 0 : i32
    %dma_wait3A_57 = tpu.memref_slice %arg6[%dma_wait3A, %dma_wait3A_56] : memref<2x80xi32, #tpu.memory_space<vmem>> -> memref<1x80xi32, #tpu.memory_space<vmem>>
    %dma_wait3A_58 = tpu.memref_squeeze %dma_wait3A_57 : memref<1x80xi32, #tpu.memory_space<vmem>> -> memref<80xi32, #tpu.memory_space<vmem>>
    %dma_wait3A_59 = tpu.memref_slice %arg3[%mul3A_55] : memref<25600xi32, #tpu.memory_space<hbm>> -> memref<80xi32, #tpu.memory_space<hbm>>
    %dma_wait3A_60 = arith.constant 0 : i32
    %dma_wait3A_61 = tpu.memref_slice %arg6[%dma_wait3A, %dma_wait3A_60] : memref<2x80xi32, #tpu.memory_space<vmem>> -> memref<1x80xi32, #tpu.memory_space<vmem>>
    %dma_wait3A_62 = tpu.memref_squeeze %dma_wait3A_61 : memref<1x80xi32, #tpu.memory_space<vmem>> -> memref<80xi32, #tpu.memory_space<vmem>>
    %dma_wait3A_63 = tpu.memref_slice %arg3[%mul3A_55] : memref<25600xi32, #tpu.memory_space<hbm>> -> memref<80xi32, #tpu.memory_space<hbm>>
    tpu.wait_dma2 semaphore(%arg14 : memref<!tpu.dma_semaphore, #tpu.memory_space<semaphore_mem>>) src(%dma_wait3A_63 : memref<80xi32, #tpu.memory_space<hbm>>) dst(%dma_wait3A_62 : memref<80xi32, #tpu.memory_space<vmem>>)
    %add3A_64 = arith.constant 0 : i32
    %add3A_65 = arith.addi %add3A, %add3A_64 : i32
    %mul3A_66 = arith.constant 80 : i32
    %mul3A_67 = arith.muli %add3A_65, %mul3A_66 : i32
    %dma_wait3A_68 = arith.constant 0 : i32
    %dma_wait3A_69 = arith.constant 0 : i32
    %dma_wait3A_70 = tpu.memref_slice %arg6[%dma_wait3A_68, %dma_wait3A_69] : memref<2x80xi32, #tpu.memory_space<vmem>> -> memref<1x80xi32, #tpu.memory_space<vmem>>
    %dma_wait3A_71 = tpu.memref_squeeze %dma_wait3A_70 : memref<1x80xi32, #tpu.memory_space<vmem>> -> memref<80xi32, #tpu.memory_space<vmem>>
    %dma_wait3A_72 = tpu.memref_slice %arg3[%mul3A_67] : memref<25600xi32, #tpu.memory_space<hbm>> -> memref<80xi32, #tpu.memory_space<hbm>>
    %dma_wait3A_73 = arith.constant 0 : i32
    %dma_wait3A_74 = tpu.memref_slice %arg6[%dma_wait3A_68, %dma_wait3A_73] : memref<2x80xi32, #tpu.memory_space<vmem>> -> memref<1x80xi32, #tpu.memory_space<vmem>>
    %dma_wait3A_75 = tpu.memref_squeeze %dma_wait3A_74 : memref<1x80xi32, #tpu.memory_space<vmem>> -> memref<80xi32, #tpu.memory_space<vmem>>
    %dma_wait3A_76 = tpu.memref_slice %arg3[%mul3A_67] : memref<25600xi32, #tpu.memory_space<hbm>> -> memref<80xi32, #tpu.memory_space<hbm>>
    tpu.wait_dma2 semaphore(%arg14 : memref<!tpu.dma_semaphore, #tpu.memory_space<semaphore_mem>>) src(%dma_wait3A_76 : memref<80xi32, #tpu.memory_space<hbm>>) dst(%dma_wait3A_75 : memref<80xi32, #tpu.memory_space<vmem>>)
    %dma_start3A_77 = arith.constant 0 : i32
    %dma_start3A_78 = arith.constant 0 : i32
    %dma_start3A_79 = tpu.memref_slice %arg6[%dma_start3A_77, %dma_start3A_78] : memref<2x80xi32, #tpu.memory_space<vmem>> -> memref<1x80xi32, #tpu.memory_space<vmem>>
    %dma_start3A_80 = tpu.memref_squeeze %dma_start3A_79 : memref<1x80xi32, #tpu.memory_space<vmem>> -> memref<80xi32, #tpu.memory_space<vmem>>
    %dma_start3A_81 = arith.constant 0 : i32
    %dma_start3A_82 = arith.constant 0 : i32
    %dma_start3A_83 = tpu.memref_slice %arg2[%dma_start3A_81, %dma_start3A_82] : memref<10000x128xf32, #tpu.memory_space<hbm>> -> memref<10000x128xf32, #tpu.memory_space<hbm>>
    tpu.enqueue_indirect_dma source(%dma_start3A_83 : memref<10000x128xf32, #tpu.memory_space<hbm>>) target(%arg8 : memref<80x128xf32, #tpu.memory_space<vmem>>) offsets(%dma_start3A_80 : memref<80xi32, #tpu.memory_space<vmem>>) semaphore(%arg16 : memref<!tpu.dma_semaphore, #tpu.memory_space<semaphore_mem>>)
    %dma_start3A_84 = arith.constant 0 : i32
    %dma_start3A_85 = arith.constant 0 : i32
    %dma_start3A_86 = tpu.memref_slice %arg7[%dma_start3A_84, %dma_start3A_85] : memref<2x80xi32, #tpu.memory_space<vmem>> -> memref<1x80xi32, #tpu.memory_space<vmem>>
    %dma_start3A_87 = tpu.memref_squeeze %dma_start3A_86 : memref<1x80xi32, #tpu.memory_space<vmem>> -> memref<80xi32, #tpu.memory_space<vmem>>
    %dma_start3A_88 = arith.constant 0 : i32
    %dma_start3A_89 = arith.constant 0 : i32
    %dma_start3A_90 = tpu.memref_slice %arg2[%dma_start3A_88, %dma_start3A_89] : memref<10000x128xf32, #tpu.memory_space<hbm>> -> memref<10000x128xf32, #tpu.memory_space<hbm>>
    tpu.enqueue_indirect_dma source(%dma_start3A_90 : memref<10000x128xf32, #tpu.memory_space<hbm>>) target(%arg10 : memref<80x128xf32, #tpu.memory_space<vmem>>) offsets(%dma_start3A_87 : memref<80xi32, #tpu.memory_space<vmem>>) semaphore(%arg16 : memref<!tpu.dma_semaphore, #tpu.memory_space<semaphore_mem>>)
    %scan3A = arith.constant 0 : i32
    %scan3A_91 = arith.constant 4 : i32
    %scan3A_92 = arith.addi %scan3A, %scan3A_91 : i32
    %scan3A_93 = arith.constant 1 : i32
    scf.for %scan3A_151 = %scan3A to %scan3A_92 step %scan3A_93  : i32 {
      %mul3A_152 = arith.constant 2 : i32
      %mul3A_153 = arith.muli %mul3A_152, %scan3A_151 : i32
      %eq3A = arith.constant 0 : i32
      %eq3A_154 = arith.cmpi eq, %scan3A_151, %eq3A : i32
      %convert_element_type3A = arith.extui %eq3A_154 : i1 to i32
      %cond3A = arith.constant 0 : i32
      %cond3A_155 = arith.cmpi ne, %convert_element_type3A, %cond3A : i32
      scf.if %cond3A_155 {
        %dma_wait3A_160 = arith.constant 0 : i32
        %dma_wait3A_161 = arith.constant 0 : i32
        %dma_wait3A_162 = tpu.memref_slice %arg6[%dma_wait3A_160, %dma_wait3A_161] : memref<2x80xi32, #tpu.memory_space<vmem>> -> memref<1x80xi32, #tpu.memory_space<vmem>>
        %dma_wait3A_163 = tpu.memref_squeeze %dma_wait3A_162 : memref<1x80xi32, #tpu.memory_space<vmem>> -> memref<80xi32, #tpu.memory_space<vmem>>
        %dma_wait3A_164 = arith.constant 0 : i32
        %dma_wait3A_165 = arith.constant 0 : i32
        %dma_wait3A_166 = tpu.memref_slice %arg2[%dma_wait3A_164, %dma_wait3A_165] : memref<10000x128xf32, #tpu.memory_space<hbm>> -> memref<10000x128xf32, #tpu.memory_space<hbm>>
        tpu.wait_indirect_dma semaphore(%arg16 : memref<!tpu.dma_semaphore, #tpu.memory_space<semaphore_mem>>) src(%dma_wait3A_166 : memref<10000x128xf32, #tpu.memory_space<hbm>>) dst(%arg8 : memref<80x128xf32, #tpu.memory_space<vmem>>)
        %dma_wait3A_167 = arith.constant 0 : i32
        %dma_wait3A_168 = arith.constant 0 : i32
        %dma_wait3A_169 = tpu.memref_slice %arg6[%dma_wait3A_167, %dma_wait3A_168] : memref<2x80xi32, #tpu.memory_space<vmem>> -> memref<1x80xi32, #tpu.memory_space<vmem>>
        %dma_wait3A_170 = tpu.memref_squeeze %dma_wait3A_169 : memref<1x80xi32, #tpu.memory_space<vmem>> -> memref<80xi32, #tpu.memory_space<vmem>>
        %dma_wait3A_171 = arith.constant 0 : i32
        %dma_wait3A_172 = arith.constant 0 : i32
        %dma_wait3A_173 = tpu.memref_slice %arg2[%dma_wait3A_171, %dma_wait3A_172] : memref<10000x128xf32, #tpu.memory_space<hbm>> -> memref<10000x128xf32, #tpu.memory_space<hbm>>
        tpu.wait_indirect_dma semaphore(%arg16 : memref<!tpu.dma_semaphore, #tpu.memory_space<semaphore_mem>>) src(%dma_wait3A_173 : memref<10000x128xf32, #tpu.memory_space<hbm>>) dst(%arg8 : memref<80x128xf32, #tpu.memory_space<vmem>>)
        %add3A_174 = arith.constant 2 : i32
        %add3A_175 = arith.addi %mul3A_153, %add3A_174 : i32
        %mul3A_176 = arith.constant 32 : i32
        %mul3A_177 = arith.muli %add3A_175, %mul3A_176 : i32
        %add3A_178 = arith.addi %add3A, %mul3A_177 : i32
        %mul3A_179 = arith.constant 80 : i32
        %mul3A_180 = arith.muli %add3A_178, %mul3A_179 : i32
        %dma_start3A_181 = arith.constant 0 : i32
        %dma_start3A_182 = arith.constant 0 : i32
        %dma_start3A_183 = tpu.memref_slice %arg6[%dma_start3A_181, %dma_start3A_182] : memref<2x80xi32, #tpu.memory_space<vmem>> -> memref<1x80xi32, #tpu.memory_space<vmem>>
        %dma_start3A_184 = tpu.memref_squeeze %dma_start3A_183 : memref<1x80xi32, #tpu.memory_space<vmem>> -> memref<80xi32, #tpu.memory_space<vmem>>
        %dma_start3A_185 = tpu.memref_slice %arg3[%mul3A_180] : memref<25600xi32, #tpu.memory_space<hbm>> -> memref<80xi32, #tpu.memory_space<hbm>>
        %dma_start3A_186 = arith.constant 0 : i32
        %dma_start3A_187 = tpu.memref_slice %arg6[%dma_start3A_181, %dma_start3A_186] : memref<2x80xi32, #tpu.memory_space<vmem>> -> memref<1x80xi32, #tpu.memory_space<vmem>>
        %dma_start3A_188 = tpu.memref_squeeze %dma_start3A_187 : memref<1x80xi32, #tpu.memory_space<vmem>> -> memref<80xi32, #tpu.memory_space<vmem>>
        %dma_start3A_189 = tpu.memref_slice %arg3[%mul3A_180] : memref<25600xi32, #tpu.memory_space<hbm>> -> memref<80xi32, #tpu.memory_space<hbm>>
        tpu.enqueue_dma source(%dma_start3A_189 : memref<80xi32, #tpu.memory_space<hbm>>) target(%dma_start3A_188 : memref<80xi32, #tpu.memory_space<vmem>>) target_semaphore(%arg14 : memref<!tpu.dma_semaphore, #tpu.memory_space<semaphore_mem>>)
        %mul3A_190 = arith.constant 32 : i32
        %mul3A_191 = arith.muli %add3A_175, %mul3A_190 : i32
        %add3A_192 = arith.addi %add3A, %mul3A_191 : i32
        %mul3A_193 = arith.constant 80 : i32
        %mul3A_194 = arith.muli %add3A_192, %mul3A_193 : i32
        %dma_start3A_195 = arith.constant 0 : i32
        %dma_start3A_196 = arith.constant 0 : i32
        %dma_start3A_197 = tpu.memref_slice %arg7[%dma_start3A_195, %dma_start3A_196] : memref<2x80xi32, #tpu.memory_space<vmem>> -> memref<1x80xi32, #tpu.memory_space<vmem>>
        %dma_start3A_198 = tpu.memref_squeeze %dma_start3A_197 : memref<1x80xi32, #tpu.memory_space<vmem>> -> memref<80xi32, #tpu.memory_space<vmem>>
        %dma_start3A_199 = tpu.memref_slice %arg4[%mul3A_194] : memref<25600xi32, #tpu.memory_space<hbm>> -> memref<80xi32, #tpu.memory_space<hbm>>
        %dma_start3A_200 = arith.constant 0 : i32
        %dma_start3A_201 = tpu.memref_slice %arg7[%dma_start3A_195, %dma_start3A_200] : memref<2x80xi32, #tpu.memory_space<vmem>> -> memref<1x80xi32, #tpu.memory_space<vmem>>
        %dma_start3A_202 = tpu.memref_squeeze %dma_start3A_201 : memref<1x80xi32, #tpu.memory_space<vmem>> -> memref<80xi32, #tpu.memory_space<vmem>>
        %dma_start3A_203 = tpu.memref_slice %arg4[%mul3A_194] : memref<25600xi32, #tpu.memory_space<hbm>> -> memref<80xi32, #tpu.memory_space<hbm>>
        tpu.enqueue_dma source(%dma_start3A_203 : memref<80xi32, #tpu.memory_space<hbm>>) target(%dma_start3A_202 : memref<80xi32, #tpu.memory_space<vmem>>) target_semaphore(%arg14 : memref<!tpu.dma_semaphore, #tpu.memory_space<semaphore_mem>>)
        %add3A_204 = arith.constant 0 : i32
        %add3A_205 = arith.addi %add3A, %add3A_204 : i32
        %mul3A_206 = arith.constant 80 : i32
        %mul3A_207 = arith.muli %add3A_205, %mul3A_206 : i32
        %dma_wait3A_208 = arith.constant 0 : i32
        %dma_wait3A_209 = arith.constant 0 : i32
        %dma_wait3A_210 = tpu.memref_slice %arg6[%dma_wait3A_208, %dma_wait3A_209] : memref<2x80xi32, #tpu.memory_space<vmem>> -> memref<1x80xi32, #tpu.memory_space<vmem>>
        %dma_wait3A_211 = tpu.memref_squeeze %dma_wait3A_210 : memref<1x80xi32, #tpu.memory_space<vmem>> -> memref<80xi32, #tpu.memory_space<vmem>>
        %dma_wait3A_212 = tpu.memref_slice %arg3[%mul3A_207] : memref<25600xi32, #tpu.memory_space<hbm>> -> memref<80xi32, #tpu.memory_space<hbm>>
        %dma_wait3A_213 = arith.constant 0 : i32
        %dma_wait3A_214 = tpu.memref_slice %arg6[%dma_wait3A_208, %dma_wait3A_213] : memref<2x80xi32, #tpu.memory_space<vmem>> -> memref<1x80xi32, #tpu.memory_space<vmem>>
        %dma_wait3A_215 = tpu.memref_squeeze %dma_wait3A_214 : memref<1x80xi32, #tpu.memory_space<vmem>> -> memref<80xi32, #tpu.memory_space<vmem>>
        %dma_wait3A_216 = tpu.memref_slice %arg3[%mul3A_207] : memref<25600xi32, #tpu.memory_space<hbm>> -> memref<80xi32, #tpu.memory_space<hbm>>
        tpu.wait_dma2 semaphore(%arg15 : memref<!tpu.dma_semaphore, #tpu.memory_space<semaphore_mem>>) src(%dma_wait3A_216 : memref<80xi32, #tpu.memory_space<hbm>>) dst(%dma_wait3A_215 : memref<80xi32, #tpu.memory_space<vmem>>)
        %add3A_217 = arith.constant 0 : i32
        %add3A_218 = arith.addi %add3A, %add3A_217 : i32
        %mul3A_219 = arith.constant 80 : i32
        %mul3A_220 = arith.muli %add3A_218, %mul3A_219 : i32
        %dma_wait3A_221 = arith.constant 0 : i32
        %dma_wait3A_222 = arith.constant 0 : i32
        %dma_wait3A_223 = tpu.memref_slice %arg6[%dma_wait3A_221, %dma_wait3A_222] : memref<2x80xi32, #tpu.memory_space<vmem>> -> memref<1x80xi32, #tpu.memory_space<vmem>>
        %dma_wait3A_224 = tpu.memref_squeeze %dma_wait3A_223 : memref<1x80xi32, #tpu.memory_space<vmem>> -> memref<80xi32, #tpu.memory_space<vmem>>
        %dma_wait3A_225 = tpu.memref_slice %arg3[%mul3A_220] : memref<25600xi32, #tpu.memory_space<hbm>> -> memref<80xi32, #tpu.memory_space<hbm>>
        %dma_wait3A_226 = arith.constant 0 : i32
        %dma_wait3A_227 = tpu.memref_slice %arg6[%dma_wait3A_221, %dma_wait3A_226] : memref<2x80xi32, #tpu.memory_space<vmem>> -> memref<1x80xi32, #tpu.memory_space<vmem>>
        %dma_wait3A_228 = tpu.memref_squeeze %dma_wait3A_227 : memref<1x80xi32, #tpu.memory_space<vmem>> -> memref<80xi32, #tpu.memory_space<vmem>>
        %dma_wait3A_229 = tpu.memref_slice %arg3[%mul3A_220] : memref<25600xi32, #tpu.memory_space<hbm>> -> memref<80xi32, #tpu.memory_space<hbm>>
        tpu.wait_dma2 semaphore(%arg15 : memref<!tpu.dma_semaphore, #tpu.memory_space<semaphore_mem>>) src(%dma_wait3A_229 : memref<80xi32, #tpu.memory_space<hbm>>) dst(%dma_wait3A_228 : memref<80xi32, #tpu.memory_space<vmem>>)
        %dma_start3A_230 = arith.constant 1 : i32
        %dma_start3A_231 = arith.constant 0 : i32
        %dma_start3A_232 = tpu.memref_slice %arg6[%dma_start3A_230, %dma_start3A_231] : memref<2x80xi32, #tpu.memory_space<vmem>> -> memref<1x80xi32, #tpu.memory_space<vmem>>
        %dma_start3A_233 = tpu.memref_squeeze %dma_start3A_232 : memref<1x80xi32, #tpu.memory_space<vmem>> -> memref<80xi32, #tpu.memory_space<vmem>>
        %dma_start3A_234 = arith.constant 0 : i32
        %dma_start3A_235 = arith.constant 0 : i32
        %dma_start3A_236 = tpu.memref_slice %arg2[%dma_start3A_234, %dma_start3A_235] : memref<10000x128xf32, #tpu.memory_space<hbm>> -> memref<10000x128xf32, #tpu.memory_space<hbm>>
        tpu.enqueue_indirect_dma source(%dma_start3A_236 : memref<10000x128xf32, #tpu.memory_space<hbm>>) target(%arg9 : memref<80x128xf32, #tpu.memory_space<vmem>>) offsets(%dma_start3A_233 : memref<80xi32, #tpu.memory_space<vmem>>) semaphore(%arg17 : memref<!tpu.dma_semaphore, #tpu.memory_space<semaphore_mem>>)
        %dma_start3A_237 = arith.constant 1 : i32
        %dma_start3A_238 = arith.constant 0 : i32
        %dma_start3A_239 = tpu.memref_slice %arg7[%dma_start3A_237, %dma_start3A_238] : memref<2x80xi32, #tpu.memory_space<vmem>> -> memref<1x80xi32, #tpu.memory_space<vmem>>
        %dma_start3A_240 = tpu.memref_squeeze %dma_start3A_239 : memref<1x80xi32, #tpu.memory_space<vmem>> -> memref<80xi32, #tpu.memory_space<vmem>>
        %dma_start3A_241 = arith.constant 0 : i32
        %dma_start3A_242 = arith.constant 0 : i32
        %dma_start3A_243 = tpu.memref_slice %arg2[%dma_start3A_241, %dma_start3A_242] : memref<10000x128xf32, #tpu.memory_space<hbm>> -> memref<10000x128xf32, #tpu.memory_space<hbm>>
        tpu.enqueue_indirect_dma source(%dma_start3A_243 : memref<10000x128xf32, #tpu.memory_space<hbm>>) target(%arg11 : memref<80x128xf32, #tpu.memory_space<vmem>>) offsets(%dma_start3A_240 : memref<80xi32, #tpu.memory_space<vmem>>) semaphore(%arg17 : memref<!tpu.dma_semaphore, #tpu.memory_space<semaphore_mem>>)
        %scan3A_244 = arith.constant 0 : i32
        %scan3A_245 = arith.constant 80 : i32
        %scan3A_246 = arith.addi %scan3A_244, %scan3A_245 : i32
        %scan3A_247 = arith.constant 1 : i32
        scf.for %scan3A_358 = %scan3A_244 to %scan3A_246 step %scan3A_247  : i32 {
          %get3A = arith.index_cast %scan3A_358 : i32 to index
          %get3A_359 = arith.constant 0 : index
          %get3A_360 = tpu.vector_load %arg8[%get3A, %get3A_359] {strides = array<i32>} : memref<80x128xf32, #tpu.memory_space<vmem>>, vector<1x16xf32>,
          %get3A_361 = vector.shape_cast %get3A_360 : vector<1x16xf32> to vector<16xf32>
          %get3A_362 = arith.index_cast %scan3A_358 : i32 to index
          %get3A_363 = arith.constant 0 : index
          %get3A_364 = tpu.vector_load %arg10[%get3A_362, %get3A_363] {strides = array<i32>} : memref<80x128xf32, #tpu.memory_space<vmem>>, vector<1x16xf32>,
          %get3A_365 = vector.shape_cast %get3A_364 : vector<1x16xf32> to vector<16xf32>
          %mul3A_366 = arith.mulf %get3A_361, %get3A_365 : vector<16xf32>
          %swap3A = arith.index_cast %scan3A_358 : i32 to index
          %swap3A_367 = arith.constant 0 : index
          %swap3A_368 = tpu.vector_load %arg12[%swap3A, %swap3A_367] {strides = array<i32>} : memref<80x128xf32, #tpu.memory_space<vmem>>, vector<1x16xf32>,
          %swap3A_369 = vector.shape_cast %swap3A_368 : vector<1x16xf32> to vector<16xf32>
          %swap3A_370 = vector.shape_cast %mul3A_366 : vector<16xf32> to vector<1x16xf32>
          tpu.vector_store %arg12[%swap3A, %swap3A_367], %swap3A_370 {strides = array<i32>} : memref<80x128xf32, #tpu.memory_space<vmem>>, vector<1x16xf32>,
          %get3A_371 = arith.index_cast %scan3A_358 : i32 to index
          %get3A_372 = arith.constant 16 : index
          %get3A_373 = tpu.vector_load %arg8[%get3A_371, %get3A_372] {strides = array<i32>} : memref<80x128xf32, #tpu.memory_space<vmem>>, vector<1x16xf32>,
          %get3A_374 = vector.shape_cast %get3A_373 : vector<1x16xf32> to vector<16xf32>
          %get3A_375 = arith.index_cast %scan3A_358 : i32 to index
          %get3A_376 = arith.constant 16 : index
          %get3A_377 = tpu.vector_load %arg10[%get3A_375, %get3A_376] {strides = array<i32>} : memref<80x128xf32, #tpu.memory_space<vmem>>, vector<1x16xf32>,
          %get3A_378 = vector.shape_cast %get3A_377 : vector<1x16xf32> to vector<16xf32>
          %mul3A_379 = arith.mulf %get3A_374, %get3A_378 : vector<16xf32>
          %swap3A_380 = arith.index_cast %scan3A_358 : i32 to index
          %swap3A_381 = arith.constant 16 : index
          %swap3A_382 = tpu.vector_load %arg12[%swap3A_380, %swap3A_381] {strides = array<i32>} : memref<80x128xf32, #tpu.memory_space<vmem>>, vector<1x16xf32>,
          %swap3A_383 = vector.shape_cast %swap3A_382 : vector<1x16xf32> to vector<16xf32>
          %swap3A_384 = vector.shape_cast %mul3A_379 : vector<16xf32> to vector<1x16xf32>
          tpu.vector_store %arg12[%swap3A_380, %swap3A_381], %swap3A_384 {strides = array<i32>} : memref<80x128xf32, #tpu.memory_space<vmem>>, vector<1x16xf32>,
          %get3A_385 = arith.index_cast %scan3A_358 : i32 to index
          %get3A_386 = arith.constant 32 : index
          %get3A_387 = tpu.vector_load %arg8[%get3A_385, %get3A_386] {strides = array<i32>} : memref<80x128xf32, #tpu.memory_space<vmem>>, vector<1x16xf32>,
          %get3A_388 = vector.shape_cast %get3A_387 : vector<1x16xf32> to vector<16xf32>
          %get3A_389 = arith.index_cast %scan3A_358 : i32 to index
          %get3A_390 = arith.constant 32 : index
          %get3A_391 = tpu.vector_load %arg10[%get3A_389, %get3A_390] {strides = array<i32>} : memref<80x128xf32, #tpu.memory_space<vmem>>, vector<1x16xf32>,
          %get3A_392 = vector.shape_cast %get3A_391 : vector<1x16xf32> to vector<16xf32>
          %mul3A_393 = arith.mulf %get3A_388, %get3A_392 : vector<16xf32>
          %swap3A_394 = arith.index_cast %scan3A_358 : i32 to index
          %swap3A_395 = arith.constant 32 : index
          %swap3A_396 = tpu.vector_load %arg12[%swap3A_394, %swap3A_395] {strides = array<i32>} : memref<80x128xf32, #tpu.memory_space<vmem>>, vector<1x16xf32>,
          %swap3A_397 = vector.shape_cast %swap3A_396 : vector<1x16xf32> to vector<16xf32>
          %swap3A_398 = vector.shape_cast %mul3A_393 : vector<16xf32> to vector<1x16xf32>
          tpu.vector_store %arg12[%swap3A_394, %swap3A_395], %swap3A_398 {strides = array<i32>} : memref<80x128xf32, #tpu.memory_space<vmem>>, vector<1x16xf32>,
          %get3A_399 = arith.index_cast %scan3A_358 : i32 to index
          %get3A_400 = arith.constant 48 : index
          %get3A_401 = tpu.vector_load %arg8[%get3A_399, %get3A_400] {strides = array<i32>} : memref<80x128xf32, #tpu.memory_space<vmem>>, vector<1x16xf32>,
          %get3A_402 = vector.shape_cast %get3A_401 : vector<1x16xf32> to vector<16xf32>
          %get3A_403 = arith.index_cast %scan3A_358 : i32 to index
          %get3A_404 = arith.constant 48 : index
          %get3A_405 = tpu.vector_load %arg10[%get3A_403, %get3A_404] {strides = array<i32>} : memref<80x128xf32, #tpu.memory_space<vmem>>, vector<1x16xf32>,
          %get3A_406 = vector.shape_cast %get3A_405 : vector<1x16xf32> to vector<16xf32>
          %mul3A_407 = arith.mulf %get3A_402, %get3A_406 : vector<16xf32>
          %swap3A_408 = arith.index_cast %scan3A_358 : i32 to index
          %swap3A_409 = arith.constant 48 : index
          %swap3A_410 = tpu.vector_load %arg12[%swap3A_408, %swap3A_409] {strides = array<i32>} : memref<80x128xf32, #tpu.memory_space<vmem>>, vector<1x16xf32>,
          %swap3A_411 = vector.shape_cast %swap3A_410 : vector<1x16xf32> to vector<16xf32>
          %swap3A_412 = vector.shape_cast %mul3A_407 : vector<16xf32> to vector<1x16xf32>
          tpu.vector_store %arg12[%swap3A_408, %swap3A_409], %swap3A_412 {strides = array<i32>} : memref<80x128xf32, #tpu.memory_space<vmem>>, vector<1x16xf32>,
          %get3A_413 = arith.index_cast %scan3A_358 : i32 to index
          %get3A_414 = arith.constant 64 : index
          %get3A_415 = tpu.vector_load %arg8[%get3A_413, %get3A_414] {strides = array<i32>} : memref<80x128xf32, #tpu.memory_space<vmem>>, vector<1x16xf32>,
          %get3A_416 = vector.shape_cast %get3A_415 : vector<1x16xf32> to vector<16xf32>
          %get3A_417 = arith.index_cast %scan3A_358 : i32 to index
          %get3A_418 = arith.constant 64 : index
          %get3A_419 = tpu.vector_load %arg10[%get3A_417, %get3A_418] {strides = array<i32>} : memref<80x128xf32, #tpu.memory_space<vmem>>, vector<1x16xf32>,
          %get3A_420 = vector.shape_cast %get3A_419 : vector<1x16xf32> to vector<16xf32>
          %mul3A_421 = arith.mulf %get3A_416, %get3A_420 : vector<16xf32>
          %swap3A_422 = arith.index_cast %scan3A_358 : i32 to index
          %swap3A_423 = arith.constant 64 : index
          %swap3A_424 = tpu.vector_load %arg12[%swap3A_422, %swap3A_423] {strides = array<i32>} : memref<80x128xf32, #tpu.memory_space<vmem>>, vector<1x16xf32>,
          %swap3A_425 = vector.shape_cast %swap3A_424 : vector<1x16xf32> to vector<16xf32>
          %swap3A_426 = vector.shape_cast %mul3A_421 : vector<16xf32> to vector<1x16xf32>
          tpu.vector_store %arg12[%swap3A_422, %swap3A_423], %swap3A_426 {strides = array<i32>} : memref<80x128xf32, #tpu.memory_space<vmem>>, vector<1x16xf32>,
          %get3A_427 = arith.index_cast %scan3A_358 : i32 to index
          %get3A_428 = arith.constant 80 : index
          %get3A_429 = tpu.vector_load %arg8[%get3A_427, %get3A_428] {strides = array<i32>} : memref<80x128xf32, #tpu.memory_space<vmem>>, vector<1x16xf32>,
          %get3A_430 = vector.shape_cast %get3A_429 : vector<1x16xf32> to vector<16xf32>
          %get3A_431 = arith.index_cast %scan3A_358 : i32 to index
          %get3A_432 = arith.constant 80 : index
          %get3A_433 = tpu.vector_load %arg10[%get3A_431, %get3A_432] {strides = array<i32>} : memref<80x128xf32, #tpu.memory_space<vmem>>, vector<1x16xf32>,
          %get3A_434 = vector.shape_cast %get3A_433 : vector<1x16xf32> to vector<16xf32>
          %mul3A_435 = arith.mulf %get3A_430, %get3A_434 : vector<16xf32>
          %swap3A_436 = arith.index_cast %scan3A_358 : i32 to index
          %swap3A_437 = arith.constant 80 : index
          %swap3A_438 = tpu.vector_load %arg12[%swap3A_436, %swap3A_437] {strides = array<i32>} : memref<80x128xf32, #tpu.memory_space<vmem>>, vector<1x16xf32>,
          %swap3A_439 = vector.shape_cast %swap3A_438 : vector<1x16xf32> to vector<16xf32>
          %swap3A_440 = vector.shape_cast %mul3A_435 : vector<16xf32> to vector<1x16xf32>
          tpu.vector_store %arg12[%swap3A_436, %swap3A_437], %swap3A_440 {strides = array<i32>} : memref<80x128xf32, #tpu.memory_space<vmem>>, vector<1x16xf32>,
          %get3A_441 = arith.index_cast %scan3A_358 : i32 to index
          %get3A_442 = arith.constant 96 : index
          %get3A_443 = tpu.vector_load %arg8[%get3A_441, %get3A_442] {strides = array<i32>} : memref<80x128xf32, #tpu.memory_space<vmem>>, vector<1x16xf32>,
          %get3A_444 = vector.shape_cast %get3A_443 : vector<1x16xf32> to vector<16xf32>
          %get3A_445 = arith.index_cast %scan3A_358 : i32 to index
          %get3A_446 = arith.constant 96 : index
          %get3A_447 = tpu.vector_load %arg10[%get3A_445, %get3A_446] {strides = array<i32>} : memref<80x128xf32, #tpu.memory_space<vmem>>, vector<1x16xf32>,
          %get3A_448 = vector.shape_cast %get3A_447 : vector<1x16xf32> to vector<16xf32>
          %mul3A_449 = arith.mulf %get3A_444, %get3A_448 : vector<16xf32>
          %swap3A_450 = arith.index_cast %scan3A_358 : i32 to index
          %swap3A_451 = arith.constant 96 : index
          %swap3A_452 = tpu.vector_load %arg12[%swap3A_450, %swap3A_451] {strides = array<i32>} : memref<80x128xf32, #tpu.memory_space<vmem>>, vector<1x16xf32>,
          %swap3A_453 = vector.shape_cast %swap3A_452 : vector<1x16xf32> to vector<16xf32>
          %swap3A_454 = vector.shape_cast %mul3A_449 : vector<16xf32> to vector<1x16xf32>
          tpu.vector_store %arg12[%swap3A_450, %swap3A_451], %swap3A_454 {strides = array<i32>} : memref<80x128xf32, #tpu.memory_space<vmem>>, vector<1x16xf32>,
          %get3A_455 = arith.index_cast %scan3A_358 : i32 to index
          %get3A_456 = arith.constant 112 : index
          %get3A_457 = tpu.vector_load %arg8[%get3A_455, %get3A_456] {strides = array<i32>} : memref<80x128xf32, #tpu.memory_space<vmem>>, vector<1x16xf32>,
          %get3A_458 = vector.shape_cast %get3A_457 : vector<1x16xf32> to vector<16xf32>
          %get3A_459 = arith.index_cast %scan3A_358 : i32 to index
          %get3A_460 = arith.constant 112 : index
          %get3A_461 = tpu.vector_load %arg10[%get3A_459, %get3A_460] {strides = array<i32>} : memref<80x128xf32, #tpu.memory_space<vmem>>, vector<1x16xf32>,
          %get3A_462 = vector.shape_cast %get3A_461 : vector<1x16xf32> to vector<16xf32>
          %mul3A_463 = arith.mulf %get3A_458, %get3A_462 : vector<16xf32>
          %swap3A_464 = arith.index_cast %scan3A_358 : i32 to index
          %swap3A_465 = arith.constant 112 : index
          %swap3A_466 = tpu.vector_load %arg12[%swap3A_464, %swap3A_465] {strides = array<i32>} : memref<80x128xf32, #tpu.memory_space<vmem>>, vector<1x16xf32>,
          %swap3A_467 = vector.shape_cast %swap3A_466 : vector<1x16xf32> to vector<16xf32>
          %swap3A_468 = vector.shape_cast %mul3A_463 : vector<16xf32> to vector<1x16xf32>
          tpu.vector_store %arg12[%swap3A_464, %swap3A_465], %swap3A_468 {strides = array<i32>} : memref<80x128xf32, #tpu.memory_space<vmem>>, vector<1x16xf32>,
        }
        %scan3A_248 = arith.constant 80 : i32
        %mul3A_249 = arith.constant 32 : i32
        %mul3A_250 = arith.muli %mul3A_153, %mul3A_249 : i32
        %add3A_251 = arith.addi %add3A, %mul3A_250 : i32
        %mul3A_252 = arith.constant 80 : i32
        %mul3A_253 = arith.muli %add3A_251, %mul3A_252 : i32
        %dma_start3A_254 = arith.constant 0 : i32
        %dma_start3A_255 = tpu.memref_slice %arg5[%mul3A_253, %dma_start3A_254] : memref<20480x128xf32, #tpu.memory_space<hbm>> -> memref<80x128xf32, #tpu.memory_space<hbm>>
        %dma_start3A_256 = arith.constant 0 : i32
        %dma_start3A_257 = tpu.memref_slice %arg5[%mul3A_253, %dma_start3A_256] : memref<20480x128xf32, #tpu.memory_space<hbm>> -> memref<80x128xf32, #tpu.memory_space<hbm>>
        tpu.enqueue_dma source(%arg12 : memref<80x128xf32, #tpu.memory_space<vmem>>) target(%dma_start3A_257 : memref<80x128xf32, #tpu.memory_space<hbm>>) target_semaphore(%arg18 : memref<!tpu.dma_semaphore, #tpu.memory_space<semaphore_mem>>)
        %add3A_258 = arith.constant 1 : i32
        %add3A_259 = arith.addi %mul3A_153, %add3A_258 : i32
        %dma_wait3A_260 = arith.constant 0 : i32
        %dma_wait3A_261 = arith.constant 0 : i32
        %dma_wait3A_262 = tpu.memref_slice %arg6[%dma_wait3A_260, %dma_wait3A_261] : memref<2x80xi32, #tpu.memory_space<vmem>> -> memref<1x80xi32, #tpu.memory_space<vmem>>
        %dma_wait3A_263 = tpu.memref_squeeze %dma_wait3A_262 : memref<1x80xi32, #tpu.memory_space<vmem>> -> memref<80xi32, #tpu.memory_space<vmem>>
        %dma_wait3A_264 = arith.constant 0 : i32
        %dma_wait3A_265 = arith.constant 0 : i32
        %dma_wait3A_266 = tpu.memref_slice %arg2[%dma_wait3A_264, %dma_wait3A_265] : memref<10000x128xf32, #tpu.memory_space<hbm>> -> memref<10000x128xf32, #tpu.memory_space<hbm>>
        tpu.wait_indirect_dma semaphore(%arg17 : memref<!tpu.dma_semaphore, #tpu.memory_space<semaphore_mem>>) src(%dma_wait3A_266 : memref<10000x128xf32, #tpu.memory_space<hbm>>) dst(%arg8 : memref<80x128xf32, #tpu.memory_space<vmem>>)
        %dma_wait3A_267 = arith.constant 0 : i32
        %dma_wait3A_268 = arith.constant 0 : i32
        %dma_wait3A_269 = tpu.memref_slice %arg6[%dma_wait3A_267, %dma_wait3A_268] : memref<2x80xi32, #tpu.memory_space<vmem>> -> memref<1x80xi32, #tpu.memory_space<vmem>>
        %dma_wait3A_270 = tpu.memref_squeeze %dma_wait3A_269 : memref<1x80xi32, #tpu.memory_space<vmem>> -> memref<80xi32, #tpu.memory_space<vmem>>
        %dma_wait3A_271 = arith.constant 0 : i32
        %dma_wait3A_272 = arith.constant 0 : i32
        %dma_wait3A_273 = tpu.memref_slice %arg2[%dma_wait3A_271, %dma_wait3A_272] : memref<10000x128xf32, #tpu.memory_space<hbm>> -> memref<10000x128xf32, #tpu.memory_space<hbm>>
        tpu.wait_indirect_dma semaphore(%arg17 : memref<!tpu.dma_semaphore, #tpu.memory_space<semaphore_mem>>) src(%dma_wait3A_273 : memref<10000x128xf32, #tpu.memory_space<hbm>>) dst(%arg8 : memref<80x128xf32, #tpu.memory_space<vmem>>)
        %add3A_274 = arith.constant 2 : i32
        %add3A_275 = arith.addi %add3A_259, %add3A_274 : i32
        %mul3A_276 = arith.constant 32 : i32
        %mul3A_277 = arith.muli %add3A_275, %mul3A_276 : i32
        %add3A_278 = arith.addi %add3A, %mul3A_277 : i32
        %mul3A_279 = arith.constant 80 : i32
        %mul3A_280 = arith.muli %add3A_278, %mul3A_279 : i32
        %dma_start3A_281 = arith.constant 1 : i32
        %dma_start3A_282 = arith.constant 0 : i32
        %dma_start3A_283 = tpu.memref_slice %arg6[%dma_start3A_281, %dma_start3A_282] : memref<2x80xi32, #tpu.memory_space<vmem>> -> memref<1x80xi32, #tpu.memory_space<vmem>>
        %dma_start3A_284 = tpu.memref_squeeze %dma_start3A_283 : memref<1x80xi32, #tpu.memory_space<vmem>> -> memref<80xi32, #tpu.memory_space<vmem>>
        %dma_start3A_285 = tpu.memref_slice %arg3[%mul3A_280] : memref<25600xi32, #tpu.memory_space<hbm>> -> memref<80xi32, #tpu.memory_space<hbm>>
        %dma_start3A_286 = arith.constant 0 : i32
        %dma_start3A_287 = tpu.memref_slice %arg6[%dma_start3A_281, %dma_start3A_286] : memref<2x80xi32, #tpu.memory_space<vmem>> -> memref<1x80xi32, #tpu.memory_space<vmem>>
        %dma_start3A_288 = tpu.memref_squeeze %dma_start3A_287 : memref<1x80xi32, #tpu.memory_space<vmem>> -> memref<80xi32, #tpu.memory_space<vmem>>
        %dma_start3A_289 = tpu.memref_slice %arg3[%mul3A_280] : memref<25600xi32, #tpu.memory_space<hbm>> -> memref<80xi32, #tpu.memory_space<hbm>>
        tpu.enqueue_dma source(%dma_start3A_289 : memref<80xi32, #tpu.memory_space<hbm>>) target(%dma_start3A_288 : memref<80xi32, #tpu.memory_space<vmem>>) target_semaphore(%arg15 : memref<!tpu.dma_semaphore, #tpu.memory_space<semaphore_mem>>)
        %mul3A_290 = arith.constant 32 : i32
        %mul3A_291 = arith.muli %add3A_275, %mul3A_290 : i32
        %add3A_292 = arith.addi %add3A, %mul3A_291 : i32
        %mul3A_293 = arith.constant 80 : i32
        %mul3A_294 = arith.muli %add3A_292, %mul3A_293 : i32
        %dma_start3A_295 = arith.constant 1 : i32
        %dma_start3A_296 = arith.constant 0 : i32
        %dma_start3A_297 = tpu.memref_slice %arg7[%dma_start3A_295, %dma_start3A_296] : memref<2x80xi32, #tpu.memory_space<vmem>> -> memref<1x80xi32, #tpu.memory_space<vmem>>
        %dma_start3A_298 = tpu.memref_squeeze %dma_start3A_297 : memref<1x80xi32, #tpu.memory_space<vmem>> -> memref<80xi32, #tpu.memory_space<vmem>>
        %dma_start3A_299 = tpu.memref_slice %arg4[%mul3A_294] : memref<25600xi32, #tpu.memory_space<hbm>> -> memref<80xi32, #tpu.memory_space<hbm>>
        %dma_start3A_300 = arith.constant 0 : i32
        %dma_start3A_301 = tpu.memref_slice %arg7[%dma_start3A_295, %dma_start3A_300] : memref<2x80xi32, #tpu.memory_space<vmem>> -> memref<1x80xi32, #tpu.memory_space<vmem>>
        %dma_start3A_302 = tpu.memref_squeeze %dma_start3A_301 : memref<1x80xi32, #tpu.memory_space<vmem>> -> memref<80xi32, #tpu.memory_space<vmem>>
        %dma_start3A_303 = tpu.memref_slice %arg4[%mul3A_294] : memref<25600xi32, #tpu.memory_space<hbm>> -> memref<80xi32, #tpu.memory_space<hbm>>
        tpu.enqueue_dma source(%dma_start3A_303 : memref<80xi32, #tpu.memory_space<hbm>>) target(%dma_start3A_302 : memref<80xi32, #tpu.memory_space<vmem>>) target_semaphore(%arg15 : memref<!tpu.dma_semaphore, #tpu.memory_space<semaphore_mem>>)
        %add3A_304 = arith.constant 0 : i32
        %add3A_305 = arith.addi %add3A, %add3A_304 : i32
        %mul3A_306 = arith.constant 80 : i32
        %mul3A_307 = arith.muli %add3A_305, %mul3A_306 : i32
        %dma_wait3A_308 = arith.constant 0 : i32
        %dma_wait3A_309 = arith.constant 0 : i32
        %dma_wait3A_310 = tpu.memref_slice %arg6[%dma_wait3A_308, %dma_wait3A_309] : memref<2x80xi32, #tpu.memory_space<vmem>> -> memref<1x80xi32, #tpu.memory_space<vmem>>
        %dma_wait3A_311 = tpu.memref_squeeze %dma_wait3A_310 : memref<1x80xi32, #tpu.memory_space<vmem>> -> memref<80xi32, #tpu.memory_space<vmem>>
        %dma_wait3A_312 = tpu.memref_slice %arg3[%mul3A_307] : memref<25600xi32, #tpu.memory_space<hbm>> -> memref<80xi32, #tpu.memory_space<hbm>>
        %dma_wait3A_313 = arith.constant 0 : i32
        %dma_wait3A_314 = tpu.memref_slice %arg6[%dma_wait3A_308, %dma_wait3A_313] : memref<2x80xi32, #tpu.memory_space<vmem>> -> memref<1x80xi32, #tpu.memory_space<vmem>>
        %dma_wait3A_315 = tpu.memref_squeeze %dma_wait3A_314 : memref<1x80xi32, #tpu.memory_space<vmem>> -> memref<80xi32, #tpu.memory_space<vmem>>
        %dma_wait3A_316 = tpu.memref_slice %arg3[%mul3A_307] : memref<25600xi32, #tpu.memory_space<hbm>> -> memref<80xi32, #tpu.memory_space<hbm>>
        tpu.wait_dma2 semaphore(%arg14 : memref<!tpu.dma_semaphore, #tpu.memory_space<semaphore_mem>>) src(%dma_wait3A_316 : memref<80xi32, #tpu.memory_space<hbm>>) dst(%dma_wait3A_315 : memref<80xi32, #tpu.memory_space<vmem>>)
        %add3A_317 = arith.constant 0 : i32
        %add3A_318 = arith.addi %add3A, %add3A_317 : i32
        %mul3A_319 = arith.constant 80 : i32
        %mul3A_320 = arith.muli %add3A_318, %mul3A_319 : i32
        %dma_wait3A_321 = arith.constant 0 : i32
        %dma_wait3A_322 = arith.constant 0 : i32
        %dma_wait3A_323 = tpu.memref_slice %arg6[%dma_wait3A_321, %dma_wait3A_322] : memref<2x80xi32, #tpu.memory_space<vmem>> -> memref<1x80xi32, #tpu.memory_space<vmem>>
        %dma_wait3A_324 = tpu.memref_squeeze %dma_wait3A_323 : memref<1x80xi32, #tpu.memory_space<vmem>> -> memref<80xi32, #tpu.memory_space<vmem>>
        %dma_wait3A_325 = tpu.memref_slice %arg3[%mul3A_320] : memref<25600xi32, #tpu.memory_space<hbm>> -> memref<80xi32, #tpu.memory_space<hbm>>
        %dma_wait3A_326 = arith.constant 0 : i32
        %dma_wait3A_327 = tpu.memref_slice %arg6[%dma_wait3A_321, %dma_wait3A_326] : memref<2x80xi32, #tpu.memory_space<vmem>> -> memref<1x80xi32, #tpu.memory_space<vmem>>
        %dma_wait3A_328 = tpu.memref_squeeze %dma_wait3A_327 : memref<1x80xi32, #tpu.memory_space<vmem>> -> memref<80xi32, #tpu.memory_space<vmem>>
        %dma_wait3A_329 = tpu.memref_slice %arg3[%mul3A_320] : memref<25600xi32, #tpu.memory_space<hbm>> -> memref<80xi32, #tpu.memory_space<hbm>>
        tpu.wait_dma2 semaphore(%arg14 : memref<!tpu.dma_semaphore, #tpu.memory_space<semaphore_mem>>) src(%dma_wait3A_329 : memref<80xi32, #tpu.memory_space<hbm>>) dst(%dma_wait3A_328 : memref<80xi32, #tpu.memory_space<vmem>>)
        %dma_start3A_330 = arith.constant 0 : i32
        %dma_start3A_331 = arith.constant 0 : i32
        %dma_start3A_332 = tpu.memref_slice %arg6[%dma_start3A_330, %dma_start3A_331] : memref<2x80xi32, #tpu.memory_space<vmem>> -> memref<1x80xi32, #tpu.memory_space<vmem>>
        %dma_start3A_333 = tpu.memref_squeeze %dma_start3A_332 : memref<1x80xi32, #tpu.memory_space<vmem>> -> memref<80xi32, #tpu.memory_space<vmem>>
        %dma_start3A_334 = arith.constant 0 : i32
        %dma_start3A_335 = arith.constant 0 : i32
        %dma_start3A_336 = tpu.memref_slice %arg2[%dma_start3A_334, %dma_start3A_335] : memref<10000x128xf32, #tpu.memory_space<hbm>> -> memref<10000x128xf32, #tpu.memory_space<hbm>>
        tpu.enqueue_indirect_dma source(%dma_start3A_336 : memref<10000x128xf32, #tpu.memory_space<hbm>>) target(%arg8 : memref<80x128xf32, #tpu.memory_space<vmem>>) offsets(%dma_start3A_333 : memref<80xi32, #tpu.memory_space<vmem>>) semaphore(%arg16 : memref<!tpu.dma_semaphore, #tpu.memory_space<semaphore_mem>>)
        %dma_start3A_337 = arith.constant 0 : i32
        %dma_start3A_338 = arith.constant 0 : i32
        %dma_start3A_339 = tpu.memref_slice %arg7[%dma_start3A_337, %dma_start3A_338] : memref<2x80xi32, #tpu.memory_space<vmem>> -> memref<1x80xi32, #tpu.memory_space<vmem>>
        %dma_start3A_340 = tpu.memref_squeeze %dma_start3A_339 : memref<1x80xi32, #tpu.memory_space<vmem>> -> memref<80xi32, #tpu.memory_space<vmem>>
        %dma_start3A_341 = arith.constant 0 : i32
        %dma_start3A_342 = arith.constant 0 : i32
        %dma_start3A_343 = tpu.memref_slice %arg2[%dma_start3A_341, %dma_start3A_342] : memref<10000x128xf32, #tpu.memory_space<hbm>> -> memref<10000x128xf32, #tpu.memory_space<hbm>>
        tpu.enqueue_indirect_dma source(%dma_start3A_343 : memref<10000x128xf32, #tpu.memory_space<hbm>>) target(%arg10 : memref<80x128xf32, #tpu.memory_space<vmem>>) offsets(%dma_start3A_340 : memref<80xi32, #tpu.memory_space<vmem>>) semaphore(%arg16 : memref<!tpu.dma_semaphore, #tpu.memory_space<semaphore_mem>>)
        %scan3A_344 = arith.constant 0 : i32
        %scan3A_345 = arith.constant 80 : i32
        %scan3A_346 = arith.addi %scan3A_344, %scan3A_345 : i32
        %scan3A_347 = arith.constant 1 : i32
        scf.for %scan3A_358 = %scan3A_344 to %scan3A_346 step %scan3A_347  : i32 {
          %get3A = arith.index_cast %scan3A_358 : i32 to index
          %get3A_359 = arith.constant 0 : index
          %get3A_360 = tpu.vector_load %arg9[%get3A, %get3A_359] {strides = array<i32>} : memref<80x128xf32, #tpu.memory_space<vmem>>, vector<1x16xf32>,
          %get3A_361 = vector.shape_cast %get3A_360 : vector<1x16xf32> to vector<16xf32>
          %get3A_362 = arith.index_cast %scan3A_358 : i32 to index
          %get3A_363 = arith.constant 0 : index
          %get3A_364 = tpu.vector_load %arg11[%get3A_362, %get3A_363] {strides = array<i32>} : memref<80x128xf32, #tpu.memory_space<vmem>>, vector<1x16xf32>,
          %get3A_365 = vector.shape_cast %get3A_364 : vector<1x16xf32> to vector<16xf32>
          %mul3A_366 = arith.mulf %get3A_361, %get3A_365 : vector<16xf32>
          %swap3A = arith.index_cast %scan3A_358 : i32 to index
          %swap3A_367 = arith.constant 0 : index
          %swap3A_368 = tpu.vector_load %arg13[%swap3A, %swap3A_367] {strides = array<i32>} : memref<80x128xf32, #tpu.memory_space<vmem>>, vector<1x16xf32>,
          %swap3A_369 = vector.shape_cast %swap3A_368 : vector<1x16xf32> to vector<16xf32>
          %swap3A_370 = vector.shape_cast %mul3A_366 : vector<16xf32> to vector<1x16xf32>
          tpu.vector_store %arg13[%swap3A, %swap3A_367], %swap3A_370 {strides = array<i32>} : memref<80x128xf32, #tpu.memory_space<vmem>>, vector<1x16xf32>,
          %get3A_371 = arith.index_cast %scan3A_358 : i32 to index
          %get3A_372 = arith.constant 16 : index
          %get3A_373 = tpu.vector_load %arg9[%get3A_371, %get3A_372] {strides = array<i32>} : memref<80x128xf32, #tpu.memory_space<vmem>>, vector<1x16xf32>,
          %get3A_374 = vector.shape_cast %get3A_373 : vector<1x16xf32> to vector<16xf32>
          %get3A_375 = arith.index_cast %scan3A_358 : i32 to index
          %get3A_376 = arith.constant 16 : index
          %get3A_377 = tpu.vector_load %arg11[%get3A_375, %get3A_376] {strides = array<i32>} : memref<80x128xf32, #tpu.memory_space<vmem>>, vector<1x16xf32>,
          %get3A_378 = vector.shape_cast %get3A_377 : vector<1x16xf32> to vector<16xf32>
          %mul3A_379 = arith.mulf %get3A_374, %get3A_378 : vector<16xf32>
          %swap3A_380 = arith.index_cast %scan3A_358 : i32 to index
          %swap3A_381 = arith.constant 16 : index
          %swap3A_382 = tpu.vector_load %arg13[%swap3A_380, %swap3A_381] {strides = array<i32>} : memref<80x128xf32, #tpu.memory_space<vmem>>, vector<1x16xf32>,
          %swap3A_383 = vector.shape_cast %swap3A_382 : vector<1x16xf32> to vector<16xf32>
          %swap3A_384 = vector.shape_cast %mul3A_379 : vector<16xf32> to vector<1x16xf32>
          tpu.vector_store %arg13[%swap3A_380, %swap3A_381], %swap3A_384 {strides = array<i32>} : memref<80x128xf32, #tpu.memory_space<vmem>>, vector<1x16xf32>,
          %get3A_385 = arith.index_cast %scan3A_358 : i32 to index
          %get3A_386 = arith.constant 32 : index
          %get3A_387 = tpu.vector_load %arg9[%get3A_385, %get3A_386] {strides = array<i32>} : memref<80x128xf32, #tpu.memory_space<vmem>>, vector<1x16xf32>,
          %get3A_388 = vector.shape_cast %get3A_387 : vector<1x16xf32> to vector<16xf32>
          %get3A_389 = arith.index_cast %scan3A_358 : i32 to index
          %get3A_390 = arith.constant 32 : index
          %get3A_391 = tpu.vector_load %arg11[%get3A_389, %get3A_390] {strides = array<i32>} : memref<80x128xf32, #tpu.memory_space<vmem>>, vector<1x16xf32>,
          %get3A_392 = vector.shape_cast %get3A_391 : vector<1x16xf32> to vector<16xf32>
          %mul3A_393 = arith.mulf %get3A_388, %get3A_392 : vector<16xf32>
          %swap3A_394 = arith.index_cast %scan3A_358 : i32 to index
          %swap3A_395 = arith.constant 32 : index
          %swap3A_396 = tpu.vector_load %arg13[%swap3A_394, %swap3A_395] {strides = array<i32>} : memref<80x128xf32, #tpu.memory_space<vmem>>, vector<1x16xf32>,
          %swap3A_397 = vector.shape_cast %swap3A_396 : vector<1x16xf32> to vector<16xf32>
          %swap3A_398 = vector.shape_cast %mul3A_393 : vector<16xf32> to vector<1x16xf32>
          tpu.vector_store %arg13[%swap3A_394, %swap3A_395], %swap3A_398 {strides = array<i32>} : memref<80x128xf32, #tpu.memory_space<vmem>>, vector<1x16xf32>,
          %get3A_399 = arith.index_cast %scan3A_358 : i32 to index
          %get3A_400 = arith.constant 48 : index
          %get3A_401 = tpu.vector_load %arg9[%get3A_399, %get3A_400] {strides = array<i32>} : memref<80x128xf32, #tpu.memory_space<vmem>>, vector<1x16xf32>,
          %get3A_402 = vector.shape_cast %get3A_401 : vector<1x16xf32> to vector<16xf32>
          %get3A_403 = arith.index_cast %scan3A_358 : i32 to index
          %get3A_404 = arith.constant 48 : index
          %get3A_405 = tpu.vector_load %arg11[%get3A_403, %get3A_404] {strides = array<i32>} : memref<80x128xf32, #tpu.memory_space<vmem>>, vector<1x16xf32>,
          %get3A_406 = vector.shape_cast %get3A_405 : vector<1x16xf32> to vector<16xf32>
          %mul3A_407 = arith.mulf %get3A_402, %get3A_406 : vector<16xf32>
          %swap3A_408 = arith.index_cast %scan3A_358 : i32 to index
          %swap3A_409 = arith.constant 48 : index
          %swap3A_410 = tpu.vector_load %arg13[%swap3A_408, %swap3A_409] {strides = array<i32>} : memref<80x128xf32, #tpu.memory_space<vmem>>, vector<1x16xf32>,
          %swap3A_411 = vector.shape_cast %swap3A_410 : vector<1x16xf32> to vector<16xf32>
          %swap3A_412 = vector.shape_cast %mul3A_407 : vector<16xf32> to vector<1x16xf32>
          tpu.vector_store %arg13[%swap3A_408, %swap3A_409], %swap3A_412 {strides = array<i32>} : memref<80x128xf32, #tpu.memory_space<vmem>>, vector<1x16xf32>,
          %get3A_413 = arith.index_cast %scan3A_358 : i32 to index
          %get3A_414 = arith.constant 64 : index
          %get3A_415 = tpu.vector_load %arg9[%get3A_413, %get3A_414] {strides = array<i32>} : memref<80x128xf32, #tpu.memory_space<vmem>>, vector<1x16xf32>,
          %get3A_416 = vector.shape_cast %get3A_415 : vector<1x16xf32> to vector<16xf32>
          %get3A_417 = arith.index_cast %scan3A_358 : i32 to index
          %get3A_418 = arith.constant 64 : index
          %get3A_419 = tpu.vector_load %arg11[%get3A_417, %get3A_418] {strides = array<i32>} : memref<80x128xf32, #tpu.memory_space<vmem>>, vector<1x16xf32>,
          %get3A_420 = vector.shape_cast %get3A_419 : vector<1x16xf32> to vector<16xf32>
          %mul3A_421 = arith.mulf %get3A_416, %get3A_420 : vector<16xf32>
          %swap3A_422 = arith.index_cast %scan3A_358 : i32 to index
          %swap3A_423 = arith.constant 64 : index
          %swap3A_424 = tpu.vector_load %arg13[%swap3A_422, %swap3A_423] {strides = array<i32>} : memref<80x128xf32, #tpu.memory_space<vmem>>, vector<1x16xf32>,
          %swap3A_425 = vector.shape_cast %swap3A_424 : vector<1x16xf32> to vector<16xf32>
          %swap3A_426 = vector.shape_cast %mul3A_421 : vector<16xf32> to vector<1x16xf32>
          tpu.vector_store %arg13[%swap3A_422, %swap3A_423], %swap3A_426 {strides = array<i32>} : memref<80x128xf32, #tpu.memory_space<vmem>>, vector<1x16xf32>,
          %get3A_427 = arith.index_cast %scan3A_358 : i32 to index
          %get3A_428 = arith.constant 80 : index
          %get3A_429 = tpu.vector_load %arg9[%get3A_427, %get3A_428] {strides = array<i32>} : memref<80x128xf32, #tpu.memory_space<vmem>>, vector<1x16xf32>,
          %get3A_430 = vector.shape_cast %get3A_429 : vector<1x16xf32> to vector<16xf32>
          %get3A_431 = arith.index_cast %scan3A_358 : i32 to index
          %get3A_432 = arith.constant 80 : index
          %get3A_433 = tpu.vector_load %arg11[%get3A_431, %get3A_432] {strides = array<i32>} : memref<80x128xf32, #tpu.memory_space<vmem>>, vector<1x16xf32>,
          %get3A_434 = vector.shape_cast %get3A_433 : vector<1x16xf32> to vector<16xf32>
          %mul3A_435 = arith.mulf %get3A_430, %get3A_434 : vector<16xf32>
          %swap3A_436 = arith.index_cast %scan3A_358 : i32 to index
          %swap3A_437 = arith.constant 80 : index
          %swap3A_438 = tpu.vector_load %arg13[%swap3A_436, %swap3A_437] {strides = array<i32>} : memref<80x128xf32, #tpu.memory_space<vmem>>, vector<1x16xf32>,
          %swap3A_439 = vector.shape_cast %swap3A_438 : vector<1x16xf32> to vector<16xf32>
          %swap3A_440 = vector.shape_cast %mul3A_435 : vector<16xf32> to vector<1x16xf32>
          tpu.vector_store %arg13[%swap3A_436, %swap3A_437], %swap3A_440 {strides = array<i32>} : memref<80x128xf32, #tpu.memory_space<vmem>>, vector<1x16xf32>,
          %get3A_441 = arith.index_cast %scan3A_358 : i32 to index
          %get3A_442 = arith.constant 96 : index
          %get3A_443 = tpu.vector_load %arg9[%get3A_441, %get3A_442] {strides = array<i32>} : memref<80x128xf32, #tpu.memory_space<vmem>>, vector<1x16xf32>,
          %get3A_444 = vector.shape_cast %get3A_443 : vector<1x16xf32> to vector<16xf32>
          %get3A_445 = arith.index_cast %scan3A_358 : i32 to index
          %get3A_446 = arith.constant 96 : index
          %get3A_447 = tpu.vector_load %arg11[%get3A_445, %get3A_446] {strides = array<i32>} : memref<80x128xf32, #tpu.memory_space<vmem>>, vector<1x16xf32>,
          %get3A_448 = vector.shape_cast %get3A_447 : vector<1x16xf32> to vector<16xf32>
          %mul3A_449 = arith.mulf %get3A_444, %get3A_448 : vector<16xf32>
          %swap3A_450 = arith.index_cast %scan3A_358 : i32 to index
          %swap3A_451 = arith.constant 96 : index
          %swap3A_452 = tpu.vector_load %arg13[%swap3A_450, %swap3A_451] {strides = array<i32>} : memref<80x128xf32, #tpu.memory_space<vmem>>, vector<1x16xf32>,
          %swap3A_453 = vector.shape_cast %swap3A_452 : vector<1x16xf32> to vector<16xf32>
          %swap3A_454 = vector.shape_cast %mul3A_449 : vector<16xf32> to vector<1x16xf32>
          tpu.vector_store %arg13[%swap3A_450, %swap3A_451], %swap3A_454 {strides = array<i32>} : memref<80x128xf32, #tpu.memory_space<vmem>>, vector<1x16xf32>,
          %get3A_455 = arith.index_cast %scan3A_358 : i32 to index
          %get3A_456 = arith.constant 112 : index
          %get3A_457 = tpu.vector_load %arg9[%get3A_455, %get3A_456] {strides = array<i32>} : memref<80x128xf32, #tpu.memory_space<vmem>>, vector<1x16xf32>,
          %get3A_458 = vector.shape_cast %get3A_457 : vector<1x16xf32> to vector<16xf32>
          %get3A_459 = arith.index_cast %scan3A_358 : i32 to index
          %get3A_460 = arith.constant 112 : index
          %get3A_461 = tpu.vector_load %arg11[%get3A_459, %get3A_460] {strides = array<i32>} : memref<80x128xf32, #tpu.memory_space<vmem>>, vector<1x16xf32>,
          %get3A_462 = vector.shape_cast %get3A_461 : vector<1x16xf32> to vector<16xf32>
          %mul3A_463 = arith.mulf %get3A_458, %get3A_462 : vector<16xf32>
          %swap3A_464 = arith.index_cast %scan3A_358 : i32 to index
          %swap3A_465 = arith.constant 112 : index
          %swap3A_466 = tpu.vector_load %arg13[%swap3A_464, %swap3A_465] {strides = array<i32>} : memref<80x128xf32, #tpu.memory_space<vmem>>, vector<1x16xf32>,
          %swap3A_467 = vector.shape_cast %swap3A_466 : vector<1x16xf32> to vector<16xf32>
          %swap3A_468 = vector.shape_cast %mul3A_463 : vector<16xf32> to vector<1x16xf32>
          tpu.vector_store %arg13[%swap3A_464, %swap3A_465], %swap3A_468 {strides = array<i32>} : memref<80x128xf32, #tpu.memory_space<vmem>>, vector<1x16xf32>,
        }
        %scan3A_348 = arith.constant 80 : i32
        %mul3A_349 = arith.constant 32 : i32
        %mul3A_350 = arith.muli %add3A_259, %mul3A_349 : i32
        %add3A_351 = arith.addi %add3A, %mul3A_350 : i32
        %mul3A_352 = arith.constant 80 : i32
        %mul3A_353 = arith.muli %add3A_351, %mul3A_352 : i32
        %dma_start3A_354 = arith.constant 0 : i32
        %dma_start3A_355 = tpu.memref_slice %arg5[%mul3A_353, %dma_start3A_354] : memref<20480x128xf32, #tpu.memory_space<hbm>> -> memref<80x128xf32, #tpu.memory_space<hbm>>
        %dma_start3A_356 = arith.constant 0 : i32
        %dma_start3A_357 = tpu.memref_slice %arg5[%mul3A_353, %dma_start3A_356] : memref<20480x128xf32, #tpu.memory_space<hbm>> -> memref<80x128xf32, #tpu.memory_space<hbm>>
        tpu.enqueue_dma source(%arg13 : memref<80x128xf32, #tpu.memory_space<vmem>>) target(%dma_start3A_357 : memref<80x128xf32, #tpu.memory_space<hbm>>) target_semaphore(%arg19 : memref<!tpu.dma_semaphore, #tpu.memory_space<semaphore_mem>>)
      } else {
      }
      %gt3A = arith.constant 0 : i32
      %gt3A_156 = arith.cmpi sgt, %scan3A_151, %gt3A : i32
      %convert_element_type3A_157 = arith.extui %gt3A_156 : i1 to i32
      %cond3A_158 = arith.constant 0 : i32
      %cond3A_159 = arith.cmpi ne, %convert_element_type3A_157, %cond3A_158 : i32
      scf.if %cond3A_159 {
        %dma_wait3A_160 = arith.constant 0 : i32
        %dma_wait3A_161 = arith.constant 0 : i32
        %dma_wait3A_162 = tpu.memref_slice %arg6[%dma_wait3A_160, %dma_wait3A_161] : memref<2x80xi32, #tpu.memory_space<vmem>> -> memref<1x80xi32, #tpu.memory_space<vmem>>
        %dma_wait3A_163 = tpu.memref_squeeze %dma_wait3A_162 : memref<1x80xi32, #tpu.memory_space<vmem>> -> memref<80xi32, #tpu.memory_space<vmem>>
        %dma_wait3A_164 = arith.constant 0 : i32
        %dma_wait3A_165 = arith.constant 0 : i32
        %dma_wait3A_166 = tpu.memref_slice %arg2[%dma_wait3A_164, %dma_wait3A_165] : memref<10000x128xf32, #tpu.memory_space<hbm>> -> memref<10000x128xf32, #tpu.memory_space<hbm>>
        tpu.wait_indirect_dma semaphore(%arg16 : memref<!tpu.dma_semaphore, #tpu.memory_space<semaphore_mem>>) src(%dma_wait3A_166 : memref<10000x128xf32, #tpu.memory_space<hbm>>) dst(%arg8 : memref<80x128xf32, #tpu.memory_space<vmem>>)
        %dma_wait3A_167 = arith.constant 0 : i32
        %dma_wait3A_168 = arith.constant 0 : i32
        %dma_wait3A_169 = tpu.memref_slice %arg6[%dma_wait3A_167, %dma_wait3A_168] : memref<2x80xi32, #tpu.memory_space<vmem>> -> memref<1x80xi32, #tpu.memory_space<vmem>>
        %dma_wait3A_170 = tpu.memref_squeeze %dma_wait3A_169 : memref<1x80xi32, #tpu.memory_space<vmem>> -> memref<80xi32, #tpu.memory_space<vmem>>
        %dma_wait3A_171 = arith.constant 0 : i32
        %dma_wait3A_172 = arith.constant 0 : i32
        %dma_wait3A_173 = tpu.memref_slice %arg2[%dma_wait3A_171, %dma_wait3A_172] : memref<10000x128xf32, #tpu.memory_space<hbm>> -> memref<10000x128xf32, #tpu.memory_space<hbm>>
        tpu.wait_indirect_dma semaphore(%arg16 : memref<!tpu.dma_semaphore, #tpu.memory_space<semaphore_mem>>) src(%dma_wait3A_173 : memref<10000x128xf32, #tpu.memory_space<hbm>>) dst(%arg8 : memref<80x128xf32, #tpu.memory_space<vmem>>)
        %add3A_174 = arith.constant 2 : i32
        %add3A_175 = arith.addi %mul3A_153, %add3A_174 : i32
        %mul3A_176 = arith.constant 32 : i32
        %mul3A_177 = arith.muli %add3A_175, %mul3A_176 : i32
        %add3A_178 = arith.addi %add3A, %mul3A_177 : i32
        %mul3A_179 = arith.constant 80 : i32
        %mul3A_180 = arith.muli %add3A_178, %mul3A_179 : i32
        %dma_start3A_181 = arith.constant 0 : i32
        %dma_start3A_182 = arith.constant 0 : i32
        %dma_start3A_183 = tpu.memref_slice %arg6[%dma_start3A_181, %dma_start3A_182] : memref<2x80xi32, #tpu.memory_space<vmem>> -> memref<1x80xi32, #tpu.memory_space<vmem>>
        %dma_start3A_184 = tpu.memref_squeeze %dma_start3A_183 : memref<1x80xi32, #tpu.memory_space<vmem>> -> memref<80xi32, #tpu.memory_space<vmem>>
        %dma_start3A_185 = tpu.memref_slice %arg3[%mul3A_180] : memref<25600xi32, #tpu.memory_space<hbm>> -> memref<80xi32, #tpu.memory_space<hbm>>
        %dma_start3A_186 = arith.constant 0 : i32
        %dma_start3A_187 = tpu.memref_slice %arg6[%dma_start3A_181, %dma_start3A_186] : memref<2x80xi32, #tpu.memory_space<vmem>> -> memref<1x80xi32, #tpu.memory_space<vmem>>
        %dma_start3A_188 = tpu.memref_squeeze %dma_start3A_187 : memref<1x80xi32, #tpu.memory_space<vmem>> -> memref<80xi32, #tpu.memory_space<vmem>>
        %dma_start3A_189 = tpu.memref_slice %arg3[%mul3A_180] : memref<25600xi32, #tpu.memory_space<hbm>> -> memref<80xi32, #tpu.memory_space<hbm>>
        tpu.enqueue_dma source(%dma_start3A_189 : memref<80xi32, #tpu.memory_space<hbm>>) target(%dma_start3A_188 : memref<80xi32, #tpu.memory_space<vmem>>) target_semaphore(%arg14 : memref<!tpu.dma_semaphore, #tpu.memory_space<semaphore_mem>>)
        %mul3A_190 = arith.constant 32 : i32
        %mul3A_191 = arith.muli %add3A_175, %mul3A_190 : i32
        %add3A_192 = arith.addi %add3A, %mul3A_191 : i32
        %mul3A_193 = arith.constant 80 : i32
        %mul3A_194 = arith.muli %add3A_192, %mul3A_193 : i32
        %dma_start3A_195 = arith.constant 0 : i32
        %dma_start3A_196 = arith.constant 0 : i32
        %dma_start3A_197 = tpu.memref_slice %arg7[%dma_start3A_195, %dma_start3A_196] : memref<2x80xi32, #tpu.memory_space<vmem>> -> memref<1x80xi32, #tpu.memory_space<vmem>>
        %dma_start3A_198 = tpu.memref_squeeze %dma_start3A_197 : memref<1x80xi32, #tpu.memory_space<vmem>> -> memref<80xi32, #tpu.memory_space<vmem>>
        %dma_start3A_199 = tpu.memref_slice %arg4[%mul3A_194] : memref<25600xi32, #tpu.memory_space<hbm>> -> memref<80xi32, #tpu.memory_space<hbm>>
        %dma_start3A_200 = arith.constant 0 : i32
        %dma_start3A_201 = tpu.memref_slice %arg7[%dma_start3A_195, %dma_start3A_200] : memref<2x80xi32, #tpu.memory_space<vmem>> -> memref<1x80xi32, #tpu.memory_space<vmem>>
        %dma_start3A_202 = tpu.memref_squeeze %dma_start3A_201 : memref<1x80xi32, #tpu.memory_space<vmem>> -> memref<80xi32, #tpu.memory_space<vmem>>
        %dma_start3A_203 = tpu.memref_slice %arg4[%mul3A_194] : memref<25600xi32, #tpu.memory_space<hbm>> -> memref<80xi32, #tpu.memory_space<hbm>>
        tpu.enqueue_dma source(%dma_start3A_203 : memref<80xi32, #tpu.memory_space<hbm>>) target(%dma_start3A_202 : memref<80xi32, #tpu.memory_space<vmem>>) target_semaphore(%arg14 : memref<!tpu.dma_semaphore, #tpu.memory_space<semaphore_mem>>)
        %add3A_204 = arith.constant 0 : i32
        %add3A_205 = arith.addi %add3A, %add3A_204 : i32
        %mul3A_206 = arith.constant 80 : i32
        %mul3A_207 = arith.muli %add3A_205, %mul3A_206 : i32
        %dma_wait3A_208 = arith.constant 0 : i32
        %dma_wait3A_209 = arith.constant 0 : i32
        %dma_wait3A_210 = tpu.memref_slice %arg6[%dma_wait3A_208, %dma_wait3A_209] : memref<2x80xi32, #tpu.memory_space<vmem>> -> memref<1x80xi32, #tpu.memory_space<vmem>>
        %dma_wait3A_211 = tpu.memref_squeeze %dma_wait3A_210 : memref<1x80xi32, #tpu.memory_space<vmem>> -> memref<80xi32, #tpu.memory_space<vmem>>
        %dma_wait3A_212 = tpu.memref_slice %arg3[%mul3A_207] : memref<25600xi32, #tpu.memory_space<hbm>> -> memref<80xi32, #tpu.memory_space<hbm>>
        %dma_wait3A_213 = arith.constant 0 : i32
        %dma_wait3A_214 = tpu.memref_slice %arg6[%dma_wait3A_208, %dma_wait3A_213] : memref<2x80xi32, #tpu.memory_space<vmem>> -> memref<1x80xi32, #tpu.memory_space<vmem>>
        %dma_wait3A_215 = tpu.memref_squeeze %dma_wait3A_214 : memref<1x80xi32, #tpu.memory_space<vmem>> -> memref<80xi32, #tpu.memory_space<vmem>>
        %dma_wait3A_216 = tpu.memref_slice %arg3[%mul3A_207] : memref<25600xi32, #tpu.memory_space<hbm>> -> memref<80xi32, #tpu.memory_space<hbm>>
        tpu.wait_dma2 semaphore(%arg15 : memref<!tpu.dma_semaphore, #tpu.memory_space<semaphore_mem>>) src(%dma_wait3A_216 : memref<80xi32, #tpu.memory_space<hbm>>) dst(%dma_wait3A_215 : memref<80xi32, #tpu.memory_space<vmem>>)
        %add3A_217 = arith.constant 0 : i32
        %add3A_218 = arith.addi %add3A, %add3A_217 : i32
        %mul3A_219 = arith.constant 80 : i32
        %mul3A_220 = arith.muli %add3A_218, %mul3A_219 : i32
        %dma_wait3A_221 = arith.constant 0 : i32
        %dma_wait3A_222 = arith.constant 0 : i32
        %dma_wait3A_223 = tpu.memref_slice %arg6[%dma_wait3A_221, %dma_wait3A_222] : memref<2x80xi32, #tpu.memory_space<vmem>> -> memref<1x80xi32, #tpu.memory_space<vmem>>
        %dma_wait3A_224 = tpu.memref_squeeze %dma_wait3A_223 : memref<1x80xi32, #tpu.memory_space<vmem>> -> memref<80xi32, #tpu.memory_space<vmem>>
        %dma_wait3A_225 = tpu.memref_slice %arg3[%mul3A_220] : memref<25600xi32, #tpu.memory_space<hbm>> -> memref<80xi32, #tpu.memory_space<hbm>>
        %dma_wait3A_226 = arith.constant 0 : i32
        %dma_wait3A_227 = tpu.memref_slice %arg6[%dma_wait3A_221, %dma_wait3A_226] : memref<2x80xi32, #tpu.memory_space<vmem>> -> memref<1x80xi32, #tpu.memory_space<vmem>>
        %dma_wait3A_228 = tpu.memref_squeeze %dma_wait3A_227 : memref<1x80xi32, #tpu.memory_space<vmem>> -> memref<80xi32, #tpu.memory_space<vmem>>
        %dma_wait3A_229 = tpu.memref_slice %arg3[%mul3A_220] : memref<25600xi32, #tpu.memory_space<hbm>> -> memref<80xi32, #tpu.memory_space<hbm>>
        tpu.wait_dma2 semaphore(%arg15 : memref<!tpu.dma_semaphore, #tpu.memory_space<semaphore_mem>>) src(%dma_wait3A_229 : memref<80xi32, #tpu.memory_space<hbm>>) dst(%dma_wait3A_228 : memref<80xi32, #tpu.memory_space<vmem>>)
        %dma_start3A_230 = arith.constant 1 : i32
        %dma_start3A_231 = arith.constant 0 : i32
        %dma_start3A_232 = tpu.memref_slice %arg6[%dma_start3A_230, %dma_start3A_231] : memref<2x80xi32, #tpu.memory_space<vmem>> -> memref<1x80xi32, #tpu.memory_space<vmem>>
        %dma_start3A_233 = tpu.memref_squeeze %dma_start3A_232 : memref<1x80xi32, #tpu.memory_space<vmem>> -> memref<80xi32, #tpu.memory_space<vmem>>
        %dma_start3A_234 = arith.constant 0 : i32
        %dma_start3A_235 = arith.constant 0 : i32
        %dma_start3A_236 = tpu.memref_slice %arg2[%dma_start3A_234, %dma_start3A_235] : memref<10000x128xf32, #tpu.memory_space<hbm>> -> memref<10000x128xf32, #tpu.memory_space<hbm>>
        tpu.enqueue_indirect_dma source(%dma_start3A_236 : memref<10000x128xf32, #tpu.memory_space<hbm>>) target(%arg9 : memref<80x128xf32, #tpu.memory_space<vmem>>) offsets(%dma_start3A_233 : memref<80xi32, #tpu.memory_space<vmem>>) semaphore(%arg17 : memref<!tpu.dma_semaphore, #tpu.memory_space<semaphore_mem>>)
        %dma_start3A_237 = arith.constant 1 : i32
        %dma_start3A_238 = arith.constant 0 : i32
        %dma_start3A_239 = tpu.memref_slice %arg7[%dma_start3A_237, %dma_start3A_238] : memref<2x80xi32, #tpu.memory_space<vmem>> -> memref<1x80xi32, #tpu.memory_space<vmem>>
        %dma_start3A_240 = tpu.memref_squeeze %dma_start3A_239 : memref<1x80xi32, #tpu.memory_space<vmem>> -> memref<80xi32, #tpu.memory_space<vmem>>
        %dma_start3A_241 = arith.constant 0 : i32
        %dma_start3A_242 = arith.constant 0 : i32
        %dma_start3A_243 = tpu.memref_slice %arg2[%dma_start3A_241, %dma_start3A_242] : memref<10000x128xf32, #tpu.memory_space<hbm>> -> memref<10000x128xf32, #tpu.memory_space<hbm>>
        tpu.enqueue_indirect_dma source(%dma_start3A_243 : memref<10000x128xf32, #tpu.memory_space<hbm>>) target(%arg11 : memref<80x128xf32, #tpu.memory_space<vmem>>) offsets(%dma_start3A_240 : memref<80xi32, #tpu.memory_space<vmem>>) semaphore(%arg17 : memref<!tpu.dma_semaphore, #tpu.memory_space<semaphore_mem>>)
        %add3A_244 = arith.constant 0 : i32
        %add3A_245 = arith.addi %add3A, %add3A_244 : i32
        %mul3A_246 = arith.constant 80 : i32
        %mul3A_247 = arith.muli %add3A_245, %mul3A_246 : i32
        %dma_wait3A_248 = arith.constant 0 : i32
        %dma_wait3A_249 = tpu.memref_slice %arg5[%mul3A_247, %dma_wait3A_248] : memref<20480x128xf32, #tpu.memory_space<hbm>> -> memref<80x128xf32, #tpu.memory_space<hbm>>
        %dma_wait3A_250 = arith.constant 0 : i32
        %dma_wait3A_251 = tpu.memref_slice %arg5[%mul3A_247, %dma_wait3A_250] : memref<20480x128xf32, #tpu.memory_space<hbm>> -> memref<80x128xf32, #tpu.memory_space<hbm>>
        tpu.wait_dma2 semaphore(%arg18 : memref<!tpu.dma_semaphore, #tpu.memory_space<semaphore_mem>>) src(%arg12 : memref<80x128xf32, #tpu.memory_space<vmem>>) dst(%dma_wait3A_251 : memref<80x128xf32, #tpu.memory_space<hbm>>)
        %scan3A_252 = arith.constant 0 : i32
        %scan3A_253 = arith.constant 80 : i32
        %scan3A_254 = arith.addi %scan3A_252, %scan3A_253 : i32
        %scan3A_255 = arith.constant 1 : i32
        scf.for %scan3A_374 = %scan3A_252 to %scan3A_254 step %scan3A_255  : i32 {
          %get3A = arith.index_cast %scan3A_374 : i32 to index
          %get3A_375 = arith.constant 0 : index
          %get3A_376 = tpu.vector_load %arg8[%get3A, %get3A_375] {strides = array<i32>} : memref<80x128xf32, #tpu.memory_space<vmem>>, vector<1x16xf32>,
          %get3A_377 = vector.shape_cast %get3A_376 : vector<1x16xf32> to vector<16xf32>
          %get3A_378 = arith.index_cast %scan3A_374 : i32 to index
          %get3A_379 = arith.constant 0 : index
          %get3A_380 = tpu.vector_load %arg10[%get3A_378, %get3A_379] {strides = array<i32>} : memref<80x128xf32, #tpu.memory_space<vmem>>, vector<1x16xf32>,
          %get3A_381 = vector.shape_cast %get3A_380 : vector<1x16xf32> to vector<16xf32>
          %mul3A_382 = arith.mulf %get3A_377, %get3A_381 : vector<16xf32>
          %swap3A = arith.index_cast %scan3A_374 : i32 to index
          %swap3A_383 = arith.constant 0 : index
          %swap3A_384 = tpu.vector_load %arg12[%swap3A, %swap3A_383] {strides = array<i32>} : memref<80x128xf32, #tpu.memory_space<vmem>>, vector<1x16xf32>,
          %swap3A_385 = vector.shape_cast %swap3A_384 : vector<1x16xf32> to vector<16xf32>
          %swap3A_386 = vector.shape_cast %mul3A_382 : vector<16xf32> to vector<1x16xf32>
          tpu.vector_store %arg12[%swap3A, %swap3A_383], %swap3A_386 {strides = array<i32>} : memref<80x128xf32, #tpu.memory_space<vmem>>, vector<1x16xf32>,
          %get3A_387 = arith.index_cast %scan3A_374 : i32 to index
          %get3A_388 = arith.constant 16 : index
          %get3A_389 = tpu.vector_load %arg8[%get3A_387, %get3A_388] {strides = array<i32>} : memref<80x128xf32, #tpu.memory_space<vmem>>, vector<1x16xf32>,
          %get3A_390 = vector.shape_cast %get3A_389 : vector<1x16xf32> to vector<16xf32>
          %get3A_391 = arith.index_cast %scan3A_374 : i32 to index
          %get3A_392 = arith.constant 16 : index
          %get3A_393 = tpu.vector_load %arg10[%get3A_391, %get3A_392] {strides = array<i32>} : memref<80x128xf32, #tpu.memory_space<vmem>>, vector<1x16xf32>,
          %get3A_394 = vector.shape_cast %get3A_393 : vector<1x16xf32> to vector<16xf32>
          %mul3A_395 = arith.mulf %get3A_390, %get3A_394 : vector<16xf32>
          %swap3A_396 = arith.index_cast %scan3A_374 : i32 to index
          %swap3A_397 = arith.constant 16 : index
          %swap3A_398 = tpu.vector_load %arg12[%swap3A_396, %swap3A_397] {strides = array<i32>} : memref<80x128xf32, #tpu.memory_space<vmem>>, vector<1x16xf32>,
          %swap3A_399 = vector.shape_cast %swap3A_398 : vector<1x16xf32> to vector<16xf32>
          %swap3A_400 = vector.shape_cast %mul3A_395 : vector<16xf32> to vector<1x16xf32>
          tpu.vector_store %arg12[%swap3A_396, %swap3A_397], %swap3A_400 {strides = array<i32>} : memref<80x128xf32, #tpu.memory_space<vmem>>, vector<1x16xf32>,
          %get3A_401 = arith.index_cast %scan3A_374 : i32 to index
          %get3A_402 = arith.constant 32 : index
          %get3A_403 = tpu.vector_load %arg8[%get3A_401, %get3A_402] {strides = array<i32>} : memref<80x128xf32, #tpu.memory_space<vmem>>, vector<1x16xf32>,
          %get3A_404 = vector.shape_cast %get3A_403 : vector<1x16xf32> to vector<16xf32>
          %get3A_405 = arith.index_cast %scan3A_374 : i32 to index
          %get3A_406 = arith.constant 32 : index
          %get3A_407 = tpu.vector_load %arg10[%get3A_405, %get3A_406] {strides = array<i32>} : memref<80x128xf32, #tpu.memory_space<vmem>>, vector<1x16xf32>,
          %get3A_408 = vector.shape_cast %get3A_407 : vector<1x16xf32> to vector<16xf32>
          %mul3A_409 = arith.mulf %get3A_404, %get3A_408 : vector<16xf32>
          %swap3A_410 = arith.index_cast %scan3A_374 : i32 to index
          %swap3A_411 = arith.constant 32 : index
          %swap3A_412 = tpu.vector_load %arg12[%swap3A_410, %swap3A_411] {strides = array<i32>} : memref<80x128xf32, #tpu.memory_space<vmem>>, vector<1x16xf32>,
          %swap3A_413 = vector.shape_cast %swap3A_412 : vector<1x16xf32> to vector<16xf32>
          %swap3A_414 = vector.shape_cast %mul3A_409 : vector<16xf32> to vector<1x16xf32>
          tpu.vector_store %arg12[%swap3A_410, %swap3A_411], %swap3A_414 {strides = array<i32>} : memref<80x128xf32, #tpu.memory_space<vmem>>, vector<1x16xf32>,
          %get3A_415 = arith.index_cast %scan3A_374 : i32 to index
          %get3A_416 = arith.constant 48 : index
          %get3A_417 = tpu.vector_load %arg8[%get3A_415, %get3A_416] {strides = array<i32>} : memref<80x128xf32, #tpu.memory_space<vmem>>, vector<1x16xf32>,
          %get3A_418 = vector.shape_cast %get3A_417 : vector<1x16xf32> to vector<16xf32>
          %get3A_419 = arith.index_cast %scan3A_374 : i32 to index
          %get3A_420 = arith.constant 48 : index
          %get3A_421 = tpu.vector_load %arg10[%get3A_419, %get3A_420] {strides = array<i32>} : memref<80x128xf32, #tpu.memory_space<vmem>>, vector<1x16xf32>,
          %get3A_422 = vector.shape_cast %get3A_421 : vector<1x16xf32> to vector<16xf32>
          %mul3A_423 = arith.mulf %get3A_418, %get3A_422 : vector<16xf32>
          %swap3A_424 = arith.index_cast %scan3A_374 : i32 to index
          %swap3A_425 = arith.constant 48 : index
          %swap3A_426 = tpu.vector_load %arg12[%swap3A_424, %swap3A_425] {strides = array<i32>} : memref<80x128xf32, #tpu.memory_space<vmem>>, vector<1x16xf32>,
          %swap3A_427 = vector.shape_cast %swap3A_426 : vector<1x16xf32> to vector<16xf32>
          %swap3A_428 = vector.shape_cast %mul3A_423 : vector<16xf32> to vector<1x16xf32>
          tpu.vector_store %arg12[%swap3A_424, %swap3A_425], %swap3A_428 {strides = array<i32>} : memref<80x128xf32, #tpu.memory_space<vmem>>, vector<1x16xf32>,
          %get3A_429 = arith.index_cast %scan3A_374 : i32 to index
          %get3A_430 = arith.constant 64 : index
          %get3A_431 = tpu.vector_load %arg8[%get3A_429, %get3A_430] {strides = array<i32>} : memref<80x128xf32, #tpu.memory_space<vmem>>, vector<1x16xf32>,
          %get3A_432 = vector.shape_cast %get3A_431 : vector<1x16xf32> to vector<16xf32>
          %get3A_433 = arith.index_cast %scan3A_374 : i32 to index
          %get3A_434 = arith.constant 64 : index
          %get3A_435 = tpu.vector_load %arg10[%get3A_433, %get3A_434] {strides = array<i32>} : memref<80x128xf32, #tpu.memory_space<vmem>>, vector<1x16xf32>,
          %get3A_436 = vector.shape_cast %get3A_435 : vector<1x16xf32> to vector<16xf32>
          %mul3A_437 = arith.mulf %get3A_432, %get3A_436 : vector<16xf32>
          %swap3A_438 = arith.index_cast %scan3A_374 : i32 to index
          %swap3A_439 = arith.constant 64 : index
          %swap3A_440 = tpu.vector_load %arg12[%swap3A_438, %swap3A_439] {strides = array<i32>} : memref<80x128xf32, #tpu.memory_space<vmem>>, vector<1x16xf32>,
          %swap3A_441 = vector.shape_cast %swap3A_440 : vector<1x16xf32> to vector<16xf32>
          %swap3A_442 = vector.shape_cast %mul3A_437 : vector<16xf32> to vector<1x16xf32>
          tpu.vector_store %arg12[%swap3A_438, %swap3A_439], %swap3A_442 {strides = array<i32>} : memref<80x128xf32, #tpu.memory_space<vmem>>, vector<1x16xf32>,
          %get3A_443 = arith.index_cast %scan3A_374 : i32 to index
          %get3A_444 = arith.constant 80 : index
          %get3A_445 = tpu.vector_load %arg8[%get3A_443, %get3A_444] {strides = array<i32>} : memref<80x128xf32, #tpu.memory_space<vmem>>, vector<1x16xf32>,
          %get3A_446 = vector.shape_cast %get3A_445 : vector<1x16xf32> to vector<16xf32>
          %get3A_447 = arith.index_cast %scan3A_374 : i32 to index
          %get3A_448 = arith.constant 80 : index
          %get3A_449 = tpu.vector_load %arg10[%get3A_447, %get3A_448] {strides = array<i32>} : memref<80x128xf32, #tpu.memory_space<vmem>>, vector<1x16xf32>,
          %get3A_450 = vector.shape_cast %get3A_449 : vector<1x16xf32> to vector<16xf32>
          %mul3A_451 = arith.mulf %get3A_446, %get3A_450 : vector<16xf32>
          %swap3A_452 = arith.index_cast %scan3A_374 : i32 to index
          %swap3A_453 = arith.constant 80 : index
          %swap3A_454 = tpu.vector_load %arg12[%swap3A_452, %swap3A_453] {strides = array<i32>} : memref<80x128xf32, #tpu.memory_space<vmem>>, vector<1x16xf32>,
          %swap3A_455 = vector.shape_cast %swap3A_454 : vector<1x16xf32> to vector<16xf32>
          %swap3A_456 = vector.shape_cast %mul3A_451 : vector<16xf32> to vector<1x16xf32>
          tpu.vector_store %arg12[%swap3A_452, %swap3A_453], %swap3A_456 {strides = array<i32>} : memref<80x128xf32, #tpu.memory_space<vmem>>, vector<1x16xf32>,
          %get3A_457 = arith.index_cast %scan3A_374 : i32 to index
          %get3A_458 = arith.constant 96 : index
          %get3A_459 = tpu.vector_load %arg8[%get3A_457, %get3A_458] {strides = array<i32>} : memref<80x128xf32, #tpu.memory_space<vmem>>, vector<1x16xf32>,
          %get3A_460 = vector.shape_cast %get3A_459 : vector<1x16xf32> to vector<16xf32>
          %get3A_461 = arith.index_cast %scan3A_374 : i32 to index
          %get3A_462 = arith.constant 96 : index
          %get3A_463 = tpu.vector_load %arg10[%get3A_461, %get3A_462] {strides = array<i32>} : memref<80x128xf32, #tpu.memory_space<vmem>>, vector<1x16xf32>,
          %get3A_464 = vector.shape_cast %get3A_463 : vector<1x16xf32> to vector<16xf32>
          %mul3A_465 = arith.mulf %get3A_460, %get3A_464 : vector<16xf32>
          %swap3A_466 = arith.index_cast %scan3A_374 : i32 to index
          %swap3A_467 = arith.constant 96 : index
          %swap3A_468 = tpu.vector_load %arg12[%swap3A_466, %swap3A_467] {strides = array<i32>} : memref<80x128xf32, #tpu.memory_space<vmem>>, vector<1x16xf32>,
          %swap3A_469 = vector.shape_cast %swap3A_468 : vector<1x16xf32> to vector<16xf32>
          %swap3A_470 = vector.shape_cast %mul3A_465 : vector<16xf32> to vector<1x16xf32>
          tpu.vector_store %arg12[%swap3A_466, %swap3A_467], %swap3A_470 {strides = array<i32>} : memref<80x128xf32, #tpu.memory_space<vmem>>, vector<1x16xf32>,
          %get3A_471 = arith.index_cast %scan3A_374 : i32 to index
          %get3A_472 = arith.constant 112 : index
          %get3A_473 = tpu.vector_load %arg8[%get3A_471, %get3A_472] {strides = array<i32>} : memref<80x128xf32, #tpu.memory_space<vmem>>, vector<1x16xf32>,
          %get3A_474 = vector.shape_cast %get3A_473 : vector<1x16xf32> to vector<16xf32>
          %get3A_475 = arith.index_cast %scan3A_374 : i32 to index
          %get3A_476 = arith.constant 112 : index
          %get3A_477 = tpu.vector_load %arg10[%get3A_475, %get3A_476] {strides = array<i32>} : memref<80x128xf32, #tpu.memory_space<vmem>>, vector<1x16xf32>,
          %get3A_478 = vector.shape_cast %get3A_477 : vector<1x16xf32> to vector<16xf32>
          %mul3A_479 = arith.mulf %get3A_474, %get3A_478 : vector<16xf32>
          %swap3A_480 = arith.index_cast %scan3A_374 : i32 to index
          %swap3A_481 = arith.constant 112 : index
          %swap3A_482 = tpu.vector_load %arg12[%swap3A_480, %swap3A_481] {strides = array<i32>} : memref<80x128xf32, #tpu.memory_space<vmem>>, vector<1x16xf32>,
          %swap3A_483 = vector.shape_cast %swap3A_482 : vector<1x16xf32> to vector<16xf32>
          %swap3A_484 = vector.shape_cast %mul3A_479 : vector<16xf32> to vector<1x16xf32>
          tpu.vector_store %arg12[%swap3A_480, %swap3A_481], %swap3A_484 {strides = array<i32>} : memref<80x128xf32, #tpu.memory_space<vmem>>, vector<1x16xf32>,
        }
        %scan3A_256 = arith.constant 80 : i32
        %mul3A_257 = arith.constant 32 : i32
        %mul3A_258 = arith.muli %mul3A_153, %mul3A_257 : i32
        %add3A_259 = arith.addi %add3A, %mul3A_258 : i32
        %mul3A_260 = arith.constant 80 : i32
        %mul3A_261 = arith.muli %add3A_259, %mul3A_260 : i32
        %dma_start3A_262 = arith.constant 0 : i32
        %dma_start3A_263 = tpu.memref_slice %arg5[%mul3A_261, %dma_start3A_262] : memref<20480x128xf32, #tpu.memory_space<hbm>> -> memref<80x128xf32, #tpu.memory_space<hbm>>
        %dma_start3A_264 = arith.constant 0 : i32
        %dma_start3A_265 = tpu.memref_slice %arg5[%mul3A_261, %dma_start3A_264] : memref<20480x128xf32, #tpu.memory_space<hbm>> -> memref<80x128xf32, #tpu.memory_space<hbm>>
        tpu.enqueue_dma source(%arg12 : memref<80x128xf32, #tpu.memory_space<vmem>>) target(%dma_start3A_265 : memref<80x128xf32, #tpu.memory_space<hbm>>) target_semaphore(%arg18 : memref<!tpu.dma_semaphore, #tpu.memory_space<semaphore_mem>>)
        %add3A_266 = arith.constant 1 : i32
        %add3A_267 = arith.addi %mul3A_153, %add3A_266 : i32
        %dma_wait3A_268 = arith.constant 0 : i32
        %dma_wait3A_269 = arith.constant 0 : i32
        %dma_wait3A_270 = tpu.memref_slice %arg6[%dma_wait3A_268, %dma_wait3A_269] : memref<2x80xi32, #tpu.memory_space<vmem>> -> memref<1x80xi32, #tpu.memory_space<vmem>>
        %dma_wait3A_271 = tpu.memref_squeeze %dma_wait3A_270 : memref<1x80xi32, #tpu.memory_space<vmem>> -> memref<80xi32, #tpu.memory_space<vmem>>
        %dma_wait3A_272 = arith.constant 0 : i32
        %dma_wait3A_273 = arith.constant 0 : i32
        %dma_wait3A_274 = tpu.memref_slice %arg2[%dma_wait3A_272, %dma_wait3A_273] : memref<10000x128xf32, #tpu.memory_space<hbm>> -> memref<10000x128xf32, #tpu.memory_space<hbm>>
        tpu.wait_indirect_dma semaphore(%arg17 : memref<!tpu.dma_semaphore, #tpu.memory_space<semaphore_mem>>) src(%dma_wait3A_274 : memref<10000x128xf32, #tpu.memory_space<hbm>>) dst(%arg8 : memref<80x128xf32, #tpu.memory_space<vmem>>)
        %dma_wait3A_275 = arith.constant 0 : i32
        %dma_wait3A_276 = arith.constant 0 : i32
        %dma_wait3A_277 = tpu.memref_slice %arg6[%dma_wait3A_275, %dma_wait3A_276] : memref<2x80xi32, #tpu.memory_space<vmem>> -> memref<1x80xi32, #tpu.memory_space<vmem>>
        %dma_wait3A_278 = tpu.memref_squeeze %dma_wait3A_277 : memref<1x80xi32, #tpu.memory_space<vmem>> -> memref<80xi32, #tpu.memory_space<vmem>>
        %dma_wait3A_279 = arith.constant 0 : i32
        %dma_wait3A_280 = arith.constant 0 : i32
        %dma_wait3A_281 = tpu.memref_slice %arg2[%dma_wait3A_279, %dma_wait3A_280] : memref<10000x128xf32, #tpu.memory_space<hbm>> -> memref<10000x128xf32, #tpu.memory_space<hbm>>
        tpu.wait_indirect_dma semaphore(%arg17 : memref<!tpu.dma_semaphore, #tpu.memory_space<semaphore_mem>>) src(%dma_wait3A_281 : memref<10000x128xf32, #tpu.memory_space<hbm>>) dst(%arg8 : memref<80x128xf32, #tpu.memory_space<vmem>>)
        %add3A_282 = arith.constant 2 : i32
        %add3A_283 = arith.addi %add3A_267, %add3A_282 : i32
        %mul3A_284 = arith.constant 32 : i32
        %mul3A_285 = arith.muli %add3A_283, %mul3A_284 : i32
        %add3A_286 = arith.addi %add3A, %mul3A_285 : i32
        %mul3A_287 = arith.constant 80 : i32
        %mul3A_288 = arith.muli %add3A_286, %mul3A_287 : i32
        %dma_start3A_289 = arith.constant 1 : i32
        %dma_start3A_290 = arith.constant 0 : i32
        %dma_start3A_291 = tpu.memref_slice %arg6[%dma_start3A_289, %dma_start3A_290] : memref<2x80xi32, #tpu.memory_space<vmem>> -> memref<1x80xi32, #tpu.memory_space<vmem>>
        %dma_start3A_292 = tpu.memref_squeeze %dma_start3A_291 : memref<1x80xi32, #tpu.memory_space<vmem>> -> memref<80xi32, #tpu.memory_space<vmem>>
        %dma_start3A_293 = tpu.memref_slice %arg3[%mul3A_288] : memref<25600xi32, #tpu.memory_space<hbm>> -> memref<80xi32, #tpu.memory_space<hbm>>
        %dma_start3A_294 = arith.constant 0 : i32
        %dma_start3A_295 = tpu.memref_slice %arg6[%dma_start3A_289, %dma_start3A_294] : memref<2x80xi32, #tpu.memory_space<vmem>> -> memref<1x80xi32, #tpu.memory_space<vmem>>
        %dma_start3A_296 = tpu.memref_squeeze %dma_start3A_295 : memref<1x80xi32, #tpu.memory_space<vmem>> -> memref<80xi32, #tpu.memory_space<vmem>>
        %dma_start3A_297 = tpu.memref_slice %arg3[%mul3A_288] : memref<25600xi32, #tpu.memory_space<hbm>> -> memref<80xi32, #tpu.memory_space<hbm>>
        tpu.enqueue_dma source(%dma_start3A_297 : memref<80xi32, #tpu.memory_space<hbm>>) target(%dma_start3A_296 : memref<80xi32, #tpu.memory_space<vmem>>) target_semaphore(%arg15 : memref<!tpu.dma_semaphore, #tpu.memory_space<semaphore_mem>>)
        %mul3A_298 = arith.constant 32 : i32
        %mul3A_299 = arith.muli %add3A_283, %mul3A_298 : i32
        %add3A_300 = arith.addi %add3A, %mul3A_299 : i32
        %mul3A_301 = arith.constant 80 : i32
        %mul3A_302 = arith.muli %add3A_300, %mul3A_301 : i32
        %dma_start3A_303 = arith.constant 1 : i32
        %dma_start3A_304 = arith.constant 0 : i32
        %dma_start3A_305 = tpu.memref_slice %arg7[%dma_start3A_303, %dma_start3A_304] : memref<2x80xi32, #tpu.memory_space<vmem>> -> memref<1x80xi32, #tpu.memory_space<vmem>>
        %dma_start3A_306 = tpu.memref_squeeze %dma_start3A_305 : memref<1x80xi32, #tpu.memory_space<vmem>> -> memref<80xi32, #tpu.memory_space<vmem>>
        %dma_start3A_307 = tpu.memref_slice %arg4[%mul3A_302] : memref<25600xi32, #tpu.memory_space<hbm>> -> memref<80xi32, #tpu.memory_space<hbm>>
        %dma_start3A_308 = arith.constant 0 : i32
        %dma_start3A_309 = tpu.memref_slice %arg7[%dma_start3A_303, %dma_start3A_308] : memref<2x80xi32, #tpu.memory_space<vmem>> -> memref<1x80xi32, #tpu.memory_space<vmem>>
        %dma_start3A_310 = tpu.memref_squeeze %dma_start3A_309 : memref<1x80xi32, #tpu.memory_space<vmem>> -> memref<80xi32, #tpu.memory_space<vmem>>
        %dma_start3A_311 = tpu.memref_slice %arg4[%mul3A_302] : memref<25600xi32, #tpu.memory_space<hbm>> -> memref<80xi32, #tpu.memory_space<hbm>>
        tpu.enqueue_dma source(%dma_start3A_311 : memref<80xi32, #tpu.memory_space<hbm>>) target(%dma_start3A_310 : memref<80xi32, #tpu.memory_space<vmem>>) target_semaphore(%arg15 : memref<!tpu.dma_semaphore, #tpu.memory_space<semaphore_mem>>)
        %add3A_312 = arith.constant 0 : i32
        %add3A_313 = arith.addi %add3A, %add3A_312 : i32
        %mul3A_314 = arith.constant 80 : i32
        %mul3A_315 = arith.muli %add3A_313, %mul3A_314 : i32
        %dma_wait3A_316 = arith.constant 0 : i32
        %dma_wait3A_317 = arith.constant 0 : i32
        %dma_wait3A_318 = tpu.memref_slice %arg6[%dma_wait3A_316, %dma_wait3A_317] : memref<2x80xi32, #tpu.memory_space<vmem>> -> memref<1x80xi32, #tpu.memory_space<vmem>>
        %dma_wait3A_319 = tpu.memref_squeeze %dma_wait3A_318 : memref<1x80xi32, #tpu.memory_space<vmem>> -> memref<80xi32, #tpu.memory_space<vmem>>
        %dma_wait3A_320 = tpu.memref_slice %arg3[%mul3A_315] : memref<25600xi32, #tpu.memory_space<hbm>> -> memref<80xi32, #tpu.memory_space<hbm>>
        %dma_wait3A_321 = arith.constant 0 : i32
        %dma_wait3A_322 = tpu.memref_slice %arg6[%dma_wait3A_316, %dma_wait3A_321] : memref<2x80xi32, #tpu.memory_space<vmem>> -> memref<1x80xi32, #tpu.memory_space<vmem>>
        %dma_wait3A_323 = tpu.memref_squeeze %dma_wait3A_322 : memref<1x80xi32, #tpu.memory_space<vmem>> -> memref<80xi32, #tpu.memory_space<vmem>>
        %dma_wait3A_324 = tpu.memref_slice %arg3[%mul3A_315] : memref<25600xi32, #tpu.memory_space<hbm>> -> memref<80xi32, #tpu.memory_space<hbm>>
        tpu.wait_dma2 semaphore(%arg14 : memref<!tpu.dma_semaphore, #tpu.memory_space<semaphore_mem>>) src(%dma_wait3A_324 : memref<80xi32, #tpu.memory_space<hbm>>) dst(%dma_wait3A_323 : memref<80xi32, #tpu.memory_space<vmem>>)
        %add3A_325 = arith.constant 0 : i32
        %add3A_326 = arith.addi %add3A, %add3A_325 : i32
        %mul3A_327 = arith.constant 80 : i32
        %mul3A_328 = arith.muli %add3A_326, %mul3A_327 : i32
        %dma_wait3A_329 = arith.constant 0 : i32
        %dma_wait3A_330 = arith.constant 0 : i32
        %dma_wait3A_331 = tpu.memref_slice %arg6[%dma_wait3A_329, %dma_wait3A_330] : memref<2x80xi32, #tpu.memory_space<vmem>> -> memref<1x80xi32, #tpu.memory_space<vmem>>
        %dma_wait3A_332 = tpu.memref_squeeze %dma_wait3A_331 : memref<1x80xi32, #tpu.memory_space<vmem>> -> memref<80xi32, #tpu.memory_space<vmem>>
        %dma_wait3A_333 = tpu.memref_slice %arg3[%mul3A_328] : memref<25600xi32, #tpu.memory_space<hbm>> -> memref<80xi32, #tpu.memory_space<hbm>>
        %dma_wait3A_334 = arith.constant 0 : i32
        %dma_wait3A_335 = tpu.memref_slice %arg6[%dma_wait3A_329, %dma_wait3A_334] : memref<2x80xi32, #tpu.memory_space<vmem>> -> memref<1x80xi32, #tpu.memory_space<vmem>>
        %dma_wait3A_336 = tpu.memref_squeeze %dma_wait3A_335 : memref<1x80xi32, #tpu.memory_space<vmem>> -> memref<80xi32, #tpu.memory_space<vmem>>
        %dma_wait3A_337 = tpu.memref_slice %arg3[%mul3A_328] : memref<25600xi32, #tpu.memory_space<hbm>> -> memref<80xi32, #tpu.memory_space<hbm>>
        tpu.wait_dma2 semaphore(%arg14 : memref<!tpu.dma_semaphore, #tpu.memory_space<semaphore_mem>>) src(%dma_wait3A_337 : memref<80xi32, #tpu.memory_space<hbm>>) dst(%dma_wait3A_336 : memref<80xi32, #tpu.memory_space<vmem>>)
        %dma_start3A_338 = arith.constant 0 : i32
        %dma_start3A_339 = arith.constant 0 : i32
        %dma_start3A_340 = tpu.memref_slice %arg6[%dma_start3A_338, %dma_start3A_339] : memref<2x80xi32, #tpu.memory_space<vmem>> -> memref<1x80xi32, #tpu.memory_space<vmem>>
        %dma_start3A_341 = tpu.memref_squeeze %dma_start3A_340 : memref<1x80xi32, #tpu.memory_space<vmem>> -> memref<80xi32, #tpu.memory_space<vmem>>
        %dma_start3A_342 = arith.constant 0 : i32
        %dma_start3A_343 = arith.constant 0 : i32
        %dma_start3A_344 = tpu.memref_slice %arg2[%dma_start3A_342, %dma_start3A_343] : memref<10000x128xf32, #tpu.memory_space<hbm>> -> memref<10000x128xf32, #tpu.memory_space<hbm>>
        tpu.enqueue_indirect_dma source(%dma_start3A_344 : memref<10000x128xf32, #tpu.memory_space<hbm>>) target(%arg8 : memref<80x128xf32, #tpu.memory_space<vmem>>) offsets(%dma_start3A_341 : memref<80xi32, #tpu.memory_space<vmem>>) semaphore(%arg16 : memref<!tpu.dma_semaphore, #tpu.memory_space<semaphore_mem>>)
        %dma_start3A_345 = arith.constant 0 : i32
        %dma_start3A_346 = arith.constant 0 : i32
        %dma_start3A_347 = tpu.memref_slice %arg7[%dma_start3A_345, %dma_start3A_346] : memref<2x80xi32, #tpu.memory_space<vmem>> -> memref<1x80xi32, #tpu.memory_space<vmem>>
        %dma_start3A_348 = tpu.memref_squeeze %dma_start3A_347 : memref<1x80xi32, #tpu.memory_space<vmem>> -> memref<80xi32, #tpu.memory_space<vmem>>
        %dma_start3A_349 = arith.constant 0 : i32
        %dma_start3A_350 = arith.constant 0 : i32
        %dma_start3A_351 = tpu.memref_slice %arg2[%dma_start3A_349, %dma_start3A_350] : memref<10000x128xf32, #tpu.memory_space<hbm>> -> memref<10000x128xf32, #tpu.memory_space<hbm>>
        tpu.enqueue_indirect_dma source(%dma_start3A_351 : memref<10000x128xf32, #tpu.memory_space<hbm>>) target(%arg10 : memref<80x128xf32, #tpu.memory_space<vmem>>) offsets(%dma_start3A_348 : memref<80xi32, #tpu.memory_space<vmem>>) semaphore(%arg16 : memref<!tpu.dma_semaphore, #tpu.memory_space<semaphore_mem>>)
        %add3A_352 = arith.constant 0 : i32
        %add3A_353 = arith.addi %add3A, %add3A_352 : i32
        %mul3A_354 = arith.constant 80 : i32
        %mul3A_355 = arith.muli %add3A_353, %mul3A_354 : i32
        %dma_wait3A_356 = arith.constant 0 : i32
        %dma_wait3A_357 = tpu.memref_slice %arg5[%mul3A_355, %dma_wait3A_356] : memref<20480x128xf32, #tpu.memory_space<hbm>> -> memref<80x128xf32, #tpu.memory_space<hbm>>
        %dma_wait3A_358 = arith.constant 0 : i32
        %dma_wait3A_359 = tpu.memref_slice %arg5[%mul3A_355, %dma_wait3A_358] : memref<20480x128xf32, #tpu.memory_space<hbm>> -> memref<80x128xf32, #tpu.memory_space<hbm>>
        tpu.wait_dma2 semaphore(%arg19 : memref<!tpu.dma_semaphore, #tpu.memory_space<semaphore_mem>>) src(%arg12 : memref<80x128xf32, #tpu.memory_space<vmem>>) dst(%dma_wait3A_359 : memref<80x128xf32, #tpu.memory_space<hbm>>)
        %scan3A_360 = arith.constant 0 : i32
        %scan3A_361 = arith.constant 80 : i32
        %scan3A_362 = arith.addi %scan3A_360, %scan3A_361 : i32
        %scan3A_363 = arith.constant 1 : i32
        scf.for %scan3A_374 = %scan3A_360 to %scan3A_362 step %scan3A_363  : i32 {
          %get3A = arith.index_cast %scan3A_374 : i32 to index
          %get3A_375 = arith.constant 0 : index
          %get3A_376 = tpu.vector_load %arg9[%get3A, %get3A_375] {strides = array<i32>} : memref<80x128xf32, #tpu.memory_space<vmem>>, vector<1x16xf32>,
          %get3A_377 = vector.shape_cast %get3A_376 : vector<1x16xf32> to vector<16xf32>
          %get3A_378 = arith.index_cast %scan3A_374 : i32 to index
          %get3A_379 = arith.constant 0 : index
          %get3A_380 = tpu.vector_load %arg11[%get3A_378, %get3A_379] {strides = array<i32>} : memref<80x128xf32, #tpu.memory_space<vmem>>, vector<1x16xf32>,
          %get3A_381 = vector.shape_cast %get3A_380 : vector<1x16xf32> to vector<16xf32>
          %mul3A_382 = arith.mulf %get3A_377, %get3A_381 : vector<16xf32>
          %swap3A = arith.index_cast %scan3A_374 : i32 to index
          %swap3A_383 = arith.constant 0 : index
          %swap3A_384 = tpu.vector_load %arg13[%swap3A, %swap3A_383] {strides = array<i32>} : memref<80x128xf32, #tpu.memory_space<vmem>>, vector<1x16xf32>,
          %swap3A_385 = vector.shape_cast %swap3A_384 : vector<1x16xf32> to vector<16xf32>
          %swap3A_386 = vector.shape_cast %mul3A_382 : vector<16xf32> to vector<1x16xf32>
          tpu.vector_store %arg13[%swap3A, %swap3A_383], %swap3A_386 {strides = array<i32>} : memref<80x128xf32, #tpu.memory_space<vmem>>, vector<1x16xf32>,
          %get3A_387 = arith.index_cast %scan3A_374 : i32 to index
          %get3A_388 = arith.constant 16 : index
          %get3A_389 = tpu.vector_load %arg9[%get3A_387, %get3A_388] {strides = array<i32>} : memref<80x128xf32, #tpu.memory_space<vmem>>, vector<1x16xf32>,
          %get3A_390 = vector.shape_cast %get3A_389 : vector<1x16xf32> to vector<16xf32>
          %get3A_391 = arith.index_cast %scan3A_374 : i32 to index
          %get3A_392 = arith.constant 16 : index
          %get3A_393 = tpu.vector_load %arg11[%get3A_391, %get3A_392] {strides = array<i32>} : memref<80x128xf32, #tpu.memory_space<vmem>>, vector<1x16xf32>,
          %get3A_394 = vector.shape_cast %get3A_393 : vector<1x16xf32> to vector<16xf32>
          %mul3A_395 = arith.mulf %get3A_390, %get3A_394 : vector<16xf32>
          %swap3A_396 = arith.index_cast %scan3A_374 : i32 to index
          %swap3A_397 = arith.constant 16 : index
          %swap3A_398 = tpu.vector_load %arg13[%swap3A_396, %swap3A_397] {strides = array<i32>} : memref<80x128xf32, #tpu.memory_space<vmem>>, vector<1x16xf32>,
          %swap3A_399 = vector.shape_cast %swap3A_398 : vector<1x16xf32> to vector<16xf32>
          %swap3A_400 = vector.shape_cast %mul3A_395 : vector<16xf32> to vector<1x16xf32>
          tpu.vector_store %arg13[%swap3A_396, %swap3A_397], %swap3A_400 {strides = array<i32>} : memref<80x128xf32, #tpu.memory_space<vmem>>, vector<1x16xf32>,
          %get3A_401 = arith.index_cast %scan3A_374 : i32 to index
          %get3A_402 = arith.constant 32 : index
          %get3A_403 = tpu.vector_load %arg9[%get3A_401, %get3A_402] {strides = array<i32>} : memref<80x128xf32, #tpu.memory_space<vmem>>, vector<1x16xf32>,
          %get3A_404 = vector.shape_cast %get3A_403 : vector<1x16xf32> to vector<16xf32>
          %get3A_405 = arith.index_cast %scan3A_374 : i32 to index
          %get3A_406 = arith.constant 32 : index
          %get3A_407 = tpu.vector_load %arg11[%get3A_405, %get3A_406] {strides = array<i32>} : memref<80x128xf32, #tpu.memory_space<vmem>>, vector<1x16xf32>,
          %get3A_408 = vector.shape_cast %get3A_407 : vector<1x16xf32> to vector<16xf32>
          %mul3A_409 = arith.mulf %get3A_404, %get3A_408 : vector<16xf32>
          %swap3A_410 = arith.index_cast %scan3A_374 : i32 to index
          %swap3A_411 = arith.constant 32 : index
          %swap3A_412 = tpu.vector_load %arg13[%swap3A_410, %swap3A_411] {strides = array<i32>} : memref<80x128xf32, #tpu.memory_space<vmem>>, vector<1x16xf32>,
          %swap3A_413 = vector.shape_cast %swap3A_412 : vector<1x16xf32> to vector<16xf32>
          %swap3A_414 = vector.shape_cast %mul3A_409 : vector<16xf32> to vector<1x16xf32>
          tpu.vector_store %arg13[%swap3A_410, %swap3A_411], %swap3A_414 {strides = array<i32>} : memref<80x128xf32, #tpu.memory_space<vmem>>, vector<1x16xf32>,
          %get3A_415 = arith.index_cast %scan3A_374 : i32 to index
          %get3A_416 = arith.constant 48 : index
          %get3A_417 = tpu.vector_load %arg9[%get3A_415, %get3A_416] {strides = array<i32>} : memref<80x128xf32, #tpu.memory_space<vmem>>, vector<1x16xf32>,
          %get3A_418 = vector.shape_cast %get3A_417 : vector<1x16xf32> to vector<16xf32>
          %get3A_419 = arith.index_cast %scan3A_374 : i32 to index
          %get3A_420 = arith.constant 48 : index
          %get3A_421 = tpu.vector_load %arg11[%get3A_419, %get3A_420] {strides = array<i32>} : memref<80x128xf32, #tpu.memory_space<vmem>>, vector<1x16xf32>,
          %get3A_422 = vector.shape_cast %get3A_421 : vector<1x16xf32> to vector<16xf32>
          %mul3A_423 = arith.mulf %get3A_418, %get3A_422 : vector<16xf32>
          %swap3A_424 = arith.index_cast %scan3A_374 : i32 to index
          %swap3A_425 = arith.constant 48 : index
          %swap3A_426 = tpu.vector_load %arg13[%swap3A_424, %swap3A_425] {strides = array<i32>} : memref<80x128xf32, #tpu.memory_space<vmem>>, vector<1x16xf32>,
          %swap3A_427 = vector.shape_cast %swap3A_426 : vector<1x16xf32> to vector<16xf32>
          %swap3A_428 = vector.shape_cast %mul3A_423 : vector<16xf32> to vector<1x16xf32>
          tpu.vector_store %arg13[%swap3A_424, %swap3A_425], %swap3A_428 {strides = array<i32>} : memref<80x128xf32, #tpu.memory_space<vmem>>, vector<1x16xf32>,
          %get3A_429 = arith.index_cast %scan3A_374 : i32 to index
          %get3A_430 = arith.constant 64 : index
          %get3A_431 = tpu.vector_load %arg9[%get3A_429, %get3A_430] {strides = array<i32>} : memref<80x128xf32, #tpu.memory_space<vmem>>, vector<1x16xf32>,
          %get3A_432 = vector.shape_cast %get3A_431 : vector<1x16xf32> to vector<16xf32>
          %get3A_433 = arith.index_cast %scan3A_374 : i32 to index
          %get3A_434 = arith.constant 64 : index
          %get3A_435 = tpu.vector_load %arg11[%get3A_433, %get3A_434] {strides = array<i32>} : memref<80x128xf32, #tpu.memory_space<vmem>>, vector<1x16xf32>,
          %get3A_436 = vector.shape_cast %get3A_435 : vector<1x16xf32> to vector<16xf32>
          %mul3A_437 = arith.mulf %get3A_432, %get3A_436 : vector<16xf32>
          %swap3A_438 = arith.index_cast %scan3A_374 : i32 to index
          %swap3A_439 = arith.constant 64 : index
          %swap3A_440 = tpu.vector_load %arg13[%swap3A_438, %swap3A_439] {strides = array<i32>} : memref<80x128xf32, #tpu.memory_space<vmem>>, vector<1x16xf32>,
          %swap3A_441 = vector.shape_cast %swap3A_440 : vector<1x16xf32> to vector<16xf32>
          %swap3A_442 = vector.shape_cast %mul3A_437 : vector<16xf32> to vector<1x16xf32>
          tpu.vector_store %arg13[%swap3A_438, %swap3A_439], %swap3A_442 {strides = array<i32>} : memref<80x128xf32, #tpu.memory_space<vmem>>, vector<1x16xf32>,
          %get3A_443 = arith.index_cast %scan3A_374 : i32 to index
          %get3A_444 = arith.constant 80 : index
          %get3A_445 = tpu.vector_load %arg9[%get3A_443, %get3A_444] {strides = array<i32>} : memref<80x128xf32, #tpu.memory_space<vmem>>, vector<1x16xf32>,
          %get3A_446 = vector.shape_cast %get3A_445 : vector<1x16xf32> to vector<16xf32>
          %get3A_447 = arith.index_cast %scan3A_374 : i32 to index
          %get3A_448 = arith.constant 80 : index
          %get3A_449 = tpu.vector_load %arg11[%get3A_447, %get3A_448] {strides = array<i32>} : memref<80x128xf32, #tpu.memory_space<vmem>>, vector<1x16xf32>,
          %get3A_450 = vector.shape_cast %get3A_449 : vector<1x16xf32> to vector<16xf32>
          %mul3A_451 = arith.mulf %get3A_446, %get3A_450 : vector<16xf32>
          %swap3A_452 = arith.index_cast %scan3A_374 : i32 to index
          %swap3A_453 = arith.constant 80 : index
          %swap3A_454 = tpu.vector_load %arg13[%swap3A_452, %swap3A_453] {strides = array<i32>} : memref<80x128xf32, #tpu.memory_space<vmem>>, vector<1x16xf32>,
          %swap3A_455 = vector.shape_cast %swap3A_454 : vector<1x16xf32> to vector<16xf32>
          %swap3A_456 = vector.shape_cast %mul3A_451 : vector<16xf32> to vector<1x16xf32>
          tpu.vector_store %arg13[%swap3A_452, %swap3A_453], %swap3A_456 {strides = array<i32>} : memref<80x128xf32, #tpu.memory_space<vmem>>, vector<1x16xf32>,
          %get3A_457 = arith.index_cast %scan3A_374 : i32 to index
          %get3A_458 = arith.constant 96 : index
          %get3A_459 = tpu.vector_load %arg9[%get3A_457, %get3A_458] {strides = array<i32>} : memref<80x128xf32, #tpu.memory_space<vmem>>, vector<1x16xf32>,
          %get3A_460 = vector.shape_cast %get3A_459 : vector<1x16xf32> to vector<16xf32>
          %get3A_461 = arith.index_cast %scan3A_374 : i32 to index
          %get3A_462 = arith.constant 96 : index
          %get3A_463 = tpu.vector_load %arg11[%get3A_461, %get3A_462] {strides = array<i32>} : memref<80x128xf32, #tpu.memory_space<vmem>>, vector<1x16xf32>,
          %get3A_464 = vector.shape_cast %get3A_463 : vector<1x16xf32> to vector<16xf32>
          %mul3A_465 = arith.mulf %get3A_460, %get3A_464 : vector<16xf32>
          %swap3A_466 = arith.index_cast %scan3A_374 : i32 to index
          %swap3A_467 = arith.constant 96 : index
          %swap3A_468 = tpu.vector_load %arg13[%swap3A_466, %swap3A_467] {strides = array<i32>} : memref<80x128xf32, #tpu.memory_space<vmem>>, vector<1x16xf32>,
          %swap3A_469 = vector.shape_cast %swap3A_468 : vector<1x16xf32> to vector<16xf32>
          %swap3A_470 = vector.shape_cast %mul3A_465 : vector<16xf32> to vector<1x16xf32>
          tpu.vector_store %arg13[%swap3A_466, %swap3A_467], %swap3A_470 {strides = array<i32>} : memref<80x128xf32, #tpu.memory_space<vmem>>, vector<1x16xf32>,
          %get3A_471 = arith.index_cast %scan3A_374 : i32 to index
          %get3A_472 = arith.constant 112 : index
          %get3A_473 = tpu.vector_load %arg9[%get3A_471, %get3A_472] {strides = array<i32>} : memref<80x128xf32, #tpu.memory_space<vmem>>, vector<1x16xf32>,
          %get3A_474 = vector.shape_cast %get3A_473 : vector<1x16xf32> to vector<16xf32>
          %get3A_475 = arith.index_cast %scan3A_374 : i32 to index
          %get3A_476 = arith.constant 112 : index
          %get3A_477 = tpu.vector_load %arg11[%get3A_475, %get3A_476] {strides = array<i32>} : memref<80x128xf32, #tpu.memory_space<vmem>>, vector<1x16xf32>,
          %get3A_478 = vector.shape_cast %get3A_477 : vector<1x16xf32> to vector<16xf32>
          %mul3A_479 = arith.mulf %get3A_474, %get3A_478 : vector<16xf32>
          %swap3A_480 = arith.index_cast %scan3A_374 : i32 to index
          %swap3A_481 = arith.constant 112 : index
          %swap3A_482 = tpu.vector_load %arg13[%swap3A_480, %swap3A_481] {strides = array<i32>} : memref<80x128xf32, #tpu.memory_space<vmem>>, vector<1x16xf32>,
          %swap3A_483 = vector.shape_cast %swap3A_482 : vector<1x16xf32> to vector<16xf32>
          %swap3A_484 = vector.shape_cast %mul3A_479 : vector<16xf32> to vector<1x16xf32>
          tpu.vector_store %arg13[%swap3A_480, %swap3A_481], %swap3A_484 {strides = array<i32>} : memref<80x128xf32, #tpu.memory_space<vmem>>, vector<1x16xf32>,
        }
        %scan3A_364 = arith.constant 80 : i32
        %mul3A_365 = arith.constant 32 : i32
        %mul3A_366 = arith.muli %add3A_267, %mul3A_365 : i32
        %add3A_367 = arith.addi %add3A, %mul3A_366 : i32
        %mul3A_368 = arith.constant 80 : i32
        %mul3A_369 = arith.muli %add3A_367, %mul3A_368 : i32
        %dma_start3A_370 = arith.constant 0 : i32
        %dma_start3A_371 = tpu.memref_slice %arg5[%mul3A_369, %dma_start3A_370] : memref<20480x128xf32, #tpu.memory_space<hbm>> -> memref<80x128xf32, #tpu.memory_space<hbm>>
        %dma_start3A_372 = arith.constant 0 : i32
        %dma_start3A_373 = tpu.memref_slice %arg5[%mul3A_369, %dma_start3A_372] : memref<20480x128xf32, #tpu.memory_space<hbm>> -> memref<80x128xf32, #tpu.memory_space<hbm>>
        tpu.enqueue_dma source(%arg13 : memref<80x128xf32, #tpu.memory_space<vmem>>) target(%dma_start3A_373 : memref<80x128xf32, #tpu.memory_space<hbm>>) target_semaphore(%arg19 : memref<!tpu.dma_semaphore, #tpu.memory_space<semaphore_mem>>)
      } else {
      }
    }
    %scan3A_94 = arith.constant 4 : i32
    %dma_wait3A_95 = arith.constant 0 : i32
    %dma_wait3A_96 = arith.constant 0 : i32
    %dma_wait3A_97 = tpu.memref_slice %arg6[%dma_wait3A_95, %dma_wait3A_96] : memref<2x80xi32, #tpu.memory_space<vmem>> -> memref<1x80xi32, #tpu.memory_space<vmem>>
    %dma_wait3A_98 = tpu.memref_squeeze %dma_wait3A_97 : memref<1x80xi32, #tpu.memory_space<vmem>> -> memref<80xi32, #tpu.memory_space<vmem>>
    %dma_wait3A_99 = arith.constant 0 : i32
    %dma_wait3A_100 = arith.constant 0 : i32
    %dma_wait3A_101 = tpu.memref_slice %arg2[%dma_wait3A_99, %dma_wait3A_100] : memref<10000x128xf32, #tpu.memory_space<hbm>> -> memref<10000x128xf32, #tpu.memory_space<hbm>>
    tpu.wait_indirect_dma semaphore(%arg16 : memref<!tpu.dma_semaphore, #tpu.memory_space<semaphore_mem>>) src(%dma_wait3A_101 : memref<10000x128xf32, #tpu.memory_space<hbm>>) dst(%arg8 : memref<80x128xf32, #tpu.memory_space<vmem>>)
    %dma_wait3A_102 = arith.constant 0 : i32
    %dma_wait3A_103 = arith.constant 0 : i32
    %dma_wait3A_104 = tpu.memref_slice %arg6[%dma_wait3A_102, %dma_wait3A_103] : memref<2x80xi32, #tpu.memory_space<vmem>> -> memref<1x80xi32, #tpu.memory_space<vmem>>
    %dma_wait3A_105 = tpu.memref_squeeze %dma_wait3A_104 : memref<1x80xi32, #tpu.memory_space<vmem>> -> memref<80xi32, #tpu.memory_space<vmem>>
    %dma_wait3A_106 = arith.constant 0 : i32
    %dma_wait3A_107 = arith.constant 0 : i32
    %dma_wait3A_108 = tpu.memref_slice %arg2[%dma_wait3A_106, %dma_wait3A_107] : memref<10000x128xf32, #tpu.memory_space<hbm>> -> memref<10000x128xf32, #tpu.memory_space<hbm>>
    tpu.wait_indirect_dma semaphore(%arg16 : memref<!tpu.dma_semaphore, #tpu.memory_space<semaphore_mem>>) src(%dma_wait3A_108 : memref<10000x128xf32, #tpu.memory_space<hbm>>) dst(%arg8 : memref<80x128xf32, #tpu.memory_space<vmem>>)
    %add3A_109 = arith.constant 0 : i32
    %add3A_110 = arith.addi %add3A, %add3A_109 : i32
    %mul3A_111 = arith.constant 80 : i32
    %mul3A_112 = arith.muli %add3A_110, %mul3A_111 : i32
    %dma_wait3A_113 = arith.constant 0 : i32
    %dma_wait3A_114 = arith.constant 0 : i32
    %dma_wait3A_115 = tpu.memref_slice %arg6[%dma_wait3A_113, %dma_wait3A_114] : memref<2x80xi32, #tpu.memory_space<vmem>> -> memref<1x80xi32, #tpu.memory_space<vmem>>
    %dma_wait3A_116 = tpu.memref_squeeze %dma_wait3A_115 : memref<1x80xi32, #tpu.memory_space<vmem>> -> memref<80xi32, #tpu.memory_space<vmem>>
    %dma_wait3A_117 = tpu.memref_slice %arg3[%mul3A_112] : memref<25600xi32, #tpu.memory_space<hbm>> -> memref<80xi32, #tpu.memory_space<hbm>>
    %dma_wait3A_118 = arith.constant 0 : i32
    %dma_wait3A_119 = tpu.memref_slice %arg6[%dma_wait3A_113, %dma_wait3A_118] : memref<2x80xi32, #tpu.memory_space<vmem>> -> memref<1x80xi32, #tpu.memory_space<vmem>>
    %dma_wait3A_120 = tpu.memref_squeeze %dma_wait3A_119 : memref<1x80xi32, #tpu.memory_space<vmem>> -> memref<80xi32, #tpu.memory_space<vmem>>
    %dma_wait3A_121 = tpu.memref_slice %arg3[%mul3A_112] : memref<25600xi32, #tpu.memory_space<hbm>> -> memref<80xi32, #tpu.memory_space<hbm>>
    tpu.wait_dma2 semaphore(%arg15 : memref<!tpu.dma_semaphore, #tpu.memory_space<semaphore_mem>>) src(%dma_wait3A_121 : memref<80xi32, #tpu.memory_space<hbm>>) dst(%dma_wait3A_120 : memref<80xi32, #tpu.memory_space<vmem>>)
    %add3A_122 = arith.constant 0 : i32
    %add3A_123 = arith.addi %add3A, %add3A_122 : i32
    %mul3A_124 = arith.constant 80 : i32
    %mul3A_125 = arith.muli %add3A_123, %mul3A_124 : i32
    %dma_wait3A_126 = arith.constant 0 : i32
    %dma_wait3A_127 = arith.constant 0 : i32
    %dma_wait3A_128 = tpu.memref_slice %arg6[%dma_wait3A_126, %dma_wait3A_127] : memref<2x80xi32, #tpu.memory_space<vmem>> -> memref<1x80xi32, #tpu.memory_space<vmem>>
    %dma_wait3A_129 = tpu.memref_squeeze %dma_wait3A_128 : memref<1x80xi32, #tpu.memory_space<vmem>> -> memref<80xi32, #tpu.memory_space<vmem>>
    %dma_wait3A_130 = tpu.memref_slice %arg3[%mul3A_125] : memref<25600xi32, #tpu.memory_space<hbm>> -> memref<80xi32, #tpu.memory_space<hbm>>
    %dma_wait3A_131 = arith.constant 0 : i32
    %dma_wait3A_132 = tpu.memref_slice %arg6[%dma_wait3A_126, %dma_wait3A_131] : memref<2x80xi32, #tpu.memory_space<vmem>> -> memref<1x80xi32, #tpu.memory_space<vmem>>
    %dma_wait3A_133 = tpu.memref_squeeze %dma_wait3A_132 : memref<1x80xi32, #tpu.memory_space<vmem>> -> memref<80xi32, #tpu.memory_space<vmem>>
    %dma_wait3A_134 = tpu.memref_slice %arg3[%mul3A_125] : memref<25600xi32, #tpu.memory_space<hbm>> -> memref<80xi32, #tpu.memory_space<hbm>>
    tpu.wait_dma2 semaphore(%arg15 : memref<!tpu.dma_semaphore, #tpu.memory_space<semaphore_mem>>) src(%dma_wait3A_134 : memref<80xi32, #tpu.memory_space<hbm>>) dst(%dma_wait3A_133 : memref<80xi32, #tpu.memory_space<vmem>>)
    %add3A_135 = arith.constant 0 : i32
    %add3A_136 = arith.addi %add3A, %add3A_135 : i32
    %mul3A_137 = arith.constant 80 : i32
    %mul3A_138 = arith.muli %add3A_136, %mul3A_137 : i32
    %dma_wait3A_139 = arith.constant 0 : i32
    %dma_wait3A_140 = tpu.memref_slice %arg5[%mul3A_138, %dma_wait3A_139] : memref<20480x128xf32, #tpu.memory_space<hbm>> -> memref<80x128xf32, #tpu.memory_space<hbm>>
    %dma_wait3A_141 = arith.constant 0 : i32
    %dma_wait3A_142 = tpu.memref_slice %arg5[%mul3A_138, %dma_wait3A_141] : memref<20480x128xf32, #tpu.memory_space<hbm>> -> memref<80x128xf32, #tpu.memory_space<hbm>>
    tpu.wait_dma2 semaphore(%arg18 : memref<!tpu.dma_semaphore, #tpu.memory_space<semaphore_mem>>) src(%arg12 : memref<80x128xf32, #tpu.memory_space<vmem>>) dst(%dma_wait3A_142 : memref<80x128xf32, #tpu.memory_space<hbm>>)
    %add3A_143 = arith.constant 0 : i32
    %add3A_144 = arith.addi %add3A, %add3A_143 : i32
    %mul3A_145 = arith.constant 80 : i32
    %mul3A_146 = arith.muli %add3A_144, %mul3A_145 : i32
    %dma_wait3A_147 = arith.constant 0 : i32
    %dma_wait3A_148 = tpu.memref_slice %arg5[%mul3A_146, %dma_wait3A_147] : memref<20480x128xf32, #tpu.memory_space<hbm>> -> memref<80x128xf32, #tpu.memory_space<hbm>>
    %dma_wait3A_149 = arith.constant 0 : i32
    %dma_wait3A_150 = tpu.memref_slice %arg5[%mul3A_146, %dma_wait3A_149] : memref<20480x128xf32, #tpu.memory_space<hbm>> -> memref<80x128xf32, #tpu.memory_space<hbm>>
    tpu.wait_dma2 semaphore(%arg19 : memref<!tpu.dma_semaphore, #tpu.memory_space<semaphore_mem>>) src(%arg12 : memref<80x128xf32, #tpu.memory_space<vmem>>) dst(%dma_wait3A_150 : memref<80x128xf32, #tpu.memory_space<hbm>>)
    return
  }
}

#map = affine_map<(d0, d1) -> (0, 0)>
#map1 = affine_map<(d0, d1) -> (0)>
#map2 = affine_map<(d0, d1) -> (0, 0, 0)>
module attributes {stable_mosaic.version = 14 : i64} {
  func.func @_agg_kernel(%arg0: i32, %arg1: i32, %arg2: memref<10000x128xf32, #tpu.memory_space<hbm>>, %arg3: memref<320000xi32, #tpu.memory_space<hbm>>, %arg4: memref<320000xi32, #tpu.memory_space<hbm>>, %arg5: memref<10000x128xf32, #tpu.memory_space<hbm>>, %arg6: memref<2x10000x128xf32, #tpu.memory_space<hbm>>, %arg7: memref<10000x128xf32, #tpu.memory_space<vmem_shared>>, %arg8: memref<3x128xi32, #tpu.memory_space<vmem>>, %arg9: memref<3x128xi32, #tpu.memory_space<vmem>>, %arg10: memref<128x128xf32, #tpu.memory_space<vmem>>, %arg11: memref<128x128xf32, #tpu.memory_space<vmem>>, %arg12: memref<128x128xf32, #tpu.memory_space<vmem>>, %arg13: memref<128xi32, #tpu.memory_space<vmem>>, %arg14: memref<!tpu.dma_semaphore, #tpu.memory_space<semaphore_mem>>, %arg15: memref<!tpu.dma_semaphore, #tpu.memory_space<semaphore_mem>>, %arg16: memref<!tpu.dma_semaphore, #tpu.memory_space<semaphore_mem>>, %arg17: memref<!tpu.dma_semaphore, #tpu.memory_space<semaphore_mem>>, %arg18: memref<!tpu.dma_semaphore, #tpu.memory_space<semaphore_mem>>, %arg19: memref<!tpu.dma_semaphore, #tpu.memory_space<semaphore_mem>>, %arg20: memref<!tpu.dma_semaphore, #tpu.memory_space<semaphore_mem>>, %arg21: memref<!tpu.dma_semaphore, #tpu.memory_space<semaphore_mem>>, %arg22: memref<!tpu.dma_semaphore, #tpu.memory_space<semaphore_mem>>, %arg23: memref<!tpu.dma_semaphore, #tpu.memory_space<semaphore_mem>>, %arg24: memref<!tpu.dma_semaphore, #tpu.memory_space<semaphore_mem>>, %arg25: memref<!tpu.dma_semaphore, #tpu.memory_space<semaphore_mem>>) attributes {dimension_semantics = [#tpu.dimension_semantics<core_parallel>, #tpu.dimension_semantics<subcore_parallel>], iteration_bounds = array<i64: 2, 16>, scalar_prefetch = 0 : i64, scratch_operands = 19 : i64, tpu.core_type = #tpu.core_type<sc_vector_subcore>, window_params = [{transform_indices = #map}, {transform_indices = #map1}, {transform_indices = #map1}, {transform_indices = #map}, {transform_indices = #map2}]} {
    %mul3A = arith.constant 16 : i32
    %mul3A_0 = arith.muli %arg0, %mul3A : i32
    %add3A = arith.addi %mul3A_0, %arg1 : i32
    %lt3A = arith.constant 15 : i32
    %lt3A_1 = arith.cmpi slt, %arg1, %lt3A : i32
    %convert_element_type3A = arith.extui %lt3A_1 : i1 to i32
    %cond3A = arith.constant 0 : i32
    %cond3A_2 = arith.cmpi ne, %convert_element_type3A, %cond3A : i32
    scf.if %cond3A_2 {
      %mul3A_162 = arith.constant 624 : i32
      %mul3A_163 = arith.muli %arg1, %mul3A_162 : i32
      %mul3A_164 = arith.constant 624 : i32
      %mul3A_165 = arith.muli %arg1, %mul3A_164 : i32
      "tpu.region"() ({
        %run_scoped3A = tpu.sem_alloc : memref<!tpu.dma_semaphore, #tpu.memory_space<semaphore_mem>>
        %dma_start3A_166 = arith.constant 0 : i32
        %dma_start3A_167 = tpu.memref_slice %arg7[%mul3A_165, %dma_start3A_166] : memref<10000x128xf32, #tpu.memory_space<vmem_shared>> -> memref<624x128xf32, #tpu.memory_space<vmem_shared>>
        %dma_start3A_168 = arith.constant 0 : i32
        %dma_start3A_169 = tpu.memref_slice %arg5[%mul3A_163, %dma_start3A_168] : memref<10000x128xf32, #tpu.memory_space<hbm>> -> memref<624x128xf32, #tpu.memory_space<hbm>>
        tpu.enqueue_dma source(%dma_start3A_169 : memref<624x128xf32, #tpu.memory_space<hbm>>) target(%dma_start3A_167 : memref<624x128xf32, #tpu.memory_space<vmem_shared>>) target_semaphore(%run_scoped3A : memref<!tpu.dma_semaphore, #tpu.memory_space<semaphore_mem>>)
        %dma_wait3A_170 = arith.constant 0 : i32
        %dma_wait3A_171 = tpu.memref_slice %arg7[%mul3A_165, %dma_wait3A_170] : memref<10000x128xf32, #tpu.memory_space<vmem_shared>> -> memref<624x128xf32, #tpu.memory_space<vmem_shared>>
        %dma_wait3A_172 = arith.constant 0 : i32
        %dma_wait3A_173 = tpu.memref_slice %arg5[%mul3A_163, %dma_wait3A_172] : memref<10000x128xf32, #tpu.memory_space<hbm>> -> memref<624x128xf32, #tpu.memory_space<hbm>>
        tpu.wait_dma2 semaphore(%run_scoped3A : memref<!tpu.dma_semaphore, #tpu.memory_space<semaphore_mem>>) src(%dma_wait3A_173 : memref<624x128xf32, #tpu.memory_space<hbm>>) dst(%dma_wait3A_171 : memref<624x128xf32, #tpu.memory_space<vmem_shared>>)
        tpu.yield
      }) : () -> ()
    } else {
    }
    %eq3A = arith.constant 15 : i32
    %eq3A_3 = arith.cmpi eq, %arg1, %eq3A : i32
    %convert_element_type3A_4 = arith.extui %eq3A_3 : i1 to i32
    %cond3A_5 = arith.constant 0 : i32
    %cond3A_6 = arith.cmpi ne, %convert_element_type3A_4, %cond3A_5 : i32
    scf.if %cond3A_6 {
      "tpu.region"() ({
        %run_scoped3A = tpu.sem_alloc : memref<!tpu.dma_semaphore, #tpu.memory_space<semaphore_mem>>
        %dma_start3A_162 = arith.constant 9360 : i32
        %dma_start3A_163 = arith.constant 0 : i32
        %dma_start3A_164 = tpu.memref_slice %arg7[%dma_start3A_162, %dma_start3A_163] : memref<10000x128xf32, #tpu.memory_space<vmem_shared>> -> memref<640x128xf32, #tpu.memory_space<vmem_shared>>
        %dma_start3A_165 = arith.constant 9360 : i32
        %dma_start3A_166 = arith.constant 0 : i32
        %dma_start3A_167 = tpu.memref_slice %arg5[%dma_start3A_165, %dma_start3A_166] : memref<10000x128xf32, #tpu.memory_space<hbm>> -> memref<640x128xf32, #tpu.memory_space<hbm>>
        tpu.enqueue_dma source(%dma_start3A_167 : memref<640x128xf32, #tpu.memory_space<hbm>>) target(%dma_start3A_164 : memref<640x128xf32, #tpu.memory_space<vmem_shared>>) target_semaphore(%run_scoped3A : memref<!tpu.dma_semaphore, #tpu.memory_space<semaphore_mem>>)
        %dma_wait3A_168 = arith.constant 9360 : i32
        %dma_wait3A_169 = arith.constant 0 : i32
        %dma_wait3A_170 = tpu.memref_slice %arg7[%dma_wait3A_168, %dma_wait3A_169] : memref<10000x128xf32, #tpu.memory_space<vmem_shared>> -> memref<640x128xf32, #tpu.memory_space<vmem_shared>>
        %dma_wait3A_171 = arith.constant 9360 : i32
        %dma_wait3A_172 = arith.constant 0 : i32
        %dma_wait3A_173 = tpu.memref_slice %arg5[%dma_wait3A_171, %dma_wait3A_172] : memref<10000x128xf32, #tpu.memory_space<hbm>> -> memref<640x128xf32, #tpu.memory_space<hbm>>
        tpu.wait_dma2 semaphore(%run_scoped3A : memref<!tpu.dma_semaphore, #tpu.memory_space<semaphore_mem>>) src(%dma_wait3A_173 : memref<640x128xf32, #tpu.memory_space<hbm>>) dst(%dma_wait3A_170 : memref<640x128xf32, #tpu.memory_space<vmem_shared>>)
        tpu.yield
      }) : () -> ()
    } else {
    }
    %barrier3A = arith.constant 0 : index
    tpu.barrier barrier_id(%barrier3A)
    %mul3A_7 = arith.constant 9984 : i32
    %mul3A_8 = arith.muli %add3A, %mul3A_7 : i32
    %add3A_9 = arith.constant 0 : i32
    %add3A_10 = arith.addi %mul3A_8, %add3A_9 : i32
    %dma_start3A = arith.constant 0 : i32
    %dma_start3A_11 = arith.constant 0 : i32
    %dma_start3A_12 = tpu.memref_slice %arg8[%dma_start3A, %dma_start3A_11] : memref<3x128xi32, #tpu.memory_space<vmem>> -> memref<1x128xi32, #tpu.memory_space<vmem>>
    %dma_start3A_13 = tpu.memref_squeeze %dma_start3A_12 : memref<1x128xi32, #tpu.memory_space<vmem>> -> memref<128xi32, #tpu.memory_space<vmem>>
    %dma_start3A_14 = tpu.memref_slice %arg3[%add3A_10] : memref<320000xi32, #tpu.memory_space<hbm>> -> memref<128xi32, #tpu.memory_space<hbm>>
    %dma_start3A_15 = arith.constant 0 : i32
    %dma_start3A_16 = tpu.memref_slice %arg8[%dma_start3A, %dma_start3A_15] : memref<3x128xi32, #tpu.memory_space<vmem>> -> memref<1x128xi32, #tpu.memory_space<vmem>>
    %dma_start3A_17 = tpu.memref_squeeze %dma_start3A_16 : memref<1x128xi32, #tpu.memory_space<vmem>> -> memref<128xi32, #tpu.memory_space<vmem>>
    %dma_start3A_18 = tpu.memref_slice %arg3[%add3A_10] : memref<320000xi32, #tpu.memory_space<hbm>> -> memref<128xi32, #tpu.memory_space<hbm>>
    tpu.enqueue_dma source(%dma_start3A_18 : memref<128xi32, #tpu.memory_space<hbm>>) target(%dma_start3A_17 : memref<128xi32, #tpu.memory_space<vmem>>) target_semaphore(%arg20 : memref<!tpu.dma_semaphore, #tpu.memory_space<semaphore_mem>>)
    %add3A_19 = arith.constant 128 : i32
    %add3A_20 = arith.addi %mul3A_8, %add3A_19 : i32
    %dma_start3A_21 = arith.constant 1 : i32
    %dma_start3A_22 = arith.constant 0 : i32
    %dma_start3A_23 = tpu.memref_slice %arg8[%dma_start3A_21, %dma_start3A_22] : memref<3x128xi32, #tpu.memory_space<vmem>> -> memref<1x128xi32, #tpu.memory_space<vmem>>
    %dma_start3A_24 = tpu.memref_squeeze %dma_start3A_23 : memref<1x128xi32, #tpu.memory_space<vmem>> -> memref<128xi32, #tpu.memory_space<vmem>>
    %dma_start3A_25 = tpu.memref_slice %arg3[%add3A_20] : memref<320000xi32, #tpu.memory_space<hbm>> -> memref<128xi32, #tpu.memory_space<hbm>>
    %dma_start3A_26 = arith.constant 0 : i32
    %dma_start3A_27 = tpu.memref_slice %arg8[%dma_start3A_21, %dma_start3A_26] : memref<3x128xi32, #tpu.memory_space<vmem>> -> memref<1x128xi32, #tpu.memory_space<vmem>>
    %dma_start3A_28 = tpu.memref_squeeze %dma_start3A_27 : memref<1x128xi32, #tpu.memory_space<vmem>> -> memref<128xi32, #tpu.memory_space<vmem>>
    %dma_start3A_29 = tpu.memref_slice %arg3[%add3A_20] : memref<320000xi32, #tpu.memory_space<hbm>> -> memref<128xi32, #tpu.memory_space<hbm>>
    tpu.enqueue_dma source(%dma_start3A_29 : memref<128xi32, #tpu.memory_space<hbm>>) target(%dma_start3A_28 : memref<128xi32, #tpu.memory_space<vmem>>) target_semaphore(%arg21 : memref<!tpu.dma_semaphore, #tpu.memory_space<semaphore_mem>>)
    %add3A_30 = arith.constant 256 : i32
    %add3A_31 = arith.addi %mul3A_8, %add3A_30 : i32
    %dma_start3A_32 = arith.constant 2 : i32
    %dma_start3A_33 = arith.constant 0 : i32
    %dma_start3A_34 = tpu.memref_slice %arg8[%dma_start3A_32, %dma_start3A_33] : memref<3x128xi32, #tpu.memory_space<vmem>> -> memref<1x128xi32, #tpu.memory_space<vmem>>
    %dma_start3A_35 = tpu.memref_squeeze %dma_start3A_34 : memref<1x128xi32, #tpu.memory_space<vmem>> -> memref<128xi32, #tpu.memory_space<vmem>>
    %dma_start3A_36 = tpu.memref_slice %arg3[%add3A_31] : memref<320000xi32, #tpu.memory_space<hbm>> -> memref<128xi32, #tpu.memory_space<hbm>>
    %dma_start3A_37 = arith.constant 0 : i32
    %dma_start3A_38 = tpu.memref_slice %arg8[%dma_start3A_32, %dma_start3A_37] : memref<3x128xi32, #tpu.memory_space<vmem>> -> memref<1x128xi32, #tpu.memory_space<vmem>>
    %dma_start3A_39 = tpu.memref_squeeze %dma_start3A_38 : memref<1x128xi32, #tpu.memory_space<vmem>> -> memref<128xi32, #tpu.memory_space<vmem>>
    %dma_start3A_40 = tpu.memref_slice %arg3[%add3A_31] : memref<320000xi32, #tpu.memory_space<hbm>> -> memref<128xi32, #tpu.memory_space<hbm>>
    tpu.enqueue_dma source(%dma_start3A_40 : memref<128xi32, #tpu.memory_space<hbm>>) target(%dma_start3A_39 : memref<128xi32, #tpu.memory_space<vmem>>) target_semaphore(%arg22 : memref<!tpu.dma_semaphore, #tpu.memory_space<semaphore_mem>>)
    %add3A_41 = arith.constant 0 : i32
    %add3A_42 = arith.addi %mul3A_8, %add3A_41 : i32
    %dma_start3A_43 = arith.constant 0 : i32
    %dma_start3A_44 = arith.constant 0 : i32
    %dma_start3A_45 = tpu.memref_slice %arg9[%dma_start3A_43, %dma_start3A_44] : memref<3x128xi32, #tpu.memory_space<vmem>> -> memref<1x128xi32, #tpu.memory_space<vmem>>
    %dma_start3A_46 = tpu.memref_squeeze %dma_start3A_45 : memref<1x128xi32, #tpu.memory_space<vmem>> -> memref<128xi32, #tpu.memory_space<vmem>>
    %dma_start3A_47 = tpu.memref_slice %arg4[%add3A_42] : memref<320000xi32, #tpu.memory_space<hbm>> -> memref<128xi32, #tpu.memory_space<hbm>>
    %dma_start3A_48 = arith.constant 0 : i32
    %dma_start3A_49 = tpu.memref_slice %arg9[%dma_start3A_43, %dma_start3A_48] : memref<3x128xi32, #tpu.memory_space<vmem>> -> memref<1x128xi32, #tpu.memory_space<vmem>>
    %dma_start3A_50 = tpu.memref_squeeze %dma_start3A_49 : memref<1x128xi32, #tpu.memory_space<vmem>> -> memref<128xi32, #tpu.memory_space<vmem>>
    %dma_start3A_51 = tpu.memref_slice %arg4[%add3A_42] : memref<320000xi32, #tpu.memory_space<hbm>> -> memref<128xi32, #tpu.memory_space<hbm>>
    tpu.enqueue_dma source(%dma_start3A_51 : memref<128xi32, #tpu.memory_space<hbm>>) target(%dma_start3A_50 : memref<128xi32, #tpu.memory_space<vmem>>) target_semaphore(%arg23 : memref<!tpu.dma_semaphore, #tpu.memory_space<semaphore_mem>>)
    %add3A_52 = arith.constant 128 : i32
    %add3A_53 = arith.addi %mul3A_8, %add3A_52 : i32
    %dma_start3A_54 = arith.constant 1 : i32
    %dma_start3A_55 = arith.constant 0 : i32
    %dma_start3A_56 = tpu.memref_slice %arg9[%dma_start3A_54, %dma_start3A_55] : memref<3x128xi32, #tpu.memory_space<vmem>> -> memref<1x128xi32, #tpu.memory_space<vmem>>
    %dma_start3A_57 = tpu.memref_squeeze %dma_start3A_56 : memref<1x128xi32, #tpu.memory_space<vmem>> -> memref<128xi32, #tpu.memory_space<vmem>>
    %dma_start3A_58 = tpu.memref_slice %arg4[%add3A_53] : memref<320000xi32, #tpu.memory_space<hbm>> -> memref<128xi32, #tpu.memory_space<hbm>>
    %dma_start3A_59 = arith.constant 0 : i32
    %dma_start3A_60 = tpu.memref_slice %arg9[%dma_start3A_54, %dma_start3A_59] : memref<3x128xi32, #tpu.memory_space<vmem>> -> memref<1x128xi32, #tpu.memory_space<vmem>>
    %dma_start3A_61 = tpu.memref_squeeze %dma_start3A_60 : memref<1x128xi32, #tpu.memory_space<vmem>> -> memref<128xi32, #tpu.memory_space<vmem>>
    %dma_start3A_62 = tpu.memref_slice %arg4[%add3A_53] : memref<320000xi32, #tpu.memory_space<hbm>> -> memref<128xi32, #tpu.memory_space<hbm>>
    tpu.enqueue_dma source(%dma_start3A_62 : memref<128xi32, #tpu.memory_space<hbm>>) target(%dma_start3A_61 : memref<128xi32, #tpu.memory_space<vmem>>) target_semaphore(%arg24 : memref<!tpu.dma_semaphore, #tpu.memory_space<semaphore_mem>>)
    %dma_wait3A = arith.constant 0 : i32
    %dma_wait3A_63 = arith.constant 0 : i32
    %dma_wait3A_64 = tpu.memref_slice %arg8[%dma_wait3A, %dma_wait3A_63] : memref<3x128xi32, #tpu.memory_space<vmem>> -> memref<1x128xi32, #tpu.memory_space<vmem>>
    %dma_wait3A_65 = tpu.memref_squeeze %dma_wait3A_64 : memref<1x128xi32, #tpu.memory_space<vmem>> -> memref<128xi32, #tpu.memory_space<vmem>>
    %dma_wait3A_66 = tpu.memref_slice %arg3[%mul3A_8] : memref<320000xi32, #tpu.memory_space<hbm>> -> memref<128xi32, #tpu.memory_space<hbm>>
    %dma_wait3A_67 = arith.constant 0 : i32
    %dma_wait3A_68 = tpu.memref_slice %arg8[%dma_wait3A, %dma_wait3A_67] : memref<3x128xi32, #tpu.memory_space<vmem>> -> memref<1x128xi32, #tpu.memory_space<vmem>>
    %dma_wait3A_69 = tpu.memref_squeeze %dma_wait3A_68 : memref<1x128xi32, #tpu.memory_space<vmem>> -> memref<128xi32, #tpu.memory_space<vmem>>
    %dma_wait3A_70 = tpu.memref_slice %arg3[%mul3A_8] : memref<320000xi32, #tpu.memory_space<hbm>> -> memref<128xi32, #tpu.memory_space<hbm>>
    tpu.wait_dma2 semaphore(%arg20 : memref<!tpu.dma_semaphore, #tpu.memory_space<semaphore_mem>>) src(%dma_wait3A_70 : memref<128xi32, #tpu.memory_space<hbm>>) dst(%dma_wait3A_69 : memref<128xi32, #tpu.memory_space<vmem>>)
    %dma_start3A_71 = arith.constant 0 : i32
    %dma_start3A_72 = arith.constant 0 : i32
    %dma_start3A_73 = tpu.memref_slice %arg8[%dma_start3A_71, %dma_start3A_72] : memref<3x128xi32, #tpu.memory_space<vmem>> -> memref<1x128xi32, #tpu.memory_space<vmem>>
    %dma_start3A_74 = tpu.memref_squeeze %dma_start3A_73 : memref<1x128xi32, #tpu.memory_space<vmem>> -> memref<128xi32, #tpu.memory_space<vmem>>
    %dma_start3A_75 = arith.constant 0 : i32
    %dma_start3A_76 = arith.constant 0 : i32
    %dma_start3A_77 = tpu.memref_slice %arg2[%dma_start3A_75, %dma_start3A_76] : memref<10000x128xf32, #tpu.memory_space<hbm>> -> memref<10000x128xf32, #tpu.memory_space<hbm>>
    tpu.enqueue_indirect_dma source(%dma_start3A_77 : memref<10000x128xf32, #tpu.memory_space<hbm>>) target(%arg10 : memref<128x128xf32, #tpu.memory_space<vmem>>) offsets(%dma_start3A_74 : memref<128xi32, #tpu.memory_space<vmem>>) semaphore(%arg14 : memref<!tpu.dma_semaphore, #tpu.memory_space<semaphore_mem>>)
    %dma_wait3A_78 = arith.constant 0 : i32
    %dma_wait3A_79 = arith.constant 0 : i32
    %dma_wait3A_80 = tpu.memref_slice %arg8[%dma_wait3A_78, %dma_wait3A_79] : memref<3x128xi32, #tpu.memory_space<vmem>> -> memref<1x128xi32, #tpu.memory_space<vmem>>
    %dma_wait3A_81 = tpu.memref_squeeze %dma_wait3A_80 : memref<1x128xi32, #tpu.memory_space<vmem>> -> memref<128xi32, #tpu.memory_space<vmem>>
    %dma_wait3A_82 = tpu.memref_slice %arg3[%mul3A_8] : memref<320000xi32, #tpu.memory_space<hbm>> -> memref<128xi32, #tpu.memory_space<hbm>>
    %dma_wait3A_83 = arith.constant 0 : i32
    %dma_wait3A_84 = tpu.memref_slice %arg8[%dma_wait3A_78, %dma_wait3A_83] : memref<3x128xi32, #tpu.memory_space<vmem>> -> memref<1x128xi32, #tpu.memory_space<vmem>>
    %dma_wait3A_85 = tpu.memref_squeeze %dma_wait3A_84 : memref<1x128xi32, #tpu.memory_space<vmem>> -> memref<128xi32, #tpu.memory_space<vmem>>
    %dma_wait3A_86 = tpu.memref_slice %arg3[%mul3A_8] : memref<320000xi32, #tpu.memory_space<hbm>> -> memref<128xi32, #tpu.memory_space<hbm>>
    tpu.wait_dma2 semaphore(%arg21 : memref<!tpu.dma_semaphore, #tpu.memory_space<semaphore_mem>>) src(%dma_wait3A_86 : memref<128xi32, #tpu.memory_space<hbm>>) dst(%dma_wait3A_85 : memref<128xi32, #tpu.memory_space<vmem>>)
    %dma_start3A_87 = arith.constant 1 : i32
    %dma_start3A_88 = arith.constant 0 : i32
    %dma_start3A_89 = tpu.memref_slice %arg8[%dma_start3A_87, %dma_start3A_88] : memref<3x128xi32, #tpu.memory_space<vmem>> -> memref<1x128xi32, #tpu.memory_space<vmem>>
    %dma_start3A_90 = tpu.memref_squeeze %dma_start3A_89 : memref<1x128xi32, #tpu.memory_space<vmem>> -> memref<128xi32, #tpu.memory_space<vmem>>
    %dma_start3A_91 = arith.constant 0 : i32
    %dma_start3A_92 = arith.constant 0 : i32
    %dma_start3A_93 = tpu.memref_slice %arg2[%dma_start3A_91, %dma_start3A_92] : memref<10000x128xf32, #tpu.memory_space<hbm>> -> memref<10000x128xf32, #tpu.memory_space<hbm>>
    tpu.enqueue_indirect_dma source(%dma_start3A_93 : memref<10000x128xf32, #tpu.memory_space<hbm>>) target(%arg11 : memref<128x128xf32, #tpu.memory_space<vmem>>) offsets(%dma_start3A_90 : memref<128xi32, #tpu.memory_space<vmem>>) semaphore(%arg15 : memref<!tpu.dma_semaphore, #tpu.memory_space<semaphore_mem>>)
    %scan3A = arith.constant 0 : i32
    %scan3A_94 = arith.constant 26 : i32
    %scan3A_95 = arith.addi %scan3A, %scan3A_94 : i32
    %scan3A_96 = arith.constant 1 : i32
    scf.for %scan3A_162 = %scan3A to %scan3A_95 step %scan3A_96  : i32 {
      %mul3A_163 = arith.constant 3 : i32
      %mul3A_164 = arith.muli %mul3A_163, %scan3A_162 : i32
      %eq3A_165 = arith.constant 0 : i32
      %eq3A_166 = arith.cmpi eq, %scan3A_162, %eq3A_165 : i32
      %convert_element_type3A_167 = arith.extui %eq3A_166 : i1 to i32
      %cond3A_168 = arith.constant 0 : i32
      %cond3A_169 = arith.cmpi ne, %convert_element_type3A_167, %cond3A_168 : i32
      scf.if %cond3A_169 {
        %dma_wait3A_326 = arith.constant 0 : i32
        %dma_wait3A_327 = arith.constant 0 : i32
        %dma_wait3A_328 = tpu.memref_slice %arg8[%dma_wait3A_326, %dma_wait3A_327] : memref<3x128xi32, #tpu.memory_space<vmem>> -> memref<1x128xi32, #tpu.memory_space<vmem>>
        %dma_wait3A_329 = tpu.memref_squeeze %dma_wait3A_328 : memref<1x128xi32, #tpu.memory_space<vmem>> -> memref<128xi32, #tpu.memory_space<vmem>>
        %dma_wait3A_330 = arith.constant 0 : i32
        %dma_wait3A_331 = arith.constant 0 : i32
        %dma_wait3A_332 = tpu.memref_slice %arg2[%dma_wait3A_330, %dma_wait3A_331] : memref<10000x128xf32, #tpu.memory_space<hbm>> -> memref<10000x128xf32, #tpu.memory_space<hbm>>
        tpu.wait_indirect_dma semaphore(%arg14 : memref<!tpu.dma_semaphore, #tpu.memory_space<semaphore_mem>>) src(%dma_wait3A_332 : memref<10000x128xf32, #tpu.memory_space<hbm>>) dst(%arg10 : memref<128x128xf32, #tpu.memory_space<vmem>>)
        %add3A_333 = arith.constant 3 : i32
        %add3A_334 = arith.addi %mul3A_164, %add3A_333 : i32
        %mul3A_335 = arith.constant 128 : i32
        %mul3A_336 = arith.muli %add3A_334, %mul3A_335 : i32
        %add3A_337 = arith.addi %mul3A_8, %mul3A_336 : i32
        %dma_start3A_338 = arith.constant 0 : i32
        %dma_start3A_339 = arith.constant 0 : i32
        %dma_start3A_340 = tpu.memref_slice %arg8[%dma_start3A_338, %dma_start3A_339] : memref<3x128xi32, #tpu.memory_space<vmem>> -> memref<1x128xi32, #tpu.memory_space<vmem>>
        %dma_start3A_341 = tpu.memref_squeeze %dma_start3A_340 : memref<1x128xi32, #tpu.memory_space<vmem>> -> memref<128xi32, #tpu.memory_space<vmem>>
        %dma_start3A_342 = tpu.memref_slice %arg3[%add3A_337] : memref<320000xi32, #tpu.memory_space<hbm>> -> memref<128xi32, #tpu.memory_space<hbm>>
        %dma_start3A_343 = arith.constant 0 : i32
        %dma_start3A_344 = tpu.memref_slice %arg8[%dma_start3A_338, %dma_start3A_343] : memref<3x128xi32, #tpu.memory_space<vmem>> -> memref<1x128xi32, #tpu.memory_space<vmem>>
        %dma_start3A_345 = tpu.memref_squeeze %dma_start3A_344 : memref<1x128xi32, #tpu.memory_space<vmem>> -> memref<128xi32, #tpu.memory_space<vmem>>
        %dma_start3A_346 = tpu.memref_slice %arg3[%add3A_337] : memref<320000xi32, #tpu.memory_space<hbm>> -> memref<128xi32, #tpu.memory_space<hbm>>
        tpu.enqueue_dma source(%dma_start3A_346 : memref<128xi32, #tpu.memory_space<hbm>>) target(%dma_start3A_345 : memref<128xi32, #tpu.memory_space<vmem>>) target_semaphore(%arg20 : memref<!tpu.dma_semaphore, #tpu.memory_space<semaphore_mem>>)
        %dma_wait3A_347 = arith.constant 0 : i32
        %dma_wait3A_348 = arith.constant 0 : i32
        %dma_wait3A_349 = tpu.memref_slice %arg8[%dma_wait3A_347, %dma_wait3A_348] : memref<3x128xi32, #tpu.memory_space<vmem>> -> memref<1x128xi32, #tpu.memory_space<vmem>>
        %dma_wait3A_350 = tpu.memref_squeeze %dma_wait3A_349 : memref<1x128xi32, #tpu.memory_space<vmem>> -> memref<128xi32, #tpu.memory_space<vmem>>
        %dma_wait3A_351 = tpu.memref_slice %arg3[%mul3A_8] : memref<320000xi32, #tpu.memory_space<hbm>> -> memref<128xi32, #tpu.memory_space<hbm>>
        %dma_wait3A_352 = arith.constant 0 : i32
        %dma_wait3A_353 = tpu.memref_slice %arg8[%dma_wait3A_347, %dma_wait3A_352] : memref<3x128xi32, #tpu.memory_space<vmem>> -> memref<1x128xi32, #tpu.memory_space<vmem>>
        %dma_wait3A_354 = tpu.memref_squeeze %dma_wait3A_353 : memref<1x128xi32, #tpu.memory_space<vmem>> -> memref<128xi32, #tpu.memory_space<vmem>>
        %dma_wait3A_355 = tpu.memref_slice %arg3[%mul3A_8] : memref<320000xi32, #tpu.memory_space<hbm>> -> memref<128xi32, #tpu.memory_space<hbm>>
        tpu.wait_dma2 semaphore(%arg23 : memref<!tpu.dma_semaphore, #tpu.memory_space<semaphore_mem>>) src(%dma_wait3A_355 : memref<128xi32, #tpu.memory_space<hbm>>) dst(%dma_wait3A_354 : memref<128xi32, #tpu.memory_space<vmem>>)
        %dma_start3A_356 = arith.constant 0 : i32
        %dma_start3A_357 = arith.constant 0 : i32
        %dma_start3A_358 = tpu.memref_slice %arg9[%dma_start3A_356, %dma_start3A_357] : memref<3x128xi32, #tpu.memory_space<vmem>> -> memref<1x128xi32, #tpu.memory_space<vmem>>
        %dma_start3A_359 = tpu.memref_squeeze %dma_start3A_358 : memref<1x128xi32, #tpu.memory_space<vmem>> -> memref<128xi32, #tpu.memory_space<vmem>>
        %dma_start3A_360 = arith.constant 0 : i32
        %dma_start3A_361 = arith.constant 0 : i32
        %dma_start3A_362 = tpu.memref_slice %arg7[%dma_start3A_360, %dma_start3A_361] : memref<10000x128xf32, #tpu.memory_space<vmem_shared>> -> memref<10000x128xf32, #tpu.memory_space<vmem_shared>>
        tpu.enqueue_indirect_dma source(%arg10 : memref<128x128xf32, #tpu.memory_space<vmem>>) target(%dma_start3A_362 : memref<10000x128xf32, #tpu.memory_space<vmem_shared>>) offsets(%dma_start3A_359 : memref<128xi32, #tpu.memory_space<vmem>>) semaphore(%arg17 : memref<!tpu.dma_semaphore, #tpu.memory_space<semaphore_mem>>) {add = true}
        %add3A_363 = arith.constant 2 : i32
        %add3A_364 = arith.addi %mul3A_164, %add3A_363 : i32
        %mul3A_365 = arith.constant 128 : i32
        %mul3A_366 = arith.muli %add3A_364, %mul3A_365 : i32
        %add3A_367 = arith.addi %mul3A_8, %mul3A_366 : i32
        %dma_start3A_368 = arith.constant 2 : i32
        %dma_start3A_369 = arith.constant 0 : i32
        %dma_start3A_370 = tpu.memref_slice %arg9[%dma_start3A_368, %dma_start3A_369] : memref<3x128xi32, #tpu.memory_space<vmem>> -> memref<1x128xi32, #tpu.memory_space<vmem>>
        %dma_start3A_371 = tpu.memref_squeeze %dma_start3A_370 : memref<1x128xi32, #tpu.memory_space<vmem>> -> memref<128xi32, #tpu.memory_space<vmem>>
        %dma_start3A_372 = tpu.memref_slice %arg4[%add3A_367] : memref<320000xi32, #tpu.memory_space<hbm>> -> memref<128xi32, #tpu.memory_space<hbm>>
        %dma_start3A_373 = arith.constant 0 : i32
        %dma_start3A_374 = tpu.memref_slice %arg9[%dma_start3A_368, %dma_start3A_373] : memref<3x128xi32, #tpu.memory_space<vmem>> -> memref<1x128xi32, #tpu.memory_space<vmem>>
        %dma_start3A_375 = tpu.memref_squeeze %dma_start3A_374 : memref<1x128xi32, #tpu.memory_space<vmem>> -> memref<128xi32, #tpu.memory_space<vmem>>
        %dma_start3A_376 = tpu.memref_slice %arg4[%add3A_367] : memref<320000xi32, #tpu.memory_space<hbm>> -> memref<128xi32, #tpu.memory_space<hbm>>
        tpu.enqueue_dma source(%dma_start3A_376 : memref<128xi32, #tpu.memory_space<hbm>>) target(%dma_start3A_375 : memref<128xi32, #tpu.memory_space<vmem>>) target_semaphore(%arg25 : memref<!tpu.dma_semaphore, #tpu.memory_space<semaphore_mem>>)
        %dma_wait3A_377 = arith.constant 0 : i32
        %dma_wait3A_378 = arith.constant 0 : i32
        %dma_wait3A_379 = tpu.memref_slice %arg8[%dma_wait3A_377, %dma_wait3A_378] : memref<3x128xi32, #tpu.memory_space<vmem>> -> memref<1x128xi32, #tpu.memory_space<vmem>>
        %dma_wait3A_380 = tpu.memref_squeeze %dma_wait3A_379 : memref<1x128xi32, #tpu.memory_space<vmem>> -> memref<128xi32, #tpu.memory_space<vmem>>
        %dma_wait3A_381 = tpu.memref_slice %arg3[%mul3A_8] : memref<320000xi32, #tpu.memory_space<hbm>> -> memref<128xi32, #tpu.memory_space<hbm>>
        %dma_wait3A_382 = arith.constant 0 : i32
        %dma_wait3A_383 = tpu.memref_slice %arg8[%dma_wait3A_377, %dma_wait3A_382] : memref<3x128xi32, #tpu.memory_space<vmem>> -> memref<1x128xi32, #tpu.memory_space<vmem>>
        %dma_wait3A_384 = tpu.memref_squeeze %dma_wait3A_383 : memref<1x128xi32, #tpu.memory_space<vmem>> -> memref<128xi32, #tpu.memory_space<vmem>>
        %dma_wait3A_385 = tpu.memref_slice %arg3[%mul3A_8] : memref<320000xi32, #tpu.memory_space<hbm>> -> memref<128xi32, #tpu.memory_space<hbm>>
        tpu.wait_dma2 semaphore(%arg22 : memref<!tpu.dma_semaphore, #tpu.memory_space<semaphore_mem>>) src(%dma_wait3A_385 : memref<128xi32, #tpu.memory_space<hbm>>) dst(%dma_wait3A_384 : memref<128xi32, #tpu.memory_space<vmem>>)
        %dma_start3A_386 = arith.constant 2 : i32
        %dma_start3A_387 = arith.constant 0 : i32
        %dma_start3A_388 = tpu.memref_slice %arg8[%dma_start3A_386, %dma_start3A_387] : memref<3x128xi32, #tpu.memory_space<vmem>> -> memref<1x128xi32, #tpu.memory_space<vmem>>
        %dma_start3A_389 = tpu.memref_squeeze %dma_start3A_388 : memref<1x128xi32, #tpu.memory_space<vmem>> -> memref<128xi32, #tpu.memory_space<vmem>>
        %dma_start3A_390 = arith.constant 0 : i32
        %dma_start3A_391 = arith.constant 0 : i32
        %dma_start3A_392 = tpu.memref_slice %arg2[%dma_start3A_390, %dma_start3A_391] : memref<10000x128xf32, #tpu.memory_space<hbm>> -> memref<10000x128xf32, #tpu.memory_space<hbm>>
        tpu.enqueue_indirect_dma source(%dma_start3A_392 : memref<10000x128xf32, #tpu.memory_space<hbm>>) target(%arg12 : memref<128x128xf32, #tpu.memory_space<vmem>>) offsets(%dma_start3A_389 : memref<128xi32, #tpu.memory_space<vmem>>) semaphore(%arg16 : memref<!tpu.dma_semaphore, #tpu.memory_space<semaphore_mem>>)
      } else {
      }
      %gt3A = arith.constant 0 : i32
      %gt3A_170 = arith.cmpi sgt, %scan3A_162, %gt3A : i32
      %convert_element_type3A_171 = arith.extui %gt3A_170 : i1 to i32
      %cond3A_172 = arith.constant 0 : i32
      %cond3A_173 = arith.cmpi ne, %convert_element_type3A_171, %cond3A_172 : i32
      scf.if %cond3A_173 {
        %dma_wait3A_326 = arith.constant 0 : i32
        %dma_wait3A_327 = arith.constant 0 : i32
        %dma_wait3A_328 = tpu.memref_slice %arg8[%dma_wait3A_326, %dma_wait3A_327] : memref<3x128xi32, #tpu.memory_space<vmem>> -> memref<1x128xi32, #tpu.memory_space<vmem>>
        %dma_wait3A_329 = tpu.memref_squeeze %dma_wait3A_328 : memref<1x128xi32, #tpu.memory_space<vmem>> -> memref<128xi32, #tpu.memory_space<vmem>>
        %dma_wait3A_330 = arith.constant 0 : i32
        %dma_wait3A_331 = arith.constant 0 : i32
        %dma_wait3A_332 = tpu.memref_slice %arg2[%dma_wait3A_330, %dma_wait3A_331] : memref<10000x128xf32, #tpu.memory_space<hbm>> -> memref<10000x128xf32, #tpu.memory_space<hbm>>
        tpu.wait_indirect_dma semaphore(%arg14 : memref<!tpu.dma_semaphore, #tpu.memory_space<semaphore_mem>>) src(%dma_wait3A_332 : memref<10000x128xf32, #tpu.memory_space<hbm>>) dst(%arg10 : memref<128x128xf32, #tpu.memory_space<vmem>>)
        %add3A_333 = arith.constant 3 : i32
        %add3A_334 = arith.addi %mul3A_164, %add3A_333 : i32
        %mul3A_335 = arith.constant 128 : i32
        %mul3A_336 = arith.muli %add3A_334, %mul3A_335 : i32
        %add3A_337 = arith.addi %mul3A_8, %mul3A_336 : i32
        %dma_start3A_338 = arith.constant 0 : i32
        %dma_start3A_339 = arith.constant 0 : i32
        %dma_start3A_340 = tpu.memref_slice %arg8[%dma_start3A_338, %dma_start3A_339] : memref<3x128xi32, #tpu.memory_space<vmem>> -> memref<1x128xi32, #tpu.memory_space<vmem>>
        %dma_start3A_341 = tpu.memref_squeeze %dma_start3A_340 : memref<1x128xi32, #tpu.memory_space<vmem>> -> memref<128xi32, #tpu.memory_space<vmem>>
        %dma_start3A_342 = tpu.memref_slice %arg3[%add3A_337] : memref<320000xi32, #tpu.memory_space<hbm>> -> memref<128xi32, #tpu.memory_space<hbm>>
        %dma_start3A_343 = arith.constant 0 : i32
        %dma_start3A_344 = tpu.memref_slice %arg8[%dma_start3A_338, %dma_start3A_343] : memref<3x128xi32, #tpu.memory_space<vmem>> -> memref<1x128xi32, #tpu.memory_space<vmem>>
        %dma_start3A_345 = tpu.memref_squeeze %dma_start3A_344 : memref<1x128xi32, #tpu.memory_space<vmem>> -> memref<128xi32, #tpu.memory_space<vmem>>
        %dma_start3A_346 = tpu.memref_slice %arg3[%add3A_337] : memref<320000xi32, #tpu.memory_space<hbm>> -> memref<128xi32, #tpu.memory_space<hbm>>
        tpu.enqueue_dma source(%dma_start3A_346 : memref<128xi32, #tpu.memory_space<hbm>>) target(%dma_start3A_345 : memref<128xi32, #tpu.memory_space<vmem>>) target_semaphore(%arg20 : memref<!tpu.dma_semaphore, #tpu.memory_space<semaphore_mem>>)
        %dma_wait3A_347 = arith.constant 0 : i32
        %dma_wait3A_348 = arith.constant 0 : i32
        %dma_wait3A_349 = tpu.memref_slice %arg8[%dma_wait3A_347, %dma_wait3A_348] : memref<3x128xi32, #tpu.memory_space<vmem>> -> memref<1x128xi32, #tpu.memory_space<vmem>>
        %dma_wait3A_350 = tpu.memref_squeeze %dma_wait3A_349 : memref<1x128xi32, #tpu.memory_space<vmem>> -> memref<128xi32, #tpu.memory_space<vmem>>
        %dma_wait3A_351 = tpu.memref_slice %arg3[%mul3A_8] : memref<320000xi32, #tpu.memory_space<hbm>> -> memref<128xi32, #tpu.memory_space<hbm>>
        %dma_wait3A_352 = arith.constant 0 : i32
        %dma_wait3A_353 = tpu.memref_slice %arg8[%dma_wait3A_347, %dma_wait3A_352] : memref<3x128xi32, #tpu.memory_space<vmem>> -> memref<1x128xi32, #tpu.memory_space<vmem>>
        %dma_wait3A_354 = tpu.memref_squeeze %dma_wait3A_353 : memref<1x128xi32, #tpu.memory_space<vmem>> -> memref<128xi32, #tpu.memory_space<vmem>>
        %dma_wait3A_355 = tpu.memref_slice %arg3[%mul3A_8] : memref<320000xi32, #tpu.memory_space<hbm>> -> memref<128xi32, #tpu.memory_space<hbm>>
        tpu.wait_dma2 semaphore(%arg23 : memref<!tpu.dma_semaphore, #tpu.memory_space<semaphore_mem>>) src(%dma_wait3A_355 : memref<128xi32, #tpu.memory_space<hbm>>) dst(%dma_wait3A_354 : memref<128xi32, #tpu.memory_space<vmem>>)
        %dma_start3A_356 = arith.constant 0 : i32
        %dma_start3A_357 = arith.constant 0 : i32
        %dma_start3A_358 = tpu.memref_slice %arg9[%dma_start3A_356, %dma_start3A_357] : memref<3x128xi32, #tpu.memory_space<vmem>> -> memref<1x128xi32, #tpu.memory_space<vmem>>
        %dma_start3A_359 = tpu.memref_squeeze %dma_start3A_358 : memref<1x128xi32, #tpu.memory_space<vmem>> -> memref<128xi32, #tpu.memory_space<vmem>>
        %dma_start3A_360 = arith.constant 0 : i32
        %dma_start3A_361 = arith.constant 0 : i32
        %dma_start3A_362 = tpu.memref_slice %arg7[%dma_start3A_360, %dma_start3A_361] : memref<10000x128xf32, #tpu.memory_space<vmem_shared>> -> memref<10000x128xf32, #tpu.memory_space<vmem_shared>>
        tpu.enqueue_indirect_dma source(%arg10 : memref<128x128xf32, #tpu.memory_space<vmem>>) target(%dma_start3A_362 : memref<10000x128xf32, #tpu.memory_space<vmem_shared>>) offsets(%dma_start3A_359 : memref<128xi32, #tpu.memory_space<vmem>>) semaphore(%arg17 : memref<!tpu.dma_semaphore, #tpu.memory_space<semaphore_mem>>) {add = true}
        %dma_wait3A_363 = arith.constant 0 : i32
        %dma_wait3A_364 = arith.constant 0 : i32
        %dma_wait3A_365 = tpu.memref_slice %arg9[%dma_wait3A_363, %dma_wait3A_364] : memref<3x128xi32, #tpu.memory_space<vmem>> -> memref<1x128xi32, #tpu.memory_space<vmem>>
        %dma_wait3A_366 = tpu.memref_squeeze %dma_wait3A_365 : memref<1x128xi32, #tpu.memory_space<vmem>> -> memref<128xi32, #tpu.memory_space<vmem>>
        %dma_wait3A_367 = arith.constant 0 : i32
        %dma_wait3A_368 = arith.constant 0 : i32
        %dma_wait3A_369 = tpu.memref_slice %arg7[%dma_wait3A_367, %dma_wait3A_368] : memref<10000x128xf32, #tpu.memory_space<vmem_shared>> -> memref<10000x128xf32, #tpu.memory_space<vmem_shared>>
        tpu.wait_indirect_dma semaphore(%arg19 : memref<!tpu.dma_semaphore, #tpu.memory_space<semaphore_mem>>) src(%arg10 : memref<128x128xf32, #tpu.memory_space<vmem>>) dst(%dma_wait3A_369 : memref<10000x128xf32, #tpu.memory_space<vmem_shared>>)
        %add3A_370 = arith.constant 2 : i32
        %add3A_371 = arith.addi %mul3A_164, %add3A_370 : i32
        %mul3A_372 = arith.constant 128 : i32
        %mul3A_373 = arith.muli %add3A_371, %mul3A_372 : i32
        %add3A_374 = arith.addi %mul3A_8, %mul3A_373 : i32
        %dma_start3A_375 = arith.constant 2 : i32
        %dma_start3A_376 = arith.constant 0 : i32
        %dma_start3A_377 = tpu.memref_slice %arg9[%dma_start3A_375, %dma_start3A_376] : memref<3x128xi32, #tpu.memory_space<vmem>> -> memref<1x128xi32, #tpu.memory_space<vmem>>
        %dma_start3A_378 = tpu.memref_squeeze %dma_start3A_377 : memref<1x128xi32, #tpu.memory_space<vmem>> -> memref<128xi32, #tpu.memory_space<vmem>>
        %dma_start3A_379 = tpu.memref_slice %arg4[%add3A_374] : memref<320000xi32, #tpu.memory_space<hbm>> -> memref<128xi32, #tpu.memory_space<hbm>>
        %dma_start3A_380 = arith.constant 0 : i32
        %dma_start3A_381 = tpu.memref_slice %arg9[%dma_start3A_375, %dma_start3A_380] : memref<3x128xi32, #tpu.memory_space<vmem>> -> memref<1x128xi32, #tpu.memory_space<vmem>>
        %dma_start3A_382 = tpu.memref_squeeze %dma_start3A_381 : memref<1x128xi32, #tpu.memory_space<vmem>> -> memref<128xi32, #tpu.memory_space<vmem>>
        %dma_start3A_383 = tpu.memref_slice %arg4[%add3A_374] : memref<320000xi32, #tpu.memory_space<hbm>> -> memref<128xi32, #tpu.memory_space<hbm>>
        tpu.enqueue_dma source(%dma_start3A_383 : memref<128xi32, #tpu.memory_space<hbm>>) target(%dma_start3A_382 : memref<128xi32, #tpu.memory_space<vmem>>) target_semaphore(%arg25 : memref<!tpu.dma_semaphore, #tpu.memory_space<semaphore_mem>>)
        %dma_wait3A_384 = arith.constant 0 : i32
        %dma_wait3A_385 = arith.constant 0 : i32
        %dma_wait3A_386 = tpu.memref_slice %arg8[%dma_wait3A_384, %dma_wait3A_385] : memref<3x128xi32, #tpu.memory_space<vmem>> -> memref<1x128xi32, #tpu.memory_space<vmem>>
        %dma_wait3A_387 = tpu.memref_squeeze %dma_wait3A_386 : memref<1x128xi32, #tpu.memory_space<vmem>> -> memref<128xi32, #tpu.memory_space<vmem>>
        %dma_wait3A_388 = tpu.memref_slice %arg3[%mul3A_8] : memref<320000xi32, #tpu.memory_space<hbm>> -> memref<128xi32, #tpu.memory_space<hbm>>
        %dma_wait3A_389 = arith.constant 0 : i32
        %dma_wait3A_390 = tpu.memref_slice %arg8[%dma_wait3A_384, %dma_wait3A_389] : memref<3x128xi32, #tpu.memory_space<vmem>> -> memref<1x128xi32, #tpu.memory_space<vmem>>
        %dma_wait3A_391 = tpu.memref_squeeze %dma_wait3A_390 : memref<1x128xi32, #tpu.memory_space<vmem>> -> memref<128xi32, #tpu.memory_space<vmem>>
        %dma_wait3A_392 = tpu.memref_slice %arg3[%mul3A_8] : memref<320000xi32, #tpu.memory_space<hbm>> -> memref<128xi32, #tpu.memory_space<hbm>>
        tpu.wait_dma2 semaphore(%arg22 : memref<!tpu.dma_semaphore, #tpu.memory_space<semaphore_mem>>) src(%dma_wait3A_392 : memref<128xi32, #tpu.memory_space<hbm>>) dst(%dma_wait3A_391 : memref<128xi32, #tpu.memory_space<vmem>>)
        %dma_start3A_393 = arith.constant 2 : i32
        %dma_start3A_394 = arith.constant 0 : i32
        %dma_start3A_395 = tpu.memref_slice %arg8[%dma_start3A_393, %dma_start3A_394] : memref<3x128xi32, #tpu.memory_space<vmem>> -> memref<1x128xi32, #tpu.memory_space<vmem>>
        %dma_start3A_396 = tpu.memref_squeeze %dma_start3A_395 : memref<1x128xi32, #tpu.memory_space<vmem>> -> memref<128xi32, #tpu.memory_space<vmem>>
        %dma_start3A_397 = arith.constant 0 : i32
        %dma_start3A_398 = arith.constant 0 : i32
        %dma_start3A_399 = tpu.memref_slice %arg2[%dma_start3A_397, %dma_start3A_398] : memref<10000x128xf32, #tpu.memory_space<hbm>> -> memref<10000x128xf32, #tpu.memory_space<hbm>>
        tpu.enqueue_indirect_dma source(%dma_start3A_399 : memref<10000x128xf32, #tpu.memory_space<hbm>>) target(%arg12 : memref<128x128xf32, #tpu.memory_space<vmem>>) offsets(%dma_start3A_396 : memref<128xi32, #tpu.memory_space<vmem>>) semaphore(%arg16 : memref<!tpu.dma_semaphore, #tpu.memory_space<semaphore_mem>>)
      } else {
      }
      %add3A_174 = arith.constant 1 : i32
      %add3A_175 = arith.addi %mul3A_164, %add3A_174 : i32
      %dma_wait3A_176 = arith.constant 0 : i32
      %dma_wait3A_177 = arith.constant 0 : i32
      %dma_wait3A_178 = tpu.memref_slice %arg8[%dma_wait3A_176, %dma_wait3A_177] : memref<3x128xi32, #tpu.memory_space<vmem>> -> memref<1x128xi32, #tpu.memory_space<vmem>>
      %dma_wait3A_179 = tpu.memref_squeeze %dma_wait3A_178 : memref<1x128xi32, #tpu.memory_space<vmem>> -> memref<128xi32, #tpu.memory_space<vmem>>
      %dma_wait3A_180 = arith.constant 0 : i32
      %dma_wait3A_181 = arith.constant 0 : i32
      %dma_wait3A_182 = tpu.memref_slice %arg2[%dma_wait3A_180, %dma_wait3A_181] : memref<10000x128xf32, #tpu.memory_space<hbm>> -> memref<10000x128xf32, #tpu.memory_space<hbm>>
      tpu.wait_indirect_dma semaphore(%arg15 : memref<!tpu.dma_semaphore, #tpu.memory_space<semaphore_mem>>) src(%dma_wait3A_182 : memref<10000x128xf32, #tpu.memory_space<hbm>>) dst(%arg10 : memref<128x128xf32, #tpu.memory_space<vmem>>)
      %add3A_183 = arith.constant 3 : i32
      %add3A_184 = arith.addi %add3A_175, %add3A_183 : i32
      %mul3A_185 = arith.constant 128 : i32
      %mul3A_186 = arith.muli %add3A_184, %mul3A_185 : i32
      %add3A_187 = arith.addi %mul3A_8, %mul3A_186 : i32
      %dma_start3A_188 = arith.constant 1 : i32
      %dma_start3A_189 = arith.constant 0 : i32
      %dma_start3A_190 = tpu.memref_slice %arg8[%dma_start3A_188, %dma_start3A_189] : memref<3x128xi32, #tpu.memory_space<vmem>> -> memref<1x128xi32, #tpu.memory_space<vmem>>
      %dma_start3A_191 = tpu.memref_squeeze %dma_start3A_190 : memref<1x128xi32, #tpu.memory_space<vmem>> -> memref<128xi32, #tpu.memory_space<vmem>>
      %dma_start3A_192 = tpu.memref_slice %arg3[%add3A_187] : memref<320000xi32, #tpu.memory_space<hbm>> -> memref<128xi32, #tpu.memory_space<hbm>>
      %dma_start3A_193 = arith.constant 0 : i32
      %dma_start3A_194 = tpu.memref_slice %arg8[%dma_start3A_188, %dma_start3A_193] : memref<3x128xi32, #tpu.memory_space<vmem>> -> memref<1x128xi32, #tpu.memory_space<vmem>>
      %dma_start3A_195 = tpu.memref_squeeze %dma_start3A_194 : memref<1x128xi32, #tpu.memory_space<vmem>> -> memref<128xi32, #tpu.memory_space<vmem>>
      %dma_start3A_196 = tpu.memref_slice %arg3[%add3A_187] : memref<320000xi32, #tpu.memory_space<hbm>> -> memref<128xi32, #tpu.memory_space<hbm>>
      tpu.enqueue_dma source(%dma_start3A_196 : memref<128xi32, #tpu.memory_space<hbm>>) target(%dma_start3A_195 : memref<128xi32, #tpu.memory_space<vmem>>) target_semaphore(%arg21 : memref<!tpu.dma_semaphore, #tpu.memory_space<semaphore_mem>>)
      %dma_wait3A_197 = arith.constant 0 : i32
      %dma_wait3A_198 = arith.constant 0 : i32
      %dma_wait3A_199 = tpu.memref_slice %arg8[%dma_wait3A_197, %dma_wait3A_198] : memref<3x128xi32, #tpu.memory_space<vmem>> -> memref<1x128xi32, #tpu.memory_space<vmem>>
      %dma_wait3A_200 = tpu.memref_squeeze %dma_wait3A_199 : memref<1x128xi32, #tpu.memory_space<vmem>> -> memref<128xi32, #tpu.memory_space<vmem>>
      %dma_wait3A_201 = tpu.memref_slice %arg3[%mul3A_8] : memref<320000xi32, #tpu.memory_space<hbm>> -> memref<128xi32, #tpu.memory_space<hbm>>
      %dma_wait3A_202 = arith.constant 0 : i32
      %dma_wait3A_203 = tpu.memref_slice %arg8[%dma_wait3A_197, %dma_wait3A_202] : memref<3x128xi32, #tpu.memory_space<vmem>> -> memref<1x128xi32, #tpu.memory_space<vmem>>
      %dma_wait3A_204 = tpu.memref_squeeze %dma_wait3A_203 : memref<1x128xi32, #tpu.memory_space<vmem>> -> memref<128xi32, #tpu.memory_space<vmem>>
      %dma_wait3A_205 = tpu.memref_slice %arg3[%mul3A_8] : memref<320000xi32, #tpu.memory_space<hbm>> -> memref<128xi32, #tpu.memory_space<hbm>>
      tpu.wait_dma2 semaphore(%arg24 : memref<!tpu.dma_semaphore, #tpu.memory_space<semaphore_mem>>) src(%dma_wait3A_205 : memref<128xi32, #tpu.memory_space<hbm>>) dst(%dma_wait3A_204 : memref<128xi32, #tpu.memory_space<vmem>>)
      %dma_start3A_206 = arith.constant 1 : i32
      %dma_start3A_207 = arith.constant 0 : i32
      %dma_start3A_208 = tpu.memref_slice %arg9[%dma_start3A_206, %dma_start3A_207] : memref<3x128xi32, #tpu.memory_space<vmem>> -> memref<1x128xi32, #tpu.memory_space<vmem>>
      %dma_start3A_209 = tpu.memref_squeeze %dma_start3A_208 : memref<1x128xi32, #tpu.memory_space<vmem>> -> memref<128xi32, #tpu.memory_space<vmem>>
      %dma_start3A_210 = arith.constant 0 : i32
      %dma_start3A_211 = arith.constant 0 : i32
      %dma_start3A_212 = tpu.memref_slice %arg7[%dma_start3A_210, %dma_start3A_211] : memref<10000x128xf32, #tpu.memory_space<vmem_shared>> -> memref<10000x128xf32, #tpu.memory_space<vmem_shared>>
      tpu.enqueue_indirect_dma source(%arg11 : memref<128x128xf32, #tpu.memory_space<vmem>>) target(%dma_start3A_212 : memref<10000x128xf32, #tpu.memory_space<vmem_shared>>) offsets(%dma_start3A_209 : memref<128xi32, #tpu.memory_space<vmem>>) semaphore(%arg18 : memref<!tpu.dma_semaphore, #tpu.memory_space<semaphore_mem>>) {add = true}
      %dma_wait3A_213 = arith.constant 0 : i32
      %dma_wait3A_214 = arith.constant 0 : i32
      %dma_wait3A_215 = tpu.memref_slice %arg9[%dma_wait3A_213, %dma_wait3A_214] : memref<3x128xi32, #tpu.memory_space<vmem>> -> memref<1x128xi32, #tpu.memory_space<vmem>>
      %dma_wait3A_216 = tpu.memref_squeeze %dma_wait3A_215 : memref<1x128xi32, #tpu.memory_space<vmem>> -> memref<128xi32, #tpu.memory_space<vmem>>
      %dma_wait3A_217 = arith.constant 0 : i32
      %dma_wait3A_218 = arith.constant 0 : i32
      %dma_wait3A_219 = tpu.memref_slice %arg7[%dma_wait3A_217, %dma_wait3A_218] : memref<10000x128xf32, #tpu.memory_space<vmem_shared>> -> memref<10000x128xf32, #tpu.memory_space<vmem_shared>>
      tpu.wait_indirect_dma semaphore(%arg17 : memref<!tpu.dma_semaphore, #tpu.memory_space<semaphore_mem>>) src(%arg10 : memref<128x128xf32, #tpu.memory_space<vmem>>) dst(%dma_wait3A_219 : memref<10000x128xf32, #tpu.memory_space<vmem_shared>>)
      %add3A_220 = arith.constant 2 : i32
      %add3A_221 = arith.addi %add3A_175, %add3A_220 : i32
      %mul3A_222 = arith.constant 128 : i32
      %mul3A_223 = arith.muli %add3A_221, %mul3A_222 : i32
      %add3A_224 = arith.addi %mul3A_8, %mul3A_223 : i32
      %dma_start3A_225 = arith.constant 0 : i32
      %dma_start3A_226 = arith.constant 0 : i32
      %dma_start3A_227 = tpu.memref_slice %arg9[%dma_start3A_225, %dma_start3A_226] : memref<3x128xi32, #tpu.memory_space<vmem>> -> memref<1x128xi32, #tpu.memory_space<vmem>>
      %dma_start3A_228 = tpu.memref_squeeze %dma_start3A_227 : memref<1x128xi32, #tpu.memory_space<vmem>> -> memref<128xi32, #tpu.memory_space<vmem>>
      %dma_start3A_229 = tpu.memref_slice %arg4[%add3A_224] : memref<320000xi32, #tpu.memory_space<hbm>> -> memref<128xi32, #tpu.memory_space<hbm>>
      %dma_start3A_230 = arith.constant 0 : i32
      %dma_start3A_231 = tpu.memref_slice %arg9[%dma_start3A_225, %dma_start3A_230] : memref<3x128xi32, #tpu.memory_space<vmem>> -> memref<1x128xi32, #tpu.memory_space<vmem>>
      %dma_start3A_232 = tpu.memref_squeeze %dma_start3A_231 : memref<1x128xi32, #tpu.memory_space<vmem>> -> memref<128xi32, #tpu.memory_space<vmem>>
      %dma_start3A_233 = tpu.memref_slice %arg4[%add3A_224] : memref<320000xi32, #tpu.memory_space<hbm>> -> memref<128xi32, #tpu.memory_space<hbm>>
      tpu.enqueue_dma source(%dma_start3A_233 : memref<128xi32, #tpu.memory_space<hbm>>) target(%dma_start3A_232 : memref<128xi32, #tpu.memory_space<vmem>>) target_semaphore(%arg23 : memref<!tpu.dma_semaphore, #tpu.memory_space<semaphore_mem>>)
      %dma_wait3A_234 = arith.constant 0 : i32
      %dma_wait3A_235 = arith.constant 0 : i32
      %dma_wait3A_236 = tpu.memref_slice %arg8[%dma_wait3A_234, %dma_wait3A_235] : memref<3x128xi32, #tpu.memory_space<vmem>> -> memref<1x128xi32, #tpu.memory_space<vmem>>
      %dma_wait3A_237 = tpu.memref_squeeze %dma_wait3A_236 : memref<1x128xi32, #tpu.memory_space<vmem>> -> memref<128xi32, #tpu.memory_space<vmem>>
      %dma_wait3A_238 = tpu.memref_slice %arg3[%mul3A_8] : memref<320000xi32, #tpu.memory_space<hbm>> -> memref<128xi32, #tpu.memory_space<hbm>>
      %dma_wait3A_239 = arith.constant 0 : i32
      %dma_wait3A_240 = tpu.memref_slice %arg8[%dma_wait3A_234, %dma_wait3A_239] : memref<3x128xi32, #tpu.memory_space<vmem>> -> memref<1x128xi32, #tpu.memory_space<vmem>>
      %dma_wait3A_241 = tpu.memref_squeeze %dma_wait3A_240 : memref<1x128xi32, #tpu.memory_space<vmem>> -> memref<128xi32, #tpu.memory_space<vmem>>
      %dma_wait3A_242 = tpu.memref_slice %arg3[%mul3A_8] : memref<320000xi32, #tpu.memory_space<hbm>> -> memref<128xi32, #tpu.memory_space<hbm>>
      tpu.wait_dma2 semaphore(%arg20 : memref<!tpu.dma_semaphore, #tpu.memory_space<semaphore_mem>>) src(%dma_wait3A_242 : memref<128xi32, #tpu.memory_space<hbm>>) dst(%dma_wait3A_241 : memref<128xi32, #tpu.memory_space<vmem>>)
      %dma_start3A_243 = arith.constant 0 : i32
      %dma_start3A_244 = arith.constant 0 : i32
      %dma_start3A_245 = tpu.memref_slice %arg8[%dma_start3A_243, %dma_start3A_244] : memref<3x128xi32, #tpu.memory_space<vmem>> -> memref<1x128xi32, #tpu.memory_space<vmem>>
      %dma_start3A_246 = tpu.memref_squeeze %dma_start3A_245 : memref<1x128xi32, #tpu.memory_space<vmem>> -> memref<128xi32, #tpu.memory_space<vmem>>
      %dma_start3A_247 = arith.constant 0 : i32
      %dma_start3A_248 = arith.constant 0 : i32
      %dma_start3A_249 = tpu.memref_slice %arg2[%dma_start3A_247, %dma_start3A_248] : memref<10000x128xf32, #tpu.memory_space<hbm>> -> memref<10000x128xf32, #tpu.memory_space<hbm>>
      tpu.enqueue_indirect_dma source(%dma_start3A_249 : memref<10000x128xf32, #tpu.memory_space<hbm>>) target(%arg10 : memref<128x128xf32, #tpu.memory_space<vmem>>) offsets(%dma_start3A_246 : memref<128xi32, #tpu.memory_space<vmem>>) semaphore(%arg14 : memref<!tpu.dma_semaphore, #tpu.memory_space<semaphore_mem>>)
      %add3A_250 = arith.constant 2 : i32
      %add3A_251 = arith.addi %mul3A_164, %add3A_250 : i32
      %dma_wait3A_252 = arith.constant 0 : i32
      %dma_wait3A_253 = arith.constant 0 : i32
      %dma_wait3A_254 = tpu.memref_slice %arg8[%dma_wait3A_252, %dma_wait3A_253] : memref<3x128xi32, #tpu.memory_space<vmem>> -> memref<1x128xi32, #tpu.memory_space<vmem>>
      %dma_wait3A_255 = tpu.memref_squeeze %dma_wait3A_254 : memref<1x128xi32, #tpu.memory_space<vmem>> -> memref<128xi32, #tpu.memory_space<vmem>>
      %dma_wait3A_256 = arith.constant 0 : i32
      %dma_wait3A_257 = arith.constant 0 : i32
      %dma_wait3A_258 = tpu.memref_slice %arg2[%dma_wait3A_256, %dma_wait3A_257] : memref<10000x128xf32, #tpu.memory_space<hbm>> -> memref<10000x128xf32, #tpu.memory_space<hbm>>
      tpu.wait_indirect_dma semaphore(%arg16 : memref<!tpu.dma_semaphore, #tpu.memory_space<semaphore_mem>>) src(%dma_wait3A_258 : memref<10000x128xf32, #tpu.memory_space<hbm>>) dst(%arg10 : memref<128x128xf32, #tpu.memory_space<vmem>>)
      %add3A_259 = arith.constant 3 : i32
      %add3A_260 = arith.addi %add3A_251, %add3A_259 : i32
      %mul3A_261 = arith.constant 128 : i32
      %mul3A_262 = arith.muli %add3A_260, %mul3A_261 : i32
      %add3A_263 = arith.addi %mul3A_8, %mul3A_262 : i32
      %dma_start3A_264 = arith.constant 2 : i32
      %dma_start3A_265 = arith.constant 0 : i32
      %dma_start3A_266 = tpu.memref_slice %arg8[%dma_start3A_264, %dma_start3A_265] : memref<3x128xi32, #tpu.memory_space<vmem>> -> memref<1x128xi32, #tpu.memory_space<vmem>>
      %dma_start3A_267 = tpu.memref_squeeze %dma_start3A_266 : memref<1x128xi32, #tpu.memory_space<vmem>> -> memref<128xi32, #tpu.memory_space<vmem>>
      %dma_start3A_268 = tpu.memref_slice %arg3[%add3A_263] : memref<320000xi32, #tpu.memory_space<hbm>> -> memref<128xi32, #tpu.memory_space<hbm>>
      %dma_start3A_269 = arith.constant 0 : i32
      %dma_start3A_270 = tpu.memref_slice %arg8[%dma_start3A_264, %dma_start3A_269] : memref<3x128xi32, #tpu.memory_space<vmem>> -> memref<1x128xi32, #tpu.memory_space<vmem>>
      %dma_start3A_271 = tpu.memref_squeeze %dma_start3A_270 : memref<1x128xi32, #tpu.memory_space<vmem>> -> memref<128xi32, #tpu.memory_space<vmem>>
      %dma_start3A_272 = tpu.memref_slice %arg3[%add3A_263] : memref<320000xi32, #tpu.memory_space<hbm>> -> memref<128xi32, #tpu.memory_space<hbm>>
      tpu.enqueue_dma source(%dma_start3A_272 : memref<128xi32, #tpu.memory_space<hbm>>) target(%dma_start3A_271 : memref<128xi32, #tpu.memory_space<vmem>>) target_semaphore(%arg22 : memref<!tpu.dma_semaphore, #tpu.memory_space<semaphore_mem>>)
      %dma_wait3A_273 = arith.constant 0 : i32
      %dma_wait3A_274 = arith.constant 0 : i32
      %dma_wait3A_275 = tpu.memref_slice %arg8[%dma_wait3A_273, %dma_wait3A_274] : memref<3x128xi32, #tpu.memory_space<vmem>> -> memref<1x128xi32, #tpu.memory_space<vmem>>
      %dma_wait3A_276 = tpu.memref_squeeze %dma_wait3A_275 : memref<1x128xi32, #tpu.memory_space<vmem>> -> memref<128xi32, #tpu.memory_space<vmem>>
      %dma_wait3A_277 = tpu.memref_slice %arg3[%mul3A_8] : memref<320000xi32, #tpu.memory_space<hbm>> -> memref<128xi32, #tpu.memory_space<hbm>>
      %dma_wait3A_278 = arith.constant 0 : i32
      %dma_wait3A_279 = tpu.memref_slice %arg8[%dma_wait3A_273, %dma_wait3A_278] : memref<3x128xi32, #tpu.memory_space<vmem>> -> memref<1x128xi32, #tpu.memory_space<vmem>>
      %dma_wait3A_280 = tpu.memref_squeeze %dma_wait3A_279 : memref<1x128xi32, #tpu.memory_space<vmem>> -> memref<128xi32, #tpu.memory_space<vmem>>
      %dma_wait3A_281 = tpu.memref_slice %arg3[%mul3A_8] : memref<320000xi32, #tpu.memory_space<hbm>> -> memref<128xi32, #tpu.memory_space<hbm>>
      tpu.wait_dma2 semaphore(%arg25 : memref<!tpu.dma_semaphore, #tpu.memory_space<semaphore_mem>>) src(%dma_wait3A_281 : memref<128xi32, #tpu.memory_space<hbm>>) dst(%dma_wait3A_280 : memref<128xi32, #tpu.memory_space<vmem>>)
      %dma_start3A_282 = arith.constant 2 : i32
      %dma_start3A_283 = arith.constant 0 : i32
      %dma_start3A_284 = tpu.memref_slice %arg9[%dma_start3A_282, %dma_start3A_283] : memref<3x128xi32, #tpu.memory_space<vmem>> -> memref<1x128xi32, #tpu.memory_space<vmem>>
      %dma_start3A_285 = tpu.memref_squeeze %dma_start3A_284 : memref<1x128xi32, #tpu.memory_space<vmem>> -> memref<128xi32, #tpu.memory_space<vmem>>
      %dma_start3A_286 = arith.constant 0 : i32
      %dma_start3A_287 = arith.constant 0 : i32
      %dma_start3A_288 = tpu.memref_slice %arg7[%dma_start3A_286, %dma_start3A_287] : memref<10000x128xf32, #tpu.memory_space<vmem_shared>> -> memref<10000x128xf32, #tpu.memory_space<vmem_shared>>
      tpu.enqueue_indirect_dma source(%arg12 : memref<128x128xf32, #tpu.memory_space<vmem>>) target(%dma_start3A_288 : memref<10000x128xf32, #tpu.memory_space<vmem_shared>>) offsets(%dma_start3A_285 : memref<128xi32, #tpu.memory_space<vmem>>) semaphore(%arg19 : memref<!tpu.dma_semaphore, #tpu.memory_space<semaphore_mem>>) {add = true}
      %dma_wait3A_289 = arith.constant 0 : i32
      %dma_wait3A_290 = arith.constant 0 : i32
      %dma_wait3A_291 = tpu.memref_slice %arg9[%dma_wait3A_289, %dma_wait3A_290] : memref<3x128xi32, #tpu.memory_space<vmem>> -> memref<1x128xi32, #tpu.memory_space<vmem>>
      %dma_wait3A_292 = tpu.memref_squeeze %dma_wait3A_291 : memref<1x128xi32, #tpu.memory_space<vmem>> -> memref<128xi32, #tpu.memory_space<vmem>>
      %dma_wait3A_293 = arith.constant 0 : i32
      %dma_wait3A_294 = arith.constant 0 : i32
      %dma_wait3A_295 = tpu.memref_slice %arg7[%dma_wait3A_293, %dma_wait3A_294] : memref<10000x128xf32, #tpu.memory_space<vmem_shared>> -> memref<10000x128xf32, #tpu.memory_space<vmem_shared>>
      tpu.wait_indirect_dma semaphore(%arg18 : memref<!tpu.dma_semaphore, #tpu.memory_space<semaphore_mem>>) src(%arg10 : memref<128x128xf32, #tpu.memory_space<vmem>>) dst(%dma_wait3A_295 : memref<10000x128xf32, #tpu.memory_space<vmem_shared>>)
      %add3A_296 = arith.constant 2 : i32
      %add3A_297 = arith.addi %add3A_251, %add3A_296 : i32
      %mul3A_298 = arith.constant 128 : i32
      %mul3A_299 = arith.muli %add3A_297, %mul3A_298 : i32
      %add3A_300 = arith.addi %mul3A_8, %mul3A_299 : i32
      %dma_start3A_301 = arith.constant 1 : i32
      %dma_start3A_302 = arith.constant 0 : i32
      %dma_start3A_303 = tpu.memref_slice %arg9[%dma_start3A_301, %dma_start3A_302] : memref<3x128xi32, #tpu.memory_space<vmem>> -> memref<1x128xi32, #tpu.memory_space<vmem>>
      %dma_start3A_304 = tpu.memref_squeeze %dma_start3A_303 : memref<1x128xi32, #tpu.memory_space<vmem>> -> memref<128xi32, #tpu.memory_space<vmem>>
      %dma_start3A_305 = tpu.memref_slice %arg4[%add3A_300] : memref<320000xi32, #tpu.memory_space<hbm>> -> memref<128xi32, #tpu.memory_space<hbm>>
      %dma_start3A_306 = arith.constant 0 : i32
      %dma_start3A_307 = tpu.memref_slice %arg9[%dma_start3A_301, %dma_start3A_306] : memref<3x128xi32, #tpu.memory_space<vmem>> -> memref<1x128xi32, #tpu.memory_space<vmem>>
      %dma_start3A_308 = tpu.memref_squeeze %dma_start3A_307 : memref<1x128xi32, #tpu.memory_space<vmem>> -> memref<128xi32, #tpu.memory_space<vmem>>
      %dma_start3A_309 = tpu.memref_slice %arg4[%add3A_300] : memref<320000xi32, #tpu.memory_space<hbm>> -> memref<128xi32, #tpu.memory_space<hbm>>
      tpu.enqueue_dma source(%dma_start3A_309 : memref<128xi32, #tpu.memory_space<hbm>>) target(%dma_start3A_308 : memref<128xi32, #tpu.memory_space<vmem>>) target_semaphore(%arg24 : memref<!tpu.dma_semaphore, #tpu.memory_space<semaphore_mem>>)
      %dma_wait3A_310 = arith.constant 0 : i32
      %dma_wait3A_311 = arith.constant 0 : i32
      %dma_wait3A_312 = tpu.memref_slice %arg8[%dma_wait3A_310, %dma_wait3A_311] : memref<3x128xi32, #tpu.memory_space<vmem>> -> memref<1x128xi32, #tpu.memory_space<vmem>>
      %dma_wait3A_313 = tpu.memref_squeeze %dma_wait3A_312 : memref<1x128xi32, #tpu.memory_space<vmem>> -> memref<128xi32, #tpu.memory_space<vmem>>
      %dma_wait3A_314 = tpu.memref_slice %arg3[%mul3A_8] : memref<320000xi32, #tpu.memory_space<hbm>> -> memref<128xi32, #tpu.memory_space<hbm>>
      %dma_wait3A_315 = arith.constant 0 : i32
      %dma_wait3A_316 = tpu.memref_slice %arg8[%dma_wait3A_310, %dma_wait3A_315] : memref<3x128xi32, #tpu.memory_space<vmem>> -> memref<1x128xi32, #tpu.memory_space<vmem>>
      %dma_wait3A_317 = tpu.memref_squeeze %dma_wait3A_316 : memref<1x128xi32, #tpu.memory_space<vmem>> -> memref<128xi32, #tpu.memory_space<vmem>>
      %dma_wait3A_318 = tpu.memref_slice %arg3[%mul3A_8] : memref<320000xi32, #tpu.memory_space<hbm>> -> memref<128xi32, #tpu.memory_space<hbm>>
      tpu.wait_dma2 semaphore(%arg21 : memref<!tpu.dma_semaphore, #tpu.memory_space<semaphore_mem>>) src(%dma_wait3A_318 : memref<128xi32, #tpu.memory_space<hbm>>) dst(%dma_wait3A_317 : memref<128xi32, #tpu.memory_space<vmem>>)
      %dma_start3A_319 = arith.constant 1 : i32
      %dma_start3A_320 = arith.constant 0 : i32
      %dma_start3A_321 = tpu.memref_slice %arg8[%dma_start3A_319, %dma_start3A_320] : memref<3x128xi32, #tpu.memory_space<vmem>> -> memref<1x128xi32, #tpu.memory_space<vmem>>
      %dma_start3A_322 = tpu.memref_squeeze %dma_start3A_321 : memref<1x128xi32, #tpu.memory_space<vmem>> -> memref<128xi32, #tpu.memory_space<vmem>>
      %dma_start3A_323 = arith.constant 0 : i32
      %dma_start3A_324 = arith.constant 0 : i32
      %dma_start3A_325 = tpu.memref_slice %arg2[%dma_start3A_323, %dma_start3A_324] : memref<10000x128xf32, #tpu.memory_space<hbm>> -> memref<10000x128xf32, #tpu.memory_space<hbm>>
      tpu.enqueue_indirect_dma source(%dma_start3A_325 : memref<10000x128xf32, #tpu.memory_space<hbm>>) target(%arg11 : memref<128x128xf32, #tpu.memory_space<vmem>>) offsets(%dma_start3A_322 : memref<128xi32, #tpu.memory_space<vmem>>) semaphore(%arg15 : memref<!tpu.dma_semaphore, #tpu.memory_space<semaphore_mem>>)
    }
    %scan3A_97 = arith.constant 26 : i32
    %dma_wait3A_98 = arith.constant 0 : i32
    %dma_wait3A_99 = arith.constant 0 : i32
    %dma_wait3A_100 = tpu.memref_slice %arg9[%dma_wait3A_98, %dma_wait3A_99] : memref<3x128xi32, #tpu.memory_space<vmem>> -> memref<1x128xi32, #tpu.memory_space<vmem>>
    %dma_wait3A_101 = tpu.memref_squeeze %dma_wait3A_100 : memref<1x128xi32, #tpu.memory_space<vmem>> -> memref<128xi32, #tpu.memory_space<vmem>>
    %dma_wait3A_102 = arith.constant 0 : i32
    %dma_wait3A_103 = arith.constant 0 : i32
    %dma_wait3A_104 = tpu.memref_slice %arg7[%dma_wait3A_102, %dma_wait3A_103] : memref<10000x128xf32, #tpu.memory_space<vmem_shared>> -> memref<10000x128xf32, #tpu.memory_space<vmem_shared>>
    tpu.wait_indirect_dma semaphore(%arg19 : memref<!tpu.dma_semaphore, #tpu.memory_space<semaphore_mem>>) src(%arg10 : memref<128x128xf32, #tpu.memory_space<vmem>>) dst(%dma_wait3A_104 : memref<10000x128xf32, #tpu.memory_space<vmem_shared>>)
    %dma_wait3A_105 = arith.constant 0 : i32
    %dma_wait3A_106 = arith.constant 0 : i32
    %dma_wait3A_107 = tpu.memref_slice %arg8[%dma_wait3A_105, %dma_wait3A_106] : memref<3x128xi32, #tpu.memory_space<vmem>> -> memref<1x128xi32, #tpu.memory_space<vmem>>
    %dma_wait3A_108 = tpu.memref_squeeze %dma_wait3A_107 : memref<1x128xi32, #tpu.memory_space<vmem>> -> memref<128xi32, #tpu.memory_space<vmem>>
    %dma_wait3A_109 = arith.constant 0 : i32
    %dma_wait3A_110 = arith.constant 0 : i32
    %dma_wait3A_111 = tpu.memref_slice %arg2[%dma_wait3A_109, %dma_wait3A_110] : memref<10000x128xf32, #tpu.memory_space<hbm>> -> memref<10000x128xf32, #tpu.memory_space<hbm>>
    tpu.wait_indirect_dma semaphore(%arg14 : memref<!tpu.dma_semaphore, #tpu.memory_space<semaphore_mem>>) src(%dma_wait3A_111 : memref<10000x128xf32, #tpu.memory_space<hbm>>) dst(%arg10 : memref<128x128xf32, #tpu.memory_space<vmem>>)
    %dma_wait3A_112 = arith.constant 0 : i32
    %dma_wait3A_113 = arith.constant 0 : i32
    %dma_wait3A_114 = tpu.memref_slice %arg8[%dma_wait3A_112, %dma_wait3A_113] : memref<3x128xi32, #tpu.memory_space<vmem>> -> memref<1x128xi32, #tpu.memory_space<vmem>>
    %dma_wait3A_115 = tpu.memref_squeeze %dma_wait3A_114 : memref<1x128xi32, #tpu.memory_space<vmem>> -> memref<128xi32, #tpu.memory_space<vmem>>
    %dma_wait3A_116 = arith.constant 0 : i32
    %dma_wait3A_117 = arith.constant 0 : i32
    %dma_wait3A_118 = tpu.memref_slice %arg2[%dma_wait3A_116, %dma_wait3A_117] : memref<10000x128xf32, #tpu.memory_space<hbm>> -> memref<10000x128xf32, #tpu.memory_space<hbm>>
    tpu.wait_indirect_dma semaphore(%arg15 : memref<!tpu.dma_semaphore, #tpu.memory_space<semaphore_mem>>) src(%dma_wait3A_118 : memref<10000x128xf32, #tpu.memory_space<hbm>>) dst(%arg10 : memref<128x128xf32, #tpu.memory_space<vmem>>)
    %dma_wait3A_119 = arith.constant 0 : i32
    %dma_wait3A_120 = arith.constant 0 : i32
    %dma_wait3A_121 = tpu.memref_slice %arg8[%dma_wait3A_119, %dma_wait3A_120] : memref<3x128xi32, #tpu.memory_space<vmem>> -> memref<1x128xi32, #tpu.memory_space<vmem>>
    %dma_wait3A_122 = tpu.memref_squeeze %dma_wait3A_121 : memref<1x128xi32, #tpu.memory_space<vmem>> -> memref<128xi32, #tpu.memory_space<vmem>>
    %dma_wait3A_123 = tpu.memref_slice %arg3[%mul3A_8] : memref<320000xi32, #tpu.memory_space<hbm>> -> memref<128xi32, #tpu.memory_space<hbm>>
    %dma_wait3A_124 = arith.constant 0 : i32
    %dma_wait3A_125 = tpu.memref_slice %arg8[%dma_wait3A_119, %dma_wait3A_124] : memref<3x128xi32, #tpu.memory_space<vmem>> -> memref<1x128xi32, #tpu.memory_space<vmem>>
    %dma_wait3A_126 = tpu.memref_squeeze %dma_wait3A_125 : memref<1x128xi32, #tpu.memory_space<vmem>> -> memref<128xi32, #tpu.memory_space<vmem>>
    %dma_wait3A_127 = tpu.memref_slice %arg3[%mul3A_8] : memref<320000xi32, #tpu.memory_space<hbm>> -> memref<128xi32, #tpu.memory_space<hbm>>
    tpu.wait_dma2 semaphore(%arg22 : memref<!tpu.dma_semaphore, #tpu.memory_space<semaphore_mem>>) src(%dma_wait3A_127 : memref<128xi32, #tpu.memory_space<hbm>>) dst(%dma_wait3A_126 : memref<128xi32, #tpu.memory_space<vmem>>)
    %dma_wait3A_128 = arith.constant 0 : i32
    %dma_wait3A_129 = arith.constant 0 : i32
    %dma_wait3A_130 = tpu.memref_slice %arg8[%dma_wait3A_128, %dma_wait3A_129] : memref<3x128xi32, #tpu.memory_space<vmem>> -> memref<1x128xi32, #tpu.memory_space<vmem>>
    %dma_wait3A_131 = tpu.memref_squeeze %dma_wait3A_130 : memref<1x128xi32, #tpu.memory_space<vmem>> -> memref<128xi32, #tpu.memory_space<vmem>>
    %dma_wait3A_132 = tpu.memref_slice %arg3[%mul3A_8] : memref<320000xi32, #tpu.memory_space<hbm>> -> memref<128xi32, #tpu.memory_space<hbm>>
    %dma_wait3A_133 = arith.constant 0 : i32
    %dma_wait3A_134 = tpu.memref_slice %arg8[%dma_wait3A_128, %dma_wait3A_133] : memref<3x128xi32, #tpu.memory_space<vmem>> -> memref<1x128xi32, #tpu.memory_space<vmem>>
    %dma_wait3A_135 = tpu.memref_squeeze %dma_wait3A_134 : memref<1x128xi32, #tpu.memory_space<vmem>> -> memref<128xi32, #tpu.memory_space<vmem>>
    %dma_wait3A_136 = tpu.memref_slice %arg3[%mul3A_8] : memref<320000xi32, #tpu.memory_space<hbm>> -> memref<128xi32, #tpu.memory_space<hbm>>
    tpu.wait_dma2 semaphore(%arg23 : memref<!tpu.dma_semaphore, #tpu.memory_space<semaphore_mem>>) src(%dma_wait3A_136 : memref<128xi32, #tpu.memory_space<hbm>>) dst(%dma_wait3A_135 : memref<128xi32, #tpu.memory_space<vmem>>)
    %dma_wait3A_137 = arith.constant 0 : i32
    %dma_wait3A_138 = arith.constant 0 : i32
    %dma_wait3A_139 = tpu.memref_slice %arg8[%dma_wait3A_137, %dma_wait3A_138] : memref<3x128xi32, #tpu.memory_space<vmem>> -> memref<1x128xi32, #tpu.memory_space<vmem>>
    %dma_wait3A_140 = tpu.memref_squeeze %dma_wait3A_139 : memref<1x128xi32, #tpu.memory_space<vmem>> -> memref<128xi32, #tpu.memory_space<vmem>>
    %dma_wait3A_141 = tpu.memref_slice %arg3[%mul3A_8] : memref<320000xi32, #tpu.memory_space<hbm>> -> memref<128xi32, #tpu.memory_space<hbm>>
    %dma_wait3A_142 = arith.constant 0 : i32
    %dma_wait3A_143 = tpu.memref_slice %arg8[%dma_wait3A_137, %dma_wait3A_142] : memref<3x128xi32, #tpu.memory_space<vmem>> -> memref<1x128xi32, #tpu.memory_space<vmem>>
    %dma_wait3A_144 = tpu.memref_squeeze %dma_wait3A_143 : memref<1x128xi32, #tpu.memory_space<vmem>> -> memref<128xi32, #tpu.memory_space<vmem>>
    %dma_wait3A_145 = tpu.memref_slice %arg3[%mul3A_8] : memref<320000xi32, #tpu.memory_space<hbm>> -> memref<128xi32, #tpu.memory_space<hbm>>
    tpu.wait_dma2 semaphore(%arg24 : memref<!tpu.dma_semaphore, #tpu.memory_space<semaphore_mem>>) src(%dma_wait3A_145 : memref<128xi32, #tpu.memory_space<hbm>>) dst(%dma_wait3A_144 : memref<128xi32, #tpu.memory_space<vmem>>)
    %lt3A_146 = arith.constant 4 : i32
    %lt3A_147 = arith.cmpi slt, %add3A, %lt3A_146 : i32
    %convert_element_type3A_148 = arith.extui %lt3A_147 : i1 to i32
    %cond3A_149 = arith.constant 0 : i32
    %cond3A_150 = arith.cmpi ne, %convert_element_type3A_148, %cond3A_149 : i32
    scf.if %cond3A_150 {
      %add3A_162 = arith.constant 2496 : i32
      %add3A_163 = arith.addi %add3A_162, %add3A : i32
      %mul3A_164 = arith.constant 128 : i32
      %mul3A_165 = arith.muli %add3A_163, %mul3A_164 : i32
      "tpu.region"() ({
        %run_scoped3A_173 = tpu.sem_alloc : memref<!tpu.dma_semaphore, #tpu.memory_space<semaphore_mem>>
        %dma_start3A_174 = tpu.memref_slice %arg3[%mul3A_165] : memref<320000xi32, #tpu.memory_space<hbm>> -> memref<128xi32, #tpu.memory_space<hbm>>
        %dma_start3A_175 = tpu.memref_slice %arg3[%mul3A_165] : memref<320000xi32, #tpu.memory_space<hbm>> -> memref<128xi32, #tpu.memory_space<hbm>>
        tpu.enqueue_dma source(%dma_start3A_175 : memref<128xi32, #tpu.memory_space<hbm>>) target(%arg13 : memref<128xi32, #tpu.memory_space<vmem>>) target_semaphore(%run_scoped3A_173 : memref<!tpu.dma_semaphore, #tpu.memory_space<semaphore_mem>>)
        %dma_wait3A_176 = tpu.memref_slice %arg3[%mul3A_165] : memref<320000xi32, #tpu.memory_space<hbm>> -> memref<128xi32, #tpu.memory_space<hbm>>
        %dma_wait3A_177 = tpu.memref_slice %arg3[%mul3A_165] : memref<320000xi32, #tpu.memory_space<hbm>> -> memref<128xi32, #tpu.memory_space<hbm>>
        tpu.wait_dma2 semaphore(%run_scoped3A_173 : memref<!tpu.dma_semaphore, #tpu.memory_space<semaphore_mem>>) src(%dma_wait3A_177 : memref<128xi32, #tpu.memory_space<hbm>>) dst(%arg13 : memref<128xi32, #tpu.memory_space<vmem>>)
        tpu.yield
      }) : () -> ()
      %run_scoped3A = arith.constant 0 : i32
      "tpu.region"() ({
        %run_scoped3A_173 = tpu.sem_alloc : memref<!tpu.dma_semaphore, #tpu.memory_space<semaphore_mem>>
        %dma_start3A_174 = arith.constant 0 : i32
        %dma_start3A_175 = tpu.memref_slice %arg9[%run_scoped3A, %dma_start3A_174] : memref<3x128xi32, #tpu.memory_space<vmem>> -> memref<1x128xi32, #tpu.memory_space<vmem>>
        %dma_start3A_176 = tpu.memref_squeeze %dma_start3A_175 : memref<1x128xi32, #tpu.memory_space<vmem>> -> memref<128xi32, #tpu.memory_space<vmem>>
        %dma_start3A_177 = tpu.memref_slice %arg4[%mul3A_165] : memref<320000xi32, #tpu.memory_space<hbm>> -> memref<128xi32, #tpu.memory_space<hbm>>
        %dma_start3A_178 = arith.constant 0 : i32
        %dma_start3A_179 = tpu.memref_slice %arg9[%run_scoped3A, %dma_start3A_178] : memref<3x128xi32, #tpu.memory_space<vmem>> -> memref<1x128xi32, #tpu.memory_space<vmem>>
        %dma_start3A_180 = tpu.memref_squeeze %dma_start3A_179 : memref<1x128xi32, #tpu.memory_space<vmem>> -> memref<128xi32, #tpu.memory_space<vmem>>
        %dma_start3A_181 = tpu.memref_slice %arg4[%mul3A_165] : memref<320000xi32, #tpu.memory_space<hbm>> -> memref<128xi32, #tpu.memory_space<hbm>>
        tpu.enqueue_dma source(%dma_start3A_181 : memref<128xi32, #tpu.memory_space<hbm>>) target(%dma_start3A_180 : memref<128xi32, #tpu.memory_space<vmem>>) target_semaphore(%run_scoped3A_173 : memref<!tpu.dma_semaphore, #tpu.memory_space<semaphore_mem>>)
        %dma_wait3A_182 = arith.constant 0 : i32
        %dma_wait3A_183 = tpu.memref_slice %arg9[%run_scoped3A, %dma_wait3A_182] : memref<3x128xi32, #tpu.memory_space<vmem>> -> memref<1x128xi32, #tpu.memory_space<vmem>>
        %dma_wait3A_184 = tpu.memref_squeeze %dma_wait3A_183 : memref<1x128xi32, #tpu.memory_space<vmem>> -> memref<128xi32, #tpu.memory_space<vmem>>
        %dma_wait3A_185 = tpu.memref_slice %arg4[%mul3A_165] : memref<320000xi32, #tpu.memory_space<hbm>> -> memref<128xi32, #tpu.memory_space<hbm>>
        %dma_wait3A_186 = arith.constant 0 : i32
        %dma_wait3A_187 = tpu.memref_slice %arg9[%run_scoped3A, %dma_wait3A_186] : memref<3x128xi32, #tpu.memory_space<vmem>> -> memref<1x128xi32, #tpu.memory_space<vmem>>
        %dma_wait3A_188 = tpu.memref_squeeze %dma_wait3A_187 : memref<1x128xi32, #tpu.memory_space<vmem>> -> memref<128xi32, #tpu.memory_space<vmem>>
        %dma_wait3A_189 = tpu.memref_slice %arg4[%mul3A_165] : memref<320000xi32, #tpu.memory_space<hbm>> -> memref<128xi32, #tpu.memory_space<hbm>>
        tpu.wait_dma2 semaphore(%run_scoped3A_173 : memref<!tpu.dma_semaphore, #tpu.memory_space<semaphore_mem>>) src(%dma_wait3A_189 : memref<128xi32, #tpu.memory_space<hbm>>) dst(%dma_wait3A_188 : memref<128xi32, #tpu.memory_space<vmem>>)
        tpu.yield
      }) : () -> ()
      %dma_start3A_166 = arith.constant 0 : i32
      %dma_start3A_167 = arith.constant 0 : i32
      %dma_start3A_168 = tpu.memref_slice %arg2[%dma_start3A_166, %dma_start3A_167] : memref<10000x128xf32, #tpu.memory_space<hbm>> -> memref<10000x128xf32, #tpu.memory_space<hbm>>
      tpu.enqueue_indirect_dma source(%dma_start3A_168 : memref<10000x128xf32, #tpu.memory_space<hbm>>) target(%arg10 : memref<128x128xf32, #tpu.memory_space<vmem>>) offsets(%arg13 : memref<128xi32, #tpu.memory_space<vmem>>) semaphore(%arg14 : memref<!tpu.dma_semaphore, #tpu.memory_space<semaphore_mem>>)
      %dma_wait3A_169 = arith.constant 0 : i32
      %dma_wait3A_170 = arith.constant 0 : i32
      %dma_wait3A_171 = tpu.memref_slice %arg2[%dma_wait3A_169, %dma_wait3A_170] : memref<10000x128xf32, #tpu.memory_space<hbm>> -> memref<10000x128xf32, #tpu.memory_space<hbm>>
      tpu.wait_indirect_dma semaphore(%arg14 : memref<!tpu.dma_semaphore, #tpu.memory_space<semaphore_mem>>) src(%dma_wait3A_171 : memref<10000x128xf32, #tpu.memory_space<hbm>>) dst(%arg10 : memref<128x128xf32, #tpu.memory_space<vmem>>)
      %run_scoped3A_172 = arith.constant 0 : i32
      "tpu.region"() ({
        %run_scoped3A_173 = tpu.sem_alloc : memref<!tpu.dma_semaphore, #tpu.memory_space<semaphore_mem>>
        %dma_start3A_174 = arith.constant 0 : i32
        %dma_start3A_175 = tpu.memref_slice %arg9[%run_scoped3A_172, %dma_start3A_174] : memref<3x128xi32, #tpu.memory_space<vmem>> -> memref<1x128xi32, #tpu.memory_space<vmem>>
        %dma_start3A_176 = tpu.memref_squeeze %dma_start3A_175 : memref<1x128xi32, #tpu.memory_space<vmem>> -> memref<128xi32, #tpu.memory_space<vmem>>
        %dma_start3A_177 = arith.constant 0 : i32
        %dma_start3A_178 = arith.constant 0 : i32
        %dma_start3A_179 = tpu.memref_slice %arg7[%dma_start3A_177, %dma_start3A_178] : memref<10000x128xf32, #tpu.memory_space<vmem_shared>> -> memref<10000x128xf32, #tpu.memory_space<vmem_shared>>
        tpu.enqueue_indirect_dma source(%arg10 : memref<128x128xf32, #tpu.memory_space<vmem>>) target(%dma_start3A_179 : memref<10000x128xf32, #tpu.memory_space<vmem_shared>>) offsets(%dma_start3A_176 : memref<128xi32, #tpu.memory_space<vmem>>) semaphore(%run_scoped3A_173 : memref<!tpu.dma_semaphore, #tpu.memory_space<semaphore_mem>>) {add = true}
        %dma_wait3A_180 = arith.constant 0 : i32
        %dma_wait3A_181 = tpu.memref_slice %arg9[%run_scoped3A_172, %dma_wait3A_180] : memref<3x128xi32, #tpu.memory_space<vmem>> -> memref<1x128xi32, #tpu.memory_space<vmem>>
        %dma_wait3A_182 = tpu.memref_squeeze %dma_wait3A_181 : memref<1x128xi32, #tpu.memory_space<vmem>> -> memref<128xi32, #tpu.memory_space<vmem>>
        %dma_wait3A_183 = arith.constant 0 : i32
        %dma_wait3A_184 = arith.constant 0 : i32
        %dma_wait3A_185 = tpu.memref_slice %arg7[%dma_wait3A_183, %dma_wait3A_184] : memref<10000x128xf32, #tpu.memory_space<vmem_shared>> -> memref<10000x128xf32, #tpu.memory_space<vmem_shared>>
        tpu.wait_indirect_dma semaphore(%run_scoped3A_173 : memref<!tpu.dma_semaphore, #tpu.memory_space<semaphore_mem>>) src(%arg10 : memref<128x128xf32, #tpu.memory_space<vmem>>) dst(%dma_wait3A_185 : memref<10000x128xf32, #tpu.memory_space<vmem_shared>>)
        tpu.yield
      }) : () -> ()
    } else {
    }
    %barrier3A_151 = arith.constant 0 : index
    tpu.barrier barrier_id(%barrier3A_151)
    %lt3A_152 = arith.constant 15 : i32
    %lt3A_153 = arith.cmpi slt, %arg1, %lt3A_152 : i32
    %convert_element_type3A_154 = arith.extui %lt3A_153 : i1 to i32
    %cond3A_155 = arith.constant 0 : i32
    %cond3A_156 = arith.cmpi ne, %convert_element_type3A_154, %cond3A_155 : i32
    scf.if %cond3A_156 {
      %mul3A_162 = arith.constant 624 : i32
      %mul3A_163 = arith.muli %arg1, %mul3A_162 : i32
      %mul3A_164 = arith.constant 624 : i32
      %mul3A_165 = arith.muli %arg1, %mul3A_164 : i32
      "tpu.region"() ({
        %run_scoped3A = tpu.sem_alloc : memref<!tpu.dma_semaphore, #tpu.memory_space<semaphore_mem>>
        %dma_start3A_166 = arith.constant 0 : i32
        %dma_start3A_167 = tpu.memref_slice %arg6[%arg0, %mul3A_165, %dma_start3A_166] : memref<2x10000x128xf32, #tpu.memory_space<hbm>> -> memref<1x624x128xf32, #tpu.memory_space<hbm>>
        %dma_start3A_168 = tpu.memref_squeeze %dma_start3A_167 : memref<1x624x128xf32, #tpu.memory_space<hbm>> -> memref<624x128xf32, #tpu.memory_space<hbm>>
        %dma_start3A_169 = arith.constant 0 : i32
        %dma_start3A_170 = tpu.memref_slice %arg7[%mul3A_163, %dma_start3A_169] : memref<10000x128xf32, #tpu.memory_space<vmem_shared>> -> memref<624x128xf32, #tpu.memory_space<vmem_shared>>
        tpu.enqueue_dma source(%dma_start3A_170 : memref<624x128xf32, #tpu.memory_space<vmem_shared>>) target(%dma_start3A_168 : memref<624x128xf32, #tpu.memory_space<hbm>>) target_semaphore(%run_scoped3A : memref<!tpu.dma_semaphore, #tpu.memory_space<semaphore_mem>>)
        %dma_wait3A_171 = arith.constant 0 : i32
        %dma_wait3A_172 = tpu.memref_slice %arg6[%arg0, %mul3A_165, %dma_wait3A_171] : memref<2x10000x128xf32, #tpu.memory_space<hbm>> -> memref<1x624x128xf32, #tpu.memory_space<hbm>>
        %dma_wait3A_173 = tpu.memref_squeeze %dma_wait3A_172 : memref<1x624x128xf32, #tpu.memory_space<hbm>> -> memref<624x128xf32, #tpu.memory_space<hbm>>
        %dma_wait3A_174 = arith.constant 0 : i32
        %dma_wait3A_175 = tpu.memref_slice %arg7[%mul3A_163, %dma_wait3A_174] : memref<10000x128xf32, #tpu.memory_space<vmem_shared>> -> memref<624x128xf32, #tpu.memory_space<vmem_shared>>
        tpu.wait_dma2 semaphore(%run_scoped3A : memref<!tpu.dma_semaphore, #tpu.memory_space<semaphore_mem>>) src(%dma_wait3A_175 : memref<624x128xf32, #tpu.memory_space<vmem_shared>>) dst(%dma_wait3A_173 : memref<624x128xf32, #tpu.memory_space<hbm>>)
        tpu.yield
      }) : () -> ()
    } else {
    }
    %eq3A_157 = arith.constant 15 : i32
    %eq3A_158 = arith.cmpi eq, %arg1, %eq3A_157 : i32
    %convert_element_type3A_159 = arith.extui %eq3A_158 : i1 to i32
    %cond3A_160 = arith.constant 0 : i32
    %cond3A_161 = arith.cmpi ne, %convert_element_type3A_159, %cond3A_160 : i32
    scf.if %cond3A_161 {
      "tpu.region"() ({
        %run_scoped3A = tpu.sem_alloc : memref<!tpu.dma_semaphore, #tpu.memory_space<semaphore_mem>>
        %dma_start3A_162 = arith.constant 9360 : i32
        %dma_start3A_163 = arith.constant 0 : i32
        %dma_start3A_164 = tpu.memref_slice %arg6[%arg0, %dma_start3A_162, %dma_start3A_163] : memref<2x10000x128xf32, #tpu.memory_space<hbm>> -> memref<1x640x128xf32, #tpu.memory_space<hbm>>
        %dma_start3A_165 = tpu.memref_squeeze %dma_start3A_164 : memref<1x640x128xf32, #tpu.memory_space<hbm>> -> memref<640x128xf32, #tpu.memory_space<hbm>>
        %dma_start3A_166 = arith.constant 9360 : i32
        %dma_start3A_167 = arith.constant 0 : i32
        %dma_start3A_168 = tpu.memref_slice %arg7[%dma_start3A_166, %dma_start3A_167] : memref<10000x128xf32, #tpu.memory_space<vmem_shared>> -> memref<640x128xf32, #tpu.memory_space<vmem_shared>>
        tpu.enqueue_dma source(%dma_start3A_168 : memref<640x128xf32, #tpu.memory_space<vmem_shared>>) target(%dma_start3A_165 : memref<640x128xf32, #tpu.memory_space<hbm>>) target_semaphore(%run_scoped3A : memref<!tpu.dma_semaphore, #tpu.memory_space<semaphore_mem>>)
        %dma_wait3A_169 = arith.constant 9360 : i32
        %dma_wait3A_170 = arith.constant 0 : i32
        %dma_wait3A_171 = tpu.memref_slice %arg6[%arg0, %dma_wait3A_169, %dma_wait3A_170] : memref<2x10000x128xf32, #tpu.memory_space<hbm>> -> memref<1x640x128xf32, #tpu.memory_space<hbm>>
        %dma_wait3A_172 = tpu.memref_squeeze %dma_wait3A_171 : memref<1x640x128xf32, #tpu.memory_space<hbm>> -> memref<640x128xf32, #tpu.memory_space<hbm>>
        %dma_wait3A_173 = arith.constant 9360 : i32
        %dma_wait3A_174 = arith.constant 0 : i32
        %dma_wait3A_175 = tpu.memref_slice %arg7[%dma_wait3A_173, %dma_wait3A_174] : memref<10000x128xf32, #tpu.memory_space<vmem_shared>> -> memref<640x128xf32, #tpu.memory_space<vmem_shared>>
        tpu.wait_dma2 semaphore(%run_scoped3A : memref<!tpu.dma_semaphore, #tpu.memory_space<semaphore_mem>>) src(%dma_wait3A_175 : memref<640x128xf32, #tpu.memory_space<vmem_shared>>) dst(%dma_wait3A_172 : memref<640x128xf32, #tpu.memory_space<hbm>>)
        tpu.yield
      }) : () -> ()
    } else {
    }
    return
  }
}

module attributes {stable_mosaic.version = 14 : i64} {
  func.func @_tc_pre_body(%arg0: i32, %arg1: memref<1000x128xf32, #tpu.memory_space<vmem>>, %arg2: memref<128x128xf32, #tpu.memory_space<vmem>>, %arg3: memref<1x128xf32, #tpu.memory_space<vmem>>, %arg4: memref<128x128xf32, #tpu.memory_space<vmem>>, %arg5: memref<1000x128xf32, #tpu.memory_space<vmem>>) attributes {dimension_semantics = [#tpu.dimension_semantics<arbitrary>], iteration_bounds = array<i64: 10>, scalar_prefetch = 0 : i64, scratch_operands = 0 : i64, tpu.core_type = #tpu.core_type<tc>, window_params = [{transform_indices = @transform_0, window_bounds = array<i64: 1000, 128>}, {pipeline_mode = #tpu.pipeline_mode<synchronous>, transform_indices = @transform_1, window_bounds = array<i64: 128, 128>}, {pipeline_mode = #tpu.pipeline_mode<synchronous>, transform_indices = @transform_2, window_bounds = array<i64: 1, 128>}, {pipeline_mode = #tpu.pipeline_mode<synchronous>, transform_indices = @transform_3, window_bounds = array<i64: 128, 128>}, {transform_indices = @transform_4, window_bounds = array<i64: 1000, 128>}]} {
    %get3A = arith.constant 0 : index
    %get3A_0 = arith.constant 0 : index
    %get3A_1 = vector.load %arg1[%get3A, %get3A_0] : memref<1000x128xf32, #tpu.memory_space<vmem>>, vector<1000x128xf32>
    %get3A_2 = arith.constant 0 : index
    %get3A_3 = arith.constant 0 : index
    %get3A_4 = vector.load %arg2[%get3A_2, %get3A_3] : memref<128x128xf32, #tpu.memory_space<vmem>>, vector<128x128xf32>
    %dot_general3A = arith.constant dense<0.000000e+00> : vector<1000x128xf32>
    %dot_general3A_5 = tpu.matmul %get3A_1, %get3A_4, %dot_general3A {dimension_numbers = #tpu.dot_dimension_numbers<[1], [0], [0], [1], [0, 0, 1, 1], [], []>, transpose_lhs_hint = false} : vector<1000x128xf32>, vector<128x128xf32>, vector<1000x128xf32> -> vector<1000x128xf32>
    %get3A_6 = arith.constant 0 : index
    %get3A_7 = arith.constant 0 : index
    %get3A_8 = vector.load %arg3[%get3A_6, %get3A_7] : memref<1x128xf32, #tpu.memory_space<vmem>>, vector<1x128xf32>
    %add3A = vector.broadcast %get3A_8 : vector<1x128xf32> to vector<1000x128xf32>
    %add3A_9 = arith.addf %dot_general3A_5, %add3A : vector<1000x128xf32>
    %max3A = arith.constant 0.000000e+00 : f32
    %max3A_10 = vector.broadcast %max3A : f32 to vector<1000x128xf32>
    %max3A_11 = arith.maximumf %add3A_9, %max3A_10 : vector<1000x128xf32>
    %get3A_12 = arith.constant 0 : index
    %get3A_13 = arith.constant 0 : index
    %get3A_14 = vector.load %arg4[%get3A_12, %get3A_13] : memref<128x128xf32, #tpu.memory_space<vmem>>, vector<128x128xf32>
    %dot_general3A_15 = arith.constant dense<0.000000e+00> : vector<1000x128xf32>
    %dot_general3A_16 = tpu.matmul %max3A_11, %get3A_14, %dot_general3A_15 {dimension_numbers = #tpu.dot_dimension_numbers<[1], [0], [0], [1], [0, 0, 1, 1], [], []>, transpose_lhs_hint = false} : vector<1000x128xf32>, vector<128x128xf32>, vector<1000x128xf32> -> vector<1000x128xf32>
    %swap3A = arith.constant 0 : index
    %swap3A_17 = arith.constant 0 : index
    %swap3A_18 = vector.load %arg5[%swap3A, %swap3A_17] : memref<1000x128xf32, #tpu.memory_space<vmem>>, vector<1000x128xf32>
    tpu.vector_store %arg5[%swap3A, %swap3A_17], %dot_general3A_16 {strides = array<i32>} : memref<1000x128xf32, #tpu.memory_space<vmem>>, vector<1000x128xf32>,
    return
  }
  func.func @transform_0(%arg0: i32) -> (i32, i32) {
    %c0_i32 = arith.constant 0 : i32
    %c0_i32_0 = arith.constant 0 : i32
    return %arg0, %c0_i32 : i32, i32
  }
  func.func @transform_1(%arg0: i32) -> (i32, i32) {
    %c0_i32 = arith.constant 0 : i32
    %c0_i32_0 = arith.constant 0 : i32
    %c0_i32_1 = arith.constant 0 : i32
    return %c0_i32, %c0_i32_0 : i32, i32
  }
  func.func @transform_2(%arg0: i32) -> (i32, i32) {
    %c0_i32 = arith.constant 0 : i32
    %c0_i32_0 = arith.constant 0 : i32
    %c0_i32_1 = arith.constant 0 : i32
    return %c0_i32, %c0_i32_0 : i32, i32
  }
  func.func @transform_3(%arg0: i32) -> (i32, i32) {
    %c0_i32 = arith.constant 0 : i32
    %c0_i32_0 = arith.constant 0 : i32
    %c0_i32_1 = arith.constant 0 : i32
    return %c0_i32, %c0_i32_0 : i32, i32
  }
  func.func @transform_4(%arg0: i32) -> (i32, i32) {
    %c0_i32 = arith.constant 0 : i32
    %c0_i32_0 = arith.constant 0 : i32
    return %arg0, %c0_i32 : i32, i32
  }
}

module attributes {stable_mosaic.version = 14 : i64} {
  func.func @_tc_scale_body(%arg0: i32, %arg1: memref<1000x128xf32, #tpu.memory_space<vmem>>, %arg2: memref<1000x2xf32, #tpu.memory_space<vmem>>, %arg3: memref<1000x128xf32, #tpu.memory_space<vmem>>) attributes {dimension_semantics = [#tpu.dimension_semantics<arbitrary>], iteration_bounds = array<i64: 10>, scalar_prefetch = 0 : i64, scratch_operands = 0 : i64, tpu.core_type = #tpu.core_type<tc>, window_params = [{transform_indices = @transform_0, window_bounds = array<i64: 1000, 128>}, {transform_indices = @transform_1, window_bounds = array<i64: 1000, 2>}, {transform_indices = @transform_2, window_bounds = array<i64: 1000, 128>}]} {
    %get3A = arith.constant 0 : index
    %get3A_0 = arith.constant 0 : index
    %get3A_1 = vector.load %arg1[%get3A, %get3A_0] : memref<1000x128xf32, #tpu.memory_space<vmem>>, vector<1000x128xf32>
    %get3A_2 = arith.constant 0 : index
    %get3A_3 = arith.constant 0 : index
    %get3A_4 = vector.load %arg2[%get3A_2, %get3A_3] : memref<1000x2xf32, #tpu.memory_space<vmem>>, vector<1000x2xf32>
    %reduce_sum3A = arith.constant dense<0.000000e+00> : vector<1000xf32>
    %reduce_sum3A_5 = vector.multi_reduction <add>, %get3A_4, %reduce_sum3A [1] : vector<1000x2xf32> to vector<1000xf32>
    %add3A = arith.constant 1.000000e+00 : f32
    %add3A_6 = vector.broadcast %add3A : f32 to vector<1000xf32>
    %add3A_7 = arith.addf %reduce_sum3A_5, %add3A_6 : vector<1000xf32>
    %sqrt3A = math.sqrt %add3A_7 : vector<1000xf32>
    %div3A = arith.constant 1.000000e+00 : f32
    %div3A_8 = vector.broadcast %div3A : f32 to vector<1000xf32>
    %div3A_9 = arith.divf %div3A_8, %sqrt3A : vector<1000xf32>
    %broadcast_in_dim3A = vector.shape_cast %div3A_9 : vector<1000xf32> to vector<1000x1xf32>
    %mul3A = vector.broadcast %broadcast_in_dim3A : vector<1000x1xf32> to vector<1000x128xf32>
    %mul3A_10 = arith.mulf %get3A_1, %mul3A : vector<1000x128xf32>
    %swap3A = arith.constant 0 : index
    %swap3A_11 = arith.constant 0 : index
    %swap3A_12 = vector.load %arg3[%swap3A, %swap3A_11] : memref<1000x128xf32, #tpu.memory_space<vmem>>, vector<1000x128xf32>
    tpu.vector_store %arg3[%swap3A, %swap3A_11], %mul3A_10 {strides = array<i32>} : memref<1000x128xf32, #tpu.memory_space<vmem>>, vector<1000x128xf32>,
    return
  }
  func.func @transform_0(%arg0: i32) -> (i32, i32) {
    %c0_i32 = arith.constant 0 : i32
    %c0_i32_0 = arith.constant 0 : i32
    return %arg0, %c0_i32 : i32, i32
  }
  func.func @transform_1(%arg0: i32) -> (i32, i32) {
    %c0_i32 = arith.constant 0 : i32
    %c0_i32_0 = arith.constant 0 : i32
    return %arg0, %c0_i32 : i32, i32
  }
  func.func @transform_2(%arg0: i32) -> (i32, i32) {
    %c0_i32 = arith.constant 0 : i32
    %c0_i32_0 = arith.constant 0 : i32
    return %arg0, %c0_i32 : i32, i32
  }
}

module attributes {stable_mosaic.version = 14 : i64} {
  func.func @_tc_b_body(%arg0: i32, %arg1: memref<2x1000x128xf32, #tpu.memory_space<vmem>>, %arg2: memref<1000x128xf32, #tpu.memory_space<vmem>>, %arg3: memref<1000x2xf32, #tpu.memory_space<vmem>>, %arg4: memref<1x128xf32, #tpu.memory_space<vmem>>, %arg5: memref<128x128xf32, #tpu.memory_space<vmem>>, %arg6: memref<1000x128xf32, #tpu.memory_space<vmem>>, %arg7: memref<1000x128xf32, #tpu.memory_space<vmem>>) attributes {dimension_semantics = [#tpu.dimension_semantics<arbitrary>], iteration_bounds = array<i64: 10>, scalar_prefetch = 0 : i64, scratch_operands = 0 : i64, tpu.core_type = #tpu.core_type<tc>, window_params = [{transform_indices = @transform_0, window_bounds = array<i64: 2, 1000, 128>}, {transform_indices = @transform_1, window_bounds = array<i64: 1000, 128>}, {transform_indices = @transform_2, window_bounds = array<i64: 1000, 2>}, {pipeline_mode = #tpu.pipeline_mode<synchronous>, transform_indices = @transform_3, window_bounds = array<i64: 1, 128>}, {pipeline_mode = #tpu.pipeline_mode<synchronous>, transform_indices = @transform_4, window_bounds = array<i64: 128, 128>}, {transform_indices = @transform_5, window_bounds = array<i64: 1000, 128>}, {transform_indices = @transform_6, window_bounds = array<i64: 1000, 128>}]} {
    %get3A = arith.constant 0 : index
    %get3A_0 = arith.constant 0 : index
    %get3A_1 = vector.load %arg3[%get3A, %get3A_0] : memref<1000x2xf32, #tpu.memory_space<vmem>>, vector<1000x2xf32>
    %reduce_sum3A = arith.constant dense<0.000000e+00> : vector<1000xf32>
    %reduce_sum3A_2 = vector.multi_reduction <add>, %get3A_1, %reduce_sum3A [1] : vector<1000x2xf32> to vector<1000xf32>
    %add3A = arith.constant 1.000000e+00 : f32
    %add3A_3 = vector.broadcast %add3A : f32 to vector<1000xf32>
    %add3A_4 = arith.addf %reduce_sum3A_2, %add3A_3 : vector<1000xf32>
    %sqrt3A = math.sqrt %add3A_4 : vector<1000xf32>
    %div3A = arith.constant 1.000000e+00 : f32
    %div3A_5 = vector.broadcast %div3A : f32 to vector<1000xf32>
    %div3A_6 = arith.divf %div3A_5, %sqrt3A : vector<1000xf32>
    %broadcast_in_dim3A = vector.shape_cast %div3A_6 : vector<1000xf32> to vector<1000x1xf32>
    %get3A_7 = arith.constant 0 : index
    %get3A_8 = arith.constant 0 : index
    %get3A_9 = arith.constant 0 : index
    %get3A_10 = vector.load %arg1[%get3A_7, %get3A_8, %get3A_9] : memref<2x1000x128xf32, #tpu.memory_space<vmem>>, vector<1x1000x128xf32>
    %get3A_11 = vector.shape_cast %get3A_10 : vector<1x1000x128xf32> to vector<1000x128xf32>
    %get3A_12 = arith.constant 1 : index
    %get3A_13 = arith.constant 0 : index
    %get3A_14 = arith.constant 0 : index
    %get3A_15 = vector.load %arg1[%get3A_12, %get3A_13, %get3A_14] : memref<2x1000x128xf32, #tpu.memory_space<vmem>>, vector<1x1000x128xf32>
    %get3A_16 = vector.shape_cast %get3A_15 : vector<1x1000x128xf32> to vector<1000x128xf32>
    %add3A_17 = arith.addf %get3A_11, %get3A_16 : vector<1000x128xf32>
    %get3A_18 = arith.constant 0 : index
    %get3A_19 = arith.constant 0 : index
    %get3A_20 = vector.load %arg2[%get3A_18, %get3A_19] : memref<1000x128xf32, #tpu.memory_space<vmem>>, vector<1000x128xf32>
    %add3A_21 = arith.addf %add3A_17, %get3A_20 : vector<1000x128xf32>
    %mul3A = vector.broadcast %broadcast_in_dim3A : vector<1000x1xf32> to vector<1000x128xf32>
    %mul3A_22 = arith.mulf %add3A_21, %mul3A : vector<1000x128xf32>
    %get3A_23 = arith.constant 0 : index
    %get3A_24 = arith.constant 0 : index
    %get3A_25 = vector.load %arg4[%get3A_23, %get3A_24] : memref<1x128xf32, #tpu.memory_space<vmem>>, vector<1x128xf32>
    %add3A_26 = vector.broadcast %get3A_25 : vector<1x128xf32> to vector<1000x128xf32>
    %add3A_27 = arith.addf %mul3A_22, %add3A_26 : vector<1000x128xf32>
    %max3A = arith.constant 0.000000e+00 : f32
    %max3A_28 = vector.broadcast %max3A : f32 to vector<1000x128xf32>
    %max3A_29 = arith.maximumf %add3A_27, %max3A_28 : vector<1000x128xf32>
    %swap3A = arith.constant 0 : index
    %swap3A_30 = arith.constant 0 : index
    %swap3A_31 = vector.load %arg6[%swap3A, %swap3A_30] : memref<1000x128xf32, #tpu.memory_space<vmem>>, vector<1000x128xf32>
    tpu.vector_store %arg6[%swap3A, %swap3A_30], %max3A_29 {strides = array<i32>} : memref<1000x128xf32, #tpu.memory_space<vmem>>, vector<1000x128xf32>,
    %get3A_32 = arith.constant 0 : index
    %get3A_33 = arith.constant 0 : index
    %get3A_34 = vector.load %arg5[%get3A_32, %get3A_33] : memref<128x128xf32, #tpu.memory_space<vmem>>, vector<128x128xf32>
    %dot_general3A = arith.constant dense<0.000000e+00> : vector<1000x128xf32>
    %dot_general3A_35 = tpu.matmul %max3A_29, %get3A_34, %dot_general3A {dimension_numbers = #tpu.dot_dimension_numbers<[1], [0], [0], [1], [0, 0, 1, 1], [], []>, transpose_lhs_hint = false} : vector<1000x128xf32>, vector<128x128xf32>, vector<1000x128xf32> -> vector<1000x128xf32>
    %mul3A_36 = vector.broadcast %broadcast_in_dim3A : vector<1000x1xf32> to vector<1000x128xf32>
    %mul3A_37 = arith.mulf %dot_general3A_35, %mul3A_36 : vector<1000x128xf32>
    %swap3A_38 = arith.constant 0 : index
    %swap3A_39 = arith.constant 0 : index
    %swap3A_40 = vector.load %arg7[%swap3A_38, %swap3A_39] : memref<1000x128xf32, #tpu.memory_space<vmem>>, vector<1000x128xf32>
    tpu.vector_store %arg7[%swap3A_38, %swap3A_39], %mul3A_37 {strides = array<i32>} : memref<1000x128xf32, #tpu.memory_space<vmem>>, vector<1000x128xf32>,
    return
  }
  func.func @transform_0(%arg0: i32) -> (i32, i32, i32) {
    %c0_i32 = arith.constant 0 : i32
    %c0_i32_0 = arith.constant 0 : i32
    %c0_i32_1 = arith.constant 0 : i32
    return %c0_i32, %arg0, %c0_i32_0 : i32, i32, i32
  }
  func.func @transform_1(%arg0: i32) -> (i32, i32) {
    %c0_i32 = arith.constant 0 : i32
    %c0_i32_0 = arith.constant 0 : i32
    return %arg0, %c0_i32 : i32, i32
  }
  func.func @transform_2(%arg0: i32) -> (i32, i32) {
    %c0_i32 = arith.constant 0 : i32
    %c0_i32_0 = arith.constant 0 : i32
    return %arg0, %c0_i32 : i32, i32
  }
  func.func @transform_3(%arg0: i32) -> (i32, i32) {
    %c0_i32 = arith.constant 0 : i32
    %c0_i32_0 = arith.constant 0 : i32
    %c0_i32_1 = arith.constant 0 : i32
    return %c0_i32, %c0_i32_0 : i32, i32
  }
  func.func @transform_4(%arg0: i32) -> (i32, i32) {
    %c0_i32 = arith.constant 0 : i32
    %c0_i32_0 = arith.constant 0 : i32
    %c0_i32_1 = arith.constant 0 : i32
    return %c0_i32, %c0_i32_0 : i32, i32
  }
  func.func @transform_5(%arg0: i32) -> (i32, i32) {
    %c0_i32 = arith.constant 0 : i32
    %c0_i32_0 = arith.constant 0 : i32
    return %arg0, %c0_i32 : i32, i32
  }
  func.func @transform_6(%arg0: i32) -> (i32, i32) {
    %c0_i32 = arith.constant 0 : i32
    %c0_i32_0 = arith.constant 0 : i32
    return %arg0, %c0_i32 : i32, i32
  }
}

module attributes {stable_mosaic.version = 14 : i64} {
  func.func @_tc_c_body(%arg0: i32, %arg1: memref<2x1000x128xf32, #tpu.memory_space<vmem>>, %arg2: memref<1000x128xf32, #tpu.memory_space<vmem>>, %arg3: memref<1000x2xf32, #tpu.memory_space<vmem>>, %arg4: memref<1x128xf32, #tpu.memory_space<vmem>>, %arg5: memref<1000x128xf32, #tpu.memory_space<vmem>>) attributes {dimension_semantics = [#tpu.dimension_semantics<arbitrary>], iteration_bounds = array<i64: 10>, scalar_prefetch = 0 : i64, scratch_operands = 0 : i64, tpu.core_type = #tpu.core_type<tc>, window_params = [{transform_indices = @transform_0, window_bounds = array<i64: 2, 1000, 128>}, {transform_indices = @transform_1, window_bounds = array<i64: 1000, 128>}, {transform_indices = @transform_2, window_bounds = array<i64: 1000, 2>}, {pipeline_mode = #tpu.pipeline_mode<synchronous>, transform_indices = @transform_3, window_bounds = array<i64: 1, 128>}, {transform_indices = @transform_4, window_bounds = array<i64: 1000, 128>}]} {
    %get3A = arith.constant 0 : index
    %get3A_0 = arith.constant 0 : index
    %get3A_1 = vector.load %arg3[%get3A, %get3A_0] : memref<1000x2xf32, #tpu.memory_space<vmem>>, vector<1000x2xf32>
    %reduce_sum3A = arith.constant dense<0.000000e+00> : vector<1000xf32>
    %reduce_sum3A_2 = vector.multi_reduction <add>, %get3A_1, %reduce_sum3A [1] : vector<1000x2xf32> to vector<1000xf32>
    %add3A = arith.constant 1.000000e+00 : f32
    %add3A_3 = vector.broadcast %add3A : f32 to vector<1000xf32>
    %add3A_4 = arith.addf %reduce_sum3A_2, %add3A_3 : vector<1000xf32>
    %sqrt3A = math.sqrt %add3A_4 : vector<1000xf32>
    %div3A = arith.constant 1.000000e+00 : f32
    %div3A_5 = vector.broadcast %div3A : f32 to vector<1000xf32>
    %div3A_6 = arith.divf %div3A_5, %sqrt3A : vector<1000xf32>
    %broadcast_in_dim3A = vector.shape_cast %div3A_6 : vector<1000xf32> to vector<1000x1xf32>
    %get3A_7 = arith.constant 0 : index
    %get3A_8 = arith.constant 0 : index
    %get3A_9 = arith.constant 0 : index
    %get3A_10 = vector.load %arg1[%get3A_7, %get3A_8, %get3A_9] : memref<2x1000x128xf32, #tpu.memory_space<vmem>>, vector<1x1000x128xf32>
    %get3A_11 = vector.shape_cast %get3A_10 : vector<1x1000x128xf32> to vector<1000x128xf32>
    %get3A_12 = arith.constant 1 : index
    %get3A_13 = arith.constant 0 : index
    %get3A_14 = arith.constant 0 : index
    %get3A_15 = vector.load %arg1[%get3A_12, %get3A_13, %get3A_14] : memref<2x1000x128xf32, #tpu.memory_space<vmem>>, vector<1x1000x128xf32>
    %get3A_16 = vector.shape_cast %get3A_15 : vector<1x1000x128xf32> to vector<1000x128xf32>
    %add3A_17 = arith.addf %get3A_11, %get3A_16 : vector<1000x128xf32>
    %get3A_18 = arith.constant 0 : index
    %get3A_19 = arith.constant 0 : index
    %get3A_20 = vector.load %arg2[%get3A_18, %get3A_19] : memref<1000x128xf32, #tpu.memory_space<vmem>>, vector<1000x128xf32>
    %add3A_21 = arith.addf %add3A_17, %get3A_20 : vector<1000x128xf32>
    %mul3A = vector.broadcast %broadcast_in_dim3A : vector<1000x1xf32> to vector<1000x128xf32>
    %mul3A_22 = arith.mulf %add3A_21, %mul3A : vector<1000x128xf32>
    %get3A_23 = arith.constant 0 : index
    %get3A_24 = arith.constant 0 : index
    %get3A_25 = vector.load %arg4[%get3A_23, %get3A_24] : memref<1x128xf32, #tpu.memory_space<vmem>>, vector<1x128xf32>
    %add3A_26 = vector.broadcast %get3A_25 : vector<1x128xf32> to vector<1000x128xf32>
    %add3A_27 = arith.addf %mul3A_22, %add3A_26 : vector<1000x128xf32>
    %max3A = arith.constant 0.000000e+00 : f32
    %max3A_28 = vector.broadcast %max3A : f32 to vector<1000x128xf32>
    %max3A_29 = arith.maximumf %add3A_27, %max3A_28 : vector<1000x128xf32>
    %swap3A = arith.constant 0 : index
    %swap3A_30 = arith.constant 0 : index
    %swap3A_31 = vector.load %arg5[%swap3A, %swap3A_30] : memref<1000x128xf32, #tpu.memory_space<vmem>>, vector<1000x128xf32>
    tpu.vector_store %arg5[%swap3A, %swap3A_30], %max3A_29 {strides = array<i32>} : memref<1000x128xf32, #tpu.memory_space<vmem>>, vector<1000x128xf32>,
    return
  }
  func.func @transform_0(%arg0: i32) -> (i32, i32, i32) {
    %c0_i32 = arith.constant 0 : i32
    %c0_i32_0 = arith.constant 0 : i32
    %c0_i32_1 = arith.constant 0 : i32
    return %c0_i32, %arg0, %c0_i32_0 : i32, i32, i32
  }
  func.func @transform_1(%arg0: i32) -> (i32, i32) {
    %c0_i32 = arith.constant 0 : i32
    %c0_i32_0 = arith.constant 0 : i32
    return %arg0, %c0_i32 : i32, i32
  }
  func.func @transform_2(%arg0: i32) -> (i32, i32) {
    %c0_i32 = arith.constant 0 : i32
    %c0_i32_0 = arith.constant 0 : i32
    return %arg0, %c0_i32 : i32, i32
  }
  func.func @transform_3(%arg0: i32) -> (i32, i32) {
    %c0_i32 = arith.constant 0 : i32
    %c0_i32_0 = arith.constant 0 : i32
    %c0_i32_1 = arith.constant 0 : i32
    return %c0_i32, %c0_i32_0 : i32, i32
  }
  func.func @transform_4(%arg0: i32) -> (i32, i32) {
    %c0_i32 = arith.constant 0 : i32
    %c0_i32_0 = arith.constant 0 : i32
    return %arg0, %c0_i32 : i32, i32
  }
}

module attributes {stable_mosaic.version = 14 : i64} {
  func.func @_tc_d_body(%arg0: memref<20480x128xf32, #tpu.memory_space<vmem>>, %arg1: memref<128x2xf32, #tpu.memory_space<vmem>>, %arg2: memref<1x2xf32, #tpu.memory_space<vmem>>, %arg3: memref<20480xf32, #tpu.memory_space<vmem>>) attributes {dimension_semantics = [], scalar_prefetch = 0 : i64, scratch_operands = 0 : i64, tpu.core_type = #tpu.core_type<tc>} {
    %get3A = arith.constant 0 : index
    %get3A_0 = arith.constant 0 : index
    %get3A_1 = vector.load %arg0[%get3A, %get3A_0] : memref<20480x128xf32, #tpu.memory_space<vmem>>, vector<20480x128xf32>
    %get3A_2 = arith.constant 0 : index
    %get3A_3 = arith.constant 0 : index
    %get3A_4 = vector.load %arg1[%get3A_2, %get3A_3] : memref<128x2xf32, #tpu.memory_space<vmem>>, vector<128x2xf32>
    %dot_general3A = arith.constant dense<0.000000e+00> : vector<20480x2xf32>
    %dot_general3A_5 = tpu.matmul %get3A_1, %get3A_4, %dot_general3A {dimension_numbers = #tpu.dot_dimension_numbers<[1], [0], [0], [1], [0, 0, 1, 1], [], []>, transpose_lhs_hint = false} : vector<20480x128xf32>, vector<128x2xf32>, vector<20480x2xf32> -> vector<20480x2xf32>
    %get3A_6 = arith.constant 0 : index
    %get3A_7 = arith.constant 0 : index
    %get3A_8 = vector.load %arg2[%get3A_6, %get3A_7] : memref<1x2xf32, #tpu.memory_space<vmem>>, vector<1x2xf32>
    %add3A = vector.broadcast %get3A_8 : vector<1x2xf32> to vector<20480x2xf32>
    %add3A_9 = arith.addf %dot_general3A_5, %add3A : vector<20480x2xf32>
    %reduce_sum3A = arith.constant dense<0.000000e+00> : vector<20480xf32>
    %reduce_sum3A_10 = vector.multi_reduction <add>, %add3A_9, %reduce_sum3A [1] : vector<20480x2xf32> to vector<20480xf32>
    %swap3A = arith.constant 0 : index
    %swap3A_11 = vector.load %arg3[%swap3A] : memref<20480xf32, #tpu.memory_space<vmem>>, vector<20480xf32>
    tpu.vector_store %arg3[%swap3A], %reduce_sum3A_10 {strides = array<i32>} : memref<20480xf32, #tpu.memory_space<vmem>>, vector<20480xf32>,
    return
  }
}

</mosaic_0001>

<sc_bundles>
// kernel: kernel.11.cloned.1.call-start
scs
__scs_entry_jumppad:
0x0: {  	(pc) =	sbr.rel $0x88, $3  }
0x1: {  	(tag) =	ssettag $0x0;
	lr =	simm.s32 $0x1  }
0x2: {  	[smem:$0x3F96] =	sst lr;
	_ =	strace $0xD0000000  }
0x3: {  	_ = 	snop  }
0x4: {  	_ = 	snop  }
0x5: {  	_ = 	snop  }
0x6: {  	_ = 	snop  }
0x7: {  	_ = 	snop  }
__scs_overlays_trampoline_lowered:
0x8: {  	[smem:$0x3FA5] =	sst s0  }
0x9: {  	[smem:$0x3FA6] =	sst s1  }
0xa: {  	[smem:$0x3FA7] =	sst s2  }
0xb: {  	[smem:$0x3FA8] =	sst s3  }
0xc: {  	[smem:$0x3FA9] =	sst s4  }
0xd: {  	[smem:$0x3FAA] =	sst s5  }
0xe: {  	[smem:$0x3FAB] =	sst s6  }
0xf: {  	[smem:$0x3FAC] =	sst s7  }
0x10: {  	[smem:$0x3FAD] =	sst s8  }
0x11: {  	[smem:$0x3FAE] =	sst s9;
	s0 =	simm.s32 @!p0 $0x0  }
0x12: {  	s1 =	sld [smem:$0x3F94];
	s0 =	simm.s32 @p0 $0x1  }
0x13: {  	[smem:$0x3FAF] =	sst s0;
	s0 =	simm.s32 @!p1 $0x0  }
0x14: {  	s2 =	sld [smem:$0x3F93];
	s0 =	simm.s32 @p1 $0x1  }
0x15: {  	[smem:$0x3FB0] =	sst s0;
	s0 =	simm.s32 @!p2 $0x0  }
0x16: {  	s3 =	sld [smem:$0x3FDB];
	s0 =	simm.s32 @p2 $0x1  }
0x17: {  	s4 =	simm.s32 $0x1BF5;
	[smem:$0x3FB2] =	sst s0  }
0x18: {  	s0 =	sld [smem:$0x3F95];
	_ =	swait.ge [sflag:s4], $0x0  }
0x19: {  	s7 =	sld [smem:$0x3F96]  }
0x1a: {  	s8 =	sadd.s32 $0xFFFFE003, lr  }
0x1b: {  	s9 =	sadd.s32 $0xFFFFFEF7, lr;
	s5 =	simm.s32 $0xFFFFFFFF;
	p2 =	slt.u32 s8, $0xFFFFF086  }
0x1c: {  	p1 =	slt.u32 s9, $0xF7A;
	s5 =	simm.s32 @!p2 $0x0  }
0x1d: {  	s5 =	simm.s32 @p1 $0x1;
	p0 =	seq.s32 s7, s2  }
0x1e: {  	s7 =	smul.u32 @!p0 $0xF7A, s2;
	p2 =	seq.s32 @!p0 s5, $0x0  }
0x1f: {  	s9 =	smul.u32 $0xF7A, s1;
	s8 =	simm.s32 @!p0 $0x1BF5;
	p2 =	por !p2, p0  }
0x20: {  	[sflag:s8] =	ssyncset.s32 @!p0 $0xFFFFF086;
	s6 =	sadd.s32 @!p0 s3, s7;
	s7 =	simm.s32 @!p0 $0x108  }
0x21: {  	s3 =	sadd.s32 s3, s9;
	s6 =	sadd.s32 @!p0 $0x88, s6;
	s7 =	simm.s32 @p2 $0x1082  }
0x22: {  	[simem:s7], [sflag:s8] =	dma.local @!p0 [hbm:s6], $0xF7A  }
0x23: {  	s9 =	sor.u32 $0xD0000000, s2;
	s6 =	simm.s32 $0x108;
	_ =	swait.ge @!p0 [sflag:s8], $0x0  }
0x24: {  	s3 =	sadd.s32 $0x88, s3;
	s6 =	simm.s32 @!p1 $0x1082;
	[sflag:s4] =	ssyncset.s32 $0xFFFFF086  }
0x25: {  	[simem:s6], [sflag:s4] =	dma.local [hbm:s3], $0xF7A  }
0x26: {  	[smem:$0x3F96] =	sst s1;
	(tag) =	ssettag s2;
	_ =	strace s9  }
0x27: {  	s1 =	sld [smem:$0x3FA6]  }
0x28: {  	s2 =	sld [smem:$0x3FA7]  }
0x29: {  	s4 =	sld [smem:$0x3FA9]  }
0x2a: {  	p0 =	seq.s32 s5, $0x0;
	s5 =	sld [smem:$0x3FAA]  }
0x2b: {  	s6 =	sld [smem:$0x3FAB]  }
0x2c: {  	s7 =	sld [smem:$0x3FAC]  }
0x2d: {  	s3 =	simm.s32 $0x108;
	s8 =	sld [smem:$0x3FAD]  }
0x2e: {  	s3 =	simm.s32 @!p0 $0x1082;
	s9 =	sld [smem:$0x3FAE]  }
0x2f: {  	lr =	sadd.s32 s0, s3;
	s0 =	sld [smem:$0x3FA5]  }
0x30: {  	s3 =	sld [smem:$0x3FA8]  }
0x31: {  	[smem:$0x3FB1] =	sst s10  }
0x32: {  	s10 =	sld [smem:$0x3FAF];
	_ =	sdelay $0x3  }
0x33: {  	p0 =	seq.s32 s10, $0x1;
	s10 =	sld [smem:$0x3FB1];
	_ =	sdelay $0x3  }
0x34: {  	[smem:$0x3FB1] =	sst s10  }
0x35: {  	s10 =	sld [smem:$0x3FB0];
	_ =	sdelay $0x3  }
0x36: {  	p1 =	seq.s32 s10, $0x1;
	s10 =	sld [smem:$0x3FB1];
	_ =	sdelay $0x3  }
0x37: {  	[smem:$0x3FB1] =	sst s10  }
0x38: {  	s10 =	sld [smem:$0x3FB2]  }
0x39: {  	_ = 	snop;
	(pc) =	sbr.ind lr, $3  }
0x3a: {  	_ = 	snop  }
0x3b: {  	_ = 	snop  }
0x3c: {  	p2 =	seq.s32 s10, $0x1;
	s10 =	sld [smem:$0x3FB1]  }
0x3d: {  	_ =	shalt  }
0x3e: {  	_ =	shalt  }
0x3f: {  	_ =	shalt  }
0x40: {  	_ =	shalt  }
0x41: {  	_ =	shalt  }
0x42: {  	_ =	shalt  }
0x43: {  	_ =	shalt  }
0x44: {  	_ =	shalt  }
0x45: {  	_ =	shalt  }
0x46: {  	_ =	shalt  }
0x47: {  	_ =	shalt  }
0x48: {  	_ =	shalt  }
0x49: {  	_ =	shalt  }
0x4a: {  	_ =	shalt  }
0x4b: {  	_ =	shalt  }
0x4c: {  	_ =	shalt  }
0x4d: {  	_ =	shalt  }
0x4e: {  	_ =	shalt  }
0x4f: {  	_ =	shalt  }
0x50: {  	_ =	shalt  }
0x51: {  	_ =	shalt  }
0x52: {  	_ =	shalt  }
0x53: {  	_ =	shalt  }
0x54: {  	_ =	shalt  }
0x55: {  	_ =	shalt  }
0x56: {  	_ =	shalt  }
0x57: {  	_ =	shalt  }
0x58: {  	_ =	shalt  }
0x59: {  	_ =	shalt  }
0x5a: {  	_ =	shalt  }
0x5b: {  	_ =	shalt  }
0x5c: {  	_ =	shalt  }
0x5d: {  	_ =	shalt  }
0x5e: {  	_ =	shalt  }
0x5f: {  	_ =	shalt  }
0x60: {  	_ =	shalt  }
0x61: {  	_ =	shalt  }
0x62: {  	_ =	shalt  }
0x63: {  	_ =	shalt  }
0x64: {  	_ =	shalt  }
0x65: {  	_ =	shalt  }
0x66: {  	_ =	shalt  }
0x67: {  	_ =	shalt  }
0x68: {  	_ =	shalt  }
0x69: {  	_ =	shalt  }
0x6a: {  	_ =	shalt  }
0x6b: {  	_ =	shalt  }
0x6c: {  	_ =	shalt  }
0x6d: {  	_ =	shalt  }
0x6e: {  	_ =	shalt  }
0x6f: {  	_ =	shalt  }
0x70: {  	_ =	shalt  }
0x71: {  	_ =	shalt  }
0x72: {  	_ =	shalt  }
0x73: {  	_ =	shalt  }
0x74: {  	_ =	shalt  }
0x75: {  	_ =	shalt  }
0x76: {  	_ =	shalt  }
0x77: {  	_ =	shalt  }
0x78: {  	_ =	shalt  }
0x79: {  	_ =	shalt  }
0x7a: {  	_ =	shalt  }
0x7b: {  	_ =	shalt  }
0x7c: {  	_ =	shalt  }
0x7d: {  	_ =	shalt  }
0x7e: {  	_ =	shalt  }
0x7f: {  	_ =	shalt  }
0x80: {  	_ =	shalt  }
0x81: {  	_ =	shalt  }
0x82: {  	_ =	shalt  }
0x83: {  	_ =	shalt  }
0x84: {  	_ =	shalt  }
0x85: {  	_ =	shalt  }
0x86: {  	_ =	shalt  }
0x87: {  	_ =	shalt  }
.Lfunc_end0:
.L_simem_size_0:
called_computation_lowered:
.L_overlay_start_0:
0x88: {  	s2 =	sld [smem:$0x3FD9]  }
0x89: {  	s3 =	sld [smem:$0x3FFE];
	_ =	sdelay $0x1  }
0x8a: {  	s1 =	srdreg.scid  }
0x8b: {  	s0 =	sand.u32 $0x1, s1  }
0x8c: {  	s14 =	sshll.u32 s0, $0xA;
	s2 =	sadd.s32 s3, s2  }
0x8d: {  	s2 =	sadd.s32 s2, s14  }
0x8e: {  	[smem:$0x3FBD] =	sst s2  }
0x8f: {  	_ = 	snop  }
0x90: {  	s2 =	sld [smem:$0x3FD0];
	_ =	sdelay $0x2  }
0x91: {  	s15 =	simm.s32 $0xA;
	s4 =	simm.s32 $0x10  }
0x92: {  	[smem:s4], [sflag:s15] =	dma.local [hbm:s2], $0x1  }
0x93: {  	_ =	swait.eq [sflag:s15], $0x1  }
0x94: {  	[sflag:s15] =	ssyncset.done $0x0  }
0x95: {  	[sflag:s15] =	ssyncadd.s32 $0xFFFFFFFF  }
0x96: {  	s16 =	sld [smem:$0x10];
	(tm) =	ssettm $0x1  }
0x97: {  	s17 =	sld [smem:$0x3FFB];
	_ =	sdelay $0x3  }
0x98: {  	_ =	strace s17  }
0x99: {  	s3 =	sld [smem:$0x3FFC];
	_ =	sdelay $0x3  }
0x9a: {  	_ =	strace s3  }
0x9b: {  	s3 =	sld [smem:$0x3FFD];
	_ =	sdelay $0x3  }
0x9c: {  	_ =	strace s3  }
0x9d: {  	_ =	strace $0x8FFFFFFF  }
0x9e: {  	s18 =	sld [smem:$0x3FDB];
	_ =	sdelay $0x1  }
0x9f: {  	s19 =	simm.s32 $_scs_section_size  }
0xa0: {  	s5 =	simm.s32 $_size__tile_overlayer_lowered;
	s6 =	simm.s32 $_tile_overlayer_lowered  }
0xa1: {  	s22 =	simm.s32 $0x1BFF;
	s21 =	sshll.u32 s6, $0x1;
	s3 =	sadd.s32 s19, s18  }
0xa2: {  	s7 =	simm.s32 $0x0;
	s20 =	sshll.u32 s5, $0x1;
	s5 =	sadd.s32 s21, s3  }
0xa3: {  	[timem:s7], [sflag:s22] =	dma.local [hbm:s5], s20  }
0xa4: {  	_ =	swait.ge [sflag:s22], s20  }
0xa5: {  	s4 =	ssub.s32 $0x0, s20;
	[sflag:s22] =	ssyncset.done $0x0  }
0xa6: {  	[sflag:s22] =	ssyncadd.s32 s4;
	_ =	sdelay $0x1  }
0xa7: {  	s23 =	simm.s32 $0x1B8B  }
0xa8: {  	_ =	swait.ge [sflag:s23], $0x1  }
0xa9: {  	[sflag:s23] =	ssyncset.done $0x0  }
0xaa: {  	s25 =	simm.s32 $0x1B8E;
	s24 =	sld [smem:$0x3FFE];
	[sflag:s23] =	ssyncadd.s32 $0xFFFFFFFF  }
0xab: {  	s26 =	simm.s32 $execute0_lowered;
	[smem:$0x3FD2] =	sst s25  }
0xac: {  	s5 =	sshll.u32 s26, $0x1;
	_ =	strace $0x80000046;
	[dreg:$0x1] =	wrdreg $0xFFFFFFFF  }
0xad: {  	s28 =	simm.s32 $_size_execute0_lowered;
	s3 =	sadd.s32 s3, s5;
	[dreg:$0x0] =	wrdreg $0x0  }
0xae: {  	s5 =	sshll.u32 s28, $0x1;
	[dreg:$0x2] =	wrdreg s3  }
0xaf: {  	[dreg:$0x3] =	wrdreg s5  }
0xb0: {  	[dreg:$0x4] =	wrdreg $0xC0  }
0xb1: {  	_ =	task [dreg:s7], $0x5FFFF  }
0xb2: {  	[dreg:$0x1] =	wrdreg $0xFFFFFFFF  }
0xb3: {  	[dreg:$0x0] =	wrdreg $0x60  }
0xb4: {  	[dreg:$0x2] =	wrdreg s24  }
0xb5: {  	[dreg:$0x3] =	wrdreg s16  }
0xb6: {  	[dreg:$0x4] =	wrdreg $0x0  }
0xb7: {  	[dreg:$0x5] =	wrdreg $0x9  }
0xb8: {  	_ =	task.clear_ibuf [dreg:s7], $0x6FFFF;
	_ =	strace $0x90000046  }
0xb9: {  	s29 =	simm.s32 $0x9;
	_ =	strace $0x80000048  }
0xba: {  	_ =	swait.ge [sflag:s29], $0x1  }
0xbb: {  	[sflag:s29] =	ssyncadd.s32 $0xFFFFFFFF  }
0xbc: {  	_ =	strace $0x90000048  }
0xbd: {  	_ =	sfence  }
0xbe: {  	s30 =	sld [smem:$0x0];
	_ =	sdelay $0x2  }
0xbf: {  	s31 =	sshll.u32 s1, $0xD;
	s1 =	sshrl.u32 s1, $0x2  }
0xc0: {  	s3 =	sand.u32 $0x4000, s31;
	s1 =	sadd.s32 s1, s30  }
0xc1: {  	s0 =	sor.u32 s3, s0;
	s1 =	sshll.u32 s1, $0x11  }
0xc2: {  	s0 =	sor.u32 s1, s0  }
0xc3: {  	s0 =	sadd.s32 $0x8F2B, s0  }
0xc4: {  	[sflag:s0] =	ssyncadd.remote.s32 $0x1  }
0xc5: {  	_ =	sfence.sel $0xFFFF  }
0xc6: {  	[dreg:$0x0] =	wrdreg $0xFFFFFFFF;
	(pc) =	sbr.abs _section_cstart, $3  }
0xc7: {  	[dreg:$0x1] =	wrdreg $0xFFFFFFFF  }
0xc8: {  	_ =	task.clear_ibuf [dreg:s7], $0x2FFFF;
	_ =	strace $0x9FFFFFFF  }
0xc9: {  	(tm) =	ssettm $0x7FFFFFFF  }
tec
execute0_lowered:
.L_overlay_start_1:
0x0: {  	(tag) =	ssettag $0x1  }
0x1: {  	s0 =	rddreg [dreg:$0x0]  }
0x2: {  	s3 =	rddreg [dreg:$0x1]  }
0x3: {  	s1 =	rddreg [dreg:$0x2]  }
0x4: {  	s2 =	simm.s32 $0x0;
	s4 =	srdreg.scid;
	s11 =	stileid.u32  }
0x5: {  	s16 =	simm.s32 $0x580;
	s17 =	simm.s32 $0x7;
	s18 =	simm.s32 $0x280  }
0x6: {  	s19 =	simm.s32 $0x300;
	s20 =	simm.s32 $0x4;
	s28 =	simm.s32 $0x2  }
0x7: {  	s29 =	simm.s32 $0x3;
	s30 =	simm.s32 $0x480;
	s7 =	smul.u32 $0xA00, s11  }
0x8: {  	[smem:$0x7FF] =	sst s2;
	s6 =	sand.u32 $0x1, s4;
	s22 =	smul.u32 $0x500, s11  }
0x9: {  	s0 =	sadd.s32 $0xC600, s0;
	s13 =	smul.u32 $0x2710, s11;
	_ =	strace $0x80000047  }
0xa: {  	s4 =	sshll.u32 s6, $0x4;
	s5 =	ssub.s32 $0x2, s6;
	s24 =	sshll.u32 s6, $0x7  }
0xb: {  	s12 =	smul.u32 $0x27100, s6;
	s4 =	sor.u32 s11, s4;
	s8 =	sshrl.u32 s5, $0x1  }
0xc: {  	s21 =	sshrl.u32 s7, $0x2;
	s7 =	sor.u32 s24, s22;
	s22 =	simm.s32 $0x500  }
0xd: {  	s24 =	simm.s32 $0x5;
	s9 =	smul.u32 $0x2710, s4;
	s10 =	ssub.s32 s5, s8  }
0xe: {  	s4 =	sadd.s32 s21, s1;
	s26 =	sshrl.u32 s7, $0x3;
	s31 =	sadd.s32 s13, s12  }
0xf: {  	s21 =	simm.s32 $0x80;
	s10 =	smax.u32 s10, $0x1;
	s13 =	sadd.s32 $0x380, s31  }
0x10: {  	s14 =	sadd.s32 $0x300, s31;
	s23 =	sshrl.u32 s9, $0x3;
	s9 =	sadd.s32 s3, s26  }
0x11: {  	s13 =	sshrl.u32 s13, $0x3;
	s14 =	sshrl.u32 s14, $0x3;
	s3 =	sadd.s32 $0x280, s31  }
0x12: {  	s26 =	simm.s32 $0x6;
	s5 =	sadd.s32 s0, s23;
	s13 =	sadd.s32 s13, s0  }
0x13: {  	s14 =	sadd.s32 s14, s0;
	s3 =	sshrl.u32 s3, $0x3;
	s23 =	simm.s32 $0x380  }
0x14: {  	s25 =	sadd.s32 $0x10, s5;
	s7 =	sadd.s32 $0x20, s5;
	s8 =	sadd.s32 $0x4E0, s5  }
0x15: {  	s11 =	sadd.s32 $0x30, s5;
	s12 =	sadd.s32 $0x40, s5;
	s15 =	sadd.s32 s3, s0  }
0x16: {  	v0 =	vimm.f32 $0.0e+00;
	v1 =	vimm.f32 $1.000000000e+00;
	s3 =	simm.s32 $0x0;
	[dreg:$0x4] =	wrdreg s25;
	s25 =	simm.s32 $0x1  }
.LBB2_1:
0x17: {  	[tilespmem:$0x580] =	vst v0  }
0x18: {  	[tilespmem:$0x590] =	vst v0  }
0x19: {  	[tilespmem:$0x5A0] =	vst v0  }
0x1a: {  	[tilespmem:$0x5B0] =	vst v0  }
0x1b: {  	[tilespmem:$0x5C0] =	vst v0  }
0x1c: {  	[tilespmem:$0x5D0] =	vst v0  }
0x1d: {  	[tilespmem:$0x5E0] =	vst v0  }
0x1e: {  	[tilespmem:$0x5F0] =	vst v0  }
0x1f: {  	[tilespmem:$0x600] =	vst v0  }
0x20: {  	[tilespmem:$0x610] =	vst v0  }
0x21: {  	[tilespmem:$0x620] =	vst v0  }
0x22: {  	[tilespmem:$0x630] =	vst v0  }
0x23: {  	[tilespmem:$0x640] =	vst v0  }
0x24: {  	[tilespmem:$0x650] =	vst v0  }
0x25: {  	[tilespmem:$0x660] =	vst v0  }
0x26: {  	[tilespmem:$0x670] =	vst v0  }
0x27: {  	[tilespmem:$0x680] =	vst v0  }
0x28: {  	[tilespmem:$0x690] =	vst v0  }
0x29: {  	[tilespmem:$0x6A0] =	vst v0  }
0x2a: {  	[tilespmem:$0x6B0] =	vst v0  }
0x2b: {  	[tilespmem:$0x6C0] =	vst v0  }
0x2c: {  	[tilespmem:$0x6D0] =	vst v0  }
0x2d: {  	[tilespmem:$0x6E0] =	vst v0  }
0x2e: {  	[tilespmem:$0x6F0] =	vst v0  }
0x2f: {  	[tilespmem:$0x700] =	vst v0  }
0x30: {  	[tilespmem:$0x710] =	vst v0  }
0x31: {  	[tilespmem:$0x720] =	vst v0  }
0x32: {  	[tilespmem:$0x730] =	vst v0  }
0x33: {  	[tilespmem:$0x740] =	vst v0  }
0x34: {  	[tilespmem:$0x750] =	vst v0  }
0x35: {  	[tilespmem:$0x760] =	vst v0  }
0x36: {  	[tilespmem:$0x770] =	vst v0  }
0x37: {  	[tilespmem:$0x780] =	vst v0  }
0x38: {  	[tilespmem:$0x790] =	vst v0  }
0x39: {  	[tilespmem:$0x7A0] =	vst v0  }
0x3a: {  	[tilespmem:$0x7B0] =	vst v0  }
0x3b: {  	[tilespmem:$0x7C0] =	vst v0  }
0x3c: {  	[tilespmem:$0x7D0] =	vst v0  }
0x3d: {  	[tilespmem:$0x7E0] =	vst v0  }
0x3e: {  	[tilespmem:$0x7F0] =	vst v0  }
0x3f: {  	[spmem:s4] =	stream.linear.scatter [tilespmem:s16], [sflag:$0x7], $0x280, $0x38;
	[tilespmem:$0x800] =	vst v63  }
0x40: {  	_ =	swait.ge [sflag:s17], $0x280  }
0x41: {  	[sflag:s17] =	ssyncset.done $0x0  }
0x42: {  	[sflag:s17] =	ssyncadd.s32 $0xFFFFFD80  }
0x43: {  	[tilespmem:$0x500] =	vst v1  }
0x44: {  	[tilespmem:$0x510] =	vst v1  }
0x45: {  	[tilespmem:$0x520] =	vst v1  }
0x46: {  	[tilespmem:$0x530] =	vst v1  }
0x47: {  	[tilespmem:$0x540] =	vst v1  }
0x48: {  	[tilespmem:$0x550] =	vst v1  }
0x49: {  	[tilespmem:$0x560] =	vst v1  }
0x4a: {  	[tilespmem:$0x570] =	vst v1  }
0x4b: {  	[bflag:$0x0] =	sbarrier.arrive $0xFFFF  }
0x4c: {  	[tilespmem:s18], [sflag:$0x4] =	stream.linear.gather [hbm4b:s5+s2], $0x80, $0x38;
	[tilespmem:$0x800] =	vst v63  }
0x4d: {  	s0 =	rddreg [dreg:$0x4]  }
0x4e: {  	[tilespmem:s19], [sflag:$0x5] =	stream.linear.gather [hbm4b:s0+s2], $0x80, $0x38;
	[tilespmem:$0x800] =	vst v63  }
0x4f: {  	_ =	swait.ge [sflag:s20], $0x80  }
0x50: {  	[sflag:s20] =	ssyncset.done $0x0  }
0x51: {  	[sflag:s20] =	ssyncadd.s32 $0xFFFFFF80  }
0x52: {  	[spmem:s1] =	stream.indirect.scatter.add.f32 [tilespmem:s22], [sflag:$0x1], $0x1, s18, s21, $0xb8;
	[tilespmem:$0x800] =	vst v63  }
0x53: {  	_ = 	snop  }
0x54: {  	[tilespmem:s23], [sflag:$0x6] =	stream.linear.gather [hbm4b:s7+s2], $0x80, $0x38;
	[tilespmem:$0x800] =	vst v63  }
0x55: {  	_ =	swait.ge [sflag:s24], $0x80  }
0x56: {  	[sflag:s24] =	ssyncset.done $0x0  }
0x57: {  	[sflag:s24] =	ssyncadd.s32 $0xFFFFFF80  }
0x58: {  	[spmem:s1] =	stream.indirect.scatter.add.f32 [tilespmem:s22], [sflag:$0x2], $0x1, s19, s21, $0xb8;
	[tilespmem:$0x800] =	vst v63  }
0x59: {  	_ =	swait.ge [sflag:s25], $0x80  }
0x5a: {  	[sflag:s25] =	ssyncset.done $0x0  }
0x5b: {  	[sflag:s25] =	ssyncadd.s32 $0xFFFFFF80  }
0x5c: {  	[tilespmem:s18], [sflag:$0x4] =	stream.linear.gather [hbm4b:s11+s2], $0x80, $0x38;
	[tilespmem:$0x800] =	vst v63  }
0x5d: {  	_ =	swait.ge [sflag:s26], $0x80  }
0x5e: {  	[sflag:s26] =	ssyncset.done $0x0  }
0x5f: {  	[sflag:s26] =	ssyncadd.s32 $0xFFFFFF80  }
0x60: {  	[spmem:s1] =	stream.indirect.scatter.add.f32 [tilespmem:s22], [sflag:$0x3], $0x1, s23, s21, $0xb8;
	[tilespmem:$0x800] =	vst v63  }
0x61: {  	_ =	swait.ge [sflag:s28], $0x80  }
0x62: {  	[sflag:s28] =	ssyncset.done $0x0  }
0x63: {  	[sflag:s28] =	ssyncadd.s32 $0xFFFFFF80  }
0x64: {  	[tilespmem:s19], [sflag:$0x5] =	stream.linear.gather [hbm4b:s12+s2], $0x80, $0x38;
	[tilespmem:$0x800] =	vst v63  }
0x65: {  	_ =	swait.ge [sflag:s20], $0x80  }
0x66: {  	[sflag:s20] =	ssyncset.done $0x0  }
0x67: {  	[sflag:s20] =	ssyncadd.s32 $0xFFFFFF80  }
0x68: {  	[spmem:s1] =	stream.indirect.scatter.add.f32 [tilespmem:s22], [sflag:$0x1], $0x1, s18, s21, $0xb8;
	[tilespmem:$0x800] =	vst v63  }
0x69: {  	_ =	swait.ge [sflag:s29], $0x80  }
0x6a: {  	[sflag:s29] =	ssyncset.done $0x0  }
0x6b: {  	s6 =	sadd.s32 $0x0, s15;
	[sflag:s29] =	ssyncadd.s32 $0xFFFFFF80  }
0x6c: {  	[tilespmem:s23], [sflag:$0x6] =	stream.linear.gather [hbm4b:s6+s2], $0x80, $0x38;
	[tilespmem:$0x800] =	vst v63  }
0x6d: {  	_ =	swait.ge [sflag:s24], $0x80  }
0x6e: {  	[sflag:s24] =	ssyncset.done $0x0  }
0x6f: {  	[sflag:s24] =	ssyncadd.s32 $0xFFFFFF80  }
0x70: {  	[spmem:s1] =	stream.indirect.scatter.add.f32 [tilespmem:s22], [sflag:$0x2], $0x1, s19, s21, $0xb8;
	[tilespmem:$0x800] =	vst v63  }
0x71: {  	_ =	swait.ge [sflag:s25], $0x80  }
0x72: {  	[sflag:s25] =	ssyncset.done $0x0  }
0x73: {  	s6 =	sadd.s32 $0x0, s14;
	[sflag:s25] =	ssyncadd.s32 $0xFFFFFF80  }
0x74: {  	[tilespmem:s18], [sflag:$0x4] =	stream.linear.gather [hbm4b:s6+s2], $0x80, $0x38;
	[tilespmem:$0x800] =	vst v63  }
0x75: {  	_ =	swait.ge [sflag:s26], $0x80  }
0x76: {  	[sflag:s26] =	ssyncset.done $0x0  }
0x77: {  	[sflag:s26] =	ssyncadd.s32 $0xFFFFFF80  }
0x78: {  	[spmem:s1] =	stream.indirect.scatter.add.f32 [tilespmem:s22], [sflag:$0x3], $0x1, s23, s21, $0xb8;
	[tilespmem:$0x800] =	vst v63  }
0x79: {  	_ =	swait.ge [sflag:s28], $0x80  }
0x7a: {  	[sflag:s28] =	ssyncset.done $0x0  }
0x7b: {  	s31 =	simm.s32 $0x30;
	s0 =	sadd.s32 $0x0, s13;
	[sflag:s28] =	ssyncadd.s32 $0xFFFFFF80  }
.LBB2_2:
0x7c: {  	[tilespmem:s19], [sflag:$0x5] =	stream.linear.gather [hbm4b:s0+s2], $0x80, $0x38;
	[tilespmem:$0x800] =	vst v63  }
0x7d: {  	s0 =	smov.u32 s31  }
0x7e: {  	p0 =	sne.s32 s31, $0x480;
	s31 =	sadd.s32 $0x30, s31;
	_ =	swait.ge [sflag:s20], $0x80  }
0x7f: {  	[sflag:s20] =	ssyncset.done $0x0  }
0x80: {  	[sflag:s20] =	ssyncadd.s32 $0xFFFFFF80  }
0x81: {  	[spmem:s1] =	stream.indirect.scatter.add.f32 [tilespmem:s22], [sflag:$0x1], $0x1, s18, s21, $0xb8;
	[tilespmem:$0x800] =	vst v63  }
0x82: {  	_ =	swait.ge [sflag:s29], $0x80  }
0x83: {  	[sflag:s29] =	ssyncset.done $0x0  }
0x84: {  	s6 =	sadd.s32 s0, s15;
	[sflag:s29] =	ssyncadd.s32 $0xFFFFFF80  }
0x85: {  	[tilespmem:s23], [sflag:$0x6] =	stream.linear.gather [hbm4b:s6+s2], $0x80, $0x38;
	[tilespmem:$0x800] =	vst v63  }
0x86: {  	_ =	swait.ge [sflag:s24], $0x80  }
0x87: {  	[sflag:s24] =	ssyncset.done $0x0  }
0x88: {  	[sflag:s24] =	ssyncadd.s32 $0xFFFFFF80  }
0x89: {  	[spmem:s1] =	stream.indirect.scatter.add.f32 [tilespmem:s22], [sflag:$0x2], $0x1, s19, s21, $0xb8;
	[tilespmem:$0x800] =	vst v63  }
0x8a: {  	_ =	swait.ge [sflag:s25], $0x80  }
0x8b: {  	[sflag:s25] =	ssyncset.done $0x0  }
0x8c: {  	s6 =	sadd.s32 s0, s14;
	[sflag:s25] =	ssyncadd.s32 $0xFFFFFF80  }
0x8d: {  	[tilespmem:s18], [sflag:$0x4] =	stream.linear.gather [hbm4b:s6+s2], $0x80, $0x38;
	[tilespmem:$0x800] =	vst v63  }
0x8e: {  	_ =	swait.ge [sflag:s26], $0x80  }
0x8f: {  	[sflag:s26] =	ssyncset.done $0x0  }
.Ltmp0:
0x90: {  	[sflag:s26] =	ssyncadd.s32 $0xFFFFFF80;
	(pc) =	sbr.rel @p0 .LBB2_2-.Ltmp0, $4  }
0x91: {  	[spmem:s1] =	stream.indirect.scatter.add.f32 [tilespmem:s22], [sflag:$0x3], $0x1, s23, s21, $0xb8;
	[tilespmem:$0x800] =	vst v63  }
0x92: {  	_ =	swait.ge [sflag:s28], $0x80  }
0x93: {  	[sflag:s28] =	ssyncset.done $0x0  }
0x94: {  	s0 =	sadd.s32 s0, s13;
	[sflag:s28] =	ssyncadd.s32 $0xFFFFFF80  }
0x95: {  	[tilespmem:s19], [sflag:$0x5] =	stream.linear.gather [hbm4b:s0+s2], $0x80, $0x38;
	[tilespmem:$0x800] =	vst v63  }
0x96: {  	_ =	swait.ge [sflag:s29], $0x80  }
0x97: {  	[sflag:s29] =	ssyncset.done $0x0  }
0x98: {  	[sflag:s29] =	ssyncadd.s32 $0xFFFFFF80  }
0x99: {  	_ =	swait.ge [sflag:s20], $0x80  }
0x9a: {  	[sflag:s20] =	ssyncset.done $0x0  }
0x9b: {  	[sflag:s20] =	ssyncadd.s32 $0xFFFFFF80  }
0x9c: {  	_ =	swait.ge [sflag:s24], $0x80  }
0x9d: {  	[sflag:s24] =	ssyncset.done $0x0  }
0x9e: {  	[sflag:s24] =	ssyncadd.s32 $0xFFFFFF80  }
0x9f: {  	[tilespmem:s30], [sflag:$0x7] =	stream.linear.gather [hbm4b:s8+s2], $0x10, $0x38;
	[tilespmem:$0x800] =	vst v63  }
0xa0: {  	_ =	swait.ge [sflag:s17], $0x10  }
0xa1: {  	[sflag:s17] =	ssyncset.done $0x0  }
0xa2: {  	s6 =	simm.s32 $0x10;
	[sflag:s17] =	ssyncadd.s32 $0xFFFFFFF0  }
0xa3: {  	[spmem:s1] =	stream.indirect.scatter.add.f32 [tilespmem:s22], [sflag:$0x7], $0x1, s30, s6, $0xb8;
	[tilespmem:$0x800] =	vst v63  }
0xa4: {  	_ =	swait.ge [sflag:s17], $0x10  }
0xa5: {  	[sflag:s17] =	ssyncset.done $0x0  }
0xa6: {  	[sflag:s17] =	ssyncadd.s32 $0xFFFFFFF0  }
0xa7: {  	[bflag:$0x0] =	sbarrier.arrive $0xFFFF  }
0xa8: {  	[tilespmem:s16], [sflag:$0x7] =	stream.linear.gather [spmem:s4], $0x280, $0x38;
	[tilespmem:$0x800] =	vst v63  }
0xa9: {  	s3 =	sadd.s32 $0x1, s3;
	_ =	swait.ge [sflag:s17], $0x280  }
0xaa: {  	p0 =	sne.s32 s3, s10;
	[sflag:s17] =	ssyncset.done $0x0  }
.Ltmp1:
0xab: {  	s31 =	simm.s32 $0x100;
	[sflag:s17] =	ssyncadd.s32 $0xFFFFFD80;
	(pc) =	sbr.rel @p0 .LBB2_1-.Ltmp1, $4  }
0xac: {  	[hbm4b:s9+s21] =	stream.strided.scatter [tilespmem:s16], [sflag:$0x7], $0x280, s31, s21, $0x38;
	[tilespmem:$0x800] =	vst v63  }
0xad: {  	_ =	swait.ge [sflag:s17], $0x280  }
0xae: {  	[sflag:s17] =	ssyncset.done $0x0  }
0xaf: {  	[sflag:s17] =	ssyncadd.s32 $0xFFFFFD80  }
0xb0: {  	_ =	sfence.sel $0x180000  }
0xb1: {  	[bflag:$0x0] =	sbarrier.arrive $0xFFFF  }
0xb2: {  	_ =	strace $0x90000047  }
0xb3: {  	s0 =	stileid.u32;
	[bflag:$0x2] =	sbarrier.arrive $0xFFFF  }
0xb4: {  	p0 =	sne.s32 s0, $0x0;
	s0 =	rddreg [dreg:$0x3]  }
0xb5: {  	s0 =	sadd.s32 @!p0 $0x100000, s0  }
0xb6: {  	[sflag:s0] =	ssyncadd.tile.s32 @!p0 $0x1;
	_ =	shalt  }
.Lfunc_end2:
_tile_overlayer_lowered:
.L_overlay_start_2:
0xb7: {  	(tag) =	ssettag $0x2  }
0xb8: {  	s0 =	rddreg [dreg:$0x0];
	s2 =	stileid.u32  }
0xb9: {  	s1 =	rddreg [dreg:$0x1];
	p0 =	sne.s32 s2, $0x0  }
0xba: {  	s3 =	rddreg [dreg:$0x2];
	[bflag:$0x3] =	sbarrier.arrive $0xFFFF;
	s2 =	simm.s32 @!p0 $0x1C07  }
0xbb: {  	[timem:s3], [sflag:s2] =	dma.local @!p0 [hbm:s0], s1  }
0xbc: {  	s0 =	simm.s32 @!p0 $0x7  }
0xbd: {  	_ =	swait.ge @!p0 [sflag:s0], s1  }
0xbe: {  	s1 =	ssub.s32 @!p0 $0x0, s1;
	[sflag:s0] =	ssyncset.done @!p0 $0x0  }
0xbf: {  	[sflag:s0] =	ssyncadd.s32 @!p0 s1  }
0xc0: {  	[bflag:$0x3] =	sbarrier.arrive $0xFFFF  }
0xc1: {  	_ =	shalt  }

// kernel: kernel.14.cloned.1.call-start
scs
__scs_entry_jumppad:
0x0: {  	(pc) =	sbr.rel $0x88, $3  }
0x1: {  	(tag) =	ssettag $0x0;
	lr =	simm.s32 $0x1  }
0x2: {  	[smem:$0x3F96] =	sst lr;
	_ =	strace $0xD0000000  }
0x3: {  	_ = 	snop  }
0x4: {  	_ = 	snop  }
0x5: {  	_ = 	snop  }
0x6: {  	_ = 	snop  }
0x7: {  	_ = 	snop  }
__scs_overlays_trampoline_lowered:
0x8: {  	[smem:$0x3FA5] =	sst s0  }
0x9: {  	[smem:$0x3FA6] =	sst s1  }
0xa: {  	[smem:$0x3FA7] =	sst s2  }
0xb: {  	[smem:$0x3FA8] =	sst s3  }
0xc: {  	[smem:$0x3FA9] =	sst s4  }
0xd: {  	[smem:$0x3FAA] =	sst s5  }
0xe: {  	[smem:$0x3FAB] =	sst s6  }
0xf: {  	[smem:$0x3FAC] =	sst s7  }
0x10: {  	[smem:$0x3FAD] =	sst s8  }
0x11: {  	[smem:$0x3FAE] =	sst s9;
	s0 =	simm.s32 @!p0 $0x0  }
0x12: {  	s1 =	sld [smem:$0x3F94];
	s0 =	simm.s32 @p0 $0x1  }
0x13: {  	[smem:$0x3FAF] =	sst s0;
	s0 =	simm.s32 @!p1 $0x0  }
0x14: {  	s2 =	sld [smem:$0x3F93];
	s0 =	simm.s32 @p1 $0x1  }
0x15: {  	[smem:$0x3FB0] =	sst s0;
	s0 =	simm.s32 @!p2 $0x0  }
0x16: {  	s3 =	sld [smem:$0x3FDB];
	s0 =	simm.s32 @p2 $0x1  }
0x17: {  	s4 =	simm.s32 $0x1BF5;
	[smem:$0x3FB2] =	sst s0  }
0x18: {  	s0 =	sld [smem:$0x3F95];
	_ =	swait.ge [sflag:s4], $0x0  }
0x19: {  	s7 =	sld [smem:$0x3F96]  }
0x1a: {  	s8 =	sadd.s32 $0xFFFFE003, lr  }
0x1b: {  	s9 =	sadd.s32 $0xFFFFFEF7, lr;
	s5 =	simm.s32 $0xFFFFFFFF;
	p2 =	slt.u32 s8, $0xFFFFF086  }
0x1c: {  	p1 =	slt.u32 s9, $0xF7A;
	s5 =	simm.s32 @!p2 $0x0  }
0x1d: {  	s5 =	simm.s32 @p1 $0x1;
	p0 =	seq.s32 s7, s2  }
0x1e: {  	s7 =	smul.u32 @!p0 $0xF7A, s2;
	p2 =	seq.s32 @!p0 s5, $0x0  }
0x1f: {  	s9 =	smul.u32 $0xF7A, s1;
	s8 =	simm.s32 @!p0 $0x1BF5;
	p2 =	por !p2, p0  }
0x20: {  	[sflag:s8] =	ssyncset.s32 @!p0 $0xFFFFF086;
	s6 =	sadd.s32 @!p0 s3, s7;
	s7 =	simm.s32 @!p0 $0x108  }
0x21: {  	s3 =	sadd.s32 s3, s9;
	s6 =	sadd.s32 @!p0 $0x88, s6;
	s7 =	simm.s32 @p2 $0x1082  }
0x22: {  	[simem:s7], [sflag:s8] =	dma.local @!p0 [hbm:s6], $0xF7A  }
0x23: {  	s9 =	sor.u32 $0xD0000000, s2;
	s6 =	simm.s32 $0x108;
	_ =	swait.ge @!p0 [sflag:s8], $0x0  }
0x24: {  	s3 =	sadd.s32 $0x88, s3;
	s6 =	simm.s32 @!p1 $0x1082;
	[sflag:s4] =	ssyncset.s32 $0xFFFFF086  }
0x25: {  	[simem:s6], [sflag:s4] =	dma.local [hbm:s3], $0xF7A  }
0x26: {  	[smem:$0x3F96] =	sst s1;
	(tag) =	ssettag s2;
	_ =	strace s9  }
0x27: {  	s1 =	sld [smem:$0x3FA6]  }
0x28: {  	s2 =	sld [smem:$0x3FA7]  }
0x29: {  	s4 =	sld [smem:$0x3FA9]  }
0x2a: {  	p0 =	seq.s32 s5, $0x0;
	s5 =	sld [smem:$0x3FAA]  }
0x2b: {  	s6 =	sld [smem:$0x3FAB]  }
0x2c: {  	s7 =	sld [smem:$0x3FAC]  }
0x2d: {  	s3 =	simm.s32 $0x108;
	s8 =	sld [smem:$0x3FAD]  }
0x2e: {  	s3 =	simm.s32 @!p0 $0x1082;
	s9 =	sld [smem:$0x3FAE]  }
0x2f: {  	lr =	sadd.s32 s0, s3;
	s0 =	sld [smem:$0x3FA5]  }
0x30: {  	s3 =	sld [smem:$0x3FA8]  }
0x31: {  	[smem:$0x3FB1] =	sst s10  }
0x32: {  	s10 =	sld [smem:$0x3FAF];
	_ =	sdelay $0x3  }
0x33: {  	p0 =	seq.s32 s10, $0x1;
	s10 =	sld [smem:$0x3FB1];
	_ =	sdelay $0x3  }
0x34: {  	[smem:$0x3FB1] =	sst s10  }
0x35: {  	s10 =	sld [smem:$0x3FB0];
	_ =	sdelay $0x3  }
0x36: {  	p1 =	seq.s32 s10, $0x1;
	s10 =	sld [smem:$0x3FB1];
	_ =	sdelay $0x3  }
0x37: {  	[smem:$0x3FB1] =	sst s10  }
0x38: {  	s10 =	sld [smem:$0x3FB2]  }
0x39: {  	_ = 	snop;
	(pc) =	sbr.ind lr, $3  }
0x3a: {  	_ = 	snop  }
0x3b: {  	_ = 	snop  }
0x3c: {  	p2 =	seq.s32 s10, $0x1;
	s10 =	sld [smem:$0x3FB1]  }
0x3d: {  	_ =	shalt  }
0x3e: {  	_ =	shalt  }
0x3f: {  	_ =	shalt  }
0x40: {  	_ =	shalt  }
0x41: {  	_ =	shalt  }
0x42: {  	_ =	shalt  }
0x43: {  	_ =	shalt  }
0x44: {  	_ =	shalt  }
0x45: {  	_ =	shalt  }
0x46: {  	_ =	shalt  }
0x47: {  	_ =	shalt  }
0x48: {  	_ =	shalt  }
0x49: {  	_ =	shalt  }
0x4a: {  	_ =	shalt  }
0x4b: {  	_ =	shalt  }
0x4c: {  	_ =	shalt  }
0x4d: {  	_ =	shalt  }
0x4e: {  	_ =	shalt  }
0x4f: {  	_ =	shalt  }
0x50: {  	_ =	shalt  }
0x51: {  	_ =	shalt  }
0x52: {  	_ =	shalt  }
0x53: {  	_ =	shalt  }
0x54: {  	_ =	shalt  }
0x55: {  	_ =	shalt  }
0x56: {  	_ =	shalt  }
0x57: {  	_ =	shalt  }
0x58: {  	_ =	shalt  }
0x59: {  	_ =	shalt  }
0x5a: {  	_ =	shalt  }
0x5b: {  	_ =	shalt  }
0x5c: {  	_ =	shalt  }
0x5d: {  	_ =	shalt  }
0x5e: {  	_ =	shalt  }
0x5f: {  	_ =	shalt  }
0x60: {  	_ =	shalt  }
0x61: {  	_ =	shalt  }
0x62: {  	_ =	shalt  }
0x63: {  	_ =	shalt  }
0x64: {  	_ =	shalt  }
0x65: {  	_ =	shalt  }
0x66: {  	_ =	shalt  }
0x67: {  	_ =	shalt  }
0x68: {  	_ =	shalt  }
0x69: {  	_ =	shalt  }
0x6a: {  	_ =	shalt  }
0x6b: {  	_ =	shalt  }
0x6c: {  	_ =	shalt  }
0x6d: {  	_ =	shalt  }
0x6e: {  	_ =	shalt  }
0x6f: {  	_ =	shalt  }
0x70: {  	_ =	shalt  }
0x71: {  	_ =	shalt  }
0x72: {  	_ =	shalt  }
0x73: {  	_ =	shalt  }
0x74: {  	_ =	shalt  }
0x75: {  	_ =	shalt  }
0x76: {  	_ =	shalt  }
0x77: {  	_ =	shalt  }
0x78: {  	_ =	shalt  }
0x79: {  	_ =	shalt  }
0x7a: {  	_ =	shalt  }
0x7b: {  	_ =	shalt  }
0x7c: {  	_ =	shalt  }
0x7d: {  	_ =	shalt  }
0x7e: {  	_ =	shalt  }
0x7f: {  	_ =	shalt  }
0x80: {  	_ =	shalt  }
0x81: {  	_ =	shalt  }
0x82: {  	_ =	shalt  }
0x83: {  	_ =	shalt  }
0x84: {  	_ =	shalt  }
0x85: {  	_ =	shalt  }
0x86: {  	_ =	shalt  }
0x87: {  	_ =	shalt  }
.Lfunc_end0:
.L_simem_size_0:
called_computation.1_lowered:
.L_overlay_start_0:
0x88: {  	s2 =	sld [smem:$0x3FD9]  }
0x89: {  	s3 =	sld [smem:$0x3FFE];
	_ =	sdelay $0x1  }
0x8a: {  	s1 =	srdreg.scid  }
0x8b: {  	s0 =	sand.u32 $0x1, s1  }
0x8c: {  	s14 =	sshll.u32 s0, $0xA;
	s2 =	sadd.s32 s3, s2  }
0x8d: {  	s2 =	sadd.s32 s2, s14  }
0x8e: {  	[smem:$0x3FBD] =	sst s2  }
0x8f: {  	_ = 	snop  }
0x90: {  	s2 =	sld [smem:$0x3FD0];
	_ =	sdelay $0x2  }
0x91: {  	s15 =	simm.s32 $0xA;
	s4 =	simm.s32 $0x10  }
0x92: {  	[smem:s4], [sflag:s15] =	dma.local [hbm:s2], $0x1  }
0x93: {  	_ =	swait.eq [sflag:s15], $0x1  }
0x94: {  	[sflag:s15] =	ssyncset.done $0x0  }
0x95: {  	[sflag:s15] =	ssyncadd.s32 $0xFFFFFFFF  }
0x96: {  	s16 =	sld [smem:$0x12];
	(tm) =	ssettm $0x1  }
0x97: {  	s17 =	sld [smem:$0x3FFB];
	_ =	sdelay $0x3  }
0x98: {  	_ =	strace s17  }
0x99: {  	s3 =	sld [smem:$0x3FFC];
	_ =	sdelay $0x3  }
0x9a: {  	_ =	strace s3  }
0x9b: {  	s3 =	sld [smem:$0x3FFD];
	_ =	sdelay $0x3  }
0x9c: {  	_ =	strace s3  }
0x9d: {  	_ =	strace $0x8FFFFFFF  }
0x9e: {  	s18 =	sld [smem:$0x3FDB];
	_ =	sdelay $0x1  }
0x9f: {  	s19 =	simm.s32 $_scs_section_size  }
0xa0: {  	s5 =	simm.s32 $_size__tile_overlayer_lowered;
	s6 =	simm.s32 $_tile_overlayer_lowered  }
0xa1: {  	s22 =	simm.s32 $0x1BFF;
	s21 =	sshll.u32 s6, $0x1;
	s3 =	sadd.s32 s19, s18  }
0xa2: {  	s7 =	simm.s32 $0x0;
	s20 =	sshll.u32 s5, $0x1;
	s5 =	sadd.s32 s21, s3  }
0xa3: {  	[timem:s7], [sflag:s22] =	dma.local [hbm:s5], s20  }
0xa4: {  	_ =	swait.ge [sflag:s22], s20  }
0xa5: {  	s4 =	ssub.s32 $0x0, s20;
	[sflag:s22] =	ssyncset.done $0x0  }
0xa6: {  	[sflag:s22] =	ssyncadd.s32 s4;
	_ =	sdelay $0x1  }
0xa7: {  	s23 =	simm.s32 $0x1B8B  }
0xa8: {  	_ =	swait.ge [sflag:s23], $0x1  }
0xa9: {  	[sflag:s23] =	ssyncset.done $0x0  }
0xaa: {  	s25 =	simm.s32 $0x1B8E;
	s24 =	sld [smem:$0x3FFE];
	[sflag:s23] =	ssyncadd.s32 $0xFFFFFFFF  }
0xab: {  	s26 =	simm.s32 $execute0_lowered;
	[smem:$0x3FD2] =	sst s25  }
0xac: {  	s5 =	sshll.u32 s26, $0x1;
	_ =	strace $0x80000049;
	[dreg:$0x1] =	wrdreg $0xFFFFFFFF  }
0xad: {  	s28 =	simm.s32 $_size_execute0_lowered;
	s3 =	sadd.s32 s3, s5;
	[dreg:$0x0] =	wrdreg $0x0  }
0xae: {  	s5 =	sshll.u32 s28, $0x1;
	[dreg:$0x2] =	wrdreg s3  }
0xaf: {  	[dreg:$0x3] =	wrdreg s5  }
0xb0: {  	[dreg:$0x4] =	wrdreg $0xC0  }
0xb1: {  	_ =	task [dreg:s7], $0x5FFFF  }
0xb2: {  	[dreg:$0x1] =	wrdreg $0xFFFFFFFF  }
0xb3: {  	[dreg:$0x0] =	wrdreg $0x60  }
0xb4: {  	[dreg:$0x2] =	wrdreg s16  }
0xb5: {  	[dreg:$0x3] =	wrdreg s24  }
0xb6: {  	[dreg:$0x4] =	wrdreg $0x0  }
0xb7: {  	[dreg:$0x5] =	wrdreg $0x9  }
0xb8: {  	_ =	task.clear_ibuf [dreg:s7], $0x6FFFF;
	_ =	strace $0x90000049  }
0xb9: {  	s29 =	simm.s32 $0x9;
	_ =	strace $0x8000004B  }
0xba: {  	_ =	swait.ge [sflag:s29], $0x1  }
0xbb: {  	[sflag:s29] =	ssyncadd.s32 $0xFFFFFFFF  }
0xbc: {  	_ =	strace $0x9000004B  }
0xbd: {  	_ =	sfence  }
0xbe: {  	s30 =	sld [smem:$0x0];
	_ =	sdelay $0x2  }
0xbf: {  	s31 =	sshll.u32 s1, $0xD;
	s1 =	sshrl.u32 s1, $0x2  }
0xc0: {  	s3 =	sand.u32 $0x4000, s31;
	s1 =	sadd.s32 s1, s30  }
0xc1: {  	s0 =	sor.u32 s3, s0;
	s1 =	sshll.u32 s1, $0x11  }
0xc2: {  	s0 =	sor.u32 s1, s0  }
0xc3: {  	s0 =	sadd.s32 $0x8F2B, s0  }
0xc4: {  	[sflag:s0] =	ssyncadd.remote.s32 $0x1  }
0xc5: {  	_ =	sfence.sel $0xFFFF  }
0xc6: {  	[dreg:$0x0] =	wrdreg $0xFFFFFFFF;
	(pc) =	sbr.abs _section_cstart, $3  }
0xc7: {  	[dreg:$0x1] =	wrdreg $0xFFFFFFFF  }
0xc8: {  	_ =	task.clear_ibuf [dreg:s7], $0x2FFFF;
	_ =	strace $0x9FFFFFFF  }
0xc9: {  	(tm) =	ssettm $0x7FFFFFFF  }
tec
execute0_lowered:
.L_overlay_start_1:
0x0: {  	(tag) =	ssettag $0x1  }
0x1: {  	s1 =	rddreg [dreg:$0x0]  }
0x2: {  	s0 =	rddreg [dreg:$0x1]  }
0x3: {  	s2 =	rddreg [dreg:$0x2];
	s3 =	simm.s32 $0x0;
	s4 =	srdreg.scid  }
0x4: {  	s17 =	stileid.u32;
	s28 =	simm.s32 $0x13980;
	s30 =	simm.s32 $0x7  }
0x5: {  	s31 =	simm.s32 $0x80;
	s29 =	simm.s32 $0x13B80;
	[smem:$0x7FF] =	sst s3  }
0x6: {  	s5 =	sadd.s32 $0x2800, s0;
	s4 =	sand.u32 $0x1, s4;
	s7 =	smul.u32 $0x2700, s17  }
0x7: {  	s6 =	sadd.s32 $0xC600, s0;
	s10 =	smul.u32 $0x4E000, s17;
	s18 =	sadd.s32 $0x124800, s2  }
0x8: {  	s14 =	sadd.s32 $0x3D600, s0;
	p0 =	seq.s32 s17, $0xF;
	_ =	strace $0x8000004A  }
0x9: {  	s8 =	sshll.u32 s4, $0x4;
	s9 =	ssub.s32 $0x2, s4;
	[dreg:$0xa] =	wrdreg s18  }
0xa: {  	s8 =	sor.u32 s17, s8;
	s11 =	sadd.s32 s7, s0;
	s12 =	sshrl.u32 s9, $0x1  }
0xb: {  	s0 =	sadd.s32 $0x3AD00, s0;
	s13 =	smul.u32 $0x2700, s8;
	s15 =	ssub.s32 s9, s12  }
0xc: {  	s12 =	sshrl.u32 s10, $0x2;
	s16 =	sadd.s32 $0x16400, s11;
	[dreg:$0xb] =	wrdreg s0  }
0xd: {  	p1 =	sgt.u32 s8, $0x3;
	[dreg:$0x9] =	wrdreg s16;
	s16 =	smul.u32 $0x138800, s4  }
0xe: {  	s8 =	simm.s32 $0x13A80;
	s9 =	sadd.s32 s12, s2;
	s4 =	smul.u32 $0x27000, s4  }
0xf: {  	[dreg:$0x8] =	wrdreg s9;
	s10 =	sshrl.u32 s13, $0x3;
	s25 =	sadd.s32 $0x200, s13  }
0x10: {  	s26 =	sadd.s32 $0x280, s13;
	s9 =	smul.u32 $0x13800, s17;
	s19 =	sadd.s32 s5, s10  }
0x11: {  	s20 =	sor.u32 $0x10, s10;
	s12 =	sadd.s32 $0x20, s10;
	[dreg:$0x5] =	wrdreg s25  }
0x12: {  	s23 =	sadd.s32 $0x30, s10;
	s10 =	sadd.s32 s6, s10;
	[dreg:$0x6] =	wrdreg s26  }
0x13: {  	s11 =	sshrl.u32 s16, $0x3;
	s25 =	smax.u32 s15, $0x1;
	[dreg:$0xc] =	wrdreg s19  }
0x14: {  	s15 =	simm.s32 $0x3;
	s21 =	sadd.s32 s5, s20;
	[dreg:$0xf] =	wrdreg s10  }
0x15: {  	s22 =	sadd.s32 s5, s12;
	s24 =	sadd.s32 s5, s23;
	[dreg:$0x15] =	wrdreg s25  }
0x16: {  	s0 =	sadd.s32 s6, s20;
	s18 =	sadd.s32 s14, s11;
	[dreg:$0xd] =	wrdreg s21  }
0x17: {  	s19 =	sadd.s32 s9, s16;
	s20 =	sshll.u32 s17, $0x4;
	[dreg:$0xe] =	wrdreg s22  }
0x18: {  	s25 =	simm.s32 $0x13900;
	s11 =	simm.s32 $0xB;
	[dreg:$0x4] =	wrdreg s24  }
0x19: {  	s16 =	simm.s32 $0xC;
	s17 =	simm.s32 $0x5;
	[dreg:$0x10] =	wrdreg s0  }
0x1a: {  	s10 =	sshrl.u32 s19, $0x3;
	s0 =	sadd.s32 $0x24900, s18;
	s21 =	sor.u32 $0x9C00, s20  }
0x1b: {  	s24 =	sadd.s32 s7, s4;
	s20 =	simm.s32 $0x13B00;
	s19 =	simm.s32 $0x13C80  }
0x1c: {  	s18 =	simm.s32 $0x8;
	s7 =	simm.s32 $0x0;
	[dreg:$0x11] =	wrdreg s0  }
0x1d: {  	s10 =	sadd.s32 s14, s10;
	s22 =	sadd.s32 s5, s21;
	s0 =	sadd.s32 s6, s21  }
.Ltmp0:
0x1e: {  	s26 =	sadd.s32 $0x100, s24;
	[dreg:$0x12] =	wrdreg s10;
	(pc) =	sbr.rel .LBB2_1-.Ltmp0, $4  }
0x1f: {  	s21 =	simm.s32 $0x1;
	s14 =	simm.s32 $0x4;
	[dreg:$0x13] =	wrdreg s22  }
0x20: {  	[dreg:$0x14] =	wrdreg s0;
	s0 =	sadd.s32 $0x180, s24;
	s4 =	sshrl.u32 s26, $0x3  }
0x21: {  	s24 =	simm.s32 $0x13880;
	s26 =	simm.s32 $0x17C80;
	[dreg:$0x16] =	wrdreg s4  }
0x22: {  	s10 =	simm.s32 $0x2;
	[dreg:$0x7] =	wrdreg s0;
	s4 =	simm.s32 $0x9  }
.LBB2_7:
0x23: {  	s0 =	rddreg [dreg:$0xa]  }
0x24: {  	s7 =	rddreg [dreg:$0x11];
	s9 =	simm.s32 $0x1FCD;
	s0 =	sshrl.u32 s0, $0x3  }
0x25: {  	[hbm:s7], [sflag:s9] =	dma.local [spmem:s0], $0x2800  }
0x26: {  	_ =	swait.ge [sflag:s22], $0x2800  }
0x27: {  	[sflag:s22] =	ssyncset.done $0x0  }
0x28: {  	s7 =	rddreg [dreg:$0x17];
	[sflag:s22] =	ssyncadd.s32 $0xFFFFD800  }
.LBB2_8:
0x29: {  	s7 =	sadd.s32 $0x1, s7;
	s0 =	rddreg [dreg:$0x15]  }
0x2a: {  	p2 =	sne.s32 s7, s0  }
.Ltmp1:
0x2b: {  	_ = 	snop;
	(pc) =	sbr.rel @!p2 .LBB2_9-.Ltmp1, $1  }
0x2c: {  	_ =	sdelay $0x3  }
.LBB2_1:
0x2d: {  	[dreg:$0x17] =	wrdreg s7  }
0x2e: {  	s0 =	rddreg [dreg:$0xa]  }
0x2f: {  	s13 =	simm.s32 @p0 $0x1FCD;
	s7 =	sshrl.u32 @p0 s0, $0x3;
	s0 =	rddreg [dreg:$0xb]  }
0x30: {  	[spmem:s7], [sflag:s13] =	dma.local @p0 [hbm:s0], $0x2800  }
0x31: {  	s7 =	simm.s32 @p0 $0xD  }
0x32: {  	_ =	swait.ge @p0 [sflag:s7], $0x2800  }
0x33: {  	s0 =	stileid.u32;
	[sflag:s7] =	ssyncset.done @p0 $0x0  }
0x34: {  	s13 =	sshll.u32 @!p0 s0, $0x6;
	s0 =	rddreg [dreg:$0x8];
	[sflag:s7] =	ssyncadd.s32 @p0 $0xFFFFD800  }
0x35: {  	s7 =	sor.u32 @!p0 $0x1C0D, s13;
	s13 =	sshrl.u32 @!p0 s0, $0x3;
	s0 =	rddreg [dreg:$0x9]  }
0x36: {  	[spmem:s13], [sflag:s7] =	dma.local @!p0 [hbm:s0], $0x2700  }
0x37: {  	s7 =	simm.s32 @!p0 $0xD  }
0x38: {  	_ =	swait.ge @!p0 [sflag:s7], $0x2700  }
0x39: {  	[sflag:s7] =	ssyncset.done @!p0 $0x0  }
0x3a: {  	[sflag:s7] =	ssyncadd.s32 @!p0 $0xFFFFD900  }
0x3b: {  	[bflag:$0x0] =	sbarrier.arrive $0xFFFF  }
0x3c: {  	s22 =	rddreg [dreg:$0xc]  }
0x3d: {  	[tilespmem:s24], [sflag:$0x7] =	stream.linear.gather [hbm4b:s22+s3], $0x80, $0x38;
	[tilespmem:$0x1FD00] =	vst v63  }
0x3e: {  	s7 =	rddreg [dreg:$0xd]  }
0x3f: {  	[tilespmem:s25], [sflag:$0x8] =	stream.linear.gather [hbm4b:s7+s3], $0x80, $0x38;
	[tilespmem:$0x1FD00] =	vst v63  }
0x40: {  	s9 =	rddreg [dreg:$0xe]  }
0x41: {  	[tilespmem:s28], [sflag:$0x9] =	stream.linear.gather [hbm4b:s9+s3], $0x80, $0x38;
	[tilespmem:$0x1FD00] =	vst v63  }
0x42: {  	s13 =	rddreg [dreg:$0xf]  }
0x43: {  	[tilespmem:s8], [sflag:$0xA] =	stream.linear.gather [hbm4b:s13+s3], $0x80, $0x38;
	[tilespmem:$0x1FD00] =	vst v63  }
0x44: {  	s22 =	rddreg [dreg:$0x10]  }
0x45: {  	[tilespmem:s20], [sflag:$0xB] =	stream.linear.gather [hbm4b:s22+s3], $0x80, $0x38;
	[tilespmem:$0x1FD00] =	vst v63  }
0x46: {  	_ =	swait.ge [sflag:s30], $0x80  }
0x47: {  	[sflag:s30] =	ssyncset.done $0x0  }
0x48: {  	[sflag:s30] =	ssyncadd.s32 $0xFFFFFF80  }
0x49: {  	[tilespmem:s19], [sflag:$0x1] =	stream.indirect.gather [hbm4b:s1+s31], $0x80, s24, s31, $0xb8;
	[tilespmem:$0x1FD00] =	vst v63  }
0x4a: {  	_ =	swait.ge [sflag:s18], $0x80  }
0x4b: {  	[sflag:s18] =	ssyncset.done $0x0  }
0x4c: {  	[sflag:s18] =	ssyncadd.s32 $0xFFFFFF80  }
0x4d: {  	[tilespmem:s26], [sflag:$0x2] =	stream.indirect.gather [hbm4b:s1+s31], $0x80, s25, s31, $0xb8;
	[tilespmem:$0x1FD00] =	vst v63  }
0x4e: {  	_ =	swait.ge [sflag:s21], $0x4000  }
0x4f: {  	p2 =	por $0x0, $0x0;
	s7 =	rddreg [dreg:$0x7]  }
0x50: {  	s13 =	simm.s32 @p2 $0x13880;
	s7 =	sadd.s32 @p2 $0x0, s7  }
0x51: {  	s26 =	smov.u32 s23;
	[sflag:s21] =	ssyncset.done $0x0;
	s7 =	sshrl.u32 @p2 s7, $0x3  }
0x52: {  	s23 =	simm.s32 @p2 $0x0;
	[sflag:s21] =	ssyncadd.s32 $0xFFFFC000;
	s22 =	sadd.s32 @p2 s5, s7  }
0x53: {  	[tilespmem:s13], [sflag:$0x7] =	stream.linear.gather @p2 [hbm4b:s22+s23], $0x80, $0x38;
	[tilespmem:$0x1FD00] =	vst v63  }
0x54: {  	s13 =	simm.s32 @p2 $0xA  }
0x55: {  	_ =	swait.ge @p2 [sflag:s13], $0x80  }
0x56: {  	s22 =	simm.s32 @p2 $0x13C80;
	[sflag:s13] =	ssyncset.done @p2 $0x0  }
0x57: {  	s23 =	simm.s32 @p2 $0x13A80;
	[sflag:s13] =	ssyncadd.s32 @p2 $0xFFFFFF80;
	s13 =	simm.s32 @p2 $0x80  }
0x58: {  	[spmem:s2] =	stream.indirect.scatter.add.f32 @p2 [tilespmem:s22], [sflag:$0x4], $0x80, s23, s13, $0xb8;
	[tilespmem:$0x1FD00] =	vst v63  }
0x59: {  	s13 =	simm.s32 @p2 $0x6  }
0x5a: {  	_ =	swait.ge @p2 [sflag:s13], $0x4000  }
0x5b: {  	s23 =	simm.s32 @!p2 $0x13880;
	[sflag:s13] =	ssyncset.done @p2 $0x0  }
0x5c: {  	s22 =	rddreg [dreg:$0x4];
	[sflag:s13] =	ssyncadd.s32 @p2 $0xFFFFC000;
	s13 =	simm.s32 @!p2 $0x0  }
0x5d: {  	[tilespmem:s23], [sflag:$0x7] =	stream.linear.gather @!p2 [hbm4b:s22+s13], $0x80, $0x38;
	[tilespmem:$0x1FD00] =	vst v63  }
0x5e: {  	s13 =	simm.s32 @!p2 $0xA  }
0x5f: {  	_ =	swait.ge @!p2 [sflag:s13], $0x80  }
0x60: {  	s22 =	simm.s32 @!p2 $0x13C80;
	[sflag:s13] =	ssyncset.done @!p2 $0x0  }
0x61: {  	s23 =	simm.s32 @!p2 $0x13A80;
	[sflag:s13] =	ssyncadd.s32 @!p2 $0xFFFFFF80;
	s13 =	simm.s32 @!p2 $0x80  }
0x62: {  	[spmem:s2] =	stream.indirect.scatter.add.f32 @!p2 [tilespmem:s22], [sflag:$0x4], $0x80, s23, s13, $0xb8;
	[tilespmem:$0x1FD00] =	vst v63  }
0x63: {  	s0 =	rddreg [dreg:$0x16];
	s13 =	smov.u32 s12  }
0x64: {  	s13 =	smov.u32 @p2 s0  }
0x65: {  	s13 =	sadd.s32 s6, s13  }
0x66: {  	[tilespmem:s29], [sflag:$0xC] =	stream.linear.gather [hbm4b:s13+s3], $0x80, $0x38;
	[tilespmem:$0x1FD00] =	vst v63  }
0x67: {  	_ =	swait.ge [sflag:s4], $0x80  }
0x68: {  	[sflag:s4] =	ssyncset.done $0x0  }
0x69: {  	s9 =	simm.s32 $0x1BC80;
	[sflag:s4] =	ssyncadd.s32 $0xFFFFFF80  }
0x6a: {  	[tilespmem:s9], [sflag:$0x3] =	stream.indirect.gather [hbm4b:s1+s31], $0x80, s28, s31, $0xb8;
	[tilespmem:$0x1FD00] =	vst v63  }
0x6b: {  	s22 =	simm.s32 $0x0;
	_ =	swait.ge [sflag:s10], $0x4000  }
0x6c: {  	s22 =	simm.s32 @!p2 $0x0;
	s23 =	rddreg [dreg:$0x5]  }
0x6d: {  	s13 =	sadd.s32 s22, s23  }
0x6e: {  	[sflag:s10] =	ssyncset.done $0x0;
	s13 =	sshrl.u32 s13, $0x3  }
0x6f: {  	[sflag:s10] =	ssyncadd.s32 $0xFFFFC000;
	s9 =	sadd.s32 s5, s13  }
0x70: {  	[tilespmem:s25], [sflag:$0x8] =	stream.linear.gather [hbm4b:s9+s3], $0x80, $0x38;
	[tilespmem:$0x1FD00] =	vst v63  }
0x71: {  	_ =	swait.ge [sflag:s11], $0x80  }
0x72: {  	[sflag:s11] =	ssyncset.done $0x0  }
0x73: {  	s23 =	simm.s32 $0x17C80;
	[sflag:s11] =	ssyncadd.s32 $0xFFFFFF80  }
0x74: {  	[spmem:s2] =	stream.indirect.scatter.add.f32 [tilespmem:s23], [sflag:$0x5], $0x80, s20, s31, $0xb8;
	[tilespmem:$0x1FD00] =	vst v63  }
0x75: {  	s23 =	smov.u32 s26;
	_ =	swait.ge [sflag:s14], $0x4000  }
0x76: {  	s23 =	smov.u32 @p2 s7;
	[sflag:s14] =	ssyncset.done $0x0  }
0x77: {  	s7 =	sadd.s32 s6, s23;
	[sflag:s14] =	ssyncadd.s32 $0xFFFFC000  }
0x78: {  	[tilespmem:s8], [sflag:$0xA] =	stream.linear.gather [hbm4b:s7+s3], $0x80, $0x38;
	[tilespmem:$0x1FD00] =	vst v63  }
0x79: {  	_ =	swait.ge [sflag:s30], $0x80  }
0x7a: {  	[sflag:s30] =	ssyncset.done $0x0  }
0x7b: {  	[sflag:s30] =	ssyncadd.s32 $0xFFFFFF80  }
0x7c: {  	[tilespmem:s19], [sflag:$0x1] =	stream.indirect.gather [hbm4b:s1+s31], $0x80, s24, s31, $0xb8;
	[tilespmem:$0x1FD00] =	vst v63  }
0x7d: {  	_ =	swait.ge [sflag:s15], $0x4000  }
0x7e: {  	s23 =	rddreg [dreg:$0x6]  }
0x7f: {  	s7 =	sadd.s32 s22, s23  }
0x80: {  	[sflag:s15] =	ssyncset.done $0x0;
	s7 =	sshrl.u32 s7, $0x3  }
0x81: {  	[sflag:s15] =	ssyncadd.s32 $0xFFFFC000;
	s7 =	sadd.s32 s5, s7  }
0x82: {  	[tilespmem:s28], [sflag:$0x9] =	stream.linear.gather [hbm4b:s7+s3], $0x80, $0x38;
	[tilespmem:$0x1FD00] =	vst v63  }
0x83: {  	_ =	swait.ge [sflag:s16], $0x80  }
0x84: {  	[sflag:s16] =	ssyncset.done $0x0  }
0x85: {  	s24 =	simm.s32 $0x1BC80;
	[sflag:s16] =	ssyncadd.s32 $0xFFFFFF80  }
0x86: {  	[spmem:s2] =	stream.indirect.scatter.add.f32 [tilespmem:s24], [sflag:$0x6], $0x80, s29, s31, $0xb8;
	[tilespmem:$0x1FD00] =	vst v63  }
0x87: {  	_ =	swait.ge [sflag:s17], $0x4000  }
0x88: {  	[sflag:s17] =	ssyncset.done $0x0  }
0x89: {  	s28 =	sadd.s32 s6, s13;
	[sflag:s17] =	ssyncadd.s32 $0xFFFFC000  }
0x8a: {  	[tilespmem:s20], [sflag:$0xB] =	stream.linear.gather [hbm4b:s28+s3], $0x80, $0x38;
	[tilespmem:$0x1FD00] =	vst v63  }
0x8b: {  	s8 =	simm.s32 $0x17C80;
	_ =	swait.ge [sflag:s18], $0x80  }
0x8c: {  	s23 =	sadd.s32 $0x30, s0;
	s7 =	simm.s32 $0x180;
	[sflag:s18] =	ssyncset.done $0x0  }
0x8d: {  	s29 =	simm.s32 $0x13B80;
	s20 =	simm.s32 $0x13B00;
	[sflag:s18] =	ssyncadd.s32 $0xFFFFFF80  }
.LBB2_2:
0x8e: {  	[tilespmem:s8], [sflag:$0x2] =	stream.indirect.gather [hbm4b:s1+s31], $0x80, s25, s31, $0xb8;
	[tilespmem:$0x1FD00] =	vst v63  }
0x8f: {  	s22 =	smov.u32 s7;
	_ =	swait.ge [sflag:s21], $0x4000  }
0x90: {  	p3 =	sne.s32 s22, $0x0;
	s13 =	rddreg [dreg:$0x7]  }
0x91: {  	s24 =	simm.s32 @p3 $0x13880;
	s13 =	sadd.s32 @p3 s22, s13  }
0x92: {  	[sflag:s21] =	ssyncset.done $0x0;
	s28 =	simm.s32 @p3 $0xA;
	s0 =	sshrl.u32 @p3 s13, $0x3  }
0x93: {  	s9 =	simm.s32 @p3 $0x0;
	[sflag:s21] =	ssyncadd.s32 $0xFFFFC000;
	s13 =	sadd.s32 @p3 s5, s0  }
0x94: {  	[tilespmem:s24], [sflag:$0x7] =	stream.linear.gather @p3 [hbm4b:s13+s9], $0x80, $0x38;
	[tilespmem:$0x1FD00] =	vst v63  }
0x95: {  	s13 =	smov.u32 s26;
	s9 =	simm.s32 @p3 $0x6;
	_ =	swait.ge @p3 [sflag:s28], $0x80  }
0x96: {  	s24 =	simm.s32 @p3 $0x80;
	s13 =	smov.u32 @p3 s0;
	[sflag:s28] =	ssyncset.done @p3 $0x0  }
0x97: {  	s0 =	simm.s32 @p3 $0x13C80;
	[sflag:s28] =	ssyncadd.s32 @p3 $0xFFFFFF80;
	s28 =	simm.s32 @p3 $0x13A80  }
0x98: {  	[spmem:s2] =	stream.indirect.scatter.add.f32 @p3 [tilespmem:s0], [sflag:$0x4], $0x80, s28, s24, $0xb8;
	[tilespmem:$0x1FD00] =	vst v63  }
0x99: {  	_ =	swait.ge @p3 [sflag:s9], $0x4000  }
0x9a: {  	s24 =	simm.s32 @!p3 $0xA;
	s28 =	simm.s32 @!p3 $0x13880;
	[sflag:s9] =	ssyncset.done @p3 $0x0  }
0x9b: {  	s0 =	rddreg [dreg:$0x4];
	[sflag:s9] =	ssyncadd.s32 @p3 $0xFFFFC000;
	s9 =	simm.s32 @!p3 $0x0  }
0x9c: {  	[tilespmem:s28], [sflag:$0x7] =	stream.linear.gather @!p3 [hbm4b:s0+s9], $0x80, $0x38;
	[tilespmem:$0x1FD00] =	vst v63  }
0x9d: {  	s25 =	smov.u32 s12;
	_ =	swait.ge @!p3 [sflag:s24], $0x80  }
0x9e: {  	s12 =	smov.u32 @p3 s23;
	s0 =	simm.s32 @!p3 $0x13C80;
	[sflag:s24] =	ssyncset.done @!p3 $0x0  }
0x9f: {  	s9 =	simm.s32 @!p3 $0x80;
	[sflag:s24] =	ssyncadd.s32 @!p3 $0xFFFFFF80;
	s24 =	simm.s32 @!p3 $0x13A80  }
0xa0: {  	[spmem:s2] =	stream.indirect.scatter.add.f32 @!p3 [tilespmem:s0], [sflag:$0x4], $0x80, s24, s9, $0xb8;
	[tilespmem:$0x1FD00] =	vst v63  }
0xa1: {  	s9 =	sadd.s32 s6, s12  }
0xa2: {  	[tilespmem:s29], [sflag:$0xC] =	stream.linear.gather [hbm4b:s9+s3], $0x80, $0x38;
	[tilespmem:$0x1FD00] =	vst v63  }
0xa3: {  	_ =	swait.ge [sflag:s4], $0x80  }
0xa4: {  	[sflag:s4] =	ssyncset.done $0x0  }
0xa5: {  	s19 =	simm.s32 $0x1BC80;
	s28 =	simm.s32 $0x13980;
	[sflag:s4] =	ssyncadd.s32 $0xFFFFFF80  }
0xa6: {  	[tilespmem:s19], [sflag:$0x3] =	stream.indirect.gather [hbm4b:s1+s31], $0x80, s28, s31, $0xb8;
	[tilespmem:$0x1FD00] =	vst v63  }
0xa7: {  	_ =	swait.ge [sflag:s10], $0x4000  }
0xa8: {  	s22 =	simm.s32 @!p3 $0x0;
	s9 =	rddreg [dreg:$0x5]  }
0xa9: {  	s0 =	sadd.s32 s22, s9  }
0xaa: {  	s12 =	smov.u32 s25;
	[sflag:s10] =	ssyncset.done $0x0;
	s0 =	sshrl.u32 s0, $0x3  }
0xab: {  	s25 =	simm.s32 $0x13900;
	[sflag:s10] =	ssyncadd.s32 $0xFFFFC000;
	s19 =	sadd.s32 s5, s0  }
0xac: {  	[tilespmem:s25], [sflag:$0x8] =	stream.linear.gather [hbm4b:s19+s3], $0x80, $0x38;
	[tilespmem:$0x1FD00] =	vst v63  }
0xad: {  	_ =	swait.ge [sflag:s11], $0x80  }
0xae: {  	[sflag:s11] =	ssyncset.done $0x0  }
0xaf: {  	[sflag:s11] =	ssyncadd.s32 $0xFFFFFF80  }
0xb0: {  	[spmem:s2] =	stream.indirect.scatter.add.f32 [tilespmem:s8], [sflag:$0x5], $0x80, s20, s31, $0xb8;
	[tilespmem:$0x1FD00] =	vst v63  }
0xb1: {  	_ =	swait.ge [sflag:s14], $0x4000  }
0xb2: {  	[sflag:s14] =	ssyncset.done $0x0  }
0xb3: {  	s13 =	sadd.s32 s6, s13;
	s19 =	simm.s32 $0x13A80;
	[sflag:s14] =	ssyncadd.s32 $0xFFFFC000  }
0xb4: {  	[tilespmem:s19], [sflag:$0xA] =	stream.linear.gather [hbm4b:s13+s3], $0x80, $0x38;
	[tilespmem:$0x1FD00] =	vst v63  }
0xb5: {  	_ =	swait.ge [sflag:s30], $0x80  }
0xb6: {  	[sflag:s30] =	ssyncset.done $0x0  }
0xb7: {  	s24 =	simm.s32 $0x13880;
	s13 =	simm.s32 $0x13C80;
	[sflag:s30] =	ssyncadd.s32 $0xFFFFFF80  }
0xb8: {  	[tilespmem:s13], [sflag:$0x1] =	stream.indirect.gather [hbm4b:s1+s31], $0x80, s24, s31, $0xb8;
	[tilespmem:$0x1FD00] =	vst v63  }
0xb9: {  	_ =	swait.ge [sflag:s15], $0x4000  }
0xba: {  	s19 =	rddreg [dreg:$0x6]  }
0xbb: {  	s9 =	sadd.s32 s22, s19  }
0xbc: {  	[sflag:s15] =	ssyncset.done $0x0;
	s9 =	sshrl.u32 s9, $0x3  }
0xbd: {  	[sflag:s15] =	ssyncadd.s32 $0xFFFFC000;
	s9 =	sadd.s32 s5, s9  }
0xbe: {  	[tilespmem:s28], [sflag:$0x9] =	stream.linear.gather [hbm4b:s9+s3], $0x80, $0x38;
	[tilespmem:$0x1FD00] =	vst v63  }
0xbf: {  	_ =	swait.ge [sflag:s16], $0x80  }
0xc0: {  	[sflag:s16] =	ssyncset.done $0x0  }
0xc1: {  	s22 =	simm.s32 $0x1BC80;
	[sflag:s16] =	ssyncadd.s32 $0xFFFFFF80  }
0xc2: {  	[spmem:s2] =	stream.indirect.scatter.add.f32 [tilespmem:s22], [sflag:$0x6], $0x80, s29, s31, $0xb8;
	[tilespmem:$0x1FD00] =	vst v63  }
0xc3: {  	s7 =	sadd.s32 $0x180, s7;
	_ =	swait.ge [sflag:s17], $0x4000  }
0xc4: {  	p2 =	sne.s32 s7, $0x2700;
	[sflag:s17] =	ssyncset.done $0x0  }
.Ltmp2:
0xc5: {  	s0 =	sadd.s32 s6, s0;
	[sflag:s17] =	ssyncadd.s32 $0xFFFFC000;
	(pc) =	sbr.rel @p2 .LBB2_2-.Ltmp2, $4  }
0xc6: {  	[tilespmem:s20], [sflag:$0xB] =	stream.linear.gather [hbm4b:s0+s3], $0x80, $0x38;
	[tilespmem:$0x1FD00] =	vst v63  }
0xc7: {  	_ =	swait.ge [sflag:s18], $0x80  }
0xc8: {  	[sflag:s18] =	ssyncset.done $0x0  }
0xc9: {  	s23 =	sadd.s32 $0x30, s23;
	[sflag:s18] =	ssyncadd.s32 $0xFFFFFF80  }
0xca: {  	[tilespmem:s8], [sflag:$0x2] =	stream.indirect.gather [hbm4b:s1+s31], $0x80, s25, s31, $0xb8;
	[tilespmem:$0x1FD00] =	vst v63  }
0xcb: {  	s0 =	simm.s32 $0x6  }
0xcc: {  	_ =	swait.ge [sflag:s0], $0x4000  }
0xcd: {  	[sflag:s0] =	ssyncset.done $0x0  }
0xce: {  	[sflag:s0] =	ssyncadd.s32 $0xFFFFC000  }
0xcf: {  	_ =	swait.ge [sflag:s21], $0x4000  }
0xd0: {  	[sflag:s21] =	ssyncset.done $0x0  }
0xd1: {  	[sflag:s21] =	ssyncadd.s32 $0xFFFFC000  }
0xd2: {  	_ =	swait.ge [sflag:s10], $0x4000  }
0xd3: {  	[sflag:s10] =	ssyncset.done $0x0  }
0xd4: {  	[sflag:s10] =	ssyncadd.s32 $0xFFFFC000  }
0xd5: {  	_ =	swait.ge [sflag:s4], $0x80  }
0xd6: {  	[sflag:s4] =	ssyncset.done $0x0  }
0xd7: {  	s29 =	simm.s32 $0xA;
	[sflag:s4] =	ssyncadd.s32 $0xFFFFFF80  }
0xd8: {  	_ =	swait.ge [sflag:s29], $0x80  }
.Ltmp3:
0xd9: {  	[sflag:s29] =	ssyncset.done $0x0;
	(pc) =	sbr.rel @p1 .LBB2_5-.Ltmp3, $4  }
0xda: {  	[sflag:s29] =	ssyncadd.s32 $0xFFFFFF80  }
0xdb: {  	_ =	swait.ge [sflag:s11], $0x80  }
0xdc: {  	s9 =	smov.u32 s26;
	[sflag:s11] =	ssyncset.done $0x0  }
0xdd: {  	s26 =	simm.s32 $0x17C80;
	s22 =	simm.s32 $0xD;
	[sflag:s11] =	ssyncadd.s32 $0xFFFFFF80  }
0xde: {  	s0 =	rddreg [dreg:$0x13];
	s7 =	simm.s32 $0x1FC80  }
0xdf: {  	[tilespmem:s7], [sflag:$0xD] =	stream.linear.gather [hbm4b:s0+s3], $0x80, $0x38;
	[tilespmem:$0x1FD00] =	vst v63  }
0xe0: {  	_ =	swait.ge [sflag:s22], $0x80  }
0xe1: {  	[sflag:s22] =	ssyncset.done $0x0  }
0xe2: {  	s8 =	simm.s32 $0x13A80;
	s23 =	rddreg [dreg:$0x14];
	[sflag:s22] =	ssyncadd.s32 $0xFFFFFF80  }
0xe3: {  	[tilespmem:s8], [sflag:$0xD] =	stream.linear.gather [hbm4b:s23+s3], $0x80, $0x38;
	[tilespmem:$0x1FD00] =	vst v63  }
0xe4: {  	_ =	swait.ge [sflag:s22], $0x80  }
0xe5: {  	[sflag:s22] =	ssyncset.done $0x0  }
0xe6: {  	s19 =	simm.s32 $0x13C80;
	[sflag:s22] =	ssyncadd.s32 $0xFFFFFF80  }
0xe7: {  	[tilespmem:s19], [sflag:$0x1] =	stream.indirect.gather [hbm4b:s1+s31], $0x80, s7, s31, $0xb8;
	[tilespmem:$0x1FD00] =	vst v63  }
0xe8: {  	_ =	swait.ge [sflag:s21], $0x4000  }
0xe9: {  	[sflag:s21] =	ssyncset.done $0x0  }
0xea: {  	[sflag:s21] =	ssyncadd.s32 $0xFFFFC000  }
0xeb: {  	[spmem:s2] =	stream.indirect.scatter.add.f32 [tilespmem:s19], [sflag:$0xD], $0x80, s8, s31, $0xb8;
	[tilespmem:$0x1FD00] =	vst v63  }
.Ltmp4:
0xec: {  	_ =	swait.ge [sflag:s22], $0x4000;
	(pc) =	sbr.rel .LBB2_6-.Ltmp4, $4  }
0xed: {  	[sflag:s22] =	ssyncset.done $0x0  }
0xee: {  	[sflag:s22] =	ssyncadd.s32 $0xFFFFC000  }
0xef: {  	[bflag:$0x0] =	sbarrier.arrive $0xFFFF  }
0xf0: {  	s20 =	simm.s32 $0x13B00;
	s29 =	simm.s32 $0x13B80;
	s23 =	smov.u32 s9  }
.LBB2_5:
.Ltmp5:
0xf1: {  	(pc) =	sbr.rel @p0 .LBB2_7-.Ltmp5, $3  }
0xf2: {  	_ =	sdelay $0x1  }
0xf3: {  	[bflag:$0x0] =	sbarrier.arrive $0xFFFF;
	s23 =	smov.u32 s9;
	s8 =	simm.s32 $0x13A80  }
0xf4: {  	s20 =	simm.s32 $0x13B00;
	s19 =	simm.s32 $0x13C80;
	s29 =	simm.s32 $0x13B80  }
.LBB2_6:
0xf5: {  	s0 =	stileid.u32;
	s7 =	rddreg [dreg:$0x8]  }
0xf6: {  	s13 =	rddreg [dreg:$0x12];
	s0 =	sshll.u32 s0, $0x6  }
.Ltmp6:
0xf7: {  	s7 =	sshrl.u32 s7, $0x3;
	s0 =	sor.u32 $0x1C0D, s0;
	(pc) =	sbr.rel .LBB2_8-.Ltmp6, $4  }
0xf8: {  	[hbm:s13], [sflag:s0] =	dma.local [spmem:s7], $0x2700  }
0xf9: {  	_ =	swait.ge [sflag:s22], $0x2700  }
0xfa: {  	[sflag:s22] =	ssyncset.done $0x0  }
0xfb: {  	s7 =	rddreg [dreg:$0x17];
	[sflag:s22] =	ssyncadd.s32 $0xFFFFD900  }
.LBB2_9:
0xfc: {  	_ =	sfence.sel $0x180000  }
0xfd: {  	[bflag:$0x0] =	sbarrier.arrive $0xFFFF  }
0xfe: {  	_ =	strace $0x9000004A  }
0xff: {  	s0 =	stileid.u32;
	[bflag:$0x2] =	sbarrier.arrive $0xFFFF  }
0x100: {  	p0 =	sne.s32 s0, $0x0;
	s0 =	rddreg [dreg:$0x3]  }
0x101: {  	s0 =	sadd.s32 @!p0 $0x100000, s0  }
0x102: {  	[sflag:s0] =	ssyncadd.tile.s32 @!p0 $0x1;
	_ =	shalt  }
.Lfunc_end2:
_tile_overlayer_lowered:
.L_overlay_start_2:
0x103: {  	(tag) =	ssettag $0x2  }
0x104: {  	s0 =	rddreg [dreg:$0x0];
	s2 =	stileid.u32  }
0x105: {  	s1 =	rddreg [dreg:$0x1];
	p0 =	sne.s32 s2, $0x0  }
0x106: {  	s3 =	rddreg [dreg:$0x2];
	[bflag:$0x3] =	sbarrier.arrive $0xFFFF;
	s2 =	simm.s32 @!p0 $0x1C0D  }
0x107: {  	[timem:s3], [sflag:s2] =	dma.local @!p0 [hbm:s0], s1  }
0x108: {  	s0 =	simm.s32 @!p0 $0xD  }
0x109: {  	_ =	swait.ge @!p0 [sflag:s0], s1  }
0x10a: {  	s1 =	ssub.s32 @!p0 $0x0, s1;
	[sflag:s0] =	ssyncset.done @!p0 $0x0  }
0x10b: {  	[sflag:s0] =	ssyncadd.s32 @!p0 s1  }
0x10c: {  	[bflag:$0x3] =	sbarrier.arrive $0xFFFF  }
0x10d: {  	_ =	shalt  }

// kernel: kernel.17.cloned.1.call-start
scs
__scs_entry_jumppad:
0x0: {  	(pc) =	sbr.rel $0x88, $3  }
0x1: {  	(tag) =	ssettag $0x0;
	lr =	simm.s32 $0x1  }
0x2: {  	[smem:$0x3F96] =	sst lr;
	_ =	strace $0xD0000000  }
0x3: {  	_ = 	snop  }
0x4: {  	_ = 	snop  }
0x5: {  	_ = 	snop  }
0x6: {  	_ = 	snop  }
0x7: {  	_ = 	snop  }
__scs_overlays_trampoline_lowered:
0x8: {  	[smem:$0x3FA5] =	sst s0  }
0x9: {  	[smem:$0x3FA6] =	sst s1  }
0xa: {  	[smem:$0x3FA7] =	sst s2  }
0xb: {  	[smem:$0x3FA8] =	sst s3  }
0xc: {  	[smem:$0x3FA9] =	sst s4  }
0xd: {  	[smem:$0x3FAA] =	sst s5  }
0xe: {  	[smem:$0x3FAB] =	sst s6  }
0xf: {  	[smem:$0x3FAC] =	sst s7  }
0x10: {  	[smem:$0x3FAD] =	sst s8  }
0x11: {  	[smem:$0x3FAE] =	sst s9;
	s0 =	simm.s32 @!p0 $0x0  }
0x12: {  	s1 =	sld [smem:$0x3F94];
	s0 =	simm.s32 @p0 $0x1  }
0x13: {  	[smem:$0x3FAF] =	sst s0;
	s0 =	simm.s32 @!p1 $0x0  }
0x14: {  	s2 =	sld [smem:$0x3F93];
	s0 =	simm.s32 @p1 $0x1  }
0x15: {  	[smem:$0x3FB0] =	sst s0;
	s0 =	simm.s32 @!p2 $0x0  }
0x16: {  	s3 =	sld [smem:$0x3FDB];
	s0 =	simm.s32 @p2 $0x1  }
0x17: {  	s4 =	simm.s32 $0x1BF5;
	[smem:$0x3FB2] =	sst s0  }
0x18: {  	s0 =	sld [smem:$0x3F95];
	_ =	swait.ge [sflag:s4], $0x0  }
0x19: {  	s7 =	sld [smem:$0x3F96]  }
0x1a: {  	s8 =	sadd.s32 $0xFFFFE003, lr  }
0x1b: {  	s9 =	sadd.s32 $0xFFFFFEF7, lr;
	s5 =	simm.s32 $0xFFFFFFFF;
	p2 =	slt.u32 s8, $0xFFFFF086  }
0x1c: {  	p1 =	slt.u32 s9, $0xF7A;
	s5 =	simm.s32 @!p2 $0x0  }
0x1d: {  	s5 =	simm.s32 @p1 $0x1;
	p0 =	seq.s32 s7, s2  }
0x1e: {  	s7 =	smul.u32 @!p0 $0xF7A, s2;
	p2 =	seq.s32 @!p0 s5, $0x0  }
0x1f: {  	s9 =	smul.u32 $0xF7A, s1;
	s8 =	simm.s32 @!p0 $0x1BF5;
	p2 =	por !p2, p0  }
0x20: {  	[sflag:s8] =	ssyncset.s32 @!p0 $0xFFFFF086;
	s6 =	sadd.s32 @!p0 s3, s7;
	s7 =	simm.s32 @!p0 $0x108  }
0x21: {  	s3 =	sadd.s32 s3, s9;
	s6 =	sadd.s32 @!p0 $0x88, s6;
	s7 =	simm.s32 @p2 $0x1082  }
0x22: {  	[simem:s7], [sflag:s8] =	dma.local @!p0 [hbm:s6], $0xF7A  }
0x23: {  	s9 =	sor.u32 $0xD0000000, s2;
	s6 =	simm.s32 $0x108;
	_ =	swait.ge @!p0 [sflag:s8], $0x0  }
0x24: {  	s3 =	sadd.s32 $0x88, s3;
	s6 =	simm.s32 @!p1 $0x1082;
	[sflag:s4] =	ssyncset.s32 $0xFFFFF086  }
0x25: {  	[simem:s6], [sflag:s4] =	dma.local [hbm:s3], $0xF7A  }
0x26: {  	[smem:$0x3F96] =	sst s1;
	(tag) =	ssettag s2;
	_ =	strace s9  }
0x27: {  	s1 =	sld [smem:$0x3FA6]  }
0x28: {  	s2 =	sld [smem:$0x3FA7]  }
0x29: {  	s4 =	sld [smem:$0x3FA9]  }
0x2a: {  	p0 =	seq.s32 s5, $0x0;
	s5 =	sld [smem:$0x3FAA]  }
0x2b: {  	s6 =	sld [smem:$0x3FAB]  }
0x2c: {  	s7 =	sld [smem:$0x3FAC]  }
0x2d: {  	s3 =	simm.s32 $0x108;
	s8 =	sld [smem:$0x3FAD]  }
0x2e: {  	s3 =	simm.s32 @!p0 $0x1082;
	s9 =	sld [smem:$0x3FAE]  }
0x2f: {  	lr =	sadd.s32 s0, s3;
	s0 =	sld [smem:$0x3FA5]  }
0x30: {  	s3 =	sld [smem:$0x3FA8]  }
0x31: {  	[smem:$0x3FB1] =	sst s10  }
0x32: {  	s10 =	sld [smem:$0x3FAF];
	_ =	sdelay $0x3  }
0x33: {  	p0 =	seq.s32 s10, $0x1;
	s10 =	sld [smem:$0x3FB1];
	_ =	sdelay $0x3  }
0x34: {  	[smem:$0x3FB1] =	sst s10  }
0x35: {  	s10 =	sld [smem:$0x3FB0];
	_ =	sdelay $0x3  }
0x36: {  	p1 =	seq.s32 s10, $0x1;
	s10 =	sld [smem:$0x3FB1];
	_ =	sdelay $0x3  }
0x37: {  	[smem:$0x3FB1] =	sst s10  }
0x38: {  	s10 =	sld [smem:$0x3FB2]  }
0x39: {  	_ = 	snop;
	(pc) =	sbr.ind lr, $3  }
0x3a: {  	_ = 	snop  }
0x3b: {  	_ = 	snop  }
0x3c: {  	p2 =	seq.s32 s10, $0x1;
	s10 =	sld [smem:$0x3FB1]  }
0x3d: {  	_ =	shalt  }
0x3e: {  	_ =	shalt  }
0x3f: {  	_ =	shalt  }
0x40: {  	_ =	shalt  }
0x41: {  	_ =	shalt  }
0x42: {  	_ =	shalt  }
0x43: {  	_ =	shalt  }
0x44: {  	_ =	shalt  }
0x45: {  	_ =	shalt  }
0x46: {  	_ =	shalt  }
0x47: {  	_ =	shalt  }
0x48: {  	_ =	shalt  }
0x49: {  	_ =	shalt  }
0x4a: {  	_ =	shalt  }
0x4b: {  	_ =	shalt  }
0x4c: {  	_ =	shalt  }
0x4d: {  	_ =	shalt  }
0x4e: {  	_ =	shalt  }
0x4f: {  	_ =	shalt  }
0x50: {  	_ =	shalt  }
0x51: {  	_ =	shalt  }
0x52: {  	_ =	shalt  }
0x53: {  	_ =	shalt  }
0x54: {  	_ =	shalt  }
0x55: {  	_ =	shalt  }
0x56: {  	_ =	shalt  }
0x57: {  	_ =	shalt  }
0x58: {  	_ =	shalt  }
0x59: {  	_ =	shalt  }
0x5a: {  	_ =	shalt  }
0x5b: {  	_ =	shalt  }
0x5c: {  	_ =	shalt  }
0x5d: {  	_ =	shalt  }
0x5e: {  	_ =	shalt  }
0x5f: {  	_ =	shalt  }
0x60: {  	_ =	shalt  }
0x61: {  	_ =	shalt  }
0x62: {  	_ =	shalt  }
0x63: {  	_ =	shalt  }
0x64: {  	_ =	shalt  }
0x65: {  	_ =	shalt  }
0x66: {  	_ =	shalt  }
0x67: {  	_ =	shalt  }
0x68: {  	_ =	shalt  }
0x69: {  	_ =	shalt  }
0x6a: {  	_ =	shalt  }
0x6b: {  	_ =	shalt  }
0x6c: {  	_ =	shalt  }
0x6d: {  	_ =	shalt  }
0x6e: {  	_ =	shalt  }
0x6f: {  	_ =	shalt  }
0x70: {  	_ =	shalt  }
0x71: {  	_ =	shalt  }
0x72: {  	_ =	shalt  }
0x73: {  	_ =	shalt  }
0x74: {  	_ =	shalt  }
0x75: {  	_ =	shalt  }
0x76: {  	_ =	shalt  }
0x77: {  	_ =	shalt  }
0x78: {  	_ =	shalt  }
0x79: {  	_ =	shalt  }
0x7a: {  	_ =	shalt  }
0x7b: {  	_ =	shalt  }
0x7c: {  	_ =	shalt  }
0x7d: {  	_ =	shalt  }
0x7e: {  	_ =	shalt  }
0x7f: {  	_ =	shalt  }
0x80: {  	_ =	shalt  }
0x81: {  	_ =	shalt  }
0x82: {  	_ =	shalt  }
0x83: {  	_ =	shalt  }
0x84: {  	_ =	shalt  }
0x85: {  	_ =	shalt  }
0x86: {  	_ =	shalt  }
0x87: {  	_ =	shalt  }
.Lfunc_end0:
.L_simem_size_0:
called_computation.2_lowered:
.L_overlay_start_0:
0x88: {  	s2 =	sld [smem:$0x3FD9]  }
0x89: {  	s3 =	sld [smem:$0x3FFE];
	_ =	sdelay $0x1  }
0x8a: {  	s1 =	srdreg.scid  }
0x8b: {  	s0 =	sand.u32 $0x1, s1  }
0x8c: {  	s14 =	sshll.u32 s0, $0xA;
	s2 =	sadd.s32 s3, s2  }
0x8d: {  	s2 =	sadd.s32 s2, s14  }
0x8e: {  	[smem:$0x3FBD] =	sst s2  }
0x8f: {  	_ = 	snop  }
0x90: {  	s2 =	sld [smem:$0x3FD0];
	_ =	sdelay $0x2  }
0x91: {  	s15 =	simm.s32 $0xA;
	s4 =	simm.s32 $0x10  }
0x92: {  	[smem:s4], [sflag:s15] =	dma.local [hbm:s2], $0x1  }
0x93: {  	_ =	swait.eq [sflag:s15], $0x1  }
0x94: {  	[sflag:s15] =	ssyncset.done $0x0  }
0x95: {  	[sflag:s15] =	ssyncadd.s32 $0xFFFFFFFF  }
0x96: {  	s16 =	sld [smem:$0x12];
	(tm) =	ssettm $0x1  }
0x97: {  	s17 =	sld [smem:$0x3FFB];
	_ =	sdelay $0x3  }
0x98: {  	_ =	strace s17  }
0x99: {  	s3 =	sld [smem:$0x3FFC];
	_ =	sdelay $0x3  }
0x9a: {  	_ =	strace s3  }
0x9b: {  	s3 =	sld [smem:$0x3FFD];
	_ =	sdelay $0x3  }
0x9c: {  	_ =	strace s3  }
0x9d: {  	_ =	strace $0x8FFFFFFF  }
0x9e: {  	s18 =	sld [smem:$0x3FDB];
	_ =	sdelay $0x1  }
0x9f: {  	s19 =	simm.s32 $_scs_section_size  }
0xa0: {  	s5 =	simm.s32 $_size__tile_overlayer_lowered;
	s6 =	simm.s32 $_tile_overlayer_lowered  }
0xa1: {  	s22 =	simm.s32 $0x1BFF;
	s21 =	sshll.u32 s6, $0x1;
	s3 =	sadd.s32 s19, s18  }
0xa2: {  	s7 =	simm.s32 $0x0;
	s20 =	sshll.u32 s5, $0x1;
	s5 =	sadd.s32 s21, s3  }
0xa3: {  	[timem:s7], [sflag:s22] =	dma.local [hbm:s5], s20  }
0xa4: {  	_ =	swait.ge [sflag:s22], s20  }
0xa5: {  	s4 =	ssub.s32 $0x0, s20;
	[sflag:s22] =	ssyncset.done $0x0  }
0xa6: {  	[sflag:s22] =	ssyncadd.s32 s4;
	_ =	sdelay $0x1  }
0xa7: {  	s23 =	simm.s32 $0x1B8B  }
0xa8: {  	_ =	swait.ge [sflag:s23], $0x1  }
0xa9: {  	[sflag:s23] =	ssyncset.done $0x0  }
0xaa: {  	s25 =	simm.s32 $0x1B8E;
	s24 =	sld [smem:$0x3FFE];
	[sflag:s23] =	ssyncadd.s32 $0xFFFFFFFF  }
0xab: {  	s26 =	simm.s32 $execute0_lowered;
	[smem:$0x3FD2] =	sst s25  }
0xac: {  	s5 =	sshll.u32 s26, $0x1;
	_ =	strace $0x8000004C;
	[dreg:$0x1] =	wrdreg $0xFFFFFFFF  }
0xad: {  	s28 =	simm.s32 $_size_execute0_lowered;
	s3 =	sadd.s32 s3, s5;
	[dreg:$0x0] =	wrdreg $0x0  }
0xae: {  	s5 =	sshll.u32 s28, $0x1;
	[dreg:$0x2] =	wrdreg s3  }
0xaf: {  	[dreg:$0x3] =	wrdreg s5  }
0xb0: {  	[dreg:$0x4] =	wrdreg $0xC0  }
0xb1: {  	_ =	task [dreg:s7], $0x5FFFF  }
0xb2: {  	[dreg:$0x1] =	wrdreg $0xFFFFFFFF  }
0xb3: {  	[dreg:$0x0] =	wrdreg $0x60  }
0xb4: {  	[dreg:$0x2] =	wrdreg s16  }
0xb5: {  	[dreg:$0x3] =	wrdreg s24  }
0xb6: {  	[dreg:$0x4] =	wrdreg $0x0  }
0xb7: {  	[dreg:$0x5] =	wrdreg $0x9  }
0xb8: {  	_ =	task.clear_ibuf [dreg:s7], $0x6FFFF;
	_ =	strace $0x9000004C  }
0xb9: {  	s29 =	simm.s32 $0x9;
	_ =	strace $0x8000004E  }
0xba: {  	_ =	swait.ge [sflag:s29], $0x1  }
0xbb: {  	[sflag:s29] =	ssyncadd.s32 $0xFFFFFFFF  }
0xbc: {  	_ =	strace $0x9000004E  }
0xbd: {  	_ =	sfence  }
0xbe: {  	s30 =	sld [smem:$0x0];
	_ =	sdelay $0x2  }
0xbf: {  	s31 =	sshll.u32 s1, $0xD;
	s1 =	sshrl.u32 s1, $0x2  }
0xc0: {  	s3 =	sand.u32 $0x4000, s31;
	s1 =	sadd.s32 s1, s30  }
0xc1: {  	s0 =	sor.u32 s3, s0;
	s1 =	sshll.u32 s1, $0x11  }
0xc2: {  	s0 =	sor.u32 s1, s0  }
0xc3: {  	s0 =	sadd.s32 $0x8F2B, s0  }
0xc4: {  	[sflag:s0] =	ssyncadd.remote.s32 $0x1  }
0xc5: {  	_ =	sfence.sel $0xFFFF  }
0xc6: {  	[dreg:$0x0] =	wrdreg $0xFFFFFFFF;
	(pc) =	sbr.abs _section_cstart, $3  }
0xc7: {  	[dreg:$0x1] =	wrdreg $0xFFFFFFFF  }
0xc8: {  	_ =	task.clear_ibuf [dreg:s7], $0x2FFFF;
	_ =	strace $0x9FFFFFFF  }
0xc9: {  	(tm) =	ssettm $0x7FFFFFFF  }
tec
execute0_lowered:
.L_overlay_start_1:
0x0: {  	(tag) =	ssettag $0x1  }
0x1: {  	s1 =	rddreg [dreg:$0x0]  }
0x2: {  	s0 =	rddreg [dreg:$0x1]  }
0x3: {  	s2 =	rddreg [dreg:$0x2];
	s3 =	simm.s32 $0x0;
	s4 =	srdreg.scid  }
0x4: {  	s17 =	stileid.u32;
	s28 =	simm.s32 $0x13980;
	s30 =	simm.s32 $0x7  }
0x5: {  	s31 =	simm.s32 $0x80;
	s29 =	simm.s32 $0x13B80;
	[smem:$0x7FF] =	sst s3  }
0x6: {  	s5 =	sadd.s32 $0x2800, s0;
	s4 =	sand.u32 $0x1, s4;
	s7 =	smul.u32 $0x2700, s17  }
0x7: {  	s6 =	sadd.s32 $0xC600, s0;
	s10 =	smul.u32 $0x4E000, s17;
	s18 =	sadd.s32 $0x124800, s2  }
0x8: {  	s14 =	sadd.s32 $0x3D600, s0;
	p0 =	seq.s32 s17, $0xF;
	_ =	strace $0x8000004D  }
0x9: {  	s8 =	sshll.u32 s4, $0x4;
	s9 =	ssub.s32 $0x2, s4;
	[dreg:$0xa] =	wrdreg s18  }
0xa: {  	s8 =	sor.u32 s17, s8;
	s11 =	sadd.s32 s7, s0;
	s12 =	sshrl.u32 s9, $0x1  }
0xb: {  	s0 =	sadd.s32 $0x3AD00, s0;
	s13 =	smul.u32 $0x2700, s8;
	s15 =	ssub.s32 s9, s12  }
0xc: {  	s12 =	sshrl.u32 s10, $0x2;
	s16 =	sadd.s32 $0x16400, s11;
	[dreg:$0xb] =	wrdreg s0  }
0xd: {  	p1 =	sgt.u32 s8, $0x3;
	[dreg:$0x9] =	wrdreg s16;
	s16 =	smul.u32 $0x138800, s4  }
0xe: {  	s8 =	simm.s32 $0x13A80;
	s9 =	sadd.s32 s12, s2;
	s4 =	smul.u32 $0x27000, s4  }
0xf: {  	[dreg:$0x8] =	wrdreg s9;
	s10 =	sshrl.u32 s13, $0x3;
	s25 =	sadd.s32 $0x200, s13  }
0x10: {  	s26 =	sadd.s32 $0x280, s13;
	s9 =	smul.u32 $0x13800, s17;
	s19 =	sadd.s32 s5, s10  }
0x11: {  	s20 =	sor.u32 $0x10, s10;
	s12 =	sadd.s32 $0x20, s10;
	[dreg:$0x5] =	wrdreg s25  }
0x12: {  	s23 =	sadd.s32 $0x30, s10;
	s10 =	sadd.s32 s6, s10;
	[dreg:$0x6] =	wrdreg s26  }
0x13: {  	s11 =	sshrl.u32 s16, $0x3;
	s25 =	smax.u32 s15, $0x1;
	[dreg:$0xc] =	wrdreg s19  }
0x14: {  	s15 =	simm.s32 $0x3;
	s21 =	sadd.s32 s5, s20;
	[dreg:$0xf] =	wrdreg s10  }
0x15: {  	s22 =	sadd.s32 s5, s12;
	s24 =	sadd.s32 s5, s23;
	[dreg:$0x15] =	wrdreg s25  }
0x16: {  	s0 =	sadd.s32 s6, s20;
	s18 =	sadd.s32 s14, s11;
	[dreg:$0xd] =	wrdreg s21  }
0x17: {  	s19 =	sadd.s32 s9, s16;
	s20 =	sshll.u32 s17, $0x4;
	[dreg:$0xe] =	wrdreg s22  }
0x18: {  	s25 =	simm.s32 $0x13900;
	s11 =	simm.s32 $0xB;
	[dreg:$0x4] =	wrdreg s24  }
0x19: {  	s16 =	simm.s32 $0xC;
	s17 =	simm.s32 $0x5;
	[dreg:$0x10] =	wrdreg s0  }
0x1a: {  	s10 =	sshrl.u32 s19, $0x3;
	s0 =	sadd.s32 $0x24900, s18;
	s21 =	sor.u32 $0x9C00, s20  }
0x1b: {  	s24 =	sadd.s32 s7, s4;
	s20 =	simm.s32 $0x13B00;
	s19 =	simm.s32 $0x13C80  }
0x1c: {  	s18 =	simm.s32 $0x8;
	s7 =	simm.s32 $0x0;
	[dreg:$0x11] =	wrdreg s0  }
0x1d: {  	s10 =	sadd.s32 s14, s10;
	s22 =	sadd.s32 s5, s21;
	s0 =	sadd.s32 s6, s21  }
.Ltmp0:
0x1e: {  	s26 =	sadd.s32 $0x100, s24;
	[dreg:$0x12] =	wrdreg s10;
	(pc) =	sbr.rel .LBB2_1-.Ltmp0, $4  }
0x1f: {  	s21 =	simm.s32 $0x1;
	s14 =	simm.s32 $0x4;
	[dreg:$0x13] =	wrdreg s22  }
0x20: {  	[dreg:$0x14] =	wrdreg s0;
	s0 =	sadd.s32 $0x180, s24;
	s4 =	sshrl.u32 s26, $0x3  }
0x21: {  	s24 =	simm.s32 $0x13880;
	s26 =	simm.s32 $0x17C80;
	[dreg:$0x16] =	wrdreg s4  }
0x22: {  	s10 =	simm.s32 $0x2;
	[dreg:$0x7] =	wrdreg s0;
	s4 =	simm.s32 $0x9  }
.LBB2_7:
0x23: {  	s0 =	rddreg [dreg:$0xa]  }
0x24: {  	s7 =	rddreg [dreg:$0x11];
	s9 =	simm.s32 $0x1FCD;
	s0 =	sshrl.u32 s0, $0x3  }
0x25: {  	[hbm:s7], [sflag:s9] =	dma.local [spmem:s0], $0x2800  }
0x26: {  	_ =	swait.ge [sflag:s22], $0x2800  }
0x27: {  	[sflag:s22] =	ssyncset.done $0x0  }
0x28: {  	s7 =	rddreg [dreg:$0x17];
	[sflag:s22] =	ssyncadd.s32 $0xFFFFD800  }
.LBB2_8:
0x29: {  	s7 =	sadd.s32 $0x1, s7;
	s0 =	rddreg [dreg:$0x15]  }
0x2a: {  	p2 =	sne.s32 s7, s0  }
.Ltmp1:
0x2b: {  	_ = 	snop;
	(pc) =	sbr.rel @!p2 .LBB2_9-.Ltmp1, $1  }
0x2c: {  	_ =	sdelay $0x3  }
.LBB2_1:
0x2d: {  	[dreg:$0x17] =	wrdreg s7  }
0x2e: {  	s0 =	rddreg [dreg:$0xa]  }
0x2f: {  	s13 =	simm.s32 @p0 $0x1FCD;
	s7 =	sshrl.u32 @p0 s0, $0x3;
	s0 =	rddreg [dreg:$0xb]  }
0x30: {  	[spmem:s7], [sflag:s13] =	dma.local @p0 [hbm:s0], $0x2800  }
0x31: {  	s7 =	simm.s32 @p0 $0xD  }
0x32: {  	_ =	swait.ge @p0 [sflag:s7], $0x2800  }
0x33: {  	s0 =	stileid.u32;
	[sflag:s7] =	ssyncset.done @p0 $0x0  }
0x34: {  	s13 =	sshll.u32 @!p0 s0, $0x6;
	s0 =	rddreg [dreg:$0x8];
	[sflag:s7] =	ssyncadd.s32 @p0 $0xFFFFD800  }
0x35: {  	s7 =	sor.u32 @!p0 $0x1C0D, s13;
	s13 =	sshrl.u32 @!p0 s0, $0x3;
	s0 =	rddreg [dreg:$0x9]  }
0x36: {  	[spmem:s13], [sflag:s7] =	dma.local @!p0 [hbm:s0], $0x2700  }
0x37: {  	s7 =	simm.s32 @!p0 $0xD  }
0x38: {  	_ =	swait.ge @!p0 [sflag:s7], $0x2700  }
0x39: {  	[sflag:s7] =	ssyncset.done @!p0 $0x0  }
0x3a: {  	[sflag:s7] =	ssyncadd.s32 @!p0 $0xFFFFD900  }
0x3b: {  	[bflag:$0x0] =	sbarrier.arrive $0xFFFF  }
0x3c: {  	s22 =	rddreg [dreg:$0xc]  }
0x3d: {  	[tilespmem:s24], [sflag:$0x7] =	stream.linear.gather [hbm4b:s22+s3], $0x80, $0x38;
	[tilespmem:$0x1FD00] =	vst v63  }
0x3e: {  	s7 =	rddreg [dreg:$0xd]  }
0x3f: {  	[tilespmem:s25], [sflag:$0x8] =	stream.linear.gather [hbm4b:s7+s3], $0x80, $0x38;
	[tilespmem:$0x1FD00] =	vst v63  }
0x40: {  	s9 =	rddreg [dreg:$0xe]  }
0x41: {  	[tilespmem:s28], [sflag:$0x9] =	stream.linear.gather [hbm4b:s9+s3], $0x80, $0x38;
	[tilespmem:$0x1FD00] =	vst v63  }
0x42: {  	s13 =	rddreg [dreg:$0xf]  }
0x43: {  	[tilespmem:s8], [sflag:$0xA] =	stream.linear.gather [hbm4b:s13+s3], $0x80, $0x38;
	[tilespmem:$0x1FD00] =	vst v63  }
0x44: {  	s22 =	rddreg [dreg:$0x10]  }
0x45: {  	[tilespmem:s20], [sflag:$0xB] =	stream.linear.gather [hbm4b:s22+s3], $0x80, $0x38;
	[tilespmem:$0x1FD00] =	vst v63  }
0x46: {  	_ =	swait.ge [sflag:s30], $0x80  }
0x47: {  	[sflag:s30] =	ssyncset.done $0x0  }
0x48: {  	[sflag:s30] =	ssyncadd.s32 $0xFFFFFF80  }
0x49: {  	[tilespmem:s19], [sflag:$0x1] =	stream.indirect.gather [hbm4b:s1+s31], $0x80, s24, s31, $0xb8;
	[tilespmem:$0x1FD00] =	vst v63  }
0x4a: {  	_ =	swait.ge [sflag:s18], $0x80  }
0x4b: {  	[sflag:s18] =	ssyncset.done $0x0  }
0x4c: {  	[sflag:s18] =	ssyncadd.s32 $0xFFFFFF80  }
0x4d: {  	[tilespmem:s26], [sflag:$0x2] =	stream.indirect.gather [hbm4b:s1+s31], $0x80, s25, s31, $0xb8;
	[tilespmem:$0x1FD00] =	vst v63  }
0x4e: {  	_ =	swait.ge [sflag:s21], $0x4000  }
0x4f: {  	p2 =	por $0x0, $0x0;
	s7 =	rddreg [dreg:$0x7]  }
0x50: {  	s13 =	simm.s32 @p2 $0x13880;
	s7 =	sadd.s32 @p2 $0x0, s7  }
0x51: {  	s26 =	smov.u32 s23;
	[sflag:s21] =	ssyncset.done $0x0;
	s7 =	sshrl.u32 @p2 s7, $0x3  }
0x52: {  	s23 =	simm.s32 @p2 $0x0;
	[sflag:s21] =	ssyncadd.s32 $0xFFFFC000;
	s22 =	sadd.s32 @p2 s5, s7  }
0x53: {  	[tilespmem:s13], [sflag:$0x7] =	stream.linear.gather @p2 [hbm4b:s22+s23], $0x80, $0x38;
	[tilespmem:$0x1FD00] =	vst v63  }
0x54: {  	s13 =	simm.s32 @p2 $0xA  }
0x55: {  	_ =	swait.ge @p2 [sflag:s13], $0x80  }
0x56: {  	s22 =	simm.s32 @p2 $0x13C80;
	[sflag:s13] =	ssyncset.done @p2 $0x0  }
0x57: {  	s23 =	simm.s32 @p2 $0x13A80;
	[sflag:s13] =	ssyncadd.s32 @p2 $0xFFFFFF80;
	s13 =	simm.s32 @p2 $0x80  }
0x58: {  	[spmem:s2] =	stream.indirect.scatter.add.f32 @p2 [tilespmem:s22], [sflag:$0x4], $0x80, s23, s13, $0xb8;
	[tilespmem:$0x1FD00] =	vst v63  }
0x59: {  	s13 =	simm.s32 @p2 $0x6  }
0x5a: {  	_ =	swait.ge @p2 [sflag:s13], $0x4000  }
0x5b: {  	s23 =	simm.s32 @!p2 $0x13880;
	[sflag:s13] =	ssyncset.done @p2 $0x0  }
0x5c: {  	s22 =	rddreg [dreg:$0x4];
	[sflag:s13] =	ssyncadd.s32 @p2 $0xFFFFC000;
	s13 =	simm.s32 @!p2 $0x0  }
0x5d: {  	[tilespmem:s23], [sflag:$0x7] =	stream.linear.gather @!p2 [hbm4b:s22+s13], $0x80, $0x38;
	[tilespmem:$0x1FD00] =	vst v63  }
0x5e: {  	s13 =	simm.s32 @!p2 $0xA  }
0x5f: {  	_ =	swait.ge @!p2 [sflag:s13], $0x80  }
0x60: {  	s22 =	simm.s32 @!p2 $0x13C80;
	[sflag:s13] =	ssyncset.done @!p2 $0x0  }
0x61: {  	s23 =	simm.s32 @!p2 $0x13A80;
	[sflag:s13] =	ssyncadd.s32 @!p2 $0xFFFFFF80;
	s13 =	simm.s32 @!p2 $0x80  }
0x62: {  	[spmem:s2] =	stream.indirect.scatter.add.f32 @!p2 [tilespmem:s22], [sflag:$0x4], $0x80, s23, s13, $0xb8;
	[tilespmem:$0x1FD00] =	vst v63  }
0x63: {  	s0 =	rddreg [dreg:$0x16];
	s13 =	smov.u32 s12  }
0x64: {  	s13 =	smov.u32 @p2 s0  }
0x65: {  	s13 =	sadd.s32 s6, s13  }
0x66: {  	[tilespmem:s29], [sflag:$0xC] =	stream.linear.gather [hbm4b:s13+s3], $0x80, $0x38;
	[tilespmem:$0x1FD00] =	vst v63  }
0x67: {  	_ =	swait.ge [sflag:s4], $0x80  }
0x68: {  	[sflag:s4] =	ssyncset.done $0x0  }
0x69: {  	s9 =	simm.s32 $0x1BC80;
	[sflag:s4] =	ssyncadd.s32 $0xFFFFFF80  }
0x6a: {  	[tilespmem:s9], [sflag:$0x3] =	stream.indirect.gather [hbm4b:s1+s31], $0x80, s28, s31, $0xb8;
	[tilespmem:$0x1FD00] =	vst v63  }
0x6b: {  	s22 =	simm.s32 $0x0;
	_ =	swait.ge [sflag:s10], $0x4000  }
0x6c: {  	s22 =	simm.s32 @!p2 $0x0;
	s23 =	rddreg [dreg:$0x5]  }
0x6d: {  	s13 =	sadd.s32 s22, s23  }
0x6e: {  	[sflag:s10] =	ssyncset.done $0x0;
	s13 =	sshrl.u32 s13, $0x3  }
0x6f: {  	[sflag:s10] =	ssyncadd.s32 $0xFFFFC000;
	s9 =	sadd.s32 s5, s13  }
0x70: {  	[tilespmem:s25], [sflag:$0x8] =	stream.linear.gather [hbm4b:s9+s3], $0x80, $0x38;
	[tilespmem:$0x1FD00] =	vst v63  }
0x71: {  	_ =	swait.ge [sflag:s11], $0x80  }
0x72: {  	[sflag:s11] =	ssyncset.done $0x0  }
0x73: {  	s23 =	simm.s32 $0x17C80;
	[sflag:s11] =	ssyncadd.s32 $0xFFFFFF80  }
0x74: {  	[spmem:s2] =	stream.indirect.scatter.add.f32 [tilespmem:s23], [sflag:$0x5], $0x80, s20, s31, $0xb8;
	[tilespmem:$0x1FD00] =	vst v63  }
0x75: {  	s23 =	smov.u32 s26;
	_ =	swait.ge [sflag:s14], $0x4000  }
0x76: {  	s23 =	smov.u32 @p2 s7;
	[sflag:s14] =	ssyncset.done $0x0  }
0x77: {  	s7 =	sadd.s32 s6, s23;
	[sflag:s14] =	ssyncadd.s32 $0xFFFFC000  }
0x78: {  	[tilespmem:s8], [sflag:$0xA] =	stream.linear.gather [hbm4b:s7+s3], $0x80, $0x38;
	[tilespmem:$0x1FD00] =	vst v63  }
0x79: {  	_ =	swait.ge [sflag:s30], $0x80  }
0x7a: {  	[sflag:s30] =	ssyncset.done $0x0  }
0x7b: {  	[sflag:s30] =	ssyncadd.s32 $0xFFFFFF80  }
0x7c: {  	[tilespmem:s19], [sflag:$0x1] =	stream.indirect.gather [hbm4b:s1+s31], $0x80, s24, s31, $0xb8;
	[tilespmem:$0x1FD00] =	vst v63  }
0x7d: {  	_ =	swait.ge [sflag:s15], $0x4000  }
0x7e: {  	s23 =	rddreg [dreg:$0x6]  }
0x7f: {  	s7 =	sadd.s32 s22, s23  }
0x80: {  	[sflag:s15] =	ssyncset.done $0x0;
	s7 =	sshrl.u32 s7, $0x3  }
0x81: {  	[sflag:s15] =	ssyncadd.s32 $0xFFFFC000;
	s7 =	sadd.s32 s5, s7  }
0x82: {  	[tilespmem:s28], [sflag:$0x9] =	stream.linear.gather [hbm4b:s7+s3], $0x80, $0x38;
	[tilespmem:$0x1FD00] =	vst v63  }
0x83: {  	_ =	swait.ge [sflag:s16], $0x80  }
0x84: {  	[sflag:s16] =	ssyncset.done $0x0  }
0x85: {  	s24 =	simm.s32 $0x1BC80;
	[sflag:s16] =	ssyncadd.s32 $0xFFFFFF80  }
0x86: {  	[spmem:s2] =	stream.indirect.scatter.add.f32 [tilespmem:s24], [sflag:$0x6], $0x80, s29, s31, $0xb8;
	[tilespmem:$0x1FD00] =	vst v63  }
0x87: {  	_ =	swait.ge [sflag:s17], $0x4000  }
0x88: {  	[sflag:s17] =	ssyncset.done $0x0  }
0x89: {  	s28 =	sadd.s32 s6, s13;
	[sflag:s17] =	ssyncadd.s32 $0xFFFFC000  }
0x8a: {  	[tilespmem:s20], [sflag:$0xB] =	stream.linear.gather [hbm4b:s28+s3], $0x80, $0x38;
	[tilespmem:$0x1FD00] =	vst v63  }
0x8b: {  	s8 =	simm.s32 $0x17C80;
	_ =	swait.ge [sflag:s18], $0x80  }
0x8c: {  	s23 =	sadd.s32 $0x30, s0;
	s7 =	simm.s32 $0x180;
	[sflag:s18] =	ssyncset.done $0x0  }
0x8d: {  	s29 =	simm.s32 $0x13B80;
	s20 =	simm.s32 $0x13B00;
	[sflag:s18] =	ssyncadd.s32 $0xFFFFFF80  }
.LBB2_2:
0x8e: {  	[tilespmem:s8], [sflag:$0x2] =	stream.indirect.gather [hbm4b:s1+s31], $0x80, s25, s31, $0xb8;
	[tilespmem:$0x1FD00] =	vst v63  }
0x8f: {  	s22 =	smov.u32 s7;
	_ =	swait.ge [sflag:s21], $0x4000  }
0x90: {  	p3 =	sne.s32 s22, $0x0;
	s13 =	rddreg [dreg:$0x7]  }
0x91: {  	s24 =	simm.s32 @p3 $0x13880;
	s13 =	sadd.s32 @p3 s22, s13  }
0x92: {  	[sflag:s21] =	ssyncset.done $0x0;
	s28 =	simm.s32 @p3 $0xA;
	s0 =	sshrl.u32 @p3 s13, $0x3  }
0x93: {  	s9 =	simm.s32 @p3 $0x0;
	[sflag:s21] =	ssyncadd.s32 $0xFFFFC000;
	s13 =	sadd.s32 @p3 s5, s0  }
0x94: {  	[tilespmem:s24], [sflag:$0x7] =	stream.linear.gather @p3 [hbm4b:s13+s9], $0x80, $0x38;
	[tilespmem:$0x1FD00] =	vst v63  }
0x95: {  	s13 =	smov.u32 s26;
	s9 =	simm.s32 @p3 $0x6;
	_ =	swait.ge @p3 [sflag:s28], $0x80  }
0x96: {  	s24 =	simm.s32 @p3 $0x80;
	s13 =	smov.u32 @p3 s0;
	[sflag:s28] =	ssyncset.done @p3 $0x0  }
0x97: {  	s0 =	simm.s32 @p3 $0x13C80;
	[sflag:s28] =	ssyncadd.s32 @p3 $0xFFFFFF80;
	s28 =	simm.s32 @p3 $0x13A80  }
0x98: {  	[spmem:s2] =	stream.indirect.scatter.add.f32 @p3 [tilespmem:s0], [sflag:$0x4], $0x80, s28, s24, $0xb8;
	[tilespmem:$0x1FD00] =	vst v63  }
0x99: {  	_ =	swait.ge @p3 [sflag:s9], $0x4000  }
0x9a: {  	s24 =	simm.s32 @!p3 $0xA;
	s28 =	simm.s32 @!p3 $0x13880;
	[sflag:s9] =	ssyncset.done @p3 $0x0  }
0x9b: {  	s0 =	rddreg [dreg:$0x4];
	[sflag:s9] =	ssyncadd.s32 @p3 $0xFFFFC000;
	s9 =	simm.s32 @!p3 $0x0  }
0x9c: {  	[tilespmem:s28], [sflag:$0x7] =	stream.linear.gather @!p3 [hbm4b:s0+s9], $0x80, $0x38;
	[tilespmem:$0x1FD00] =	vst v63  }
0x9d: {  	s25 =	smov.u32 s12;
	_ =	swait.ge @!p3 [sflag:s24], $0x80  }
0x9e: {  	s12 =	smov.u32 @p3 s23;
	s0 =	simm.s32 @!p3 $0x13C80;
	[sflag:s24] =	ssyncset.done @!p3 $0x0  }
0x9f: {  	s9 =	simm.s32 @!p3 $0x80;
	[sflag:s24] =	ssyncadd.s32 @!p3 $0xFFFFFF80;
	s24 =	simm.s32 @!p3 $0x13A80  }
0xa0: {  	[spmem:s2] =	stream.indirect.scatter.add.f32 @!p3 [tilespmem:s0], [sflag:$0x4], $0x80, s24, s9, $0xb8;
	[tilespmem:$0x1FD00] =	vst v63  }
0xa1: {  	s9 =	sadd.s32 s6, s12  }
0xa2: {  	[tilespmem:s29], [sflag:$0xC] =	stream.linear.gather [hbm4b:s9+s3], $0x80, $0x38;
	[tilespmem:$0x1FD00] =	vst v63  }
0xa3: {  	_ =	swait.ge [sflag:s4], $0x80  }
0xa4: {  	[sflag:s4] =	ssyncset.done $0x0  }
0xa5: {  	s19 =	simm.s32 $0x1BC80;
	s28 =	simm.s32 $0x13980;
	[sflag:s4] =	ssyncadd.s32 $0xFFFFFF80  }
0xa6: {  	[tilespmem:s19], [sflag:$0x3] =	stream.indirect.gather [hbm4b:s1+s31], $0x80, s28, s31, $0xb8;
	[tilespmem:$0x1FD00] =	vst v63  }
0xa7: {  	_ =	swait.ge [sflag:s10], $0x4000  }
0xa8: {  	s22 =	simm.s32 @!p3 $0x0;
	s9 =	rddreg [dreg:$0x5]  }
0xa9: {  	s0 =	sadd.s32 s22, s9  }
0xaa: {  	s12 =	smov.u32 s25;
	[sflag:s10] =	ssyncset.done $0x0;
	s0 =	sshrl.u32 s0, $0x3  }
0xab: {  	s25 =	simm.s32 $0x13900;
	[sflag:s10] =	ssyncadd.s32 $0xFFFFC000;
	s19 =	sadd.s32 s5, s0  }
0xac: {  	[tilespmem:s25], [sflag:$0x8] =	stream.linear.gather [hbm4b:s19+s3], $0x80, $0x38;
	[tilespmem:$0x1FD00] =	vst v63  }
0xad: {  	_ =	swait.ge [sflag:s11], $0x80  }
0xae: {  	[sflag:s11] =	ssyncset.done $0x0  }
0xaf: {  	[sflag:s11] =	ssyncadd.s32 $0xFFFFFF80  }
0xb0: {  	[spmem:s2] =	stream.indirect.scatter.add.f32 [tilespmem:s8], [sflag:$0x5], $0x80, s20, s31, $0xb8;
	[tilespmem:$0x1FD00] =	vst v63  }
0xb1: {  	_ =	swait.ge [sflag:s14], $0x4000  }
0xb2: {  	[sflag:s14] =	ssyncset.done $0x0  }
0xb3: {  	s13 =	sadd.s32 s6, s13;
	s19 =	simm.s32 $0x13A80;
	[sflag:s14] =	ssyncadd.s32 $0xFFFFC000  }
0xb4: {  	[tilespmem:s19], [sflag:$0xA] =	stream.linear.gather [hbm4b:s13+s3], $0x80, $0x38;
	[tilespmem:$0x1FD00] =	vst v63  }
0xb5: {  	_ =	swait.ge [sflag:s30], $0x80  }
0xb6: {  	[sflag:s30] =	ssyncset.done $0x0  }
0xb7: {  	s24 =	simm.s32 $0x13880;
	s13 =	simm.s32 $0x13C80;
	[sflag:s30] =	ssyncadd.s32 $0xFFFFFF80  }
0xb8: {  	[tilespmem:s13], [sflag:$0x1] =	stream.indirect.gather [hbm4b:s1+s31], $0x80, s24, s31, $0xb8;
	[tilespmem:$0x1FD00] =	vst v63  }
0xb9: {  	_ =	swait.ge [sflag:s15], $0x4000  }
0xba: {  	s19 =	rddreg [dreg:$0x6]  }
0xbb: {  	s9 =	sadd.s32 s22, s19  }
0xbc: {  	[sflag:s15] =	ssyncset.done $0x0;
	s9 =	sshrl.u32 s9, $0x3  }
0xbd: {  	[sflag:s15] =	ssyncadd.s32 $0xFFFFC000;
	s9 =	sadd.s32 s5, s9  }
0xbe: {  	[tilespmem:s28], [sflag:$0x9] =	stream.linear.gather [hbm4b:s9+s3], $0x80, $0x38;
	[tilespmem:$0x1FD00] =	vst v63  }
0xbf: {  	_ =	swait.ge [sflag:s16], $0x80  }
0xc0: {  	[sflag:s16] =	ssyncset.done $0x0  }
0xc1: {  	s22 =	simm.s32 $0x1BC80;
	[sflag:s16] =	ssyncadd.s32 $0xFFFFFF80  }
0xc2: {  	[spmem:s2] =	stream.indirect.scatter.add.f32 [tilespmem:s22], [sflag:$0x6], $0x80, s29, s31, $0xb8;
	[tilespmem:$0x1FD00] =	vst v63  }
0xc3: {  	s7 =	sadd.s32 $0x180, s7;
	_ =	swait.ge [sflag:s17], $0x4000  }
0xc4: {  	p2 =	sne.s32 s7, $0x2700;
	[sflag:s17] =	ssyncset.done $0x0  }
.Ltmp2:
0xc5: {  	s0 =	sadd.s32 s6, s0;
	[sflag:s17] =	ssyncadd.s32 $0xFFFFC000;
	(pc) =	sbr.rel @p2 .LBB2_2-.Ltmp2, $4  }
0xc6: {  	[tilespmem:s20], [sflag:$0xB] =	stream.linear.gather [hbm4b:s0+s3], $0x80, $0x38;
	[tilespmem:$0x1FD00] =	vst v63  }
0xc7: {  	_ =	swait.ge [sflag:s18], $0x80  }
0xc8: {  	[sflag:s18] =	ssyncset.done $0x0  }
0xc9: {  	s23 =	sadd.s32 $0x30, s23;
	[sflag:s18] =	ssyncadd.s32 $0xFFFFFF80  }
0xca: {  	[tilespmem:s8], [sflag:$0x2] =	stream.indirect.gather [hbm4b:s1+s31], $0x80, s25, s31, $0xb8;
	[tilespmem:$0x1FD00] =	vst v63  }
0xcb: {  	s0 =	simm.s32 $0x6  }
0xcc: {  	_ =	swait.ge [sflag:s0], $0x4000  }
0xcd: {  	[sflag:s0] =	ssyncset.done $0x0  }
0xce: {  	[sflag:s0] =	ssyncadd.s32 $0xFFFFC000  }
0xcf: {  	_ =	swait.ge [sflag:s21], $0x4000  }
0xd0: {  	[sflag:s21] =	ssyncset.done $0x0  }
0xd1: {  	[sflag:s21] =	ssyncadd.s32 $0xFFFFC000  }
0xd2: {  	_ =	swait.ge [sflag:s10], $0x4000  }
0xd3: {  	[sflag:s10] =	ssyncset.done $0x0  }
0xd4: {  	[sflag:s10] =	ssyncadd.s32 $0xFFFFC000  }
0xd5: {  	_ =	swait.ge [sflag:s4], $0x80  }
0xd6: {  	[sflag:s4] =	ssyncset.done $0x0  }
0xd7: {  	s29 =	simm.s32 $0xA;
	[sflag:s4] =	ssyncadd.s32 $0xFFFFFF80  }
0xd8: {  	_ =	swait.ge [sflag:s29], $0x80  }
.Ltmp3:
0xd9: {  	[sflag:s29] =	ssyncset.done $0x0;
	(pc) =	sbr.rel @p1 .LBB2_5-.Ltmp3, $4  }
0xda: {  	[sflag:s29] =	ssyncadd.s32 $0xFFFFFF80  }
0xdb: {  	_ =	swait.ge [sflag:s11], $0x80  }
0xdc: {  	s9 =	smov.u32 s26;
	[sflag:s11] =	ssyncset.done $0x0  }
0xdd: {  	s26 =	simm.s32 $0x17C80;
	s22 =	simm.s32 $0xD;
	[sflag:s11] =	ssyncadd.s32 $0xFFFFFF80  }
0xde: {  	s0 =	rddreg [dreg:$0x13];
	s7 =	simm.s32 $0x1FC80  }
0xdf: {  	[tilespmem:s7], [sflag:$0xD] =	stream.linear.gather [hbm4b:s0+s3], $0x80, $0x38;
	[tilespmem:$0x1FD00] =	vst v63  }
0xe0: {  	_ =	swait.ge [sflag:s22], $0x80  }
0xe1: {  	[sflag:s22] =	ssyncset.done $0x0  }
0xe2: {  	s8 =	simm.s32 $0x13A80;
	s23 =	rddreg [dreg:$0x14];
	[sflag:s22] =	ssyncadd.s32 $0xFFFFFF80  }
0xe3: {  	[tilespmem:s8], [sflag:$0xD] =	stream.linear.gather [hbm4b:s23+s3], $0x80, $0x38;
	[tilespmem:$0x1FD00] =	vst v63  }
0xe4: {  	_ =	swait.ge [sflag:s22], $0x80  }
0xe5: {  	[sflag:s22] =	ssyncset.done $0x0  }
0xe6: {  	s19 =	simm.s32 $0x13C80;
	[sflag:s22] =	ssyncadd.s32 $0xFFFFFF80  }
0xe7: {  	[tilespmem:s19], [sflag:$0x1] =	stream.indirect.gather [hbm4b:s1+s31], $0x80, s7, s31, $0xb8;
	[tilespmem:$0x1FD00] =	vst v63  }
0xe8: {  	_ =	swait.ge [sflag:s21], $0x4000  }
0xe9: {  	[sflag:s21] =	ssyncset.done $0x0  }
0xea: {  	[sflag:s21] =	ssyncadd.s32 $0xFFFFC000  }
0xeb: {  	[spmem:s2] =	stream.indirect.scatter.add.f32 [tilespmem:s19], [sflag:$0xD], $0x80, s8, s31, $0xb8;
	[tilespmem:$0x1FD00] =	vst v63  }
.Ltmp4:
0xec: {  	_ =	swait.ge [sflag:s22], $0x4000;
	(pc) =	sbr.rel .LBB2_6-.Ltmp4, $4  }
0xed: {  	[sflag:s22] =	ssyncset.done $0x0  }
0xee: {  	[sflag:s22] =	ssyncadd.s32 $0xFFFFC000  }
0xef: {  	[bflag:$0x0] =	sbarrier.arrive $0xFFFF  }
0xf0: {  	s20 =	simm.s32 $0x13B00;
	s29 =	simm.s32 $0x13B80;
	s23 =	smov.u32 s9  }
.LBB2_5:
.Ltmp5:
0xf1: {  	(pc) =	sbr.rel @p0 .LBB2_7-.Ltmp5, $3  }
0xf2: {  	_ =	sdelay $0x1  }
0xf3: {  	[bflag:$0x0] =	sbarrier.arrive $0xFFFF;
	s23 =	smov.u32 s9;
	s8 =	simm.s32 $0x13A80  }
0xf4: {  	s20 =	simm.s32 $0x13B00;
	s19 =	simm.s32 $0x13C80;
	s29 =	simm.s32 $0x13B80  }
.LBB2_6:
0xf5: {  	s0 =	stileid.u32;
	s7 =	rddreg [dreg:$0x8]  }
0xf6: {  	s13 =	rddreg [dreg:$0x12];
	s0 =	sshll.u32 s0, $0x6  }
.Ltmp6:
0xf7: {  	s7 =	sshrl.u32 s7, $0x3;
	s0 =	sor.u32 $0x1C0D, s0;
	(pc) =	sbr.rel .LBB2_8-.Ltmp6, $4  }
0xf8: {  	[hbm:s13], [sflag:s0] =	dma.local [spmem:s7], $0x2700  }
0xf9: {  	_ =	swait.ge [sflag:s22], $0x2700  }
0xfa: {  	[sflag:s22] =	ssyncset.done $0x0  }
0xfb: {  	s7 =	rddreg [dreg:$0x17];
	[sflag:s22] =	ssyncadd.s32 $0xFFFFD900  }
.LBB2_9:
0xfc: {  	_ =	sfence.sel $0x180000  }
0xfd: {  	[bflag:$0x0] =	sbarrier.arrive $0xFFFF  }
0xfe: {  	_ =	strace $0x9000004D  }
0xff: {  	s0 =	stileid.u32;
	[bflag:$0x2] =	sbarrier.arrive $0xFFFF  }
0x100: {  	p0 =	sne.s32 s0, $0x0;
	s0 =	rddreg [dreg:$0x3]  }
0x101: {  	s0 =	sadd.s32 @!p0 $0x100000, s0  }
0x102: {  	[sflag:s0] =	ssyncadd.tile.s32 @!p0 $0x1;
	_ =	shalt  }
.Lfunc_end2:
_tile_overlayer_lowered:
.L_overlay_start_2:
0x103: {  	(tag) =	ssettag $0x2  }
0x104: {  	s0 =	rddreg [dreg:$0x0];
	s2 =	stileid.u32  }
0x105: {  	s1 =	rddreg [dreg:$0x1];
	p0 =	sne.s32 s2, $0x0  }
0x106: {  	s3 =	rddreg [dreg:$0x2];
	[bflag:$0x3] =	sbarrier.arrive $0xFFFF;
	s2 =	simm.s32 @!p0 $0x1C0D  }
0x107: {  	[timem:s3], [sflag:s2] =	dma.local @!p0 [hbm:s0], s1  }
0x108: {  	s0 =	simm.s32 @!p0 $0xD  }
0x109: {  	_ =	swait.ge @!p0 [sflag:s0], s1  }
0x10a: {  	s1 =	ssub.s32 @!p0 $0x0, s1;
	[sflag:s0] =	ssyncset.done @!p0 $0x0  }
0x10b: {  	[sflag:s0] =	ssyncadd.s32 @!p0 s1  }
0x10c: {  	[bflag:$0x3] =	sbarrier.arrive $0xFFFF  }
0x10d: {  	_ =	shalt  }

// kernel: kernel.20.cloned.1.call-start
scs
__scs_entry_jumppad:
0x0: {  	(pc) =	sbr.rel $0x88, $3  }
0x1: {  	(tag) =	ssettag $0x0;
	lr =	simm.s32 $0x1  }
0x2: {  	[smem:$0x3F96] =	sst lr;
	_ =	strace $0xD0000000  }
0x3: {  	_ = 	snop  }
0x4: {  	_ = 	snop  }
0x5: {  	_ = 	snop  }
0x6: {  	_ = 	snop  }
0x7: {  	_ = 	snop  }
__scs_overlays_trampoline_lowered:
0x8: {  	[smem:$0x3FA5] =	sst s0  }
0x9: {  	[smem:$0x3FA6] =	sst s1  }
0xa: {  	[smem:$0x3FA7] =	sst s2  }
0xb: {  	[smem:$0x3FA8] =	sst s3  }
0xc: {  	[smem:$0x3FA9] =	sst s4  }
0xd: {  	[smem:$0x3FAA] =	sst s5  }
0xe: {  	[smem:$0x3FAB] =	sst s6  }
0xf: {  	[smem:$0x3FAC] =	sst s7  }
0x10: {  	[smem:$0x3FAD] =	sst s8  }
0x11: {  	[smem:$0x3FAE] =	sst s9;
	s0 =	simm.s32 @!p0 $0x0  }
0x12: {  	s1 =	sld [smem:$0x3F94];
	s0 =	simm.s32 @p0 $0x1  }
0x13: {  	[smem:$0x3FAF] =	sst s0;
	s0 =	simm.s32 @!p1 $0x0  }
0x14: {  	s2 =	sld [smem:$0x3F93];
	s0 =	simm.s32 @p1 $0x1  }
0x15: {  	[smem:$0x3FB0] =	sst s0;
	s0 =	simm.s32 @!p2 $0x0  }
0x16: {  	s3 =	sld [smem:$0x3FDB];
	s0 =	simm.s32 @p2 $0x1  }
0x17: {  	s4 =	simm.s32 $0x1BF5;
	[smem:$0x3FB2] =	sst s0  }
0x18: {  	s0 =	sld [smem:$0x3F95];
	_ =	swait.ge [sflag:s4], $0x0  }
0x19: {  	s7 =	sld [smem:$0x3F96]  }
0x1a: {  	s8 =	sadd.s32 $0xFFFFE003, lr  }
0x1b: {  	s9 =	sadd.s32 $0xFFFFFEF7, lr;
	s5 =	simm.s32 $0xFFFFFFFF;
	p2 =	slt.u32 s8, $0xFFFFF086  }
0x1c: {  	p1 =	slt.u32 s9, $0xF7A;
	s5 =	simm.s32 @!p2 $0x0  }
0x1d: {  	s5 =	simm.s32 @p1 $0x1;
	p0 =	seq.s32 s7, s2  }
0x1e: {  	s7 =	smul.u32 @!p0 $0xF7A, s2;
	p2 =	seq.s32 @!p0 s5, $0x0  }
0x1f: {  	s9 =	smul.u32 $0xF7A, s1;
	s8 =	simm.s32 @!p0 $0x1BF5;
	p2 =	por !p2, p0  }
0x20: {  	[sflag:s8] =	ssyncset.s32 @!p0 $0xFFFFF086;
	s6 =	sadd.s32 @!p0 s3, s7;
	s7 =	simm.s32 @!p0 $0x108  }
0x21: {  	s3 =	sadd.s32 s3, s9;
	s6 =	sadd.s32 @!p0 $0x88, s6;
	s7 =	simm.s32 @p2 $0x1082  }
0x22: {  	[simem:s7], [sflag:s8] =	dma.local @!p0 [hbm:s6], $0xF7A  }
0x23: {  	s9 =	sor.u32 $0xD0000000, s2;
	s6 =	simm.s32 $0x108;
	_ =	swait.ge @!p0 [sflag:s8], $0x0  }
0x24: {  	s3 =	sadd.s32 $0x88, s3;
	s6 =	simm.s32 @!p1 $0x1082;
	[sflag:s4] =	ssyncset.s32 $0xFFFFF086  }
0x25: {  	[simem:s6], [sflag:s4] =	dma.local [hbm:s3], $0xF7A  }
0x26: {  	[smem:$0x3F96] =	sst s1;
	(tag) =	ssettag s2;
	_ =	strace s9  }
0x27: {  	s1 =	sld [smem:$0x3FA6]  }
0x28: {  	s2 =	sld [smem:$0x3FA7]  }
0x29: {  	s4 =	sld [smem:$0x3FA9]  }
0x2a: {  	p0 =	seq.s32 s5, $0x0;
	s5 =	sld [smem:$0x3FAA]  }
0x2b: {  	s6 =	sld [smem:$0x3FAB]  }
0x2c: {  	s7 =	sld [smem:$0x3FAC]  }
0x2d: {  	s3 =	simm.s32 $0x108;
	s8 =	sld [smem:$0x3FAD]  }
0x2e: {  	s3 =	simm.s32 @!p0 $0x1082;
	s9 =	sld [smem:$0x3FAE]  }
0x2f: {  	lr =	sadd.s32 s0, s3;
	s0 =	sld [smem:$0x3FA5]  }
0x30: {  	s3 =	sld [smem:$0x3FA8]  }
0x31: {  	[smem:$0x3FB1] =	sst s10  }
0x32: {  	s10 =	sld [smem:$0x3FAF];
	_ =	sdelay $0x3  }
0x33: {  	p0 =	seq.s32 s10, $0x1;
	s10 =	sld [smem:$0x3FB1];
	_ =	sdelay $0x3  }
0x34: {  	[smem:$0x3FB1] =	sst s10  }
0x35: {  	s10 =	sld [smem:$0x3FB0];
	_ =	sdelay $0x3  }
0x36: {  	p1 =	seq.s32 s10, $0x1;
	s10 =	sld [smem:$0x3FB1];
	_ =	sdelay $0x3  }
0x37: {  	[smem:$0x3FB1] =	sst s10  }
0x38: {  	s10 =	sld [smem:$0x3FB2]  }
0x39: {  	_ = 	snop;
	(pc) =	sbr.ind lr, $3  }
0x3a: {  	_ = 	snop  }
0x3b: {  	_ = 	snop  }
0x3c: {  	p2 =	seq.s32 s10, $0x1;
	s10 =	sld [smem:$0x3FB1]  }
0x3d: {  	_ =	shalt  }
0x3e: {  	_ =	shalt  }
0x3f: {  	_ =	shalt  }
0x40: {  	_ =	shalt  }
0x41: {  	_ =	shalt  }
0x42: {  	_ =	shalt  }
0x43: {  	_ =	shalt  }
0x44: {  	_ =	shalt  }
0x45: {  	_ =	shalt  }
0x46: {  	_ =	shalt  }
0x47: {  	_ =	shalt  }
0x48: {  	_ =	shalt  }
0x49: {  	_ =	shalt  }
0x4a: {  	_ =	shalt  }
0x4b: {  	_ =	shalt  }
0x4c: {  	_ =	shalt  }
0x4d: {  	_ =	shalt  }
0x4e: {  	_ =	shalt  }
0x4f: {  	_ =	shalt  }
0x50: {  	_ =	shalt  }
0x51: {  	_ =	shalt  }
0x52: {  	_ =	shalt  }
0x53: {  	_ =	shalt  }
0x54: {  	_ =	shalt  }
0x55: {  	_ =	shalt  }
0x56: {  	_ =	shalt  }
0x57: {  	_ =	shalt  }
0x58: {  	_ =	shalt  }
0x59: {  	_ =	shalt  }
0x5a: {  	_ =	shalt  }
0x5b: {  	_ =	shalt  }
0x5c: {  	_ =	shalt  }
0x5d: {  	_ =	shalt  }
0x5e: {  	_ =	shalt  }
0x5f: {  	_ =	shalt  }
0x60: {  	_ =	shalt  }
0x61: {  	_ =	shalt  }
0x62: {  	_ =	shalt  }
0x63: {  	_ =	shalt  }
0x64: {  	_ =	shalt  }
0x65: {  	_ =	shalt  }
0x66: {  	_ =	shalt  }
0x67: {  	_ =	shalt  }
0x68: {  	_ =	shalt  }
0x69: {  	_ =	shalt  }
0x6a: {  	_ =	shalt  }
0x6b: {  	_ =	shalt  }
0x6c: {  	_ =	shalt  }
0x6d: {  	_ =	shalt  }
0x6e: {  	_ =	shalt  }
0x6f: {  	_ =	shalt  }
0x70: {  	_ =	shalt  }
0x71: {  	_ =	shalt  }
0x72: {  	_ =	shalt  }
0x73: {  	_ =	shalt  }
0x74: {  	_ =	shalt  }
0x75: {  	_ =	shalt  }
0x76: {  	_ =	shalt  }
0x77: {  	_ =	shalt  }
0x78: {  	_ =	shalt  }
0x79: {  	_ =	shalt  }
0x7a: {  	_ =	shalt  }
0x7b: {  	_ =	shalt  }
0x7c: {  	_ =	shalt  }
0x7d: {  	_ =	shalt  }
0x7e: {  	_ =	shalt  }
0x7f: {  	_ =	shalt  }
0x80: {  	_ =	shalt  }
0x81: {  	_ =	shalt  }
0x82: {  	_ =	shalt  }
0x83: {  	_ =	shalt  }
0x84: {  	_ =	shalt  }
0x85: {  	_ =	shalt  }
0x86: {  	_ =	shalt  }
0x87: {  	_ =	shalt  }
.Lfunc_end0:
.L_simem_size_0:
called_computation.3_lowered:
.L_overlay_start_0:
0x88: {  	s2 =	sld [smem:$0x3FD9]  }
0x89: {  	s3 =	sld [smem:$0x3FFE];
	_ =	sdelay $0x1  }
0x8a: {  	s1 =	srdreg.scid  }
0x8b: {  	s0 =	sand.u32 $0x1, s1  }
0x8c: {  	s14 =	sshll.u32 s0, $0xA;
	s2 =	sadd.s32 s3, s2  }
0x8d: {  	s2 =	sadd.s32 s2, s14  }
0x8e: {  	[smem:$0x3FBD] =	sst s2  }
0x8f: {  	_ = 	snop  }
0x90: {  	s2 =	sld [smem:$0x3FD0];
	_ =	sdelay $0x2  }
0x91: {  	s15 =	simm.s32 $0xA;
	s4 =	simm.s32 $0x10  }
0x92: {  	[smem:s4], [sflag:s15] =	dma.local [hbm:s2], $0x1  }
0x93: {  	_ =	swait.eq [sflag:s15], $0x1  }
0x94: {  	[sflag:s15] =	ssyncset.done $0x0  }
0x95: {  	[sflag:s15] =	ssyncadd.s32 $0xFFFFFFFF  }
0x96: {  	s16 =	sld [smem:$0x12];
	(tm) =	ssettm $0x1  }
0x97: {  	s17 =	sld [smem:$0x3FFB];
	_ =	sdelay $0x3  }
0x98: {  	_ =	strace s17  }
0x99: {  	s3 =	sld [smem:$0x3FFC];
	_ =	sdelay $0x3  }
0x9a: {  	_ =	strace s3  }
0x9b: {  	s3 =	sld [smem:$0x3FFD];
	_ =	sdelay $0x3  }
0x9c: {  	_ =	strace s3  }
0x9d: {  	_ =	strace $0x8FFFFFFF  }
0x9e: {  	s18 =	sld [smem:$0x3FDB];
	_ =	sdelay $0x1  }
0x9f: {  	s19 =	simm.s32 $_scs_section_size  }
0xa0: {  	s5 =	simm.s32 $_size__tile_overlayer_lowered;
	s6 =	simm.s32 $_tile_overlayer_lowered  }
0xa1: {  	s22 =	simm.s32 $0x1BFF;
	s21 =	sshll.u32 s6, $0x1;
	s3 =	sadd.s32 s19, s18  }
0xa2: {  	s7 =	simm.s32 $0x0;
	s20 =	sshll.u32 s5, $0x1;
	s5 =	sadd.s32 s21, s3  }
0xa3: {  	[timem:s7], [sflag:s22] =	dma.local [hbm:s5], s20  }
0xa4: {  	_ =	swait.ge [sflag:s22], s20  }
0xa5: {  	s4 =	ssub.s32 $0x0, s20;
	[sflag:s22] =	ssyncset.done $0x0  }
0xa6: {  	[sflag:s22] =	ssyncadd.s32 s4;
	_ =	sdelay $0x1  }
0xa7: {  	s23 =	simm.s32 $0x1B8B  }
0xa8: {  	_ =	swait.ge [sflag:s23], $0x1  }
0xa9: {  	[sflag:s23] =	ssyncset.done $0x0  }
0xaa: {  	s25 =	simm.s32 $0x1B8E;
	s24 =	sld [smem:$0x3FFE];
	[sflag:s23] =	ssyncadd.s32 $0xFFFFFFFF  }
0xab: {  	s26 =	simm.s32 $execute0_lowered;
	[smem:$0x3FD2] =	sst s25  }
0xac: {  	s5 =	sshll.u32 s26, $0x1;
	_ =	strace $0x8000004F;
	[dreg:$0x1] =	wrdreg $0xFFFFFFFF  }
0xad: {  	s28 =	simm.s32 $_size_execute0_lowered;
	s3 =	sadd.s32 s3, s5;
	[dreg:$0x0] =	wrdreg $0x0  }
0xae: {  	s5 =	sshll.u32 s28, $0x1;
	[dreg:$0x2] =	wrdreg s3  }
0xaf: {  	[dreg:$0x3] =	wrdreg s5  }
0xb0: {  	[dreg:$0x4] =	wrdreg $0xC0  }
0xb1: {  	_ =	task [dreg:s7], $0x5FFFF  }
0xb2: {  	[dreg:$0x1] =	wrdreg $0xFFFFFFFF  }
0xb3: {  	[dreg:$0x0] =	wrdreg $0x60  }
0xb4: {  	[dreg:$0x2] =	wrdreg s16  }
0xb5: {  	[dreg:$0x3] =	wrdreg s24  }
0xb6: {  	[dreg:$0x4] =	wrdreg $0x9  }
0xb7: {  	_ =	task.clear_ibuf [dreg:s7], $0x5FFFF;
	_ =	strace $0x9000004F  }
0xb8: {  	s29 =	simm.s32 $0x9;
	_ =	strace $0x80000051  }
0xb9: {  	_ =	swait.ge [sflag:s29], $0x1  }
0xba: {  	[sflag:s29] =	ssyncadd.s32 $0xFFFFFFFF  }
0xbb: {  	_ =	strace $0x90000051  }
0xbc: {  	_ =	sfence  }
0xbd: {  	s30 =	sld [smem:$0x0];
	_ =	sdelay $0x2  }
0xbe: {  	s31 =	sshll.u32 s1, $0xD;
	s1 =	sshrl.u32 s1, $0x2  }
0xbf: {  	s3 =	sand.u32 $0x4000, s31;
	s1 =	sadd.s32 s1, s30  }
0xc0: {  	s0 =	sor.u32 s3, s0;
	s1 =	sshll.u32 s1, $0x11  }
0xc1: {  	s0 =	sor.u32 s1, s0  }
0xc2: {  	s0 =	sadd.s32 $0x8F2B, s0  }
0xc3: {  	[sflag:s0] =	ssyncadd.remote.s32 $0x1  }
0xc4: {  	_ =	sfence.sel $0xFFFF  }
0xc5: {  	[dreg:$0x0] =	wrdreg $0xFFFFFFFF;
	(pc) =	sbr.abs _section_cstart, $3  }
0xc6: {  	[dreg:$0x1] =	wrdreg $0xFFFFFFFF  }
0xc7: {  	_ =	task.clear_ibuf [dreg:s7], $0x2FFFF;
	_ =	strace $0x9FFFFFFF  }
0xc8: {  	(tm) =	ssettm $0x7FFFFFFF  }
0xc9: {  	_ =	shalt  }
tec
execute0_lowered:
.L_overlay_start_1:
0x0: {  	(tag) =	ssettag $0x1  }
0x1: {  	s1 =	rddreg [dreg:$0x0]  }
0x2: {  	s0 =	rddreg [dreg:$0x1]  }
0x3: {  	s2 =	srdreg.scid;
	s3 =	simm.s32 $0x0;
	s5 =	stileid.u32  }
0x4: {  	s28 =	simm.s32 $0x200;
	s29 =	simm.s32 $0x5200;
	s30 =	simm.s32 $0x3  }
0x5: {  	s31 =	simm.s32 $0x2;
	s15 =	simm.s32 $0x0;
	s2 =	sand.u32 $0x1, s2  }
0x6: {  	[smem:$0x7FF] =	sst s3;
	s6 =	sadd.s32 $0x8B800, s0;
	s4 =	sshll.u32 s2, $0x4  }
0x7: {  	s7 =	sadd.s32 $0x2800, s0;
	s2 =	ssub.s32 $0x2, s2;
	s4 =	sor.u32 s5, s4  }
0x8: {  	_ =	strace $0x80000050;
	s10 =	sshrl.u32 s2, $0x1;
	s8 =	smul.u32 $0x50, s4  }
0x9: {  	s5 =	sadd.s32 $0x8C600, s0;
	s9 =	smul.u32 $0xA, s4;
	s2 =	ssub.s32 s2, s10  }
0xa: {  	s12 =	sor.u32 $0x40, s4;
	s22 =	smul.u32 $0x2800, s4;
	s13 =	sor.u32 $0x60, s4  }
0xb: {  	s23 =	smul.u32 $0x500, s4;
	s10 =	simm.s32 $0xCA00;
	s2 =	smax.u32 s2, $0x1  }
0xc: {  	s8 =	sshrl.u32 s8, $0x3;
	s17 =	sadd.s32 s5, s9;
	s9 =	sadd.s32 s6, s9  }
0xd: {  	s24 =	sshrl.u32 s22, $0x3;
	s25 =	sadd.s32 s7, s23;
	[dreg:$0xc] =	wrdreg s2  }
0xe: {  	s22 =	simm.s32 $0x100;
	s23 =	simm.s32 $0x80;
	[dreg:$0x3] =	wrdreg s17  }
0xf: {  	s2 =	simm.s32 $0x7A00;
	s18 =	sadd.s32 $0x140, s8;
	[dreg:$0x4] =	wrdreg s9  }
0x10: {  	s21 =	sadd.s32 $0x280, s8;
	[dreg:$0x9] =	wrdreg s25;
	s19 =	sadd.s32 s5, s18  }
0x11: {  	s8 =	sadd.s32 $0x3C0, s8;
	s20 =	sadd.s32 s6, s18;
	[dreg:$0x5] =	wrdreg s19  }
0x12: {  	s25 =	simm.s32 $0x1;
	s11 =	sadd.s32 s5, s21;
	[dreg:$0x6] =	wrdreg s20  }
0x13: {  	s9 =	sadd.s32 s6, s21;
	s26 =	sadd.s32 s5, s8;
	[dreg:$0x7] =	wrdreg s11  }
.Ltmp0:
0x14: {  	s8 =	sadd.s32 s6, s8;
	[dreg:$0x8] =	wrdreg s9;
	(pc) =	sbr.rel .LBB2_1-.Ltmp0, $4  }
0x15: {  	s21 =	sadd.s32 $0xC800, s0;
	s0 =	simm.s32 $0x2A00;
	[dreg:$0xa] =	wrdreg s26  }
0x16: {  	s9 =	sadd.s32 s7, s24;
	[dreg:$0xb] =	wrdreg s8;
	s24 =	simm.s32 $0x180  }
0x17: {  	s26 =	simm.s32 $0x50;
	s8 =	simm.s32 $0xA200;
	s11 =	simm.s32 $0x5  }
0x18: {  	s20 =	simm.s32 $0x6;
	s19 =	sadd.s32 $0xA000, s9;
	s9 =	simm.s32 $0x4  }
.LBB2_14:
0x19: {  	_ =	swait.ge [sflag:s30], $0x2800  }
0x1a: {  	[sflag:s30] =	ssyncset.done $0x0  }
0x1b: {  	[sflag:s30] =	ssyncadd.s32 $0xFFFFD800  }
0x1c: {  	_ =	swait.ge [sflag:s30], $0x2800  }
0x1d: {  	[sflag:s30] =	ssyncset.done $0x0  }
0x1e: {  	[sflag:s30] =	ssyncadd.s32 $0xFFFFD800  }
0x1f: {  	_ =	swait.ge [sflag:s31], $0x50  }
0x20: {  	[sflag:s31] =	ssyncset.done $0x0  }
0x21: {  	[sflag:s31] =	ssyncadd.s32 $0xFFFFFFB0  }
0x22: {  	_ =	swait.ge [sflag:s31], $0x50  }
0x23: {  	[sflag:s31] =	ssyncset.done $0x0  }
0x24: {  	[sflag:s31] =	ssyncadd.s32 $0xFFFFFFB0  }
0x25: {  	_ =	swait.ge [sflag:s11], $0x2800  }
0x26: {  	[sflag:s11] =	ssyncset.done $0x0  }
0x27: {  	[sflag:s11] =	ssyncadd.s32 $0xFFFFD800  }
0x28: {  	_ =	swait.ge [sflag:s20], $0x2800  }
0x29: {  	s15 =	rddreg [dreg:$0xd]  }
0x2a: {  	s14 =	rddreg [dreg:$0xc];
	s15 =	sadd.s32 $0x1, s15  }
0x2b: {  	p0 =	sne.s32 s15, s14  }
.Ltmp1:
0x2c: {  	_ = 	snop;
	(pc) =	sbr.rel @!p0 .LBB2_15-.Ltmp1, $3  }
0x2d: {  	_ =	sdelay $0x1  }
0x2e: {  	[sflag:s20] =	ssyncset.done $0x0  }
0x2f: {  	[sflag:s20] =	ssyncadd.s32 $0xFFFFD800  }
.LBB2_1:
0x30: {  	[dreg:$0xd] =	wrdreg s15  }
0x31: {  	s14 =	rddreg [dreg:$0x3]  }
0x32: {  	[tilespmem:s3], [sflag:$0x1] =	stream.linear.gather [hbm4b:s14+s3], $0x50, $0x38;
	[tilespmem:$0xF200] =	vst v63  }
0x33: {  	s16 =	rddreg [dreg:$0x4]  }
0x34: {  	[tilespmem:s22], [sflag:$0x1] =	stream.linear.gather [hbm4b:s16+s3], $0x50, $0x38;
	[tilespmem:$0xF200] =	vst v63  }
0x35: {  	s17 =	rddreg [dreg:$0x5]  }
0x36: {  	[tilespmem:s23], [sflag:$0x2] =	stream.linear.gather [hbm4b:s17+s3], $0x50, $0x38;
	[tilespmem:$0xF200] =	vst v63  }
0x37: {  	s18 =	rddreg [dreg:$0x6]  }
0x38: {  	[tilespmem:s24], [sflag:$0x2] =	stream.linear.gather [hbm4b:s18+s3], $0x50, $0x38;
	[tilespmem:$0xF200] =	vst v63  }
0x39: {  	_ =	swait.ge [sflag:s25], $0x50  }
0x3a: {  	[sflag:s25] =	ssyncset.done $0x0  }
0x3b: {  	[sflag:s25] =	ssyncadd.s32 $0xFFFFFFB0  }
0x3c: {  	_ =	swait.ge [sflag:s25], $0x50  }
.Ltmp2:
0x3d: {  	[sflag:s25] =	ssyncset.done $0x0;
	(pc) =	sbr.rel .LBB2_2-.Ltmp2, $4  }
0x3e: {  	[sflag:s25] =	ssyncadd.s32 $0xFFFFFFB0  }
0x3f: {  	[tilespmem:s28], [sflag:$0x3] =	stream.indirect.gather [hbm4b:s1+s26], $0x80, s3, s26, $0xb8;
	[tilespmem:$0xF200] =	vst v63  }
0x40: {  	s14 =	simm.s32 $0x0  }
0x41: {  	[tilespmem:s29], [sflag:$0x3] =	stream.indirect.gather [hbm4b:s1+s26], $0x80, s22, s26, $0xb8;
	[tilespmem:$0xF200] =	vst v63  }
.LBB2_13:
0x42: {  	s14 =	sadd.s32 $0x1, s14  }
0x43: {  	p0 =	sne.s32 s14, $0x4  }
.Ltmp3:
0x44: {  	_ = 	snop;
	(pc) =	sbr.rel @!p0 .LBB2_14-.Ltmp3, $2  }
0x45: {  	_ =	sdelay $0x2  }
0x46: {  	[hbm4b:s15+s3] =	stream.linear.scatter [tilespmem:s10], [sflag:$0x6], $0x2800, $0x38;
	[tilespmem:$0xF200] =	vst v63  }
.LBB2_2:
0x47: {  	_ =	swait.ge [sflag:s30], $0x2800;
	p0 =	sne.s32 s14, $0x0  }
.Ltmp4:
0x48: {  	[sflag:s30] =	ssyncset.done $0x0;
	(pc) =	sbr.rel @!p0 .LBB2_3-.Ltmp4, $4  }
0x49: {  	[sflag:s30] =	ssyncadd.s32 $0xFFFFD800  }
0x4a: {  	_ =	swait.ge [sflag:s30], $0x2800  }
0x4b: {  	[sflag:s30] =	ssyncset.done $0x0  }
0x4c: {  	[sflag:s30] =	ssyncadd.s32 $0xFFFFD800  }
0x4d: {  	s16 =	sshll.u32 s14, $0x6  }
0x4e: {  	s15 =	sadd.s32 s12, s16  }
0x4f: {  	s15 =	smul.u32 $0xA, s15;
	_ =	sdelay $0x1  }
0x50: {  	s18 =	simm.s32 $0x0;
	s17 =	sadd.s32 s5, s15  }
0x51: {  	[tilespmem:s18], [sflag:$0x1] =	stream.linear.gather [hbm4b:s17+s18], $0x50, $0x38;
	[tilespmem:$0xF200] =	vst v63  }
0x52: {  	s15 =	sadd.s32 s6, s15  }
0x53: {  	[tilespmem:s22], [sflag:$0x1] =	stream.linear.gather [hbm4b:s15+s18], $0x50, $0x38;
	[tilespmem:$0xF200] =	vst v63  }
0x54: {  	_ =	swait.ge [sflag:s31], $0x50  }
0x55: {  	[sflag:s31] =	ssyncset.done $0x0  }
0x56: {  	[sflag:s31] =	ssyncadd.s32 $0xFFFFFFB0  }
0x57: {  	_ =	swait.ge [sflag:s31], $0x50  }
0x58: {  	[sflag:s31] =	ssyncset.done $0x0  }
0x59: {  	[sflag:s31] =	ssyncadd.s32 $0xFFFFFFB0  }
0x5a: {  	[tilespmem:s0], [sflag:$0x4] =	stream.indirect.gather [hbm4b:s1+s26], $0x80, s23, s26, $0xb8;
	[tilespmem:$0xF200] =	vst v63  }
0x5b: {  	_ = 	snop  }
0x5c: {  	[tilespmem:s2], [sflag:$0x4] =	stream.indirect.gather [hbm4b:s1+s26], $0x80, s24, s26, $0xb8;
	[tilespmem:$0xF200] =	vst v63  }
0x5d: {  	_ =	swait.ge [sflag:s11], $0x2800  }
0x5e: {  	[sflag:s11] =	ssyncset.done $0x0  }
0x5f: {  	s15 =	simm.s32 $0x0;
	[sflag:s11] =	ssyncadd.s32 $0xFFFFD800  }
0x60: {  	v0 =	vld [tilespmem:s15+$0x270]  }
0x61: {  	v1 =	vld [tilespmem:s15+$0x5270]  }
0x62: {  	v2 =	vld [tilespmem:s15+$0x200]  }
0x63: {  	v3 =	vld [tilespmem:s15+$0x5200]  }
0x64: {  	v4 =	vld [tilespmem:s15+$0x210]  }
0x65: {  	v5 =	vld [tilespmem:s15+$0x5210]  }
0x66: {  	v6 =	vld [tilespmem:s15+$0x220]  }
0x67: {  	v7 =	vld [tilespmem:s15+$0x230]  }
0x68: {  	v0 =	vmul.f32 v1, v0;
	v1 =	vld [tilespmem:s15+$0x5220]  }
0x69: {  	v8 =	vld [tilespmem:s15+$0x5230]  }
0x6a: {  	v9 =	vld [tilespmem:s15+$0x5240];
	v2 =	vmul.f32 v3, v2  }
0x6b: {  	[tilespmem:s15+$0xA270] =	vst v0;
	v0 =	vmul.f32 v5, v4;
	v5 =	vld [tilespmem:s15+$0x240]  }
0x6c: {  	v3 =	vld [tilespmem:s15+$0x5250];
	[tilespmem:s15+$0xA200] =	vst v2  }
0x6d: {  	v2 =	vld [tilespmem:s15+$0x250];
	[tilespmem:s15+$0xA210] =	vst v0;
	v0 =	vmul.f32 v1, v6  }
0x6e: {  	v4 =	vld [tilespmem:s15+$0x5260];
	v6 =	vmul.f32 v8, v7  }
0x6f: {  	s17 =	simm.s32 $0x80;
	[tilespmem:s15+$0xA220] =	vst v0;
	v0 =	vld [tilespmem:s15+$0x260]  }
0x70: {  	s18 =	simm.s32 $0x400;
	v5 =	vmul.f32 v9, v5;
	v1 =	vld [tilespmem:s17+$0x270];
	[tilespmem:s15+$0xA230] =	vst v6  }
.LBB2_9:
0x71: {  	p0 =	sne.s32 s18, $0x9E00;
	v6 =	vld [tilespmem:s17+$0x5270]  }
0x72: {  	v7 =	vld [tilespmem:s17+$0x200];
	[tilespmem:s15+$0xA240] =	vst v5;
	v2 =	vmul.f32 v3, v2  }
0x73: {  	v3 =	vld [tilespmem:s17+$0x5200]  }
0x74: {  	v5 =	vld [tilespmem:s17+$0x210];
	[tilespmem:s15+$0xA250] =	vst v2;
	v0 =	vmul.f32 v4, v0  }
0x75: {  	v2 =	vld [tilespmem:s17+$0x5210]  }
0x76: {  	v4 =	vld [tilespmem:s17+$0x220];
	v1 =	vmul.f32 v6, v1;
	[tilespmem:s15+$0xA260] =	vst v0;
	s15 =	smov.u32 s17  }
0x77: {  	v0 =	vld [tilespmem:s15+$0x5220]  }
0x78: {  	v3 =	vmul.f32 v3, v7;
	v6 =	vld [tilespmem:s15+$0x230];
	[tilespmem:s15+$0xA270] =	vst v1  }
0x79: {  	v1 =	vld [tilespmem:s15+$0x5230]  }
0x7a: {  	[tilespmem:s15+$0xA200] =	vst v3;
	v2 =	vmul.f32 v2, v5;
	v5 =	vld [tilespmem:s15+$0x240]  }
0x7b: {  	v7 =	vld [tilespmem:s15+$0x5240]  }
.Ltmp5:
0x7c: {  	[tilespmem:s15+$0xA210] =	vst v2;
	v0 =	vmul.f32 v0, v4;
	v2 =	vld [tilespmem:s15+$0x250];
	(pc) =	sbr.rel @p0 .LBB2_9-.Ltmp5, $4  }
0x7d: {  	v3 =	vld [tilespmem:s15+$0x5250]  }
0x7e: {  	[tilespmem:s15+$0xA220] =	vst v0;
	v6 =	vmul.f32 v1, v6;
	v0 =	vld [tilespmem:s15+$0x260]  }
0x7f: {  	s17 =	sshra.s32 s18, $0x2;
	v4 =	vld [tilespmem:s15+$0x5260]  }
0x80: {  	s18 =	sadd.s32 $0x200, s18;
	v1 =	vld [tilespmem:s17+$0x270];
	[tilespmem:s15+$0xA230] =	vst v6;
	v5 =	vmul.f32 v7, v5  }
0x81: {  	v6 =	vld [tilespmem:s17+$0x5270]  }
0x82: {  	v7 =	vld [tilespmem:s17+$0x200];
	[tilespmem:s15+$0xA240] =	vst v5;
	v2 =	vmul.f32 v3, v2  }
0x83: {  	v3 =	vld [tilespmem:s17+$0x5200]  }
0x84: {  	v5 =	vld [tilespmem:s17+$0x210];
	[tilespmem:s15+$0xA250] =	vst v2;
	v0 =	vmul.f32 v4, v0  }
0x85: {  	v2 =	vld [tilespmem:s17+$0x5210]  }
0x86: {  	v4 =	vld [tilespmem:s17+$0x220];
	[tilespmem:s15+$0xA260] =	vst v0  }
0x87: {  	v0 =	vmul.f32 v6, v1;
	v1 =	vld [tilespmem:s17+$0x5220]  }
0x88: {  	v6 =	vld [tilespmem:s17+$0x230]  }
0x89: {  	v3 =	vmul.f32 v3, v7;
	[tilespmem:s17+$0xA270] =	vst v0;
	v0 =	vld [tilespmem:s17+$0x5230]  }
0x8a: {  	v7 =	vld [tilespmem:s17+$0x5260]  }
0x8b: {  	[tilespmem:s17+$0xA200] =	vst v3;
	v2 =	vmul.f32 v2, v5;
	v3 =	vld [tilespmem:s17+$0x240]  }
0x8c: {  	v5 =	vld [tilespmem:s17+$0x5240]  }
0x8d: {  	[tilespmem:s17+$0xA210] =	vst v2;
	v1 =	vmul.f32 v1, v4;
	v2 =	vld [tilespmem:s17+$0x250]  }
0x8e: {  	v4 =	vld [tilespmem:s17+$0x5250]  }
0x8f: {  	[tilespmem:s17+$0xA220] =	vst v1;
	v1 =	vld [tilespmem:s17+$0x260];
	_ =	sdelay $0x1  }
0x90: {  	v0 =	vmul.f32 v0, v6  }
0x91: {  	v3 =	vmul.f32 v5, v3  }
0x92: {  	s18 =	sor.u32 s4, s16;
	[tilespmem:s17+$0xA230] =	vst v0;
	v0 =	vmul.f32 v4, v2  }
0x93: {  	s15 =	smul.u32 $0x500, s18;
	[tilespmem:s17+$0xA240] =	vst v3;
	v1 =	vmul.f32 v7, v1  }
0x94: {  	[tilespmem:s17+$0xA250] =	vst v0  }
0x95: {  	s18 =	simm.s32 $0x0;
	[tilespmem:s17+$0xA260] =	vst v1;
	s17 =	sadd.s32 s7, s15  }
0x96: {  	[hbm4b:s17+s18] =	stream.linear.scatter [tilespmem:s8], [sflag:$0x5], $0x2800, $0x38;
	[tilespmem:$0xF200] =	vst v63  }
0x97: {  	_ =	swait.ge [sflag:s9], $0x2800  }
0x98: {  	[sflag:s9] =	ssyncset.done $0x0  }
0x99: {  	s17 =	sadd.s32 s13, s16;
	[sflag:s9] =	ssyncadd.s32 $0xFFFFD800  }
0x9a: {  	s16 =	smul.u32 $0xA, s17;
	_ =	swait.ge [sflag:s9], $0x2800  }
0x9b: {  	[sflag:s9] =	ssyncset.done $0x0  }
0x9c: {  	s17 =	sadd.s32 s5, s16;
	[sflag:s9] =	ssyncadd.s32 $0xFFFFD800  }
0x9d: {  	[tilespmem:s23], [sflag:$0x2] =	stream.linear.gather [hbm4b:s17+s18], $0x50, $0x38;
	[tilespmem:$0xF200] =	vst v63  }
0x9e: {  	s16 =	sadd.s32 s6, s16  }
0x9f: {  	[tilespmem:s24], [sflag:$0x2] =	stream.linear.gather [hbm4b:s16+s18], $0x50, $0x38;
	[tilespmem:$0xF200] =	vst v63  }
0xa0: {  	_ =	swait.ge [sflag:s25], $0x50  }
0xa1: {  	[sflag:s25] =	ssyncset.done $0x0  }
0xa2: {  	[sflag:s25] =	ssyncadd.s32 $0xFFFFFFB0  }
0xa3: {  	_ =	swait.ge [sflag:s25], $0x50  }
0xa4: {  	[sflag:s25] =	ssyncset.done $0x0  }
0xa5: {  	[sflag:s25] =	ssyncadd.s32 $0xFFFFFFB0  }
0xa6: {  	[tilespmem:s28], [sflag:$0x3] =	stream.indirect.gather [hbm4b:s1+s26], $0x80, s18, s26, $0xb8;
	[tilespmem:$0xF200] =	vst v63  }
0xa7: {  	_ = 	snop  }
0xa8: {  	[tilespmem:s29], [sflag:$0x3] =	stream.indirect.gather [hbm4b:s1+s26], $0x80, s22, s26, $0xb8;
	[tilespmem:$0xF200] =	vst v63  }
0xa9: {  	_ =	swait.ge [sflag:s20], $0x2800  }
0xaa: {  	[sflag:s20] =	ssyncset.done $0x0  }
0xab: {  	s16 =	simm.s32 $0x0;
	[sflag:s20] =	ssyncadd.s32 $0xFFFFD800  }
0xac: {  	v0 =	vld [tilespmem:s16+$0x2A70]  }
0xad: {  	v1 =	vld [tilespmem:s16+$0x7A70]  }
0xae: {  	v2 =	vld [tilespmem:s16+$0x2A00]  }
0xaf: {  	v3 =	vld [tilespmem:s16+$0x7A00]  }
0xb0: {  	v4 =	vld [tilespmem:s16+$0x2A10]  }
0xb1: {  	v5 =	vld [tilespmem:s16+$0x7A10]  }
0xb2: {  	v6 =	vld [tilespmem:s16+$0x2A20]  }
0xb3: {  	v7 =	vld [tilespmem:s16+$0x2A30]  }
0xb4: {  	v0 =	vmul.f32 v1, v0;
	v1 =	vld [tilespmem:s16+$0x7A20]  }
0xb5: {  	v8 =	vld [tilespmem:s16+$0x7A30]  }
0xb6: {  	v9 =	vld [tilespmem:s16+$0x7A40];
	v2 =	vmul.f32 v3, v2  }
0xb7: {  	[tilespmem:s16+$0xCA70] =	vst v0;
	v0 =	vmul.f32 v5, v4;
	v5 =	vld [tilespmem:s16+$0x2A40]  }
0xb8: {  	v3 =	vld [tilespmem:s16+$0x7A50];
	[tilespmem:s16+$0xCA00] =	vst v2  }
0xb9: {  	v2 =	vld [tilespmem:s16+$0x2A50];
	[tilespmem:s16+$0xCA10] =	vst v0;
	v0 =	vmul.f32 v1, v6  }
0xba: {  	v4 =	vld [tilespmem:s16+$0x7A60];
	v6 =	vmul.f32 v8, v7  }
0xbb: {  	s17 =	simm.s32 $0x80;
	[tilespmem:s16+$0xCA20] =	vst v0;
	v0 =	vld [tilespmem:s16+$0x2A60]  }
0xbc: {  	s18 =	simm.s32 $0x400;
	v5 =	vmul.f32 v9, v5;
	v1 =	vld [tilespmem:s17+$0x2A70];
	[tilespmem:s16+$0xCA30] =	vst v6  }
.LBB2_11:
0xbd: {  	p0 =	sne.s32 s18, $0x9E00;
	v6 =	vld [tilespmem:s17+$0x7A70]  }
0xbe: {  	v7 =	vld [tilespmem:s17+$0x2A00];
	[tilespmem:s16+$0xCA40] =	vst v5;
	v2 =	vmul.f32 v3, v2  }
0xbf: {  	v3 =	vld [tilespmem:s17+$0x7A00]  }
0xc0: {  	v5 =	vld [tilespmem:s17+$0x2A10];
	[tilespmem:s16+$0xCA50] =	vst v2;
	v0 =	vmul.f32 v4, v0  }
0xc1: {  	v2 =	vld [tilespmem:s17+$0x7A10]  }
0xc2: {  	v4 =	vld [tilespmem:s17+$0x2A20];
	v1 =	vmul.f32 v6, v1;
	[tilespmem:s16+$0xCA60] =	vst v0;
	s16 =	smov.u32 s17  }
0xc3: {  	v0 =	vld [tilespmem:s16+$0x7A20]  }
0xc4: {  	v3 =	vmul.f32 v3, v7;
	v6 =	vld [tilespmem:s16+$0x2A30];
	[tilespmem:s16+$0xCA70] =	vst v1  }
0xc5: {  	v1 =	vld [tilespmem:s16+$0x7A30]  }
0xc6: {  	[tilespmem:s16+$0xCA00] =	vst v3;
	v2 =	vmul.f32 v2, v5;
	v5 =	vld [tilespmem:s16+$0x2A40]  }
0xc7: {  	v7 =	vld [tilespmem:s16+$0x7A40]  }
.Ltmp6:
0xc8: {  	[tilespmem:s16+$0xCA10] =	vst v2;
	v0 =	vmul.f32 v0, v4;
	v2 =	vld [tilespmem:s16+$0x2A50];
	(pc) =	sbr.rel @p0 .LBB2_11-.Ltmp6, $4  }
0xc9: {  	v3 =	vld [tilespmem:s16+$0x7A50]  }
0xca: {  	[tilespmem:s16+$0xCA20] =	vst v0;
	v6 =	vmul.f32 v1, v6;
	v0 =	vld [tilespmem:s16+$0x2A60]  }
0xcb: {  	s17 =	sshra.s32 s18, $0x2;
	v4 =	vld [tilespmem:s16+$0x7A60]  }
0xcc: {  	s18 =	sadd.s32 $0x200, s18;
	v1 =	vld [tilespmem:s17+$0x2A70];
	[tilespmem:s16+$0xCA30] =	vst v6;
	v5 =	vmul.f32 v7, v5  }
0xcd: {  	v6 =	vld [tilespmem:s17+$0x7A70]  }
0xce: {  	v7 =	vld [tilespmem:s17+$0x2A00];
	[tilespmem:s16+$0xCA40] =	vst v5;
	v2 =	vmul.f32 v3, v2  }
0xcf: {  	v51 =	vld [tilespmem:s17+$0x7A00]  }
0xd0: {  	v5 =	vld [tilespmem:s17+$0x2A10];
	[tilespmem:s16+$0xCA50] =	vst v2;
	v0 =	vmul.f32 v4, v0  }
0xd1: {  	v2 =	vld [tilespmem:s17+$0x7A10]  }
0xd2: {  	v52 =	vld [tilespmem:s17+$0x2A20];
	[tilespmem:s16+$0xCA60] =	vst v0  }
0xd3: {  	v54 =	vld [tilespmem:s17+$0x7A20]  }
0xd4: {  	v55 =	vld [tilespmem:s17+$0x2A30]  }
0xd5: {  	v56 =	vld [tilespmem:s17+$0x7A30]  }
0xd6: {  	v57 =	vld [tilespmem:s17+$0x2A40]  }
0xd7: {  	v58 =	vld [tilespmem:s17+$0x7A40]  }
0xd8: {  	v59 =	vld [tilespmem:s17+$0x2A50]  }
0xd9: {  	v53 =	vmul.f32 v6, v1;
	v60 =	vld [tilespmem:s17+$0x7A50]  }
0xda: {  	v61 =	vld [tilespmem:s17+$0x2A60];
	v3 =	vmul.f32 v51, v7  }
0xdb: {  	v62 =	vld [tilespmem:s17+$0x7A60];
	[tilespmem:s17+$0xCA70] =	vst v53;
	v2 =	vmul.f32 v2, v5  }
0xdc: {  	[tilespmem:s17+$0xCA00] =	vst v3;
	v1 =	vmul.f32 v54, v52  }
0xdd: {  	[tilespmem:s17+$0xCA10] =	vst v2;
	v0 =	vmul.f32 v56, v55  }
.Ltmp7:
0xde: {  	v3 =	vmul.f32 v58, v57;
	[tilespmem:s17+$0xCA20] =	vst v1;
	(pc) =	sbr.rel .LBB2_13-.Ltmp7, $4  }
0xdf: {  	v63 =	vmul.f32 v60, v59;
	[tilespmem:s17+$0xCA30] =	vst v0  }
0xe0: {  	[tilespmem:s17+$0xCA40] =	vst v3;
	v1 =	vmul.f32 v62, v61  }
0xe1: {  	[tilespmem:s17+$0xCA50] =	vst v63  }
0xe2: {  	s15 =	sadd.s32 s21, s15;
	[tilespmem:s17+$0xCA60] =	vst v1  }
.LBB2_3:
0xe3: {  	s15 =	simm.s32 $0x0;
	s16 =	rddreg [dreg:$0x7]  }
0xe4: {  	[tilespmem:s15], [sflag:$0x1] =	stream.linear.gather [hbm4b:s16+s15], $0x50, $0x38;
	[tilespmem:$0xF200] =	vst v63  }
0xe5: {  	s18 =	rddreg [dreg:$0x8]  }
0xe6: {  	[tilespmem:s22], [sflag:$0x1] =	stream.linear.gather [hbm4b:s18+s15], $0x50, $0x38;
	[tilespmem:$0xF200] =	vst v63  }
0xe7: {  	_ =	swait.ge [sflag:s31], $0x50  }
0xe8: {  	[sflag:s31] =	ssyncset.done $0x0  }
0xe9: {  	[sflag:s31] =	ssyncadd.s32 $0xFFFFFFB0  }
0xea: {  	_ =	swait.ge [sflag:s31], $0x50  }
0xeb: {  	[sflag:s31] =	ssyncset.done $0x0  }
0xec: {  	[sflag:s31] =	ssyncadd.s32 $0xFFFFFFB0  }
0xed: {  	[tilespmem:s0], [sflag:$0x4] =	stream.indirect.gather [hbm4b:s1+s26], $0x80, s23, s26, $0xb8;
	[tilespmem:$0xF200] =	vst v63  }
0xee: {  	s15 =	simm.s32 $0x0  }
0xef: {  	[tilespmem:s2], [sflag:$0x4] =	stream.indirect.gather [hbm4b:s1+s26], $0x80, s24, s26, $0xb8;
	[tilespmem:$0xF200] =	vst v63  }
0xf0: {  	v0 =	vld [tilespmem:s15+$0x270]  }
0xf1: {  	v1 =	vld [tilespmem:s15+$0x5270]  }
0xf2: {  	v2 =	vld [tilespmem:s15+$0x200]  }
0xf3: {  	v3 =	vld [tilespmem:s15+$0x5200]  }
0xf4: {  	v4 =	vld [tilespmem:s15+$0x210]  }
0xf5: {  	v5 =	vld [tilespmem:s15+$0x5210]  }
0xf6: {  	v6 =	vld [tilespmem:s15+$0x220]  }
0xf7: {  	v7 =	vld [tilespmem:s15+$0x230]  }
0xf8: {  	v0 =	vmul.f32 v1, v0;
	v1 =	vld [tilespmem:s15+$0x5220]  }
0xf9: {  	v8 =	vld [tilespmem:s15+$0x5230]  }
0xfa: {  	v9 =	vld [tilespmem:s15+$0x5240];
	v2 =	vmul.f32 v3, v2  }
0xfb: {  	[tilespmem:s15+$0xA270] =	vst v0;
	v0 =	vmul.f32 v5, v4;
	v5 =	vld [tilespmem:s15+$0x240]  }
0xfc: {  	v3 =	vld [tilespmem:s15+$0x5250];
	[tilespmem:s15+$0xA200] =	vst v2  }
0xfd: {  	v2 =	vld [tilespmem:s15+$0x250];
	[tilespmem:s15+$0xA210] =	vst v0;
	v0 =	vmul.f32 v1, v6  }
0xfe: {  	v4 =	vld [tilespmem:s15+$0x5260];
	v6 =	vmul.f32 v8, v7  }
0xff: {  	s16 =	simm.s32 $0x80;
	[tilespmem:s15+$0xA220] =	vst v0;
	v0 =	vld [tilespmem:s15+$0x260]  }
0x100: {  	s17 =	simm.s32 $0x400;
	v5 =	vmul.f32 v9, v5;
	v1 =	vld [tilespmem:s16+$0x270];
	[tilespmem:s15+$0xA230] =	vst v6  }
.LBB2_4:
0x101: {  	p0 =	sne.s32 s17, $0x9E00;
	v6 =	vld [tilespmem:s16+$0x5270]  }
0x102: {  	v7 =	vld [tilespmem:s16+$0x200];
	[tilespmem:s15+$0xA240] =	vst v5;
	v2 =	vmul.f32 v3, v2  }
0x103: {  	v3 =	vld [tilespmem:s16+$0x5200]  }
0x104: {  	v5 =	vld [tilespmem:s16+$0x210];
	[tilespmem:s15+$0xA250] =	vst v2;
	v0 =	vmul.f32 v4, v0  }
0x105: {  	v2 =	vld [tilespmem:s16+$0x5210]  }
0x106: {  	v4 =	vld [tilespmem:s16+$0x220];
	v1 =	vmul.f32 v6, v1;
	[tilespmem:s15+$0xA260] =	vst v0;
	s15 =	smov.u32 s16  }
0x107: {  	v0 =	vld [tilespmem:s15+$0x5220]  }
0x108: {  	v3 =	vmul.f32 v3, v7;
	v6 =	vld [tilespmem:s15+$0x230];
	[tilespmem:s15+$0xA270] =	vst v1  }
0x109: {  	v1 =	vld [tilespmem:s15+$0x5230]  }
0x10a: {  	[tilespmem:s15+$0xA200] =	vst v3;
	v2 =	vmul.f32 v2, v5;
	v5 =	vld [tilespmem:s15+$0x240]  }
0x10b: {  	v7 =	vld [tilespmem:s15+$0x5240]  }
.Ltmp8:
0x10c: {  	[tilespmem:s15+$0xA210] =	vst v2;
	v0 =	vmul.f32 v0, v4;
	v2 =	vld [tilespmem:s15+$0x250];
	(pc) =	sbr.rel @p0 .LBB2_4-.Ltmp8, $4  }
0x10d: {  	v3 =	vld [tilespmem:s15+$0x5250]  }
0x10e: {  	[tilespmem:s15+$0xA220] =	vst v0;
	v6 =	vmul.f32 v1, v6;
	v0 =	vld [tilespmem:s15+$0x260]  }
0x10f: {  	s16 =	sshra.s32 s17, $0x2;
	v4 =	vld [tilespmem:s15+$0x5260]  }
0x110: {  	s17 =	sadd.s32 $0x200, s17;
	v1 =	vld [tilespmem:s16+$0x270];
	[tilespmem:s15+$0xA230] =	vst v6;
	v5 =	vmul.f32 v7, v5  }
0x111: {  	v6 =	vld [tilespmem:s16+$0x5270]  }
0x112: {  	v7 =	vld [tilespmem:s16+$0x200];
	[tilespmem:s15+$0xA240] =	vst v5;
	v2 =	vmul.f32 v3, v2  }
0x113: {  	v3 =	vld [tilespmem:s16+$0x5200]  }
0x114: {  	v5 =	vld [tilespmem:s16+$0x210];
	[tilespmem:s15+$0xA250] =	vst v2;
	v0 =	vmul.f32 v4, v0  }
0x115: {  	v2 =	vld [tilespmem:s16+$0x5210]  }
0x116: {  	v4 =	vld [tilespmem:s16+$0x220];
	[tilespmem:s15+$0xA260] =	vst v0  }
0x117: {  	v0 =	vmul.f32 v6, v1;
	v1 =	vld [tilespmem:s16+$0x5220]  }
0x118: {  	v6 =	vld [tilespmem:s16+$0x230]  }
0x119: {  	v3 =	vmul.f32 v3, v7;
	[tilespmem:s16+$0xA270] =	vst v0;
	v0 =	vld [tilespmem:s16+$0x5230]  }
0x11a: {  	v7 =	vld [tilespmem:s16+$0x5260]  }
0x11b: {  	[tilespmem:s16+$0xA200] =	vst v3;
	v2 =	vmul.f32 v2, v5;
	v3 =	vld [tilespmem:s16+$0x240]  }
0x11c: {  	v5 =	vld [tilespmem:s16+$0x5240]  }
0x11d: {  	[tilespmem:s16+$0xA210] =	vst v2;
	v1 =	vmul.f32 v1, v4;
	v2 =	vld [tilespmem:s16+$0x250]  }
0x11e: {  	v4 =	vld [tilespmem:s16+$0x5250]  }
0x11f: {  	[tilespmem:s16+$0xA220] =	vst v1;
	v1 =	vld [tilespmem:s16+$0x260];
	_ =	sdelay $0x1  }
0x120: {  	v0 =	vmul.f32 v0, v6  }
0x121: {  	v3 =	vmul.f32 v5, v3  }
0x122: {  	[tilespmem:s16+$0xA230] =	vst v0;
	v0 =	vmul.f32 v4, v2  }
0x123: {  	[tilespmem:s16+$0xA240] =	vst v3;
	v1 =	vmul.f32 v7, v1  }
0x124: {  	[tilespmem:s16+$0xA250] =	vst v0  }
0x125: {  	s18 =	rddreg [dreg:$0x9];
	s15 =	simm.s32 $0x0;
	[tilespmem:s16+$0xA260] =	vst v1  }
0x126: {  	[hbm4b:s18+s15] =	stream.linear.scatter [tilespmem:s8], [sflag:$0x5], $0x2800, $0x38;
	[tilespmem:$0xF200] =	vst v63  }
0x127: {  	_ =	swait.ge [sflag:s9], $0x2800  }
0x128: {  	[sflag:s9] =	ssyncset.done $0x0  }
0x129: {  	[sflag:s9] =	ssyncadd.s32 $0xFFFFD800  }
0x12a: {  	_ =	swait.ge [sflag:s9], $0x2800  }
0x12b: {  	[sflag:s9] =	ssyncset.done $0x0  }
0x12c: {  	s17 =	rddreg [dreg:$0xa];
	[sflag:s9] =	ssyncadd.s32 $0xFFFFD800  }
0x12d: {  	[tilespmem:s23], [sflag:$0x2] =	stream.linear.gather [hbm4b:s17+s15], $0x50, $0x38;
	[tilespmem:$0xF200] =	vst v63  }
0x12e: {  	s18 =	rddreg [dreg:$0xb]  }
0x12f: {  	[tilespmem:s24], [sflag:$0x2] =	stream.linear.gather [hbm4b:s18+s15], $0x50, $0x38;
	[tilespmem:$0xF200] =	vst v63  }
0x130: {  	_ =	swait.ge [sflag:s25], $0x50  }
0x131: {  	[sflag:s25] =	ssyncset.done $0x0  }
0x132: {  	[sflag:s25] =	ssyncadd.s32 $0xFFFFFFB0  }
0x133: {  	_ =	swait.ge [sflag:s25], $0x50  }
0x134: {  	[sflag:s25] =	ssyncset.done $0x0  }
0x135: {  	[sflag:s25] =	ssyncadd.s32 $0xFFFFFFB0  }
0x136: {  	[tilespmem:s28], [sflag:$0x3] =	stream.indirect.gather [hbm4b:s1+s26], $0x80, s15, s26, $0xb8;
	[tilespmem:$0xF200] =	vst v63  }
0x137: {  	s15 =	simm.s32 $0x0  }
0x138: {  	[tilespmem:s29], [sflag:$0x3] =	stream.indirect.gather [hbm4b:s1+s26], $0x80, s22, s26, $0xb8;
	[tilespmem:$0xF200] =	vst v63  }
0x139: {  	v0 =	vld [tilespmem:s15+$0x2A70]  }
0x13a: {  	v1 =	vld [tilespmem:s15+$0x7A70]  }
0x13b: {  	v2 =	vld [tilespmem:s15+$0x2A00]  }
0x13c: {  	v3 =	vld [tilespmem:s15+$0x7A00]  }
0x13d: {  	v4 =	vld [tilespmem:s15+$0x2A10]  }
0x13e: {  	v5 =	vld [tilespmem:s15+$0x7A10]  }
0x13f: {  	v6 =	vld [tilespmem:s15+$0x2A20]  }
0x140: {  	v7 =	vld [tilespmem:s15+$0x2A30]  }
0x141: {  	v0 =	vmul.f32 v1, v0;
	v1 =	vld [tilespmem:s15+$0x7A20]  }
0x142: {  	v8 =	vld [tilespmem:s15+$0x7A30]  }
0x143: {  	v9 =	vld [tilespmem:s15+$0x7A40];
	v2 =	vmul.f32 v3, v2  }
0x144: {  	[tilespmem:s15+$0xCA70] =	vst v0;
	v0 =	vmul.f32 v5, v4;
	v5 =	vld [tilespmem:s15+$0x2A40]  }
0x145: {  	v3 =	vld [tilespmem:s15+$0x7A50];
	[tilespmem:s15+$0xCA00] =	vst v2  }
0x146: {  	v2 =	vld [tilespmem:s15+$0x2A50];
	[tilespmem:s15+$0xCA10] =	vst v0;
	v0 =	vmul.f32 v1, v6  }
0x147: {  	v4 =	vld [tilespmem:s15+$0x7A60];
	v6 =	vmul.f32 v8, v7  }
0x148: {  	s16 =	simm.s32 $0x80;
	[tilespmem:s15+$0xCA20] =	vst v0;
	v0 =	vld [tilespmem:s15+$0x2A60]  }
0x149: {  	s17 =	simm.s32 $0x400;
	v5 =	vmul.f32 v9, v5;
	v1 =	vld [tilespmem:s16+$0x2A70];
	[tilespmem:s15+$0xCA30] =	vst v6  }
.LBB2_6:
0x14a: {  	p0 =	seq.s32 s17, $0x9E00;
	v6 =	vld [tilespmem:s16+$0x7A70]  }
0x14b: {  	v7 =	vld [tilespmem:s16+$0x2A00];
	[tilespmem:s15+$0xCA40] =	vst v5;
	v2 =	vmul.f32 v3, v2  }
0x14c: {  	v3 =	vld [tilespmem:s16+$0x7A00]  }
0x14d: {  	v5 =	vld [tilespmem:s16+$0x2A10];
	[tilespmem:s15+$0xCA50] =	vst v2;
	v0 =	vmul.f32 v4, v0  }
0x14e: {  	v2 =	vld [tilespmem:s16+$0x7A10]  }
0x14f: {  	v4 =	vld [tilespmem:s16+$0x2A20];
	v1 =	vmul.f32 v6, v1;
	[tilespmem:s15+$0xCA60] =	vst v0;
	s15 =	smov.u32 s16  }
0x150: {  	v0 =	vld [tilespmem:s15+$0x7A20]  }
0x151: {  	v3 =	vmul.f32 v3, v7;
	v6 =	vld [tilespmem:s15+$0x2A30];
	[tilespmem:s15+$0xCA70] =	vst v1  }
0x152: {  	v1 =	vld [tilespmem:s15+$0x7A30]  }
0x153: {  	[tilespmem:s15+$0xCA00] =	vst v3;
	v2 =	vmul.f32 v2, v5;
	v5 =	vld [tilespmem:s15+$0x2A40]  }
0x154: {  	v7 =	vld [tilespmem:s15+$0x7A40]  }
.Ltmp9:
0x155: {  	[tilespmem:s15+$0xCA10] =	vst v2;
	v0 =	vmul.f32 v0, v4;
	v2 =	vld [tilespmem:s15+$0x2A50];
	(pc) =	sbr.rel @!p0 .LBB2_6-.Ltmp9, $4  }
0x156: {  	v3 =	vld [tilespmem:s15+$0x7A50]  }
0x157: {  	[tilespmem:s15+$0xCA20] =	vst v0;
	v6 =	vmul.f32 v1, v6;
	v0 =	vld [tilespmem:s15+$0x2A60]  }
0x158: {  	s16 =	sshra.s32 s17, $0x2;
	v4 =	vld [tilespmem:s15+$0x7A60]  }
0x159: {  	s17 =	sadd.s32 $0x200, s17;
	v1 =	vld [tilespmem:s16+$0x2A70];
	[tilespmem:s15+$0xCA30] =	vst v6;
	v5 =	vmul.f32 v7, v5  }
0x15a: {  	v6 =	vld [tilespmem:s16+$0x7A70]  }
0x15b: {  	v7 =	vld [tilespmem:s16+$0x2A00];
	[tilespmem:s15+$0xCA40] =	vst v5;
	v2 =	vmul.f32 v3, v2  }
0x15c: {  	v51 =	vld [tilespmem:s16+$0x7A00]  }
0x15d: {  	v5 =	vld [tilespmem:s16+$0x2A10];
	[tilespmem:s15+$0xCA50] =	vst v2;
	v0 =	vmul.f32 v4, v0  }
0x15e: {  	v2 =	vld [tilespmem:s16+$0x7A10]  }
0x15f: {  	v52 =	vld [tilespmem:s16+$0x2A20];
	[tilespmem:s15+$0xCA60] =	vst v0  }
0x160: {  	v54 =	vld [tilespmem:s16+$0x7A20]  }
0x161: {  	v55 =	vld [tilespmem:s16+$0x2A30]  }
0x162: {  	v56 =	vld [tilespmem:s16+$0x7A30]  }
0x163: {  	v57 =	vld [tilespmem:s16+$0x2A40]  }
0x164: {  	v58 =	vld [tilespmem:s16+$0x7A40]  }
0x165: {  	v59 =	vld [tilespmem:s16+$0x2A50]  }
0x166: {  	v53 =	vmul.f32 v6, v1;
	v60 =	vld [tilespmem:s16+$0x7A50]  }
0x167: {  	v61 =	vld [tilespmem:s16+$0x2A60];
	v3 =	vmul.f32 v51, v7  }
0x168: {  	v62 =	vld [tilespmem:s16+$0x7A60];
	[tilespmem:s16+$0xCA70] =	vst v53;
	v2 =	vmul.f32 v2, v5  }
0x169: {  	[tilespmem:s16+$0xCA00] =	vst v3;
	v1 =	vmul.f32 v54, v52  }
0x16a: {  	[tilespmem:s16+$0xCA10] =	vst v2;
	v0 =	vmul.f32 v56, v55  }
.Ltmp10:
0x16b: {  	v3 =	vmul.f32 v58, v57;
	[tilespmem:s16+$0xCA20] =	vst v1;
	(pc) =	sbr.rel .LBB2_13-.Ltmp10, $4  }
0x16c: {  	v63 =	vmul.f32 v60, v59;
	[tilespmem:s16+$0xCA30] =	vst v0  }
0x16d: {  	[tilespmem:s16+$0xCA40] =	vst v3;
	v1 =	vmul.f32 v62, v61  }
0x16e: {  	[tilespmem:s16+$0xCA50] =	vst v63  }
0x16f: {  	s15 =	smov.u32 s19;
	[tilespmem:s16+$0xCA60] =	vst v1  }
.LBB2_15:
0x170: {  	_ =	sfence.sel $0x180000  }
0x171: {  	[bflag:$0x0] =	sbarrier.arrive $0xFFFF  }
0x172: {  	_ =	strace $0x90000050  }
0x173: {  	s0 =	stileid.u32;
	[bflag:$0x2] =	sbarrier.arrive $0xFFFF  }
0x174: {  	p0 =	sne.s32 s0, $0x0;
	s0 =	rddreg [dreg:$0x2]  }
0x175: {  	s0 =	sadd.s32 @!p0 $0x100000, s0  }
0x176: {  	[sflag:s0] =	ssyncadd.tile.s32 @!p0 $0x1;
	_ =	shalt  }
.Lfunc_end2:
_tile_overlayer_lowered:
.L_overlay_start_2:
0x177: {  	(tag) =	ssettag $0x2  }
0x178: {  	s0 =	rddreg [dreg:$0x0];
	s2 =	stileid.u32  }
0x179: {  	s1 =	rddreg [dreg:$0x1];
	p0 =	sne.s32 s2, $0x0  }
0x17a: {  	s3 =	rddreg [dreg:$0x2];
	[bflag:$0x3] =	sbarrier.arrive $0xFFFF;
	s2 =	simm.s32 @!p0 $0x1C07  }
0x17b: {  	[timem:s3], [sflag:s2] =	dma.local @!p0 [hbm:s0], s1  }
0x17c: {  	s0 =	simm.s32 @!p0 $0x7  }
0x17d: {  	_ =	swait.ge @!p0 [sflag:s0], s1  }
0x17e: {  	s1 =	ssub.s32 @!p0 $0x0, s1;
	[sflag:s0] =	ssyncset.done @!p0 $0x0  }
0x17f: {  	[sflag:s0] =	ssyncadd.s32 @!p0 s1  }
0x180: {  	[bflag:$0x3] =	sbarrier.arrive $0xFFFF  }
0x181: {  	_ =	shalt  }

</sc_bundles>
